<compile_context>
chip_gen: v7x
topology: tpu7x:2x2x1
jax: 0.10.2.dev20260603
libtpu: 0.0.44.dev20260713+nightly
codegen_flags: <defaults>
</compile_context>

<pallas_src>
import jax
import jax.numpy as jnp
from jax import lax
from jax.experimental import pallas as pl
from jax.experimental.pallas import tpu as pltpu
from jax.experimental.pallas import tpu_sc as plsc

N_USER = 10000
K = 32
D = 128

NUM_CORES = 2
NUM_SUBCORES = 16
NUM_WORKERS = NUM_CORES * NUM_SUBCORES

USERS_PER_WORKER = 320
N_PAD = NUM_WORKERS * USERS_PER_WORKER
CHUNK_USERS = 2
CHUNK_ROWS = CHUNK_USERS * K
NUM_CHUNKS = USERS_PER_WORKER // CHUNK_USERS
GRP_CHUNKS = 16
GRP_USERS = GRP_CHUNKS * CHUNK_USERS
NUM_GRPS = NUM_CHUNKS // GRP_CHUNKS
EDGES_PER_WORKER = USERS_PER_WORKER * K
LANES = 16
VPR = D // LANES
LAST_EDGES = (N_USER - (NUM_WORKERS - 1) * USERS_PER_WORKER) * K


NBUF = 2


ROWS_PER_TILE = 640
LAST_TILE_ROWS = N_USER - 15 * ROWS_PER_TILE


def _sc_kernel(features_hbm, idx_hbm, w_hbm, out_hbm,
               idx_v, w_v, rows0, rows1, out_v, tbl_sh, sem0, sem1):
    cid_ax = lax.axis_index("c")
    sid = lax.axis_index("s")
    wid = sid * NUM_CORES + cid_ax
    ubase = wid * USERS_PER_WORKER
    ebase = wid * EDGES_PER_WORKER
    rows = (rows0, rows1)
    sems = (sem0, sem1)

    @pl.when(sid != NUM_SUBCORES - 1)
    def _():
        pltpu.sync_copy(
            features_hbm.at[pl.ds(sid * ROWS_PER_TILE, ROWS_PER_TILE)],
            tbl_sh.at[pl.ds(sid * ROWS_PER_TILE, ROWS_PER_TILE)])

    @pl.when(sid == NUM_SUBCORES - 1)
    def _():
        pltpu.sync_copy(
            features_hbm.at[pl.ds(15 * ROWS_PER_TILE, LAST_TILE_ROWS)],
            tbl_sh.at[pl.ds(15 * ROWS_PER_TILE, LAST_TILE_ROWS)])

    @pl.when(wid != NUM_WORKERS - 1)
    def _():
        pltpu.sync_copy(idx_hbm.at[pl.ds(ebase, EDGES_PER_WORKER)], idx_v)
        pltpu.sync_copy(w_hbm.at[pl.ds(ebase, EDGES_PER_WORKER)], w_v)

    @pl.when(wid == NUM_WORKERS - 1)
    def _():
        pltpu.sync_copy(idx_hbm.at[pl.ds(ebase, LAST_EDGES)],
                        idx_v.at[pl.ds(0, LAST_EDGES)])
        pltpu.sync_copy(w_hbm.at[pl.ds(ebase, LAST_EDGES)],
                        w_v.at[pl.ds(0, LAST_EDGES)])

        def zbody(z, c):
            base = LAST_EDGES + z * 8 * LANES
            for u in range(8):
                idx_v[pl.ds(base + u * LANES, LANES)] = \
                    jnp.zeros((LANES,), jnp.int32)
            return c

        lax.fori_loop(0, (EDGES_PER_WORKER - LAST_EDGES) // (8 * LANES),
                      zbody, 0)

    plsc.subcore_barrier()

    def start_gather(chunk, b):
        pltpu.async_copy(
            tbl_sh.at[idx_v.at[pl.ds(chunk * CHUNK_ROWS, CHUNK_ROWS)]],
            rows[b], sems[b])

    for b in range(NBUF):
        start_gather(b, b)

    def grp_body(grp, carry):
        def pair_body(j, carry1, grp=grp):
            for b in range(NBUF):
                cid = grp * GRP_CHUNKS + j * NBUF + b
                pltpu.make_async_copy(
                    features_hbm.at[pl.ds(0, CHUNK_ROWS)], rows[b],
                    sems[b]).wait()

                def user_body(c, carry2, cid=cid, b=b, j=j):
                    acc = [jnp.zeros((LANES,), jnp.float32)
                           for _ in range(VPR)]
                    e0 = cid * CHUNK_ROWS + c * K
                    wvecs = [w_v[pl.ds(e0 + q * LANES, LANES)]
                             for q in range(K // LANES)]
                    for k in range(K):
                        r = c * K + k
                        w = wvecs[k // LANES][k % LANES]
                        for v in range(VPR):
                            acc[v] = (acc[v]
                                      + w * rows[b][r,
                                                    pl.ds(v * LANES, LANES)])
                    u_loc = (j * NBUF + b) * CHUNK_USERS + c
                    for v in range(VPR):
                        out_v[u_loc, pl.ds(v * LANES, LANES)] = acc[v]
                    return carry2

                lax.fori_loop(0, CHUNK_USERS, user_body, 0)

                @pl.when(cid + NBUF < NUM_CHUNKS)
                def _(cid=cid, b=b):
                    start_gather(cid + NBUF, b)
            return carry1

        lax.fori_loop(0, GRP_CHUNKS // NBUF, pair_body, 0)
        s0 = ubase + grp * GRP_USERS

        @pl.when(s0 + GRP_USERS <= N_USER)
        def _(s0=s0):
            pltpu.sync_copy(out_v, out_hbm.at[pl.ds(s0, GRP_USERS)])

        @pl.when(jnp.logical_and(s0 < N_USER, s0 + GRP_USERS > N_USER))
        def _(s0=s0):
            pltpu.sync_copy(out_v.at[pl.ds(0, GRP_USERS // 2)],
                            out_hbm.at[pl.ds(s0, GRP_USERS // 2)])
        return carry

    lax.fori_loop(0, NUM_GRPS, grp_body, 0)


@jax.jit
def kernel(features, user_graph, user_matrix):
    idx = user_graph.astype(jnp.int32).reshape(-1)
    w = user_matrix.astype(jnp.float32).reshape(-1)

    mesh = plsc.VectorSubcoreMesh(core_axis_name="c", subcore_axis_name="s",
                                  num_cores=NUM_CORES,
                                  num_subcores=NUM_SUBCORES)
    run = pl.kernel(
        _sc_kernel,
        out_type=jax.ShapeDtypeStruct((N_USER, D), jnp.float32),
        mesh=mesh,
        scratch_types=[
            pltpu.VMEM((EDGES_PER_WORKER,), jnp.int32),
            pltpu.VMEM((EDGES_PER_WORKER,), jnp.float32),
            pltpu.VMEM((CHUNK_ROWS, D), jnp.float32),
            pltpu.VMEM((CHUNK_ROWS, D), jnp.float32),
            pltpu.VMEM((GRP_USERS, D), jnp.float32),
            pltpu.VMEM_SHARED((N_USER, D), jnp.float32),
            pltpu.SemaphoreType.DMA,
            pltpu.SemaphoreType.DMA,
        ],
    )
    return run(features, idx, w)

# --- scband reference (transcript-rebuilt; emitter-appended) ---
"""Pipeline reference for scband-user-graph-sample-9921374454292 (READ-ONLY COPY).

The authoritative reference and input builder live on the scoring server;
editing this copy changes nothing except your own understanding.
"""

import jax, jax.numpy as jnp
import numpy as np

NUM_USER = 10000
DIM_LATENT = 128
K = 32


def setup_inputs(seed: int = 0) -> dict:
    key = jax.random.key(seed)
    k1, k2, k3 = jax.random.split(key, 3)
    features = jax.random.normal(k1, (NUM_USER, DIM_LATENT), dtype=jnp.float32)
    user_graph = jax.random.randint(k2, (NUM_USER, K), 0, NUM_USER, dtype=jnp.int64)
    user_matrix = jax.random.uniform(k3, (NUM_USER, K), dtype=jnp.float32)
    return {"features": features, "user_graph": user_graph, "user_matrix": user_matrix}


def reference(features, user_graph, user_matrix):
    # u_features = features[index]  -> gather rows: [N, K, d]
    u_features = jnp.take(features, user_graph, axis=0)
    # user_matrix.unsqueeze(1) -> [N, 1, K]; batched matmul -> [N, 1, d]
    u_pre = jnp.matmul(user_matrix[:, None, :], u_features)
    # squeeze -> [N, d]
    u_pre = jnp.squeeze(u_pre, axis=1)
    return u_pre

if __name__ == "__main__":
    import jax
    _d = setup_inputs()
    print(jax.jit(kernel)(*tuple(_d.values())))

</pallas_src>

<mosaic_0001>
#map = affine_map<(d0, d1) -> (0, 0)>
#map1 = affine_map<(d0, d1) -> (0)>
module attributes {stable_mosaic.version = 14 : i64} {
  func.func @_sc_kernel(%arg0: i32, %arg1: i32, %arg2: memref<10000x128xf32, #tpu.memory_space<hbm>>, %arg3: memref<320000xi32, #tpu.memory_space<hbm>>, %arg4: memref<320000xf32, #tpu.memory_space<hbm>>, %arg5: memref<10000x128xf32, #tpu.memory_space<hbm>>, %arg6: memref<10240xi32, #tpu.memory_space<vmem>>, %arg7: memref<10240xf32, #tpu.memory_space<vmem>>, %arg8: memref<64x128xf32, #tpu.memory_space<vmem>>, %arg9: memref<64x128xf32, #tpu.memory_space<vmem>>, %arg10: memref<32x128xf32, #tpu.memory_space<vmem>>, %arg11: memref<10000x128xf32, #tpu.memory_space<vmem_shared>>, %arg12: memref<!tpu.dma_semaphore, #tpu.memory_space<semaphore_mem>>, %arg13: memref<!tpu.dma_semaphore, #tpu.memory_space<semaphore_mem>>) attributes {dimension_semantics = [#tpu.dimension_semantics<core_parallel>, #tpu.dimension_semantics<subcore_parallel>], iteration_bounds = array<i64: 2, 16>, scalar_prefetch = 0 : i64, scratch_operands = 8 : i64, tpu.core_type = #tpu.core_type<sc_vector_subcore>, window_params = [{transform_indices = #map}, {transform_indices = #map1}, {transform_indices = #map1}, {transform_indices = #map}]} {
    %mul3A = arith.constant 2 : i32
    %mul3A_0 = arith.muli %arg1, %mul3A : i32
    %add3A = arith.addi %mul3A_0, %arg0 : i32
    %mul3A_1 = arith.constant 320 : i32
    %mul3A_2 = arith.muli %add3A, %mul3A_1 : i32
    %mul3A_3 = arith.constant 10240 : i32
    %mul3A_4 = arith.muli %add3A, %mul3A_3 : i32
    %ne3A = arith.constant 15 : i32
    %ne3A_5 = arith.cmpi ne, %arg1, %ne3A : i32
    %convert_element_type3A = arith.extui %ne3A_5 : i1 to i32
    %cond3A = arith.constant 0 : i32
    %cond3A_6 = arith.cmpi ne, %convert_element_type3A, %cond3A : i32
    scf.if %cond3A_6 {
      %mul3A_35 = arith.constant 640 : i32
      %mul3A_36 = arith.muli %arg1, %mul3A_35 : i32
      %mul3A_37 = arith.constant 640 : i32
      %mul3A_38 = arith.muli %arg1, %mul3A_37 : i32
      "tpu.region"() ({
        %run_scoped3A = tpu.sem_alloc : memref<!tpu.dma_semaphore, #tpu.memory_space<semaphore_mem>>
        %dma_start3A_39 = arith.constant 0 : i32
        %dma_start3A_40 = tpu.memref_slice %arg11[%mul3A_38, %dma_start3A_39] : memref<10000x128xf32, #tpu.memory_space<vmem_shared>> -> memref<640x128xf32, #tpu.memory_space<vmem_shared>>
        %dma_start3A_41 = arith.constant 0 : i32
        %dma_start3A_42 = tpu.memref_slice %arg2[%mul3A_36, %dma_start3A_41] : memref<10000x128xf32, #tpu.memory_space<hbm>> -> memref<640x128xf32, #tpu.memory_space<hbm>>
        tpu.enqueue_dma source(%dma_start3A_42 : memref<640x128xf32, #tpu.memory_space<hbm>>) target(%dma_start3A_40 : memref<640x128xf32, #tpu.memory_space<vmem_shared>>) target_semaphore(%run_scoped3A : memref<!tpu.dma_semaphore, #tpu.memory_space<semaphore_mem>>)
        %dma_wait3A = arith.constant 0 : i32
        %dma_wait3A_43 = tpu.memref_slice %arg11[%mul3A_38, %dma_wait3A] : memref<10000x128xf32, #tpu.memory_space<vmem_shared>> -> memref<640x128xf32, #tpu.memory_space<vmem_shared>>
        %dma_wait3A_44 = arith.constant 0 : i32
        %dma_wait3A_45 = tpu.memref_slice %arg2[%mul3A_36, %dma_wait3A_44] : memref<10000x128xf32, #tpu.memory_space<hbm>> -> memref<640x128xf32, #tpu.memory_space<hbm>>
        tpu.wait_dma2 semaphore(%run_scoped3A : memref<!tpu.dma_semaphore, #tpu.memory_space<semaphore_mem>>) src(%dma_wait3A_45 : memref<640x128xf32, #tpu.memory_space<hbm>>) dst(%dma_wait3A_43 : memref<640x128xf32, #tpu.memory_space<vmem_shared>>)
        tpu.yield
      }) : () -> ()
    } else {
    }
    %eq3A = arith.constant 15 : i32
    %eq3A_7 = arith.cmpi eq, %arg1, %eq3A : i32
    %convert_element_type3A_8 = arith.extui %eq3A_7 : i1 to i32
    %cond3A_9 = arith.constant 0 : i32
    %cond3A_10 = arith.cmpi ne, %convert_element_type3A_8, %cond3A_9 : i32
    scf.if %cond3A_10 {
      "tpu.region"() ({
        %run_scoped3A = tpu.sem_alloc : memref<!tpu.dma_semaphore, #tpu.memory_space<semaphore_mem>>
        %dma_start3A_35 = arith.constant 9600 : i32
        %dma_start3A_36 = arith.constant 0 : i32
        %dma_start3A_37 = tpu.memref_slice %arg11[%dma_start3A_35, %dma_start3A_36] : memref<10000x128xf32, #tpu.memory_space<vmem_shared>> -> memref<400x128xf32, #tpu.memory_space<vmem_shared>>
        %dma_start3A_38 = arith.constant 9600 : i32
        %dma_start3A_39 = arith.constant 0 : i32
        %dma_start3A_40 = tpu.memref_slice %arg2[%dma_start3A_38, %dma_start3A_39] : memref<10000x128xf32, #tpu.memory_space<hbm>> -> memref<400x128xf32, #tpu.memory_space<hbm>>
        tpu.enqueue_dma source(%dma_start3A_40 : memref<400x128xf32, #tpu.memory_space<hbm>>) target(%dma_start3A_37 : memref<400x128xf32, #tpu.memory_space<vmem_shared>>) target_semaphore(%run_scoped3A : memref<!tpu.dma_semaphore, #tpu.memory_space<semaphore_mem>>)
        %dma_wait3A = arith.constant 9600 : i32
        %dma_wait3A_41 = arith.constant 0 : i32
        %dma_wait3A_42 = tpu.memref_slice %arg11[%dma_wait3A, %dma_wait3A_41] : memref<10000x128xf32, #tpu.memory_space<vmem_shared>> -> memref<400x128xf32, #tpu.memory_space<vmem_shared>>
        %dma_wait3A_43 = arith.constant 9600 : i32
        %dma_wait3A_44 = arith.constant 0 : i32
        %dma_wait3A_45 = tpu.memref_slice %arg2[%dma_wait3A_43, %dma_wait3A_44] : memref<10000x128xf32, #tpu.memory_space<hbm>> -> memref<400x128xf32, #tpu.memory_space<hbm>>
        tpu.wait_dma2 semaphore(%run_scoped3A : memref<!tpu.dma_semaphore, #tpu.memory_space<semaphore_mem>>) src(%dma_wait3A_45 : memref<400x128xf32, #tpu.memory_space<hbm>>) dst(%dma_wait3A_42 : memref<400x128xf32, #tpu.memory_space<vmem_shared>>)
        tpu.yield
      }) : () -> ()
    } else {
    }
    %ne3A_11 = arith.constant 31 : i32
    %ne3A_12 = arith.cmpi ne, %add3A, %ne3A_11 : i32
    %convert_element_type3A_13 = arith.extui %ne3A_12 : i1 to i32
    %cond3A_14 = arith.constant 0 : i32
    %cond3A_15 = arith.cmpi ne, %convert_element_type3A_13, %cond3A_14 : i32
    scf.if %cond3A_15 {
      "tpu.region"() ({
        %run_scoped3A = tpu.sem_alloc : memref<!tpu.dma_semaphore, #tpu.memory_space<semaphore_mem>>
        %dma_start3A_35 = tpu.memref_slice %arg3[%mul3A_4] : memref<320000xi32, #tpu.memory_space<hbm>> -> memref<10240xi32, #tpu.memory_space<hbm>>
        %dma_start3A_36 = tpu.memref_slice %arg3[%mul3A_4] : memref<320000xi32, #tpu.memory_space<hbm>> -> memref<10240xi32, #tpu.memory_space<hbm>>
        tpu.enqueue_dma source(%dma_start3A_36 : memref<10240xi32, #tpu.memory_space<hbm>>) target(%arg6 : memref<10240xi32, #tpu.memory_space<vmem>>) target_semaphore(%run_scoped3A : memref<!tpu.dma_semaphore, #tpu.memory_space<semaphore_mem>>)
        %dma_wait3A = tpu.memref_slice %arg3[%mul3A_4] : memref<320000xi32, #tpu.memory_space<hbm>> -> memref<10240xi32, #tpu.memory_space<hbm>>
        %dma_wait3A_37 = tpu.memref_slice %arg3[%mul3A_4] : memref<320000xi32, #tpu.memory_space<hbm>> -> memref<10240xi32, #tpu.memory_space<hbm>>
        tpu.wait_dma2 semaphore(%run_scoped3A : memref<!tpu.dma_semaphore, #tpu.memory_space<semaphore_mem>>) src(%dma_wait3A_37 : memref<10240xi32, #tpu.memory_space<hbm>>) dst(%arg6 : memref<10240xi32, #tpu.memory_space<vmem>>)
        tpu.yield
      }) : () -> ()
      "tpu.region"() ({
        %run_scoped3A = tpu.sem_alloc : memref<!tpu.dma_semaphore, #tpu.memory_space<semaphore_mem>>
        %dma_start3A_35 = tpu.memref_slice %arg4[%mul3A_4] : memref<320000xf32, #tpu.memory_space<hbm>> -> memref<10240xf32, #tpu.memory_space<hbm>>
        %dma_start3A_36 = tpu.memref_slice %arg4[%mul3A_4] : memref<320000xf32, #tpu.memory_space<hbm>> -> memref<10240xf32, #tpu.memory_space<hbm>>
        tpu.enqueue_dma source(%dma_start3A_36 : memref<10240xf32, #tpu.memory_space<hbm>>) target(%arg7 : memref<10240xf32, #tpu.memory_space<vmem>>) target_semaphore(%run_scoped3A : memref<!tpu.dma_semaphore, #tpu.memory_space<semaphore_mem>>)
        %dma_wait3A = tpu.memref_slice %arg4[%mul3A_4] : memref<320000xf32, #tpu.memory_space<hbm>> -> memref<10240xf32, #tpu.memory_space<hbm>>
        %dma_wait3A_37 = tpu.memref_slice %arg4[%mul3A_4] : memref<320000xf32, #tpu.memory_space<hbm>> -> memref<10240xf32, #tpu.memory_space<hbm>>
        tpu.wait_dma2 semaphore(%run_scoped3A : memref<!tpu.dma_semaphore, #tpu.memory_space<semaphore_mem>>) src(%dma_wait3A_37 : memref<10240xf32, #tpu.memory_space<hbm>>) dst(%arg7 : memref<10240xf32, #tpu.memory_space<vmem>>)
        tpu.yield
      }) : () -> ()
    } else {
    }
    %eq3A_16 = arith.constant 31 : i32
    %eq3A_17 = arith.cmpi eq, %add3A, %eq3A_16 : i32
    %convert_element_type3A_18 = arith.extui %eq3A_17 : i1 to i32
    %cond3A_19 = arith.constant 0 : i32
    %cond3A_20 = arith.cmpi ne, %convert_element_type3A_18, %cond3A_19 : i32
    scf.if %cond3A_20 {
      "tpu.region"() ({
        %run_scoped3A = tpu.sem_alloc : memref<!tpu.dma_semaphore, #tpu.memory_space<semaphore_mem>>
        %dma_start3A_41 = arith.constant 0 : i32
        %dma_start3A_42 = tpu.memref_slice %arg6[%dma_start3A_41] : memref<10240xi32, #tpu.memory_space<vmem>> -> memref<2560xi32, #tpu.memory_space<vmem>>
        %dma_start3A_43 = tpu.memref_slice %arg3[%mul3A_4] : memref<320000xi32, #tpu.memory_space<hbm>> -> memref<2560xi32, #tpu.memory_space<hbm>>
        %dma_start3A_44 = arith.constant 0 : i32
        %dma_start3A_45 = tpu.memref_slice %arg6[%dma_start3A_44] : memref<10240xi32, #tpu.memory_space<vmem>> -> memref<2560xi32, #tpu.memory_space<vmem>>
        %dma_start3A_46 = tpu.memref_slice %arg3[%mul3A_4] : memref<320000xi32, #tpu.memory_space<hbm>> -> memref<2560xi32, #tpu.memory_space<hbm>>
        tpu.enqueue_dma source(%dma_start3A_46 : memref<2560xi32, #tpu.memory_space<hbm>>) target(%dma_start3A_45 : memref<2560xi32, #tpu.memory_space<vmem>>) target_semaphore(%run_scoped3A : memref<!tpu.dma_semaphore, #tpu.memory_space<semaphore_mem>>)
        %dma_wait3A = arith.constant 0 : i32
        %dma_wait3A_47 = tpu.memref_slice %arg6[%dma_wait3A] : memref<10240xi32, #tpu.memory_space<vmem>> -> memref<2560xi32, #tpu.memory_space<vmem>>
        %dma_wait3A_48 = tpu.memref_slice %arg3[%mul3A_4] : memref<320000xi32, #tpu.memory_space<hbm>> -> memref<2560xi32, #tpu.memory_space<hbm>>
        %dma_wait3A_49 = arith.constant 0 : i32
        %dma_wait3A_50 = tpu.memref_slice %arg6[%dma_wait3A_49] : memref<10240xi32, #tpu.memory_space<vmem>> -> memref<2560xi32, #tpu.memory_space<vmem>>
        %dma_wait3A_51 = tpu.memref_slice %arg3[%mul3A_4] : memref<320000xi32, #tpu.memory_space<hbm>> -> memref<2560xi32, #tpu.memory_space<hbm>>
        tpu.wait_dma2 semaphore(%run_scoped3A : memref<!tpu.dma_semaphore, #tpu.memory_space<semaphore_mem>>) src(%dma_wait3A_51 : memref<2560xi32, #tpu.memory_space<hbm>>) dst(%dma_wait3A_50 : memref<2560xi32, #tpu.memory_space<vmem>>)
        tpu.yield
      }) : () -> ()
      "tpu.region"() ({
        %run_scoped3A = tpu.sem_alloc : memref<!tpu.dma_semaphore, #tpu.memory_space<semaphore_mem>>
        %dma_start3A_41 = arith.constant 0 : i32
        %dma_start3A_42 = tpu.memref_slice %arg7[%dma_start3A_41] : memref<10240xf32, #tpu.memory_space<vmem>> -> memref<2560xf32, #tpu.memory_space<vmem>>
        %dma_start3A_43 = tpu.memref_slice %arg4[%mul3A_4] : memref<320000xf32, #tpu.memory_space<hbm>> -> memref<2560xf32, #tpu.memory_space<hbm>>
        %dma_start3A_44 = arith.constant 0 : i32
        %dma_start3A_45 = tpu.memref_slice %arg7[%dma_start3A_44] : memref<10240xf32, #tpu.memory_space<vmem>> -> memref<2560xf32, #tpu.memory_space<vmem>>
        %dma_start3A_46 = tpu.memref_slice %arg4[%mul3A_4] : memref<320000xf32, #tpu.memory_space<hbm>> -> memref<2560xf32, #tpu.memory_space<hbm>>
        tpu.enqueue_dma source(%dma_start3A_46 : memref<2560xf32, #tpu.memory_space<hbm>>) target(%dma_start3A_45 : memref<2560xf32, #tpu.memory_space<vmem>>) target_semaphore(%run_scoped3A : memref<!tpu.dma_semaphore, #tpu.memory_space<semaphore_mem>>)
        %dma_wait3A = arith.constant 0 : i32
        %dma_wait3A_47 = tpu.memref_slice %arg7[%dma_wait3A] : memref<10240xf32, #tpu.memory_space<vmem>> -> memref<2560xf32, #tpu.memory_space<vmem>>
        %dma_wait3A_48 = tpu.memref_slice %arg4[%mul3A_4] : memref<320000xf32, #tpu.memory_space<hbm>> -> memref<2560xf32, #tpu.memory_space<hbm>>
        %dma_wait3A_49 = arith.constant 0 : i32
        %dma_wait3A_50 = tpu.memref_slice %arg7[%dma_wait3A_49] : memref<10240xf32, #tpu.memory_space<vmem>> -> memref<2560xf32, #tpu.memory_space<vmem>>
        %dma_wait3A_51 = tpu.memref_slice %arg4[%mul3A_4] : memref<320000xf32, #tpu.memory_space<hbm>> -> memref<2560xf32, #tpu.memory_space<hbm>>
        tpu.wait_dma2 semaphore(%run_scoped3A : memref<!tpu.dma_semaphore, #tpu.memory_space<semaphore_mem>>) src(%dma_wait3A_51 : memref<2560xf32, #tpu.memory_space<hbm>>) dst(%dma_wait3A_50 : memref<2560xf32, #tpu.memory_space<vmem>>)
        tpu.yield
      }) : () -> ()
      %scan3A_35 = arith.constant 0 : i32
      %scan3A_36 = arith.constant 0 : i32
      %scan3A_37 = arith.constant 60 : i32
      %scan3A_38 = arith.addi %scan3A_36, %scan3A_37 : i32
      %scan3A_39 = arith.constant 1 : i32
      scf.for %scan3A_41 = %scan3A_36 to %scan3A_38 step %scan3A_39  : i32 {
        %mul3A_42 = arith.constant 8 : i32
        %mul3A_43 = arith.muli %scan3A_41, %mul3A_42 : i32
        %mul3A_44 = arith.constant 16 : i32
        %mul3A_45 = arith.muli %mul3A_43, %mul3A_44 : i32
        %add3A_46 = arith.constant 2560 : i32
        %add3A_47 = arith.addi %add3A_46, %mul3A_45 : i32
        %broadcast_in_dim3A = arith.constant 0 : i32
        %broadcast_in_dim3A_48 = vector.broadcast %broadcast_in_dim3A : i32 to vector<16xi32>
        %add3A_49 = arith.constant 0 : i32
        %add3A_50 = arith.addi %add3A_47, %add3A_49 : i32
        %swap3A = arith.index_cast %add3A_50 : i32 to index
        %swap3A_51 = tpu.vector_load %arg6[%swap3A] {strides = array<i32>} : memref<10240xi32, #tpu.memory_space<vmem>>, vector<16xi32>,
        %swap3A_52 = vector.shape_cast %swap3A_51 : vector<16xi32> to vector<16xi32>
        %swap3A_53 = vector.shape_cast %broadcast_in_dim3A_48 : vector<16xi32> to vector<16xi32>
        tpu.vector_store %arg6[%swap3A], %swap3A_53 {strides = array<i32>} : memref<10240xi32, #tpu.memory_space<vmem>>, vector<16xi32>,
        %broadcast_in_dim3A_54 = arith.constant 0 : i32
        %broadcast_in_dim3A_55 = vector.broadcast %broadcast_in_dim3A_54 : i32 to vector<16xi32>
        %add3A_56 = arith.constant 16 : i32
        %add3A_57 = arith.addi %add3A_47, %add3A_56 : i32
        %swap3A_58 = arith.index_cast %add3A_57 : i32 to index
        %swap3A_59 = tpu.vector_load %arg6[%swap3A_58] {strides = array<i32>} : memref<10240xi32, #tpu.memory_space<vmem>>, vector<16xi32>,
        %swap3A_60 = vector.shape_cast %swap3A_59 : vector<16xi32> to vector<16xi32>
        %swap3A_61 = vector.shape_cast %broadcast_in_dim3A_55 : vector<16xi32> to vector<16xi32>
        tpu.vector_store %arg6[%swap3A_58], %swap3A_61 {strides = array<i32>} : memref<10240xi32, #tpu.memory_space<vmem>>, vector<16xi32>,
        %broadcast_in_dim3A_62 = arith.constant 0 : i32
        %broadcast_in_dim3A_63 = vector.broadcast %broadcast_in_dim3A_62 : i32 to vector<16xi32>
        %add3A_64 = arith.constant 32 : i32
        %add3A_65 = arith.addi %add3A_47, %add3A_64 : i32
        %swap3A_66 = arith.index_cast %add3A_65 : i32 to index
        %swap3A_67 = tpu.vector_load %arg6[%swap3A_66] {strides = array<i32>} : memref<10240xi32, #tpu.memory_space<vmem>>, vector<16xi32>,
        %swap3A_68 = vector.shape_cast %swap3A_67 : vector<16xi32> to vector<16xi32>
        %swap3A_69 = vector.shape_cast %broadcast_in_dim3A_63 : vector<16xi32> to vector<16xi32>
        tpu.vector_store %arg6[%swap3A_66], %swap3A_69 {strides = array<i32>} : memref<10240xi32, #tpu.memory_space<vmem>>, vector<16xi32>,
        %broadcast_in_dim3A_70 = arith.constant 0 : i32
        %broadcast_in_dim3A_71 = vector.broadcast %broadcast_in_dim3A_70 : i32 to vector<16xi32>
        %add3A_72 = arith.constant 48 : i32
        %add3A_73 = arith.addi %add3A_47, %add3A_72 : i32
        %swap3A_74 = arith.index_cast %add3A_73 : i32 to index
        %swap3A_75 = tpu.vector_load %arg6[%swap3A_74] {strides = array<i32>} : memref<10240xi32, #tpu.memory_space<vmem>>, vector<16xi32>,
        %swap3A_76 = vector.shape_cast %swap3A_75 : vector<16xi32> to vector<16xi32>
        %swap3A_77 = vector.shape_cast %broadcast_in_dim3A_71 : vector<16xi32> to vector<16xi32>
        tpu.vector_store %arg6[%swap3A_74], %swap3A_77 {strides = array<i32>} : memref<10240xi32, #tpu.memory_space<vmem>>, vector<16xi32>,
        %broadcast_in_dim3A_78 = arith.constant 0 : i32
        %broadcast_in_dim3A_79 = vector.broadcast %broadcast_in_dim3A_78 : i32 to vector<16xi32>
        %add3A_80 = arith.constant 64 : i32
        %add3A_81 = arith.addi %add3A_47, %add3A_80 : i32
        %swap3A_82 = arith.index_cast %add3A_81 : i32 to index
        %swap3A_83 = tpu.vector_load %arg6[%swap3A_82] {strides = array<i32>} : memref<10240xi32, #tpu.memory_space<vmem>>, vector<16xi32>,
        %swap3A_84 = vector.shape_cast %swap3A_83 : vector<16xi32> to vector<16xi32>
        %swap3A_85 = vector.shape_cast %broadcast_in_dim3A_79 : vector<16xi32> to vector<16xi32>
        tpu.vector_store %arg6[%swap3A_82], %swap3A_85 {strides = array<i32>} : memref<10240xi32, #tpu.memory_space<vmem>>, vector<16xi32>,
        %broadcast_in_dim3A_86 = arith.constant 0 : i32
        %broadcast_in_dim3A_87 = vector.broadcast %broadcast_in_dim3A_86 : i32 to vector<16xi32>
        %add3A_88 = arith.constant 80 : i32
        %add3A_89 = arith.addi %add3A_47, %add3A_88 : i32
        %swap3A_90 = arith.index_cast %add3A_89 : i32 to index
        %swap3A_91 = tpu.vector_load %arg6[%swap3A_90] {strides = array<i32>} : memref<10240xi32, #tpu.memory_space<vmem>>, vector<16xi32>,
        %swap3A_92 = vector.shape_cast %swap3A_91 : vector<16xi32> to vector<16xi32>
        %swap3A_93 = vector.shape_cast %broadcast_in_dim3A_87 : vector<16xi32> to vector<16xi32>
        tpu.vector_store %arg6[%swap3A_90], %swap3A_93 {strides = array<i32>} : memref<10240xi32, #tpu.memory_space<vmem>>, vector<16xi32>,
        %broadcast_in_dim3A_94 = arith.constant 0 : i32
        %broadcast_in_dim3A_95 = vector.broadcast %broadcast_in_dim3A_94 : i32 to vector<16xi32>
        %add3A_96 = arith.constant 96 : i32
        %add3A_97 = arith.addi %add3A_47, %add3A_96 : i32
        %swap3A_98 = arith.index_cast %add3A_97 : i32 to index
        %swap3A_99 = tpu.vector_load %arg6[%swap3A_98] {strides = array<i32>} : memref<10240xi32, #tpu.memory_space<vmem>>, vector<16xi32>,
        %swap3A_100 = vector.shape_cast %swap3A_99 : vector<16xi32> to vector<16xi32>
        %swap3A_101 = vector.shape_cast %broadcast_in_dim3A_95 : vector<16xi32> to vector<16xi32>
        tpu.vector_store %arg6[%swap3A_98], %swap3A_101 {strides = array<i32>} : memref<10240xi32, #tpu.memory_space<vmem>>, vector<16xi32>,
        %broadcast_in_dim3A_102 = arith.constant 0 : i32
        %broadcast_in_dim3A_103 = vector.broadcast %broadcast_in_dim3A_102 : i32 to vector<16xi32>
        %add3A_104 = arith.constant 112 : i32
        %add3A_105 = arith.addi %add3A_47, %add3A_104 : i32
        %swap3A_106 = arith.index_cast %add3A_105 : i32 to index
        %swap3A_107 = tpu.vector_load %arg6[%swap3A_106] {strides = array<i32>} : memref<10240xi32, #tpu.memory_space<vmem>>, vector<16xi32>,
        %swap3A_108 = vector.shape_cast %swap3A_107 : vector<16xi32> to vector<16xi32>
        %swap3A_109 = vector.shape_cast %broadcast_in_dim3A_103 : vector<16xi32> to vector<16xi32>
        tpu.vector_store %arg6[%swap3A_106], %swap3A_109 {strides = array<i32>} : memref<10240xi32, #tpu.memory_space<vmem>>, vector<16xi32>,
      }
      %scan3A_40 = arith.constant 60 : i32
    } else {
    }
    %barrier3A = arith.constant 0 : index
    tpu.barrier barrier_id(%barrier3A)
    %dma_start3A = arith.constant 0 : i32
    %dma_start3A_21 = tpu.memref_slice %arg6[%dma_start3A] : memref<10240xi32, #tpu.memory_space<vmem>> -> memref<64xi32, #tpu.memory_space<vmem>>
    %dma_start3A_22 = arith.constant 0 : i32
    %dma_start3A_23 = arith.constant 0 : i32
    %dma_start3A_24 = tpu.memref_slice %arg11[%dma_start3A_22, %dma_start3A_23] : memref<10000x128xf32, #tpu.memory_space<vmem_shared>> -> memref<10000x128xf32, #tpu.memory_space<vmem_shared>>
    tpu.enqueue_indirect_dma source(%dma_start3A_24 : memref<10000x128xf32, #tpu.memory_space<vmem_shared>>) target(%arg8 : memref<64x128xf32, #tpu.memory_space<vmem>>) offsets(%dma_start3A_21 : memref<64xi32, #tpu.memory_space<vmem>>) semaphore(%arg12 : memref<!tpu.dma_semaphore, #tpu.memory_space<semaphore_mem>>)
    %dma_start3A_25 = arith.constant 64 : i32
    %dma_start3A_26 = tpu.memref_slice %arg6[%dma_start3A_25] : memref<10240xi32, #tpu.memory_space<vmem>> -> memref<64xi32, #tpu.memory_space<vmem>>
    %dma_start3A_27 = arith.constant 0 : i32
    %dma_start3A_28 = arith.constant 0 : i32
    %dma_start3A_29 = tpu.memref_slice %arg11[%dma_start3A_27, %dma_start3A_28] : memref<10000x128xf32, #tpu.memory_space<vmem_shared>> -> memref<10000x128xf32, #tpu.memory_space<vmem_shared>>
    tpu.enqueue_indirect_dma source(%dma_start3A_29 : memref<10000x128xf32, #tpu.memory_space<vmem_shared>>) target(%arg9 : memref<64x128xf32, #tpu.memory_space<vmem>>) offsets(%dma_start3A_26 : memref<64xi32, #tpu.memory_space<vmem>>) semaphore(%arg13 : memref<!tpu.dma_semaphore, #tpu.memory_space<semaphore_mem>>)
    %scan3A = arith.constant 0 : i32
    %scan3A_30 = arith.constant 0 : i32
    %scan3A_31 = arith.constant 10 : i32
    %scan3A_32 = arith.addi %scan3A_30, %scan3A_31 : i32
    %scan3A_33 = arith.constant 1 : i32
    scf.for %scan3A_35 = %scan3A_30 to %scan3A_32 step %scan3A_33  : i32 {
      %scan3A_36 = arith.constant 0 : i32
      %scan3A_37 = arith.constant 0 : i32
      %scan3A_38 = arith.constant 8 : i32
      %scan3A_39 = arith.addi %scan3A_37, %scan3A_38 : i32
      %scan3A_40 = arith.constant 1 : i32
      scf.for %scan3A_58 = %scan3A_37 to %scan3A_39 step %scan3A_40  : i32 {
        %mul3A_59 = arith.constant 16 : i32
        %mul3A_60 = arith.muli %scan3A_35, %mul3A_59 : i32
        %mul3A_61 = arith.constant 2 : i32
        %mul3A_62 = arith.muli %scan3A_58, %mul3A_61 : i32
        %add3A_63 = arith.addi %mul3A_60, %mul3A_62 : i32
        %add3A_64 = arith.constant 0 : i32
        %add3A_65 = arith.addi %add3A_63, %add3A_64 : i32
        %dma_wait3A = arith.constant 0 : i32
        %dma_wait3A_66 = arith.constant 0 : i32
        %dma_wait3A_67 = tpu.memref_slice %arg2[%dma_wait3A, %dma_wait3A_66] : memref<10000x128xf32, #tpu.memory_space<hbm>> -> memref<64x128xf32, #tpu.memory_space<hbm>>
        %dma_wait3A_68 = arith.constant 0 : i32
        %dma_wait3A_69 = arith.constant 0 : i32
        %dma_wait3A_70 = tpu.memref_slice %arg2[%dma_wait3A_68, %dma_wait3A_69] : memref<10000x128xf32, #tpu.memory_space<hbm>> -> memref<64x128xf32, #tpu.memory_space<hbm>>
        tpu.wait_dma2 semaphore(%arg12 : memref<!tpu.dma_semaphore, #tpu.memory_space<semaphore_mem>>) src(%dma_wait3A_70 : memref<64x128xf32, #tpu.memory_space<hbm>>) dst(%arg8 : memref<64x128xf32, #tpu.memory_space<vmem>>)
        %scan3A_71 = arith.constant 0 : i32
        %scan3A_72 = arith.constant 0 : i32
        %scan3A_73 = arith.constant 2 : i32
        %scan3A_74 = arith.addi %scan3A_72, %scan3A_73 : i32
        %scan3A_75 = arith.constant 1 : i32
        scf.for %scan3A_110 = %scan3A_72 to %scan3A_74 step %scan3A_75  : i32 {
          %broadcast_in_dim3A = arith.constant 0.000000e+00 : f32
          %broadcast_in_dim3A_111 = vector.broadcast %broadcast_in_dim3A : f32 to vector<16xf32>
          %broadcast_in_dim3A_112 = arith.constant 0.000000e+00 : f32
          %broadcast_in_dim3A_113 = vector.broadcast %broadcast_in_dim3A_112 : f32 to vector<16xf32>
          %broadcast_in_dim3A_114 = arith.constant 0.000000e+00 : f32
          %broadcast_in_dim3A_115 = vector.broadcast %broadcast_in_dim3A_114 : f32 to vector<16xf32>
          %broadcast_in_dim3A_116 = arith.constant 0.000000e+00 : f32
          %broadcast_in_dim3A_117 = vector.broadcast %broadcast_in_dim3A_116 : f32 to vector<16xf32>
          %broadcast_in_dim3A_118 = arith.constant 0.000000e+00 : f32
          %broadcast_in_dim3A_119 = vector.broadcast %broadcast_in_dim3A_118 : f32 to vector<16xf32>
          %broadcast_in_dim3A_120 = arith.constant 0.000000e+00 : f32
          %broadcast_in_dim3A_121 = vector.broadcast %broadcast_in_dim3A_120 : f32 to vector<16xf32>
          %broadcast_in_dim3A_122 = arith.constant 0.000000e+00 : f32
          %broadcast_in_dim3A_123 = vector.broadcast %broadcast_in_dim3A_122 : f32 to vector<16xf32>
          %broadcast_in_dim3A_124 = arith.constant 0.000000e+00 : f32
          %broadcast_in_dim3A_125 = vector.broadcast %broadcast_in_dim3A_124 : f32 to vector<16xf32>
          %mul3A_126 = arith.constant 64 : i32
          %mul3A_127 = arith.muli %add3A_65, %mul3A_126 : i32
          %mul3A_128 = arith.constant 32 : i32
          %mul3A_129 = arith.muli %scan3A_110, %mul3A_128 : i32
          %add3A_130 = arith.addi %mul3A_127, %mul3A_129 : i32
          %add3A_131 = arith.constant 0 : i32
          %add3A_132 = arith.addi %add3A_130, %add3A_131 : i32
          %get3A = arith.index_cast %add3A_132 : i32 to index
          %get3A_133 = tpu.vector_load %arg7[%get3A] {strides = array<i32>} : memref<10240xf32, #tpu.memory_space<vmem>>, vector<16xf32>,
          %get3A_134 = vector.shape_cast %get3A_133 : vector<16xf32> to vector<16xf32>
          %add3A_135 = arith.constant 16 : i32
          %add3A_136 = arith.addi %add3A_130, %add3A_135 : i32
          %get3A_137 = arith.index_cast %add3A_136 : i32 to index
          %get3A_138 = tpu.vector_load %arg7[%get3A_137] {strides = array<i32>} : memref<10240xf32, #tpu.memory_space<vmem>>, vector<16xf32>,
          %get3A_139 = vector.shape_cast %get3A_138 : vector<16xf32> to vector<16xf32>
          %mul3A_140 = arith.constant 32 : i32
          %mul3A_141 = arith.muli %scan3A_110, %mul3A_140 : i32
          %add3A_142 = arith.constant 0 : i32
          %add3A_143 = arith.addi %mul3A_141, %add3A_142 : i32
          %slice3A = vector.extract_strided_slice %get3A_134 {offsets = [0], sizes = [1], strides = [1]} : vector<16xf32> to vector<1xf32>
          %squeeze3A = vector.extract %slice3A[0] : f32 from vector<1xf32>
          %get3A_144 = arith.index_cast %add3A_143 : i32 to index
          %get3A_145 = arith.constant 0 : index
          %get3A_146 = tpu.vector_load %arg8[%get3A_144, %get3A_145] {strides = array<i32>} : memref<64x128xf32, #tpu.memory_space<vmem>>, vector<1x16xf32>,
          %get3A_147 = vector.shape_cast %get3A_146 : vector<1x16xf32> to vector<16xf32>
          %mul3A_148 = vector.broadcast %squeeze3A : f32 to vector<16xf32>
          %mul3A_149 = arith.mulf %mul3A_148, %get3A_147 : vector<16xf32>
          %add3A_150 = arith.addf %broadcast_in_dim3A_111, %mul3A_149 : vector<16xf32>
          %get3A_151 = arith.index_cast %add3A_143 : i32 to index
          %get3A_152 = arith.constant 16 : index
          %get3A_153 = tpu.vector_load %arg8[%get3A_151, %get3A_152] {strides = array<i32>} : memref<64x128xf32, #tpu.memory_space<vmem>>, vector<1x16xf32>,
          %get3A_154 = vector.shape_cast %get3A_153 : vector<1x16xf32> to vector<16xf32>
          %mul3A_155 = vector.broadcast %squeeze3A : f32 to vector<16xf32>
          %mul3A_156 = arith.mulf %mul3A_155, %get3A_154 : vector<16xf32>
          %add3A_157 = arith.addf %broadcast_in_dim3A_113, %mul3A_156 : vector<16xf32>
          %get3A_158 = arith.index_cast %add3A_143 : i32 to index
          %get3A_159 = arith.constant 32 : index
          %get3A_160 = tpu.vector_load %arg8[%get3A_158, %get3A_159] {strides = array<i32>} : memref<64x128xf32, #tpu.memory_space<vmem>>, vector<1x16xf32>,
          %get3A_161 = vector.shape_cast %get3A_160 : vector<1x16xf32> to vector<16xf32>
          %mul3A_162 = vector.broadcast %squeeze3A : f32 to vector<16xf32>
          %mul3A_163 = arith.mulf %mul3A_162, %get3A_161 : vector<16xf32>
          %add3A_164 = arith.addf %broadcast_in_dim3A_115, %mul3A_163 : vector<16xf32>
          %get3A_165 = arith.index_cast %add3A_143 : i32 to index
          %get3A_166 = arith.constant 48 : index
          %get3A_167 = tpu.vector_load %arg8[%get3A_165, %get3A_166] {strides = array<i32>} : memref<64x128xf32, #tpu.memory_space<vmem>>, vector<1x16xf32>,
          %get3A_168 = vector.shape_cast %get3A_167 : vector<1x16xf32> to vector<16xf32>
          %mul3A_169 = vector.broadcast %squeeze3A : f32 to vector<16xf32>
          %mul3A_170 = arith.mulf %mul3A_169, %get3A_168 : vector<16xf32>
          %add3A_171 = arith.addf %broadcast_in_dim3A_117, %mul3A_170 : vector<16xf32>
          %get3A_172 = arith.index_cast %add3A_143 : i32 to index
          %get3A_173 = arith.constant 64 : index
          %get3A_174 = tpu.vector_load %arg8[%get3A_172, %get3A_173] {strides = array<i32>} : memref<64x128xf32, #tpu.memory_space<vmem>>, vector<1x16xf32>,
          %get3A_175 = vector.shape_cast %get3A_174 : vector<1x16xf32> to vector<16xf32>
          %mul3A_176 = vector.broadcast %squeeze3A : f32 to vector<16xf32>
          %mul3A_177 = arith.mulf %mul3A_176, %get3A_175 : vector<16xf32>
          %add3A_178 = arith.addf %broadcast_in_dim3A_119, %mul3A_177 : vector<16xf32>
          %get3A_179 = arith.index_cast %add3A_143 : i32 to index
          %get3A_180 = arith.constant 80 : index
          %get3A_181 = tpu.vector_load %arg8[%get3A_179, %get3A_180] {strides = array<i32>} : memref<64x128xf32, #tpu.memory_space<vmem>>, vector<1x16xf32>,
          %get3A_182 = vector.shape_cast %get3A_181 : vector<1x16xf32> to vector<16xf32>
          %mul3A_183 = vector.broadcast %squeeze3A : f32 to vector<16xf32>
          %mul3A_184 = arith.mulf %mul3A_183, %get3A_182 : vector<16xf32>
          %add3A_185 = arith.addf %broadcast_in_dim3A_121, %mul3A_184 : vector<16xf32>
          %get3A_186 = arith.index_cast %add3A_143 : i32 to index
          %get3A_187 = arith.constant 96 : index
          %get3A_188 = tpu.vector_load %arg8[%get3A_186, %get3A_187] {strides = array<i32>} : memref<64x128xf32, #tpu.memory_space<vmem>>, vector<1x16xf32>,
          %get3A_189 = vector.shape_cast %get3A_188 : vector<1x16xf32> to vector<16xf32>
          %mul3A_190 = vector.broadcast %squeeze3A : f32 to vector<16xf32>
          %mul3A_191 = arith.mulf %mul3A_190, %get3A_189 : vector<16xf32>
          %add3A_192 = arith.addf %broadcast_in_dim3A_123, %mul3A_191 : vector<16xf32>
          %get3A_193 = arith.index_cast %add3A_143 : i32 to index
          %get3A_194 = arith.constant 112 : index
          %get3A_195 = tpu.vector_load %arg8[%get3A_193, %get3A_194] {strides = array<i32>} : memref<64x128xf32, #tpu.memory_space<vmem>>, vector<1x16xf32>,
          %get3A_196 = vector.shape_cast %get3A_195 : vector<1x16xf32> to vector<16xf32>
          %mul3A_197 = vector.broadcast %squeeze3A : f32 to vector<16xf32>
          %mul3A_198 = arith.mulf %mul3A_197, %get3A_196 : vector<16xf32>
          %add3A_199 = arith.addf %broadcast_in_dim3A_125, %mul3A_198 : vector<16xf32>
          %mul3A_200 = arith.constant 32 : i32
          %mul3A_201 = arith.muli %scan3A_110, %mul3A_200 : i32
          %add3A_202 = arith.constant 1 : i32
          %add3A_203 = arith.addi %mul3A_201, %add3A_202 : i32
          %slice3A_204 = vector.extract_strided_slice %get3A_134 {offsets = [1], sizes = [1], strides = [1]} : vector<16xf32> to vector<1xf32>
          %squeeze3A_205 = vector.extract %slice3A_204[0] : f32 from vector<1xf32>
          %get3A_206 = arith.index_cast %add3A_203 : i32 to index
          %get3A_207 = arith.constant 0 : index
          %get3A_208 = tpu.vector_load %arg8[%get3A_206, %get3A_207] {strides = array<i32>} : memref<64x128xf32, #tpu.memory_space<vmem>>, vector<1x16xf32>,
          %get3A_209 = vector.shape_cast %get3A_208 : vector<1x16xf32> to vector<16xf32>
          %mul3A_210 = vector.broadcast %squeeze3A_205 : f32 to vector<16xf32>
          %mul3A_211 = arith.mulf %mul3A_210, %get3A_209 : vector<16xf32>
          %add3A_212 = arith.addf %add3A_150, %mul3A_211 : vector<16xf32>
          %get3A_213 = arith.index_cast %add3A_203 : i32 to index
          %get3A_214 = arith.constant 16 : index
          %get3A_215 = tpu.vector_load %arg8[%get3A_213, %get3A_214] {strides = array<i32>} : memref<64x128xf32, #tpu.memory_space<vmem>>, vector<1x16xf32>,
          %get3A_216 = vector.shape_cast %get3A_215 : vector<1x16xf32> to vector<16xf32>
          %mul3A_217 = vector.broadcast %squeeze3A_205 : f32 to vector<16xf32>
          %mul3A_218 = arith.mulf %mul3A_217, %get3A_216 : vector<16xf32>
          %add3A_219 = arith.addf %add3A_157, %mul3A_218 : vector<16xf32>
          %get3A_220 = arith.index_cast %add3A_203 : i32 to index
          %get3A_221 = arith.constant 32 : index
          %get3A_222 = tpu.vector_load %arg8[%get3A_220, %get3A_221] {strides = array<i32>} : memref<64x128xf32, #tpu.memory_space<vmem>>, vector<1x16xf32>,
          %get3A_223 = vector.shape_cast %get3A_222 : vector<1x16xf32> to vector<16xf32>
          %mul3A_224 = vector.broadcast %squeeze3A_205 : f32 to vector<16xf32>
          %mul3A_225 = arith.mulf %mul3A_224, %get3A_223 : vector<16xf32>
          %add3A_226 = arith.addf %add3A_164, %mul3A_225 : vector<16xf32>
          %get3A_227 = arith.index_cast %add3A_203 : i32 to index
          %get3A_228 = arith.constant 48 : index
          %get3A_229 = tpu.vector_load %arg8[%get3A_227, %get3A_228] {strides = array<i32>} : memref<64x128xf32, #tpu.memory_space<vmem>>, vector<1x16xf32>,
          %get3A_230 = vector.shape_cast %get3A_229 : vector<1x16xf32> to vector<16xf32>
          %mul3A_231 = vector.broadcast %squeeze3A_205 : f32 to vector<16xf32>
          %mul3A_232 = arith.mulf %mul3A_231, %get3A_230 : vector<16xf32>
          %add3A_233 = arith.addf %add3A_171, %mul3A_232 : vector<16xf32>
          %get3A_234 = arith.index_cast %add3A_203 : i32 to index
          %get3A_235 = arith.constant 64 : index
          %get3A_236 = tpu.vector_load %arg8[%get3A_234, %get3A_235] {strides = array<i32>} : memref<64x128xf32, #tpu.memory_space<vmem>>, vector<1x16xf32>,
          %get3A_237 = vector.shape_cast %get3A_236 : vector<1x16xf32> to vector<16xf32>
          %mul3A_238 = vector.broadcast %squeeze3A_205 : f32 to vector<16xf32>
          %mul3A_239 = arith.mulf %mul3A_238, %get3A_237 : vector<16xf32>
          %add3A_240 = arith.addf %add3A_178, %mul3A_239 : vector<16xf32>
          %get3A_241 = arith.index_cast %add3A_203 : i32 to index
          %get3A_242 = arith.constant 80 : index
          %get3A_243 = tpu.vector_load %arg8[%get3A_241, %get3A_242] {strides = array<i32>} : memref<64x128xf32, #tpu.memory_space<vmem>>, vector<1x16xf32>,
          %get3A_244 = vector.shape_cast %get3A_243 : vector<1x16xf32> to vector<16xf32>
          %mul3A_245 = vector.broadcast %squeeze3A_205 : f32 to vector<16xf32>
          %mul3A_246 = arith.mulf %mul3A_245, %get3A_244 : vector<16xf32>
          %add3A_247 = arith.addf %add3A_185, %mul3A_246 : vector<16xf32>
          %get3A_248 = arith.index_cast %add3A_203 : i32 to index
          %get3A_249 = arith.constant 96 : index
          %get3A_250 = tpu.vector_load %arg8[%get3A_248, %get3A_249] {strides = array<i32>} : memref<64x128xf32, #tpu.memory_space<vmem>>, vector<1x16xf32>,
          %get3A_251 = vector.shape_cast %get3A_250 : vector<1x16xf32> to vector<16xf32>
          %mul3A_252 = vector.broadcast %squeeze3A_205 : f32 to vector<16xf32>
          %mul3A_253 = arith.mulf %mul3A_252, %get3A_251 : vector<16xf32>
          %add3A_254 = arith.addf %add3A_192, %mul3A_253 : vector<16xf32>
          %get3A_255 = arith.index_cast %add3A_203 : i32 to index
          %get3A_256 = arith.constant 112 : index
          %get3A_257 = tpu.vector_load %arg8[%get3A_255, %get3A_256] {strides = array<i32>} : memref<64x128xf32, #tpu.memory_space<vmem>>, vector<1x16xf32>,
          %get3A_258 = vector.shape_cast %get3A_257 : vector<1x16xf32> to vector<16xf32>
          %mul3A_259 = vector.broadcast %squeeze3A_205 : f32 to vector<16xf32>
          %mul3A_260 = arith.mulf %mul3A_259, %get3A_258 : vector<16xf32>
          %add3A_261 = arith.addf %add3A_199, %mul3A_260 : vector<16xf32>
          %mul3A_262 = arith.constant 32 : i32
          %mul3A_263 = arith.muli %scan3A_110, %mul3A_262 : i32
          %add3A_264 = arith.constant 2 : i32
          %add3A_265 = arith.addi %mul3A_263, %add3A_264 : i32
          %slice3A_266 = vector.extract_strided_slice %get3A_134 {offsets = [2], sizes = [1], strides = [1]} : vector<16xf32> to vector<1xf32>
          %squeeze3A_267 = vector.extract %slice3A_266[0] : f32 from vector<1xf32>
          %get3A_268 = arith.index_cast %add3A_265 : i32 to index
          %get3A_269 = arith.constant 0 : index
          %get3A_270 = tpu.vector_load %arg8[%get3A_268, %get3A_269] {strides = array<i32>} : memref<64x128xf32, #tpu.memory_space<vmem>>, vector<1x16xf32>,
          %get3A_271 = vector.shape_cast %get3A_270 : vector<1x16xf32> to vector<16xf32>
          %mul3A_272 = vector.broadcast %squeeze3A_267 : f32 to vector<16xf32>
          %mul3A_273 = arith.mulf %mul3A_272, %get3A_271 : vector<16xf32>
          %add3A_274 = arith.addf %add3A_212, %mul3A_273 : vector<16xf32>
          %get3A_275 = arith.index_cast %add3A_265 : i32 to index
          %get3A_276 = arith.constant 16 : index
          %get3A_277 = tpu.vector_load %arg8[%get3A_275, %get3A_276] {strides = array<i32>} : memref<64x128xf32, #tpu.memory_space<vmem>>, vector<1x16xf32>,
          %get3A_278 = vector.shape_cast %get3A_277 : vector<1x16xf32> to vector<16xf32>
          %mul3A_279 = vector.broadcast %squeeze3A_267 : f32 to vector<16xf32>
          %mul3A_280 = arith.mulf %mul3A_279, %get3A_278 : vector<16xf32>
          %add3A_281 = arith.addf %add3A_219, %mul3A_280 : vector<16xf32>
          %get3A_282 = arith.index_cast %add3A_265 : i32 to index
          %get3A_283 = arith.constant 32 : index
          %get3A_284 = tpu.vector_load %arg8[%get3A_282, %get3A_283] {strides = array<i32>} : memref<64x128xf32, #tpu.memory_space<vmem>>, vector<1x16xf32>,
          %get3A_285 = vector.shape_cast %get3A_284 : vector<1x16xf32> to vector<16xf32>
          %mul3A_286 = vector.broadcast %squeeze3A_267 : f32 to vector<16xf32>
          %mul3A_287 = arith.mulf %mul3A_286, %get3A_285 : vector<16xf32>
          %add3A_288 = arith.addf %add3A_226, %mul3A_287 : vector<16xf32>
          %get3A_289 = arith.index_cast %add3A_265 : i32 to index
          %get3A_290 = arith.constant 48 : index
          %get3A_291 = tpu.vector_load %arg8[%get3A_289, %get3A_290] {strides = array<i32>} : memref<64x128xf32, #tpu.memory_space<vmem>>, vector<1x16xf32>,
          %get3A_292 = vector.shape_cast %get3A_291 : vector<1x16xf32> to vector<16xf32>
          %mul3A_293 = vector.broadcast %squeeze3A_267 : f32 to vector<16xf32>
          %mul3A_294 = arith.mulf %mul3A_293, %get3A_292 : vector<16xf32>
          %add3A_295 = arith.addf %add3A_233, %mul3A_294 : vector<16xf32>
          %get3A_296 = arith.index_cast %add3A_265 : i32 to index
          %get3A_297 = arith.constant 64 : index
          %get3A_298 = tpu.vector_load %arg8[%get3A_296, %get3A_297] {strides = array<i32>} : memref<64x128xf32, #tpu.memory_space<vmem>>, vector<1x16xf32>,
          %get3A_299 = vector.shape_cast %get3A_298 : vector<1x16xf32> to vector<16xf32>
          %mul3A_300 = vector.broadcast %squeeze3A_267 : f32 to vector<16xf32>
          %mul3A_301 = arith.mulf %mul3A_300, %get3A_299 : vector<16xf32>
          %add3A_302 = arith.addf %add3A_240, %mul3A_301 : vector<16xf32>
          %get3A_303 = arith.index_cast %add3A_265 : i32 to index
          %get3A_304 = arith.constant 80 : index
          %get3A_305 = tpu.vector_load %arg8[%get3A_303, %get3A_304] {strides = array<i32>} : memref<64x128xf32, #tpu.memory_space<vmem>>, vector<1x16xf32>,
          %get3A_306 = vector.shape_cast %get3A_305 : vector<1x16xf32> to vector<16xf32>
          %mul3A_307 = vector.broadcast %squeeze3A_267 : f32 to vector<16xf32>
          %mul3A_308 = arith.mulf %mul3A_307, %get3A_306 : vector<16xf32>
          %add3A_309 = arith.addf %add3A_247, %mul3A_308 : vector<16xf32>
          %get3A_310 = arith.index_cast %add3A_265 : i32 to index
          %get3A_311 = arith.constant 96 : index
          %get3A_312 = tpu.vector_load %arg8[%get3A_310, %get3A_311] {strides = array<i32>} : memref<64x128xf32, #tpu.memory_space<vmem>>, vector<1x16xf32>,
          %get3A_313 = vector.shape_cast %get3A_312 : vector<1x16xf32> to vector<16xf32>
          %mul3A_314 = vector.broadcast %squeeze3A_267 : f32 to vector<16xf32>
          %mul3A_315 = arith.mulf %mul3A_314, %get3A_313 : vector<16xf32>
          %add3A_316 = arith.addf %add3A_254, %mul3A_315 : vector<16xf32>
          %get3A_317 = arith.index_cast %add3A_265 : i32 to index
          %get3A_318 = arith.constant 112 : index
          %get3A_319 = tpu.vector_load %arg8[%get3A_317, %get3A_318] {strides = array<i32>} : memref<64x128xf32, #tpu.memory_space<vmem>>, vector<1x16xf32>,
          %get3A_320 = vector.shape_cast %get3A_319 : vector<1x16xf32> to vector<16xf32>
          %mul3A_321 = vector.broadcast %squeeze3A_267 : f32 to vector<16xf32>
          %mul3A_322 = arith.mulf %mul3A_321, %get3A_320 : vector<16xf32>
          %add3A_323 = arith.addf %add3A_261, %mul3A_322 : vector<16xf32>
          %mul3A_324 = arith.constant 32 : i32
          %mul3A_325 = arith.muli %scan3A_110, %mul3A_324 : i32
          %add3A_326 = arith.constant 3 : i32
          %add3A_327 = arith.addi %mul3A_325, %add3A_326 : i32
          %slice3A_328 = vector.extract_strided_slice %get3A_134 {offsets = [3], sizes = [1], strides = [1]} : vector<16xf32> to vector<1xf32>
          %squeeze3A_329 = vector.extract %slice3A_328[0] : f32 from vector<1xf32>
          %get3A_330 = arith.index_cast %add3A_327 : i32 to index
          %get3A_331 = arith.constant 0 : index
          %get3A_332 = tpu.vector_load %arg8[%get3A_330, %get3A_331] {strides = array<i32>} : memref<64x128xf32, #tpu.memory_space<vmem>>, vector<1x16xf32>,
          %get3A_333 = vector.shape_cast %get3A_332 : vector<1x16xf32> to vector<16xf32>
          %mul3A_334 = vector.broadcast %squeeze3A_329 : f32 to vector<16xf32>
          %mul3A_335 = arith.mulf %mul3A_334, %get3A_333 : vector<16xf32>
          %add3A_336 = arith.addf %add3A_274, %mul3A_335 : vector<16xf32>
          %get3A_337 = arith.index_cast %add3A_327 : i32 to index
          %get3A_338 = arith.constant 16 : index
          %get3A_339 = tpu.vector_load %arg8[%get3A_337, %get3A_338] {strides = array<i32>} : memref<64x128xf32, #tpu.memory_space<vmem>>, vector<1x16xf32>,
          %get3A_340 = vector.shape_cast %get3A_339 : vector<1x16xf32> to vector<16xf32>
          %mul3A_341 = vector.broadcast %squeeze3A_329 : f32 to vector<16xf32>
          %mul3A_342 = arith.mulf %mul3A_341, %get3A_340 : vector<16xf32>
          %add3A_343 = arith.addf %add3A_281, %mul3A_342 : vector<16xf32>
          %get3A_344 = arith.index_cast %add3A_327 : i32 to index
          %get3A_345 = arith.constant 32 : index
          %get3A_346 = tpu.vector_load %arg8[%get3A_344, %get3A_345] {strides = array<i32>} : memref<64x128xf32, #tpu.memory_space<vmem>>, vector<1x16xf32>,
          %get3A_347 = vector.shape_cast %get3A_346 : vector<1x16xf32> to vector<16xf32>
          %mul3A_348 = vector.broadcast %squeeze3A_329 : f32 to vector<16xf32>
          %mul3A_349 = arith.mulf %mul3A_348, %get3A_347 : vector<16xf32>
          %add3A_350 = arith.addf %add3A_288, %mul3A_349 : vector<16xf32>
          %get3A_351 = arith.index_cast %add3A_327 : i32 to index
          %get3A_352 = arith.constant 48 : index
          %get3A_353 = tpu.vector_load %arg8[%get3A_351, %get3A_352] {strides = array<i32>} : memref<64x128xf32, #tpu.memory_space<vmem>>, vector<1x16xf32>,
          %get3A_354 = vector.shape_cast %get3A_353 : vector<1x16xf32> to vector<16xf32>
          %mul3A_355 = vector.broadcast %squeeze3A_329 : f32 to vector<16xf32>
          %mul3A_356 = arith.mulf %mul3A_355, %get3A_354 : vector<16xf32>
          %add3A_357 = arith.addf %add3A_295, %mul3A_356 : vector<16xf32>
          %get3A_358 = arith.index_cast %add3A_327 : i32 to index
          %get3A_359 = arith.constant 64 : index
          %get3A_360 = tpu.vector_load %arg8[%get3A_358, %get3A_359] {strides = array<i32>} : memref<64x128xf32, #tpu.memory_space<vmem>>, vector<1x16xf32>,
          %get3A_361 = vector.shape_cast %get3A_360 : vector<1x16xf32> to vector<16xf32>
          %mul3A_362 = vector.broadcast %squeeze3A_329 : f32 to vector<16xf32>
          %mul3A_363 = arith.mulf %mul3A_362, %get3A_361 : vector<16xf32>
          %add3A_364 = arith.addf %add3A_302, %mul3A_363 : vector<16xf32>
          %get3A_365 = arith.index_cast %add3A_327 : i32 to index
          %get3A_366 = arith.constant 80 : index
          %get3A_367 = tpu.vector_load %arg8[%get3A_365, %get3A_366] {strides = array<i32>} : memref<64x128xf32, #tpu.memory_space<vmem>>, vector<1x16xf32>,
          %get3A_368 = vector.shape_cast %get3A_367 : vector<1x16xf32> to vector<16xf32>
          %mul3A_369 = vector.broadcast %squeeze3A_329 : f32 to vector<16xf32>
          %mul3A_370 = arith.mulf %mul3A_369, %get3A_368 : vector<16xf32>
          %add3A_371 = arith.addf %add3A_309, %mul3A_370 : vector<16xf32>
          %get3A_372 = arith.index_cast %add3A_327 : i32 to index
          %get3A_373 = arith.constant 96 : index
          %get3A_374 = tpu.vector_load %arg8[%get3A_372, %get3A_373] {strides = array<i32>} : memref<64x128xf32, #tpu.memory_space<vmem>>, vector<1x16xf32>,
          %get3A_375 = vector.shape_cast %get3A_374 : vector<1x16xf32> to vector<16xf32>
          %mul3A_376 = vector.broadcast %squeeze3A_329 : f32 to vector<16xf32>
          %mul3A_377 = arith.mulf %mul3A_376, %get3A_375 : vector<16xf32>
          %add3A_378 = arith.addf %add3A_316, %mul3A_377 : vector<16xf32>
          %get3A_379 = arith.index_cast %add3A_327 : i32 to index
          %get3A_380 = arith.constant 112 : index
          %get3A_381 = tpu.vector_load %arg8[%get3A_379, %get3A_380] {strides = array<i32>} : memref<64x128xf32, #tpu.memory_space<vmem>>, vector<1x16xf32>,
          %get3A_382 = vector.shape_cast %get3A_381 : vector<1x16xf32> to vector<16xf32>
          %mul3A_383 = vector.broadcast %squeeze3A_329 : f32 to vector<16xf32>
          %mul3A_384 = arith.mulf %mul3A_383, %get3A_382 : vector<16xf32>
          %add3A_385 = arith.addf %add3A_323, %mul3A_384 : vector<16xf32>
          %mul3A_386 = arith.constant 32 : i32
          %mul3A_387 = arith.muli %scan3A_110, %mul3A_386 : i32
          %add3A_388 = arith.constant 4 : i32
          %add3A_389 = arith.addi %mul3A_387, %add3A_388 : i32
          %slice3A_390 = vector.extract_strided_slice %get3A_134 {offsets = [4], sizes = [1], strides = [1]} : vector<16xf32> to vector<1xf32>
          %squeeze3A_391 = vector.extract %slice3A_390[0] : f32 from vector<1xf32>
          %get3A_392 = arith.index_cast %add3A_389 : i32 to index
          %get3A_393 = arith.constant 0 : index
          %get3A_394 = tpu.vector_load %arg8[%get3A_392, %get3A_393] {strides = array<i32>} : memref<64x128xf32, #tpu.memory_space<vmem>>, vector<1x16xf32>,
          %get3A_395 = vector.shape_cast %get3A_394 : vector<1x16xf32> to vector<16xf32>
          %mul3A_396 = vector.broadcast %squeeze3A_391 : f32 to vector<16xf32>
          %mul3A_397 = arith.mulf %mul3A_396, %get3A_395 : vector<16xf32>
          %add3A_398 = arith.addf %add3A_336, %mul3A_397 : vector<16xf32>
          %get3A_399 = arith.index_cast %add3A_389 : i32 to index
          %get3A_400 = arith.constant 16 : index
          %get3A_401 = tpu.vector_load %arg8[%get3A_399, %get3A_400] {strides = array<i32>} : memref<64x128xf32, #tpu.memory_space<vmem>>, vector<1x16xf32>,
          %get3A_402 = vector.shape_cast %get3A_401 : vector<1x16xf32> to vector<16xf32>
          %mul3A_403 = vector.broadcast %squeeze3A_391 : f32 to vector<16xf32>
          %mul3A_404 = arith.mulf %mul3A_403, %get3A_402 : vector<16xf32>
          %add3A_405 = arith.addf %add3A_343, %mul3A_404 : vector<16xf32>
          %get3A_406 = arith.index_cast %add3A_389 : i32 to index
          %get3A_407 = arith.constant 32 : index
          %get3A_408 = tpu.vector_load %arg8[%get3A_406, %get3A_407] {strides = array<i32>} : memref<64x128xf32, #tpu.memory_space<vmem>>, vector<1x16xf32>,
          %get3A_409 = vector.shape_cast %get3A_408 : vector<1x16xf32> to vector<16xf32>
          %mul3A_410 = vector.broadcast %squeeze3A_391 : f32 to vector<16xf32>
          %mul3A_411 = arith.mulf %mul3A_410, %get3A_409 : vector<16xf32>
          %add3A_412 = arith.addf %add3A_350, %mul3A_411 : vector<16xf32>
          %get3A_413 = arith.index_cast %add3A_389 : i32 to index
          %get3A_414 = arith.constant 48 : index
          %get3A_415 = tpu.vector_load %arg8[%get3A_413, %get3A_414] {strides = array<i32>} : memref<64x128xf32, #tpu.memory_space<vmem>>, vector<1x16xf32>,
          %get3A_416 = vector.shape_cast %get3A_415 : vector<1x16xf32> to vector<16xf32>
          %mul3A_417 = vector.broadcast %squeeze3A_391 : f32 to vector<16xf32>
          %mul3A_418 = arith.mulf %mul3A_417, %get3A_416 : vector<16xf32>
          %add3A_419 = arith.addf %add3A_357, %mul3A_418 : vector<16xf32>
          %get3A_420 = arith.index_cast %add3A_389 : i32 to index
          %get3A_421 = arith.constant 64 : index
          %get3A_422 = tpu.vector_load %arg8[%get3A_420, %get3A_421] {strides = array<i32>} : memref<64x128xf32, #tpu.memory_space<vmem>>, vector<1x16xf32>,
          %get3A_423 = vector.shape_cast %get3A_422 : vector<1x16xf32> to vector<16xf32>
          %mul3A_424 = vector.broadcast %squeeze3A_391 : f32 to vector<16xf32>
          %mul3A_425 = arith.mulf %mul3A_424, %get3A_423 : vector<16xf32>
          %add3A_426 = arith.addf %add3A_364, %mul3A_425 : vector<16xf32>
          %get3A_427 = arith.index_cast %add3A_389 : i32 to index
          %get3A_428 = arith.constant 80 : index
          %get3A_429 = tpu.vector_load %arg8[%get3A_427, %get3A_428] {strides = array<i32>} : memref<64x128xf32, #tpu.memory_space<vmem>>, vector<1x16xf32>,
          %get3A_430 = vector.shape_cast %get3A_429 : vector<1x16xf32> to vector<16xf32>
          %mul3A_431 = vector.broadcast %squeeze3A_391 : f32 to vector<16xf32>
          %mul3A_432 = arith.mulf %mul3A_431, %get3A_430 : vector<16xf32>
          %add3A_433 = arith.addf %add3A_371, %mul3A_432 : vector<16xf32>
          %get3A_434 = arith.index_cast %add3A_389 : i32 to index
          %get3A_435 = arith.constant 96 : index
          %get3A_436 = tpu.vector_load %arg8[%get3A_434, %get3A_435] {strides = array<i32>} : memref<64x128xf32, #tpu.memory_space<vmem>>, vector<1x16xf32>,
          %get3A_437 = vector.shape_cast %get3A_436 : vector<1x16xf32> to vector<16xf32>
          %mul3A_438 = vector.broadcast %squeeze3A_391 : f32 to vector<16xf32>
          %mul3A_439 = arith.mulf %mul3A_438, %get3A_437 : vector<16xf32>
          %add3A_440 = arith.addf %add3A_378, %mul3A_439 : vector<16xf32>
          %get3A_441 = arith.index_cast %add3A_389 : i32 to index
          %get3A_442 = arith.constant 112 : index
          %get3A_443 = tpu.vector_load %arg8[%get3A_441, %get3A_442] {strides = array<i32>} : memref<64x128xf32, #tpu.memory_space<vmem>>, vector<1x16xf32>,
          %get3A_444 = vector.shape_cast %get3A_443 : vector<1x16xf32> to vector<16xf32>
          %mul3A_445 = vector.broadcast %squeeze3A_391 : f32 to vector<16xf32>
          %mul3A_446 = arith.mulf %mul3A_445, %get3A_444 : vector<16xf32>
          %add3A_447 = arith.addf %add3A_385, %mul3A_446 : vector<16xf32>
          %mul3A_448 = arith.constant 32 : i32
          %mul3A_449 = arith.muli %scan3A_110, %mul3A_448 : i32
          %add3A_450 = arith.constant 5 : i32
          %add3A_451 = arith.addi %mul3A_449, %add3A_450 : i32
          %slice3A_452 = vector.extract_strided_slice %get3A_134 {offsets = [5], sizes = [1], strides = [1]} : vector<16xf32> to vector<1xf32>
          %squeeze3A_453 = vector.extract %slice3A_452[0] : f32 from vector<1xf32>
          %get3A_454 = arith.index_cast %add3A_451 : i32 to index
          %get3A_455 = arith.constant 0 : index
          %get3A_456 = tpu.vector_load %arg8[%get3A_454, %get3A_455] {strides = array<i32>} : memref<64x128xf32, #tpu.memory_space<vmem>>, vector<1x16xf32>,
          %get3A_457 = vector.shape_cast %get3A_456 : vector<1x16xf32> to vector<16xf32>
          %mul3A_458 = vector.broadcast %squeeze3A_453 : f32 to vector<16xf32>
          %mul3A_459 = arith.mulf %mul3A_458, %get3A_457 : vector<16xf32>
          %add3A_460 = arith.addf %add3A_398, %mul3A_459 : vector<16xf32>
          %get3A_461 = arith.index_cast %add3A_451 : i32 to index
          %get3A_462 = arith.constant 16 : index
          %get3A_463 = tpu.vector_load %arg8[%get3A_461, %get3A_462] {strides = array<i32>} : memref<64x128xf32, #tpu.memory_space<vmem>>, vector<1x16xf32>,
          %get3A_464 = vector.shape_cast %get3A_463 : vector<1x16xf32> to vector<16xf32>
          %mul3A_465 = vector.broadcast %squeeze3A_453 : f32 to vector<16xf32>
          %mul3A_466 = arith.mulf %mul3A_465, %get3A_464 : vector<16xf32>
          %add3A_467 = arith.addf %add3A_405, %mul3A_466 : vector<16xf32>
          %get3A_468 = arith.index_cast %add3A_451 : i32 to index
          %get3A_469 = arith.constant 32 : index
          %get3A_470 = tpu.vector_load %arg8[%get3A_468, %get3A_469] {strides = array<i32>} : memref<64x128xf32, #tpu.memory_space<vmem>>, vector<1x16xf32>,
          %get3A_471 = vector.shape_cast %get3A_470 : vector<1x16xf32> to vector<16xf32>
          %mul3A_472 = vector.broadcast %squeeze3A_453 : f32 to vector<16xf32>
          %mul3A_473 = arith.mulf %mul3A_472, %get3A_471 : vector<16xf32>
          %add3A_474 = arith.addf %add3A_412, %mul3A_473 : vector<16xf32>
          %get3A_475 = arith.index_cast %add3A_451 : i32 to index
          %get3A_476 = arith.constant 48 : index
          %get3A_477 = tpu.vector_load %arg8[%get3A_475, %get3A_476] {strides = array<i32>} : memref<64x128xf32, #tpu.memory_space<vmem>>, vector<1x16xf32>,
          %get3A_478 = vector.shape_cast %get3A_477 : vector<1x16xf32> to vector<16xf32>
          %mul3A_479 = vector.broadcast %squeeze3A_453 : f32 to vector<16xf32>
          %mul3A_480 = arith.mulf %mul3A_479, %get3A_478 : vector<16xf32>
          %add3A_481 = arith.addf %add3A_419, %mul3A_480 : vector<16xf32>
          %get3A_482 = arith.index_cast %add3A_451 : i32 to index
          %get3A_483 = arith.constant 64 : index
          %get3A_484 = tpu.vector_load %arg8[%get3A_482, %get3A_483] {strides = array<i32>} : memref<64x128xf32, #tpu.memory_space<vmem>>, vector<1x16xf32>,
          %get3A_485 = vector.shape_cast %get3A_484 : vector<1x16xf32> to vector<16xf32>
          %mul3A_486 = vector.broadcast %squeeze3A_453 : f32 to vector<16xf32>
          %mul3A_487 = arith.mulf %mul3A_486, %get3A_485 : vector<16xf32>
          %add3A_488 = arith.addf %add3A_426, %mul3A_487 : vector<16xf32>
          %get3A_489 = arith.index_cast %add3A_451 : i32 to index
          %get3A_490 = arith.constant 80 : index
          %get3A_491 = tpu.vector_load %arg8[%get3A_489, %get3A_490] {strides = array<i32>} : memref<64x128xf32, #tpu.memory_space<vmem>>, vector<1x16xf32>,
          %get3A_492 = vector.shape_cast %get3A_491 : vector<1x16xf32> to vector<16xf32>
          %mul3A_493 = vector.broadcast %squeeze3A_453 : f32 to vector<16xf32>
          %mul3A_494 = arith.mulf %mul3A_493, %get3A_492 : vector<16xf32>
          %add3A_495 = arith.addf %add3A_433, %mul3A_494 : vector<16xf32>
          %get3A_496 = arith.index_cast %add3A_451 : i32 to index
          %get3A_497 = arith.constant 96 : index
          %get3A_498 = tpu.vector_load %arg8[%get3A_496, %get3A_497] {strides = array<i32>} : memref<64x128xf32, #tpu.memory_space<vmem>>, vector<1x16xf32>,
          %get3A_499 = vector.shape_cast %get3A_498 : vector<1x16xf32> to vector<16xf32>
          %mul3A_500 = vector.broadcast %squeeze3A_453 : f32 to vector<16xf32>
          %mul3A_501 = arith.mulf %mul3A_500, %get3A_499 : vector<16xf32>
          %add3A_502 = arith.addf %add3A_440, %mul3A_501 : vector<16xf32>
          %get3A_503 = arith.index_cast %add3A_451 : i32 to index
          %get3A_504 = arith.constant 112 : index
          %get3A_505 = tpu.vector_load %arg8[%get3A_503, %get3A_504] {strides = array<i32>} : memref<64x128xf32, #tpu.memory_space<vmem>>, vector<1x16xf32>,
          %get3A_506 = vector.shape_cast %get3A_505 : vector<1x16xf32> to vector<16xf32>
          %mul3A_507 = vector.broadcast %squeeze3A_453 : f32 to vector<16xf32>
          %mul3A_508 = arith.mulf %mul3A_507, %get3A_506 : vector<16xf32>
          %add3A_509 = arith.addf %add3A_447, %mul3A_508 : vector<16xf32>
          %mul3A_510 = arith.constant 32 : i32
          %mul3A_511 = arith.muli %scan3A_110, %mul3A_510 : i32
          %add3A_512 = arith.constant 6 : i32
          %add3A_513 = arith.addi %mul3A_511, %add3A_512 : i32
          %slice3A_514 = vector.extract_strided_slice %get3A_134 {offsets = [6], sizes = [1], strides = [1]} : vector<16xf32> to vector<1xf32>
          %squeeze3A_515 = vector.extract %slice3A_514[0] : f32 from vector<1xf32>
          %get3A_516 = arith.index_cast %add3A_513 : i32 to index
          %get3A_517 = arith.constant 0 : index
          %get3A_518 = tpu.vector_load %arg8[%get3A_516, %get3A_517] {strides = array<i32>} : memref<64x128xf32, #tpu.memory_space<vmem>>, vector<1x16xf32>,
          %get3A_519 = vector.shape_cast %get3A_518 : vector<1x16xf32> to vector<16xf32>
          %mul3A_520 = vector.broadcast %squeeze3A_515 : f32 to vector<16xf32>
          %mul3A_521 = arith.mulf %mul3A_520, %get3A_519 : vector<16xf32>
          %add3A_522 = arith.addf %add3A_460, %mul3A_521 : vector<16xf32>
          %get3A_523 = arith.index_cast %add3A_513 : i32 to index
          %get3A_524 = arith.constant 16 : index
          %get3A_525 = tpu.vector_load %arg8[%get3A_523, %get3A_524] {strides = array<i32>} : memref<64x128xf32, #tpu.memory_space<vmem>>, vector<1x16xf32>,
          %get3A_526 = vector.shape_cast %get3A_525 : vector<1x16xf32> to vector<16xf32>
          %mul3A_527 = vector.broadcast %squeeze3A_515 : f32 to vector<16xf32>
          %mul3A_528 = arith.mulf %mul3A_527, %get3A_526 : vector<16xf32>
          %add3A_529 = arith.addf %add3A_467, %mul3A_528 : vector<16xf32>
          %get3A_530 = arith.index_cast %add3A_513 : i32 to index
          %get3A_531 = arith.constant 32 : index
          %get3A_532 = tpu.vector_load %arg8[%get3A_530, %get3A_531] {strides = array<i32>} : memref<64x128xf32, #tpu.memory_space<vmem>>, vector<1x16xf32>,
          %get3A_533 = vector.shape_cast %get3A_532 : vector<1x16xf32> to vector<16xf32>
          %mul3A_534 = vector.broadcast %squeeze3A_515 : f32 to vector<16xf32>
          %mul3A_535 = arith.mulf %mul3A_534, %get3A_533 : vector<16xf32>
          %add3A_536 = arith.addf %add3A_474, %mul3A_535 : vector<16xf32>
          %get3A_537 = arith.index_cast %add3A_513 : i32 to index
          %get3A_538 = arith.constant 48 : index
          %get3A_539 = tpu.vector_load %arg8[%get3A_537, %get3A_538] {strides = array<i32>} : memref<64x128xf32, #tpu.memory_space<vmem>>, vector<1x16xf32>,
          %get3A_540 = vector.shape_cast %get3A_539 : vector<1x16xf32> to vector<16xf32>
          %mul3A_541 = vector.broadcast %squeeze3A_515 : f32 to vector<16xf32>
          %mul3A_542 = arith.mulf %mul3A_541, %get3A_540 : vector<16xf32>
          %add3A_543 = arith.addf %add3A_481, %mul3A_542 : vector<16xf32>
          %get3A_544 = arith.index_cast %add3A_513 : i32 to index
          %get3A_545 = arith.constant 64 : index
          %get3A_546 = tpu.vector_load %arg8[%get3A_544, %get3A_545] {strides = array<i32>} : memref<64x128xf32, #tpu.memory_space<vmem>>, vector<1x16xf32>,
          %get3A_547 = vector.shape_cast %get3A_546 : vector<1x16xf32> to vector<16xf32>
          %mul3A_548 = vector.broadcast %squeeze3A_515 : f32 to vector<16xf32>
          %mul3A_549 = arith.mulf %mul3A_548, %get3A_547 : vector<16xf32>
          %add3A_550 = arith.addf %add3A_488, %mul3A_549 : vector<16xf32>
          %get3A_551 = arith.index_cast %add3A_513 : i32 to index
          %get3A_552 = arith.constant 80 : index
          %get3A_553 = tpu.vector_load %arg8[%get3A_551, %get3A_552] {strides = array<i32>} : memref<64x128xf32, #tpu.memory_space<vmem>>, vector<1x16xf32>,
          %get3A_554 = vector.shape_cast %get3A_553 : vector<1x16xf32> to vector<16xf32>
          %mul3A_555 = vector.broadcast %squeeze3A_515 : f32 to vector<16xf32>
          %mul3A_556 = arith.mulf %mul3A_555, %get3A_554 : vector<16xf32>
          %add3A_557 = arith.addf %add3A_495, %mul3A_556 : vector<16xf32>
          %get3A_558 = arith.index_cast %add3A_513 : i32 to index
          %get3A_559 = arith.constant 96 : index
          %get3A_560 = tpu.vector_load %arg8[%get3A_558, %get3A_559] {strides = array<i32>} : memref<64x128xf32, #tpu.memory_space<vmem>>, vector<1x16xf32>,
          %get3A_561 = vector.shape_cast %get3A_560 : vector<1x16xf32> to vector<16xf32>
          %mul3A_562 = vector.broadcast %squeeze3A_515 : f32 to vector<16xf32>
          %mul3A_563 = arith.mulf %mul3A_562, %get3A_561 : vector<16xf32>
          %add3A_564 = arith.addf %add3A_502, %mul3A_563 : vector<16xf32>
          %get3A_565 = arith.index_cast %add3A_513 : i32 to index
          %get3A_566 = arith.constant 112 : index
          %get3A_567 = tpu.vector_load %arg8[%get3A_565, %get3A_566] {strides = array<i32>} : memref<64x128xf32, #tpu.memory_space<vmem>>, vector<1x16xf32>,
          %get3A_568 = vector.shape_cast %get3A_567 : vector<1x16xf32> to vector<16xf32>
          %mul3A_569 = vector.broadcast %squeeze3A_515 : f32 to vector<16xf32>
          %mul3A_570 = arith.mulf %mul3A_569, %get3A_568 : vector<16xf32>
          %add3A_571 = arith.addf %add3A_509, %mul3A_570 : vector<16xf32>
          %mul3A_572 = arith.constant 32 : i32
          %mul3A_573 = arith.muli %scan3A_110, %mul3A_572 : i32
          %add3A_574 = arith.constant 7 : i32
          %add3A_575 = arith.addi %mul3A_573, %add3A_574 : i32
          %slice3A_576 = vector.extract_strided_slice %get3A_134 {offsets = [7], sizes = [1], strides = [1]} : vector<16xf32> to vector<1xf32>
          %squeeze3A_577 = vector.extract %slice3A_576[0] : f32 from vector<1xf32>
          %get3A_578 = arith.index_cast %add3A_575 : i32 to index
          %get3A_579 = arith.constant 0 : index
          %get3A_580 = tpu.vector_load %arg8[%get3A_578, %get3A_579] {strides = array<i32>} : memref<64x128xf32, #tpu.memory_space<vmem>>, vector<1x16xf32>,
          %get3A_581 = vector.shape_cast %get3A_580 : vector<1x16xf32> to vector<16xf32>
          %mul3A_582 = vector.broadcast %squeeze3A_577 : f32 to vector<16xf32>
          %mul3A_583 = arith.mulf %mul3A_582, %get3A_581 : vector<16xf32>
          %add3A_584 = arith.addf %add3A_522, %mul3A_583 : vector<16xf32>
          %get3A_585 = arith.index_cast %add3A_575 : i32 to index
          %get3A_586 = arith.constant 16 : index
          %get3A_587 = tpu.vector_load %arg8[%get3A_585, %get3A_586] {strides = array<i32>} : memref<64x128xf32, #tpu.memory_space<vmem>>, vector<1x16xf32>,
          %get3A_588 = vector.shape_cast %get3A_587 : vector<1x16xf32> to vector<16xf32>
          %mul3A_589 = vector.broadcast %squeeze3A_577 : f32 to vector<16xf32>
          %mul3A_590 = arith.mulf %mul3A_589, %get3A_588 : vector<16xf32>
          %add3A_591 = arith.addf %add3A_529, %mul3A_590 : vector<16xf32>
          %get3A_592 = arith.index_cast %add3A_575 : i32 to index
          %get3A_593 = arith.constant 32 : index
          %get3A_594 = tpu.vector_load %arg8[%get3A_592, %get3A_593] {strides = array<i32>} : memref<64x128xf32, #tpu.memory_space<vmem>>, vector<1x16xf32>,
          %get3A_595 = vector.shape_cast %get3A_594 : vector<1x16xf32> to vector<16xf32>
          %mul3A_596 = vector.broadcast %squeeze3A_577 : f32 to vector<16xf32>
          %mul3A_597 = arith.mulf %mul3A_596, %get3A_595 : vector<16xf32>
          %add3A_598 = arith.addf %add3A_536, %mul3A_597 : vector<16xf32>
          %get3A_599 = arith.index_cast %add3A_575 : i32 to index
          %get3A_600 = arith.constant 48 : index
          %get3A_601 = tpu.vector_load %arg8[%get3A_599, %get3A_600] {strides = array<i32>} : memref<64x128xf32, #tpu.memory_space<vmem>>, vector<1x16xf32>,
          %get3A_602 = vector.shape_cast %get3A_601 : vector<1x16xf32> to vector<16xf32>
          %mul3A_603 = vector.broadcast %squeeze3A_577 : f32 to vector<16xf32>
          %mul3A_604 = arith.mulf %mul3A_603, %get3A_602 : vector<16xf32>
          %add3A_605 = arith.addf %add3A_543, %mul3A_604 : vector<16xf32>
          %get3A_606 = arith.index_cast %add3A_575 : i32 to index
          %get3A_607 = arith.constant 64 : index
          %get3A_608 = tpu.vector_load %arg8[%get3A_606, %get3A_607] {strides = array<i32>} : memref<64x128xf32, #tpu.memory_space<vmem>>, vector<1x16xf32>,
          %get3A_609 = vector.shape_cast %get3A_608 : vector<1x16xf32> to vector<16xf32>
          %mul3A_610 = vector.broadcast %squeeze3A_577 : f32 to vector<16xf32>
          %mul3A_611 = arith.mulf %mul3A_610, %get3A_609 : vector<16xf32>
          %add3A_612 = arith.addf %add3A_550, %mul3A_611 : vector<16xf32>
          %get3A_613 = arith.index_cast %add3A_575 : i32 to index
          %get3A_614 = arith.constant 80 : index
          %get3A_615 = tpu.vector_load %arg8[%get3A_613, %get3A_614] {strides = array<i32>} : memref<64x128xf32, #tpu.memory_space<vmem>>, vector<1x16xf32>,
          %get3A_616 = vector.shape_cast %get3A_615 : vector<1x16xf32> to vector<16xf32>
          %mul3A_617 = vector.broadcast %squeeze3A_577 : f32 to vector<16xf32>
          %mul3A_618 = arith.mulf %mul3A_617, %get3A_616 : vector<16xf32>
          %add3A_619 = arith.addf %add3A_557, %mul3A_618 : vector<16xf32>
          %get3A_620 = arith.index_cast %add3A_575 : i32 to index
          %get3A_621 = arith.constant 96 : index
          %get3A_622 = tpu.vector_load %arg8[%get3A_620, %get3A_621] {strides = array<i32>} : memref<64x128xf32, #tpu.memory_space<vmem>>, vector<1x16xf32>,
          %get3A_623 = vector.shape_cast %get3A_622 : vector<1x16xf32> to vector<16xf32>
          %mul3A_624 = vector.broadcast %squeeze3A_577 : f32 to vector<16xf32>
          %mul3A_625 = arith.mulf %mul3A_624, %get3A_623 : vector<16xf32>
          %add3A_626 = arith.addf %add3A_564, %mul3A_625 : vector<16xf32>
          %get3A_627 = arith.index_cast %add3A_575 : i32 to index
          %get3A_628 = arith.constant 112 : index
          %get3A_629 = tpu.vector_load %arg8[%get3A_627, %get3A_628] {strides = array<i32>} : memref<64x128xf32, #tpu.memory_space<vmem>>, vector<1x16xf32>,
          %get3A_630 = vector.shape_cast %get3A_629 : vector<1x16xf32> to vector<16xf32>
          %mul3A_631 = vector.broadcast %squeeze3A_577 : f32 to vector<16xf32>
          %mul3A_632 = arith.mulf %mul3A_631, %get3A_630 : vector<16xf32>
          %add3A_633 = arith.addf %add3A_571, %mul3A_632 : vector<16xf32>
          %mul3A_634 = arith.constant 32 : i32
          %mul3A_635 = arith.muli %scan3A_110, %mul3A_634 : i32
          %add3A_636 = arith.constant 8 : i32
          %add3A_637 = arith.addi %mul3A_635, %add3A_636 : i32
          %slice3A_638 = vector.extract_strided_slice %get3A_134 {offsets = [8], sizes = [1], strides = [1]} : vector<16xf32> to vector<1xf32>
          %squeeze3A_639 = vector.extract %slice3A_638[0] : f32 from vector<1xf32>
          %get3A_640 = arith.index_cast %add3A_637 : i32 to index
          %get3A_641 = arith.constant 0 : index
          %get3A_642 = tpu.vector_load %arg8[%get3A_640, %get3A_641] {strides = array<i32>} : memref<64x128xf32, #tpu.memory_space<vmem>>, vector<1x16xf32>,
          %get3A_643 = vector.shape_cast %get3A_642 : vector<1x16xf32> to vector<16xf32>
          %mul3A_644 = vector.broadcast %squeeze3A_639 : f32 to vector<16xf32>
          %mul3A_645 = arith.mulf %mul3A_644, %get3A_643 : vector<16xf32>
          %add3A_646 = arith.addf %add3A_584, %mul3A_645 : vector<16xf32>
          %get3A_647 = arith.index_cast %add3A_637 : i32 to index
          %get3A_648 = arith.constant 16 : index
          %get3A_649 = tpu.vector_load %arg8[%get3A_647, %get3A_648] {strides = array<i32>} : memref<64x128xf32, #tpu.memory_space<vmem>>, vector<1x16xf32>,
          %get3A_650 = vector.shape_cast %get3A_649 : vector<1x16xf32> to vector<16xf32>
          %mul3A_651 = vector.broadcast %squeeze3A_639 : f32 to vector<16xf32>
          %mul3A_652 = arith.mulf %mul3A_651, %get3A_650 : vector<16xf32>
          %add3A_653 = arith.addf %add3A_591, %mul3A_652 : vector<16xf32>
          %get3A_654 = arith.index_cast %add3A_637 : i32 to index
          %get3A_655 = arith.constant 32 : index
          %get3A_656 = tpu.vector_load %arg8[%get3A_654, %get3A_655] {strides = array<i32>} : memref<64x128xf32, #tpu.memory_space<vmem>>, vector<1x16xf32>,
          %get3A_657 = vector.shape_cast %get3A_656 : vector<1x16xf32> to vector<16xf32>
          %mul3A_658 = vector.broadcast %squeeze3A_639 : f32 to vector<16xf32>
          %mul3A_659 = arith.mulf %mul3A_658, %get3A_657 : vector<16xf32>
          %add3A_660 = arith.addf %add3A_598, %mul3A_659 : vector<16xf32>
          %get3A_661 = arith.index_cast %add3A_637 : i32 to index
          %get3A_662 = arith.constant 48 : index
          %get3A_663 = tpu.vector_load %arg8[%get3A_661, %get3A_662] {strides = array<i32>} : memref<64x128xf32, #tpu.memory_space<vmem>>, vector<1x16xf32>,
          %get3A_664 = vector.shape_cast %get3A_663 : vector<1x16xf32> to vector<16xf32>
          %mul3A_665 = vector.broadcast %squeeze3A_639 : f32 to vector<16xf32>
          %mul3A_666 = arith.mulf %mul3A_665, %get3A_664 : vector<16xf32>
          %add3A_667 = arith.addf %add3A_605, %mul3A_666 : vector<16xf32>
          %get3A_668 = arith.index_cast %add3A_637 : i32 to index
          %get3A_669 = arith.constant 64 : index
          %get3A_670 = tpu.vector_load %arg8[%get3A_668, %get3A_669] {strides = array<i32>} : memref<64x128xf32, #tpu.memory_space<vmem>>, vector<1x16xf32>,
          %get3A_671 = vector.shape_cast %get3A_670 : vector<1x16xf32> to vector<16xf32>
          %mul3A_672 = vector.broadcast %squeeze3A_639 : f32 to vector<16xf32>
          %mul3A_673 = arith.mulf %mul3A_672, %get3A_671 : vector<16xf32>
          %add3A_674 = arith.addf %add3A_612, %mul3A_673 : vector<16xf32>
          %get3A_675 = arith.index_cast %add3A_637 : i32 to index
          %get3A_676 = arith.constant 80 : index
          %get3A_677 = tpu.vector_load %arg8[%get3A_675, %get3A_676] {strides = array<i32>} : memref<64x128xf32, #tpu.memory_space<vmem>>, vector<1x16xf32>,
          %get3A_678 = vector.shape_cast %get3A_677 : vector<1x16xf32> to vector<16xf32>
          %mul3A_679 = vector.broadcast %squeeze3A_639 : f32 to vector<16xf32>
          %mul3A_680 = arith.mulf %mul3A_679, %get3A_678 : vector<16xf32>
          %add3A_681 = arith.addf %add3A_619, %mul3A_680 : vector<16xf32>
          %get3A_682 = arith.index_cast %add3A_637 : i32 to index
          %get3A_683 = arith.constant 96 : index
          %get3A_684 = tpu.vector_load %arg8[%get3A_682, %get3A_683] {strides = array<i32>} : memref<64x128xf32, #tpu.memory_space<vmem>>, vector<1x16xf32>,
          %get3A_685 = vector.shape_cast %get3A_684 : vector<1x16xf32> to vector<16xf32>
          %mul3A_686 = vector.broadcast %squeeze3A_639 : f32 to vector<16xf32>
          %mul3A_687 = arith.mulf %mul3A_686, %get3A_685 : vector<16xf32>
          %add3A_688 = arith.addf %add3A_626, %mul3A_687 : vector<16xf32>
          %get3A_689 = arith.index_cast %add3A_637 : i32 to index
          %get3A_690 = arith.constant 112 : index
          %get3A_691 = tpu.vector_load %arg8[%get3A_689, %get3A_690] {strides = array<i32>} : memref<64x128xf32, #tpu.memory_space<vmem>>, vector<1x16xf32>,
          %get3A_692 = vector.shape_cast %get3A_691 : vector<1x16xf32> to vector<16xf32>
          %mul3A_693 = vector.broadcast %squeeze3A_639 : f32 to vector<16xf32>
          %mul3A_694 = arith.mulf %mul3A_693, %get3A_692 : vector<16xf32>
          %add3A_695 = arith.addf %add3A_633, %mul3A_694 : vector<16xf32>
          %mul3A_696 = arith.constant 32 : i32
          %mul3A_697 = arith.muli %scan3A_110, %mul3A_696 : i32
          %add3A_698 = arith.constant 9 : i32
          %add3A_699 = arith.addi %mul3A_697, %add3A_698 : i32
          %slice3A_700 = vector.extract_strided_slice %get3A_134 {offsets = [9], sizes = [1], strides = [1]} : vector<16xf32> to vector<1xf32>
          %squeeze3A_701 = vector.extract %slice3A_700[0] : f32 from vector<1xf32>
          %get3A_702 = arith.index_cast %add3A_699 : i32 to index
          %get3A_703 = arith.constant 0 : index
          %get3A_704 = tpu.vector_load %arg8[%get3A_702, %get3A_703] {strides = array<i32>} : memref<64x128xf32, #tpu.memory_space<vmem>>, vector<1x16xf32>,
          %get3A_705 = vector.shape_cast %get3A_704 : vector<1x16xf32> to vector<16xf32>
          %mul3A_706 = vector.broadcast %squeeze3A_701 : f32 to vector<16xf32>
          %mul3A_707 = arith.mulf %mul3A_706, %get3A_705 : vector<16xf32>
          %add3A_708 = arith.addf %add3A_646, %mul3A_707 : vector<16xf32>
          %get3A_709 = arith.index_cast %add3A_699 : i32 to index
          %get3A_710 = arith.constant 16 : index
          %get3A_711 = tpu.vector_load %arg8[%get3A_709, %get3A_710] {strides = array<i32>} : memref<64x128xf32, #tpu.memory_space<vmem>>, vector<1x16xf32>,
          %get3A_712 = vector.shape_cast %get3A_711 : vector<1x16xf32> to vector<16xf32>
          %mul3A_713 = vector.broadcast %squeeze3A_701 : f32 to vector<16xf32>
          %mul3A_714 = arith.mulf %mul3A_713, %get3A_712 : vector<16xf32>
          %add3A_715 = arith.addf %add3A_653, %mul3A_714 : vector<16xf32>
          %get3A_716 = arith.index_cast %add3A_699 : i32 to index
          %get3A_717 = arith.constant 32 : index
          %get3A_718 = tpu.vector_load %arg8[%get3A_716, %get3A_717] {strides = array<i32>} : memref<64x128xf32, #tpu.memory_space<vmem>>, vector<1x16xf32>,
          %get3A_719 = vector.shape_cast %get3A_718 : vector<1x16xf32> to vector<16xf32>
          %mul3A_720 = vector.broadcast %squeeze3A_701 : f32 to vector<16xf32>
          %mul3A_721 = arith.mulf %mul3A_720, %get3A_719 : vector<16xf32>
          %add3A_722 = arith.addf %add3A_660, %mul3A_721 : vector<16xf32>
          %get3A_723 = arith.index_cast %add3A_699 : i32 to index
          %get3A_724 = arith.constant 48 : index
          %get3A_725 = tpu.vector_load %arg8[%get3A_723, %get3A_724] {strides = array<i32>} : memref<64x128xf32, #tpu.memory_space<vmem>>, vector<1x16xf32>,
          %get3A_726 = vector.shape_cast %get3A_725 : vector<1x16xf32> to vector<16xf32>
          %mul3A_727 = vector.broadcast %squeeze3A_701 : f32 to vector<16xf32>
          %mul3A_728 = arith.mulf %mul3A_727, %get3A_726 : vector<16xf32>
          %add3A_729 = arith.addf %add3A_667, %mul3A_728 : vector<16xf32>
          %get3A_730 = arith.index_cast %add3A_699 : i32 to index
          %get3A_731 = arith.constant 64 : index
          %get3A_732 = tpu.vector_load %arg8[%get3A_730, %get3A_731] {strides = array<i32>} : memref<64x128xf32, #tpu.memory_space<vmem>>, vector<1x16xf32>,
          %get3A_733 = vector.shape_cast %get3A_732 : vector<1x16xf32> to vector<16xf32>
          %mul3A_734 = vector.broadcast %squeeze3A_701 : f32 to vector<16xf32>
          %mul3A_735 = arith.mulf %mul3A_734, %get3A_733 : vector<16xf32>
          %add3A_736 = arith.addf %add3A_674, %mul3A_735 : vector<16xf32>
          %get3A_737 = arith.index_cast %add3A_699 : i32 to index
          %get3A_738 = arith.constant 80 : index
          %get3A_739 = tpu.vector_load %arg8[%get3A_737, %get3A_738] {strides = array<i32>} : memref<64x128xf32, #tpu.memory_space<vmem>>, vector<1x16xf32>,
          %get3A_740 = vector.shape_cast %get3A_739 : vector<1x16xf32> to vector<16xf32>
          %mul3A_741 = vector.broadcast %squeeze3A_701 : f32 to vector<16xf32>
          %mul3A_742 = arith.mulf %mul3A_741, %get3A_740 : vector<16xf32>
          %add3A_743 = arith.addf %add3A_681, %mul3A_742 : vector<16xf32>
          %get3A_744 = arith.index_cast %add3A_699 : i32 to index
          %get3A_745 = arith.constant 96 : index
          %get3A_746 = tpu.vector_load %arg8[%get3A_744, %get3A_745] {strides = array<i32>} : memref<64x128xf32, #tpu.memory_space<vmem>>, vector<1x16xf32>,
          %get3A_747 = vector.shape_cast %get3A_746 : vector<1x16xf32> to vector<16xf32>
          %mul3A_748 = vector.broadcast %squeeze3A_701 : f32 to vector<16xf32>
          %mul3A_749 = arith.mulf %mul3A_748, %get3A_747 : vector<16xf32>
          %add3A_750 = arith.addf %add3A_688, %mul3A_749 : vector<16xf32>
          %get3A_751 = arith.index_cast %add3A_699 : i32 to index
          %get3A_752 = arith.constant 112 : index
          %get3A_753 = tpu.vector_load %arg8[%get3A_751, %get3A_752] {strides = array<i32>} : memref<64x128xf32, #tpu.memory_space<vmem>>, vector<1x16xf32>,
          %get3A_754 = vector.shape_cast %get3A_753 : vector<1x16xf32> to vector<16xf32>
          %mul3A_755 = vector.broadcast %squeeze3A_701 : f32 to vector<16xf32>
          %mul3A_756 = arith.mulf %mul3A_755, %get3A_754 : vector<16xf32>
          %add3A_757 = arith.addf %add3A_695, %mul3A_756 : vector<16xf32>
          %mul3A_758 = arith.constant 32 : i32
          %mul3A_759 = arith.muli %scan3A_110, %mul3A_758 : i32
          %add3A_760 = arith.constant 10 : i32
          %add3A_761 = arith.addi %mul3A_759, %add3A_760 : i32
          %slice3A_762 = vector.extract_strided_slice %get3A_134 {offsets = [10], sizes = [1], strides = [1]} : vector<16xf32> to vector<1xf32>
          %squeeze3A_763 = vector.extract %slice3A_762[0] : f32 from vector<1xf32>
          %get3A_764 = arith.index_cast %add3A_761 : i32 to index
          %get3A_765 = arith.constant 0 : index
          %get3A_766 = tpu.vector_load %arg8[%get3A_764, %get3A_765] {strides = array<i32>} : memref<64x128xf32, #tpu.memory_space<vmem>>, vector<1x16xf32>,
          %get3A_767 = vector.shape_cast %get3A_766 : vector<1x16xf32> to vector<16xf32>
          %mul3A_768 = vector.broadcast %squeeze3A_763 : f32 to vector<16xf32>
          %mul3A_769 = arith.mulf %mul3A_768, %get3A_767 : vector<16xf32>
          %add3A_770 = arith.addf %add3A_708, %mul3A_769 : vector<16xf32>
          %get3A_771 = arith.index_cast %add3A_761 : i32 to index
          %get3A_772 = arith.constant 16 : index
          %get3A_773 = tpu.vector_load %arg8[%get3A_771, %get3A_772] {strides = array<i32>} : memref<64x128xf32, #tpu.memory_space<vmem>>, vector<1x16xf32>,
          %get3A_774 = vector.shape_cast %get3A_773 : vector<1x16xf32> to vector<16xf32>
          %mul3A_775 = vector.broadcast %squeeze3A_763 : f32 to vector<16xf32>
          %mul3A_776 = arith.mulf %mul3A_775, %get3A_774 : vector<16xf32>
          %add3A_777 = arith.addf %add3A_715, %mul3A_776 : vector<16xf32>
          %get3A_778 = arith.index_cast %add3A_761 : i32 to index
          %get3A_779 = arith.constant 32 : index
          %get3A_780 = tpu.vector_load %arg8[%get3A_778, %get3A_779] {strides = array<i32>} : memref<64x128xf32, #tpu.memory_space<vmem>>, vector<1x16xf32>,
          %get3A_781 = vector.shape_cast %get3A_780 : vector<1x16xf32> to vector<16xf32>
          %mul3A_782 = vector.broadcast %squeeze3A_763 : f32 to vector<16xf32>
          %mul3A_783 = arith.mulf %mul3A_782, %get3A_781 : vector<16xf32>
          %add3A_784 = arith.addf %add3A_722, %mul3A_783 : vector<16xf32>
          %get3A_785 = arith.index_cast %add3A_761 : i32 to index
          %get3A_786 = arith.constant 48 : index
          %get3A_787 = tpu.vector_load %arg8[%get3A_785, %get3A_786] {strides = array<i32>} : memref<64x128xf32, #tpu.memory_space<vmem>>, vector<1x16xf32>,
          %get3A_788 = vector.shape_cast %get3A_787 : vector<1x16xf32> to vector<16xf32>
          %mul3A_789 = vector.broadcast %squeeze3A_763 : f32 to vector<16xf32>
          %mul3A_790 = arith.mulf %mul3A_789, %get3A_788 : vector<16xf32>
          %add3A_791 = arith.addf %add3A_729, %mul3A_790 : vector<16xf32>
          %get3A_792 = arith.index_cast %add3A_761 : i32 to index
          %get3A_793 = arith.constant 64 : index
          %get3A_794 = tpu.vector_load %arg8[%get3A_792, %get3A_793] {strides = array<i32>} : memref<64x128xf32, #tpu.memory_space<vmem>>, vector<1x16xf32>,
          %get3A_795 = vector.shape_cast %get3A_794 : vector<1x16xf32> to vector<16xf32>
          %mul3A_796 = vector.broadcast %squeeze3A_763 : f32 to vector<16xf32>
          %mul3A_797 = arith.mulf %mul3A_796, %get3A_795 : vector<16xf32>
          %add3A_798 = arith.addf %add3A_736, %mul3A_797 : vector<16xf32>
          %get3A_799 = arith.index_cast %add3A_761 : i32 to index
          %get3A_800 = arith.constant 80 : index
          %get3A_801 = tpu.vector_load %arg8[%get3A_799, %get3A_800] {strides = array<i32>} : memref<64x128xf32, #tpu.memory_space<vmem>>, vector<1x16xf32>,
          %get3A_802 = vector.shape_cast %get3A_801 : vector<1x16xf32> to vector<16xf32>
          %mul3A_803 = vector.broadcast %squeeze3A_763 : f32 to vector<16xf32>
          %mul3A_804 = arith.mulf %mul3A_803, %get3A_802 : vector<16xf32>
          %add3A_805 = arith.addf %add3A_743, %mul3A_804 : vector<16xf32>
          %get3A_806 = arith.index_cast %add3A_761 : i32 to index
          %get3A_807 = arith.constant 96 : index
          %get3A_808 = tpu.vector_load %arg8[%get3A_806, %get3A_807] {strides = array<i32>} : memref<64x128xf32, #tpu.memory_space<vmem>>, vector<1x16xf32>,
          %get3A_809 = vector.shape_cast %get3A_808 : vector<1x16xf32> to vector<16xf32>
          %mul3A_810 = vector.broadcast %squeeze3A_763 : f32 to vector<16xf32>
          %mul3A_811 = arith.mulf %mul3A_810, %get3A_809 : vector<16xf32>
          %add3A_812 = arith.addf %add3A_750, %mul3A_811 : vector<16xf32>
          %get3A_813 = arith.index_cast %add3A_761 : i32 to index
          %get3A_814 = arith.constant 112 : index
          %get3A_815 = tpu.vector_load %arg8[%get3A_813, %get3A_814] {strides = array<i32>} : memref<64x128xf32, #tpu.memory_space<vmem>>, vector<1x16xf32>,
          %get3A_816 = vector.shape_cast %get3A_815 : vector<1x16xf32> to vector<16xf32>
          %mul3A_817 = vector.broadcast %squeeze3A_763 : f32 to vector<16xf32>
          %mul3A_818 = arith.mulf %mul3A_817, %get3A_816 : vector<16xf32>
          %add3A_819 = arith.addf %add3A_757, %mul3A_818 : vector<16xf32>
          %mul3A_820 = arith.constant 32 : i32
          %mul3A_821 = arith.muli %scan3A_110, %mul3A_820 : i32
          %add3A_822 = arith.constant 11 : i32
          %add3A_823 = arith.addi %mul3A_821, %add3A_822 : i32
          %slice3A_824 = vector.extract_strided_slice %get3A_134 {offsets = [11], sizes = [1], strides = [1]} : vector<16xf32> to vector<1xf32>
          %squeeze3A_825 = vector.extract %slice3A_824[0] : f32 from vector<1xf32>
          %get3A_826 = arith.index_cast %add3A_823 : i32 to index
          %get3A_827 = arith.constant 0 : index
          %get3A_828 = tpu.vector_load %arg8[%get3A_826, %get3A_827] {strides = array<i32>} : memref<64x128xf32, #tpu.memory_space<vmem>>, vector<1x16xf32>,
          %get3A_829 = vector.shape_cast %get3A_828 : vector<1x16xf32> to vector<16xf32>
          %mul3A_830 = vector.broadcast %squeeze3A_825 : f32 to vector<16xf32>
          %mul3A_831 = arith.mulf %mul3A_830, %get3A_829 : vector<16xf32>
          %add3A_832 = arith.addf %add3A_770, %mul3A_831 : vector<16xf32>
          %get3A_833 = arith.index_cast %add3A_823 : i32 to index
          %get3A_834 = arith.constant 16 : index
          %get3A_835 = tpu.vector_load %arg8[%get3A_833, %get3A_834] {strides = array<i32>} : memref<64x128xf32, #tpu.memory_space<vmem>>, vector<1x16xf32>,
          %get3A_836 = vector.shape_cast %get3A_835 : vector<1x16xf32> to vector<16xf32>
          %mul3A_837 = vector.broadcast %squeeze3A_825 : f32 to vector<16xf32>
          %mul3A_838 = arith.mulf %mul3A_837, %get3A_836 : vector<16xf32>
          %add3A_839 = arith.addf %add3A_777, %mul3A_838 : vector<16xf32>
          %get3A_840 = arith.index_cast %add3A_823 : i32 to index
          %get3A_841 = arith.constant 32 : index
          %get3A_842 = tpu.vector_load %arg8[%get3A_840, %get3A_841] {strides = array<i32>} : memref<64x128xf32, #tpu.memory_space<vmem>>, vector<1x16xf32>,
          %get3A_843 = vector.shape_cast %get3A_842 : vector<1x16xf32> to vector<16xf32>
          %mul3A_844 = vector.broadcast %squeeze3A_825 : f32 to vector<16xf32>
          %mul3A_845 = arith.mulf %mul3A_844, %get3A_843 : vector<16xf32>
          %add3A_846 = arith.addf %add3A_784, %mul3A_845 : vector<16xf32>
          %get3A_847 = arith.index_cast %add3A_823 : i32 to index
          %get3A_848 = arith.constant 48 : index
          %get3A_849 = tpu.vector_load %arg8[%get3A_847, %get3A_848] {strides = array<i32>} : memref<64x128xf32, #tpu.memory_space<vmem>>, vector<1x16xf32>,
          %get3A_850 = vector.shape_cast %get3A_849 : vector<1x16xf32> to vector<16xf32>
          %mul3A_851 = vector.broadcast %squeeze3A_825 : f32 to vector<16xf32>
          %mul3A_852 = arith.mulf %mul3A_851, %get3A_850 : vector<16xf32>
          %add3A_853 = arith.addf %add3A_791, %mul3A_852 : vector<16xf32>
          %get3A_854 = arith.index_cast %add3A_823 : i32 to index
          %get3A_855 = arith.constant 64 : index
          %get3A_856 = tpu.vector_load %arg8[%get3A_854, %get3A_855] {strides = array<i32>} : memref<64x128xf32, #tpu.memory_space<vmem>>, vector<1x16xf32>,
          %get3A_857 = vector.shape_cast %get3A_856 : vector<1x16xf32> to vector<16xf32>
          %mul3A_858 = vector.broadcast %squeeze3A_825 : f32 to vector<16xf32>
          %mul3A_859 = arith.mulf %mul3A_858, %get3A_857 : vector<16xf32>
          %add3A_860 = arith.addf %add3A_798, %mul3A_859 : vector<16xf32>
          %get3A_861 = arith.index_cast %add3A_823 : i32 to index
          %get3A_862 = arith.constant 80 : index
          %get3A_863 = tpu.vector_load %arg8[%get3A_861, %get3A_862] {strides = array<i32>} : memref<64x128xf32, #tpu.memory_space<vmem>>, vector<1x16xf32>,
          %get3A_864 = vector.shape_cast %get3A_863 : vector<1x16xf32> to vector<16xf32>
          %mul3A_865 = vector.broadcast %squeeze3A_825 : f32 to vector<16xf32>
          %mul3A_866 = arith.mulf %mul3A_865, %get3A_864 : vector<16xf32>
          %add3A_867 = arith.addf %add3A_805, %mul3A_866 : vector<16xf32>
          %get3A_868 = arith.index_cast %add3A_823 : i32 to index
          %get3A_869 = arith.constant 96 : index
          %get3A_870 = tpu.vector_load %arg8[%get3A_868, %get3A_869] {strides = array<i32>} : memref<64x128xf32, #tpu.memory_space<vmem>>, vector<1x16xf32>,
          %get3A_871 = vector.shape_cast %get3A_870 : vector<1x16xf32> to vector<16xf32>
          %mul3A_872 = vector.broadcast %squeeze3A_825 : f32 to vector<16xf32>
          %mul3A_873 = arith.mulf %mul3A_872, %get3A_871 : vector<16xf32>
          %add3A_874 = arith.addf %add3A_812, %mul3A_873 : vector<16xf32>
          %get3A_875 = arith.index_cast %add3A_823 : i32 to index
          %get3A_876 = arith.constant 112 : index
          %get3A_877 = tpu.vector_load %arg8[%get3A_875, %get3A_876] {strides = array<i32>} : memref<64x128xf32, #tpu.memory_space<vmem>>, vector<1x16xf32>,
          %get3A_878 = vector.shape_cast %get3A_877 : vector<1x16xf32> to vector<16xf32>
          %mul3A_879 = vector.broadcast %squeeze3A_825 : f32 to vector<16xf32>
          %mul3A_880 = arith.mulf %mul3A_879, %get3A_878 : vector<16xf32>
          %add3A_881 = arith.addf %add3A_819, %mul3A_880 : vector<16xf32>
          %mul3A_882 = arith.constant 32 : i32
          %mul3A_883 = arith.muli %scan3A_110, %mul3A_882 : i32
          %add3A_884 = arith.constant 12 : i32
          %add3A_885 = arith.addi %mul3A_883, %add3A_884 : i32
          %slice3A_886 = vector.extract_strided_slice %get3A_134 {offsets = [12], sizes = [1], strides = [1]} : vector<16xf32> to vector<1xf32>
          %squeeze3A_887 = vector.extract %slice3A_886[0] : f32 from vector<1xf32>
          %get3A_888 = arith.index_cast %add3A_885 : i32 to index
          %get3A_889 = arith.constant 0 : index
          %get3A_890 = tpu.vector_load %arg8[%get3A_888, %get3A_889] {strides = array<i32>} : memref<64x128xf32, #tpu.memory_space<vmem>>, vector<1x16xf32>,
          %get3A_891 = vector.shape_cast %get3A_890 : vector<1x16xf32> to vector<16xf32>
          %mul3A_892 = vector.broadcast %squeeze3A_887 : f32 to vector<16xf32>
          %mul3A_893 = arith.mulf %mul3A_892, %get3A_891 : vector<16xf32>
          %add3A_894 = arith.addf %add3A_832, %mul3A_893 : vector<16xf32>
          %get3A_895 = arith.index_cast %add3A_885 : i32 to index
          %get3A_896 = arith.constant 16 : index
          %get3A_897 = tpu.vector_load %arg8[%get3A_895, %get3A_896] {strides = array<i32>} : memref<64x128xf32, #tpu.memory_space<vmem>>, vector<1x16xf32>,
          %get3A_898 = vector.shape_cast %get3A_897 : vector<1x16xf32> to vector<16xf32>
          %mul3A_899 = vector.broadcast %squeeze3A_887 : f32 to vector<16xf32>
          %mul3A_900 = arith.mulf %mul3A_899, %get3A_898 : vector<16xf32>
          %add3A_901 = arith.addf %add3A_839, %mul3A_900 : vector<16xf32>
          %get3A_902 = arith.index_cast %add3A_885 : i32 to index
          %get3A_903 = arith.constant 32 : index
          %get3A_904 = tpu.vector_load %arg8[%get3A_902, %get3A_903] {strides = array<i32>} : memref<64x128xf32, #tpu.memory_space<vmem>>, vector<1x16xf32>,
          %get3A_905 = vector.shape_cast %get3A_904 : vector<1x16xf32> to vector<16xf32>
          %mul3A_906 = vector.broadcast %squeeze3A_887 : f32 to vector<16xf32>
          %mul3A_907 = arith.mulf %mul3A_906, %get3A_905 : vector<16xf32>
          %add3A_908 = arith.addf %add3A_846, %mul3A_907 : vector<16xf32>
          %get3A_909 = arith.index_cast %add3A_885 : i32 to index
          %get3A_910 = arith.constant 48 : index
          %get3A_911 = tpu.vector_load %arg8[%get3A_909, %get3A_910] {strides = array<i32>} : memref<64x128xf32, #tpu.memory_space<vmem>>, vector<1x16xf32>,
          %get3A_912 = vector.shape_cast %get3A_911 : vector<1x16xf32> to vector<16xf32>
          %mul3A_913 = vector.broadcast %squeeze3A_887 : f32 to vector<16xf32>
          %mul3A_914 = arith.mulf %mul3A_913, %get3A_912 : vector<16xf32>
          %add3A_915 = arith.addf %add3A_853, %mul3A_914 : vector<16xf32>
          %get3A_916 = arith.index_cast %add3A_885 : i32 to index
          %get3A_917 = arith.constant 64 : index
          %get3A_918 = tpu.vector_load %arg8[%get3A_916, %get3A_917] {strides = array<i32>} : memref<64x128xf32, #tpu.memory_space<vmem>>, vector<1x16xf32>,
          %get3A_919 = vector.shape_cast %get3A_918 : vector<1x16xf32> to vector<16xf32>
          %mul3A_920 = vector.broadcast %squeeze3A_887 : f32 to vector<16xf32>
          %mul3A_921 = arith.mulf %mul3A_920, %get3A_919 : vector<16xf32>
          %add3A_922 = arith.addf %add3A_860, %mul3A_921 : vector<16xf32>
          %get3A_923 = arith.index_cast %add3A_885 : i32 to index
          %get3A_924 = arith.constant 80 : index
          %get3A_925 = tpu.vector_load %arg8[%get3A_923, %get3A_924] {strides = array<i32>} : memref<64x128xf32, #tpu.memory_space<vmem>>, vector<1x16xf32>,
          %get3A_926 = vector.shape_cast %get3A_925 : vector<1x16xf32> to vector<16xf32>
          %mul3A_927 = vector.broadcast %squeeze3A_887 : f32 to vector<16xf32>
          %mul3A_928 = arith.mulf %mul3A_927, %get3A_926 : vector<16xf32>
          %add3A_929 = arith.addf %add3A_867, %mul3A_928 : vector<16xf32>
          %get3A_930 = arith.index_cast %add3A_885 : i32 to index
          %get3A_931 = arith.constant 96 : index
          %get3A_932 = tpu.vector_load %arg8[%get3A_930, %get3A_931] {strides = array<i32>} : memref<64x128xf32, #tpu.memory_space<vmem>>, vector<1x16xf32>,
          %get3A_933 = vector.shape_cast %get3A_932 : vector<1x16xf32> to vector<16xf32>
          %mul3A_934 = vector.broadcast %squeeze3A_887 : f32 to vector<16xf32>
          %mul3A_935 = arith.mulf %mul3A_934, %get3A_933 : vector<16xf32>
          %add3A_936 = arith.addf %add3A_874, %mul3A_935 : vector<16xf32>
          %get3A_937 = arith.index_cast %add3A_885 : i32 to index
          %get3A_938 = arith.constant 112 : index
          %get3A_939 = tpu.vector_load %arg8[%get3A_937, %get3A_938] {strides = array<i32>} : memref<64x128xf32, #tpu.memory_space<vmem>>, vector<1x16xf32>,
          %get3A_940 = vector.shape_cast %get3A_939 : vector<1x16xf32> to vector<16xf32>
          %mul3A_941 = vector.broadcast %squeeze3A_887 : f32 to vector<16xf32>
          %mul3A_942 = arith.mulf %mul3A_941, %get3A_940 : vector<16xf32>
          %add3A_943 = arith.addf %add3A_881, %mul3A_942 : vector<16xf32>
          %mul3A_944 = arith.constant 32 : i32
          %mul3A_945 = arith.muli %scan3A_110, %mul3A_944 : i32
          %add3A_946 = arith.constant 13 : i32
          %add3A_947 = arith.addi %mul3A_945, %add3A_946 : i32
          %slice3A_948 = vector.extract_strided_slice %get3A_134 {offsets = [13], sizes = [1], strides = [1]} : vector<16xf32> to vector<1xf32>
          %squeeze3A_949 = vector.extract %slice3A_948[0] : f32 from vector<1xf32>
          %get3A_950 = arith.index_cast %add3A_947 : i32 to index
          %get3A_951 = arith.constant 0 : index
          %get3A_952 = tpu.vector_load %arg8[%get3A_950, %get3A_951] {strides = array<i32>} : memref<64x128xf32, #tpu.memory_space<vmem>>, vector<1x16xf32>,
          %get3A_953 = vector.shape_cast %get3A_952 : vector<1x16xf32> to vector<16xf32>
          %mul3A_954 = vector.broadcast %squeeze3A_949 : f32 to vector<16xf32>
          %mul3A_955 = arith.mulf %mul3A_954, %get3A_953 : vector<16xf32>
          %add3A_956 = arith.addf %add3A_894, %mul3A_955 : vector<16xf32>
          %get3A_957 = arith.index_cast %add3A_947 : i32 to index
          %get3A_958 = arith.constant 16 : index
          %get3A_959 = tpu.vector_load %arg8[%get3A_957, %get3A_958] {strides = array<i32>} : memref<64x128xf32, #tpu.memory_space<vmem>>, vector<1x16xf32>,
          %get3A_960 = vector.shape_cast %get3A_959 : vector<1x16xf32> to vector<16xf32>
          %mul3A_961 = vector.broadcast %squeeze3A_949 : f32 to vector<16xf32>
          %mul3A_962 = arith.mulf %mul3A_961, %get3A_960 : vector<16xf32>
          %add3A_963 = arith.addf %add3A_901, %mul3A_962 : vector<16xf32>
          %get3A_964 = arith.index_cast %add3A_947 : i32 to index
          %get3A_965 = arith.constant 32 : index
          %get3A_966 = tpu.vector_load %arg8[%get3A_964, %get3A_965] {strides = array<i32>} : memref<64x128xf32, #tpu.memory_space<vmem>>, vector<1x16xf32>,
          %get3A_967 = vector.shape_cast %get3A_966 : vector<1x16xf32> to vector<16xf32>
          %mul3A_968 = vector.broadcast %squeeze3A_949 : f32 to vector<16xf32>
          %mul3A_969 = arith.mulf %mul3A_968, %get3A_967 : vector<16xf32>
          %add3A_970 = arith.addf %add3A_908, %mul3A_969 : vector<16xf32>
          %get3A_971 = arith.index_cast %add3A_947 : i32 to index
          %get3A_972 = arith.constant 48 : index
          %get3A_973 = tpu.vector_load %arg8[%get3A_971, %get3A_972] {strides = array<i32>} : memref<64x128xf32, #tpu.memory_space<vmem>>, vector<1x16xf32>,
          %get3A_974 = vector.shape_cast %get3A_973 : vector<1x16xf32> to vector<16xf32>
          %mul3A_975 = vector.broadcast %squeeze3A_949 : f32 to vector<16xf32>
          %mul3A_976 = arith.mulf %mul3A_975, %get3A_974 : vector<16xf32>
          %add3A_977 = arith.addf %add3A_915, %mul3A_976 : vector<16xf32>
          %get3A_978 = arith.index_cast %add3A_947 : i32 to index
          %get3A_979 = arith.constant 64 : index
          %get3A_980 = tpu.vector_load %arg8[%get3A_978, %get3A_979] {strides = array<i32>} : memref<64x128xf32, #tpu.memory_space<vmem>>, vector<1x16xf32>,
          %get3A_981 = vector.shape_cast %get3A_980 : vector<1x16xf32> to vector<16xf32>
          %mul3A_982 = vector.broadcast %squeeze3A_949 : f32 to vector<16xf32>
          %mul3A_983 = arith.mulf %mul3A_982, %get3A_981 : vector<16xf32>
          %add3A_984 = arith.addf %add3A_922, %mul3A_983 : vector<16xf32>
          %get3A_985 = arith.index_cast %add3A_947 : i32 to index
          %get3A_986 = arith.constant 80 : index
          %get3A_987 = tpu.vector_load %arg8[%get3A_985, %get3A_986] {strides = array<i32>} : memref<64x128xf32, #tpu.memory_space<vmem>>, vector<1x16xf32>,
          %get3A_988 = vector.shape_cast %get3A_987 : vector<1x16xf32> to vector<16xf32>
          %mul3A_989 = vector.broadcast %squeeze3A_949 : f32 to vector<16xf32>
          %mul3A_990 = arith.mulf %mul3A_989, %get3A_988 : vector<16xf32>
          %add3A_991 = arith.addf %add3A_929, %mul3A_990 : vector<16xf32>
          %get3A_992 = arith.index_cast %add3A_947 : i32 to index
          %get3A_993 = arith.constant 96 : index
          %get3A_994 = tpu.vector_load %arg8[%get3A_992, %get3A_993] {strides = array<i32>} : memref<64x128xf32, #tpu.memory_space<vmem>>, vector<1x16xf32>,
          %get3A_995 = vector.shape_cast %get3A_994 : vector<1x16xf32> to vector<16xf32>
          %mul3A_996 = vector.broadcast %squeeze3A_949 : f32 to vector<16xf32>
          %mul3A_997 = arith.mulf %mul3A_996, %get3A_995 : vector<16xf32>
          %add3A_998 = arith.addf %add3A_936, %mul3A_997 : vector<16xf32>
          %get3A_999 = arith.index_cast %add3A_947 : i32 to index
          %get3A_1000 = arith.constant 112 : index
          %get3A_1001 = tpu.vector_load %arg8[%get3A_999, %get3A_1000] {strides = array<i32>} : memref<64x128xf32, #tpu.memory_space<vmem>>, vector<1x16xf32>,
          %get3A_1002 = vector.shape_cast %get3A_1001 : vector<1x16xf32> to vector<16xf32>
          %mul3A_1003 = vector.broadcast %squeeze3A_949 : f32 to vector<16xf32>
          %mul3A_1004 = arith.mulf %mul3A_1003, %get3A_1002 : vector<16xf32>
          %add3A_1005 = arith.addf %add3A_943, %mul3A_1004 : vector<16xf32>
          %mul3A_1006 = arith.constant 32 : i32
          %mul3A_1007 = arith.muli %scan3A_110, %mul3A_1006 : i32
          %add3A_1008 = arith.constant 14 : i32
          %add3A_1009 = arith.addi %mul3A_1007, %add3A_1008 : i32
          %slice3A_1010 = vector.extract_strided_slice %get3A_134 {offsets = [14], sizes = [1], strides = [1]} : vector<16xf32> to vector<1xf32>
          %squeeze3A_1011 = vector.extract %slice3A_1010[0] : f32 from vector<1xf32>
          %get3A_1012 = arith.index_cast %add3A_1009 : i32 to index
          %get3A_1013 = arith.constant 0 : index
          %get3A_1014 = tpu.vector_load %arg8[%get3A_1012, %get3A_1013] {strides = array<i32>} : memref<64x128xf32, #tpu.memory_space<vmem>>, vector<1x16xf32>,
          %get3A_1015 = vector.shape_cast %get3A_1014 : vector<1x16xf32> to vector<16xf32>
          %mul3A_1016 = vector.broadcast %squeeze3A_1011 : f32 to vector<16xf32>
          %mul3A_1017 = arith.mulf %mul3A_1016, %get3A_1015 : vector<16xf32>
          %add3A_1018 = arith.addf %add3A_956, %mul3A_1017 : vector<16xf32>
          %get3A_1019 = arith.index_cast %add3A_1009 : i32 to index
          %get3A_1020 = arith.constant 16 : index
          %get3A_1021 = tpu.vector_load %arg8[%get3A_1019, %get3A_1020] {strides = array<i32>} : memref<64x128xf32, #tpu.memory_space<vmem>>, vector<1x16xf32>,
          %get3A_1022 = vector.shape_cast %get3A_1021 : vector<1x16xf32> to vector<16xf32>
          %mul3A_1023 = vector.broadcast %squeeze3A_1011 : f32 to vector<16xf32>
          %mul3A_1024 = arith.mulf %mul3A_1023, %get3A_1022 : vector<16xf32>
          %add3A_1025 = arith.addf %add3A_963, %mul3A_1024 : vector<16xf32>
          %get3A_1026 = arith.index_cast %add3A_1009 : i32 to index
          %get3A_1027 = arith.constant 32 : index
          %get3A_1028 = tpu.vector_load %arg8[%get3A_1026, %get3A_1027] {strides = array<i32>} : memref<64x128xf32, #tpu.memory_space<vmem>>, vector<1x16xf32>,
          %get3A_1029 = vector.shape_cast %get3A_1028 : vector<1x16xf32> to vector<16xf32>
          %mul3A_1030 = vector.broadcast %squeeze3A_1011 : f32 to vector<16xf32>
          %mul3A_1031 = arith.mulf %mul3A_1030, %get3A_1029 : vector<16xf32>
          %add3A_1032 = arith.addf %add3A_970, %mul3A_1031 : vector<16xf32>
          %get3A_1033 = arith.index_cast %add3A_1009 : i32 to index
          %get3A_1034 = arith.constant 48 : index
          %get3A_1035 = tpu.vector_load %arg8[%get3A_1033, %get3A_1034] {strides = array<i32>} : memref<64x128xf32, #tpu.memory_space<vmem>>, vector<1x16xf32>,
          %get3A_1036 = vector.shape_cast %get3A_1035 : vector<1x16xf32> to vector<16xf32>
          %mul3A_1037 = vector.broadcast %squeeze3A_1011 : f32 to vector<16xf32>
          %mul3A_1038 = arith.mulf %mul3A_1037, %get3A_1036 : vector<16xf32>
          %add3A_1039 = arith.addf %add3A_977, %mul3A_1038 : vector<16xf32>
          %get3A_1040 = arith.index_cast %add3A_1009 : i32 to index
          %get3A_1041 = arith.constant 64 : index
          %get3A_1042 = tpu.vector_load %arg8[%get3A_1040, %get3A_1041] {strides = array<i32>} : memref<64x128xf32, #tpu.memory_space<vmem>>, vector<1x16xf32>,
          %get3A_1043 = vector.shape_cast %get3A_1042 : vector<1x16xf32> to vector<16xf32>
          %mul3A_1044 = vector.broadcast %squeeze3A_1011 : f32 to vector<16xf32>
          %mul3A_1045 = arith.mulf %mul3A_1044, %get3A_1043 : vector<16xf32>
          %add3A_1046 = arith.addf %add3A_984, %mul3A_1045 : vector<16xf32>
          %get3A_1047 = arith.index_cast %add3A_1009 : i32 to index
          %get3A_1048 = arith.constant 80 : index
          %get3A_1049 = tpu.vector_load %arg8[%get3A_1047, %get3A_1048] {strides = array<i32>} : memref<64x128xf32, #tpu.memory_space<vmem>>, vector<1x16xf32>,
          %get3A_1050 = vector.shape_cast %get3A_1049 : vector<1x16xf32> to vector<16xf32>
          %mul3A_1051 = vector.broadcast %squeeze3A_1011 : f32 to vector<16xf32>
          %mul3A_1052 = arith.mulf %mul3A_1051, %get3A_1050 : vector<16xf32>
          %add3A_1053 = arith.addf %add3A_991, %mul3A_1052 : vector<16xf32>
          %get3A_1054 = arith.index_cast %add3A_1009 : i32 to index
          %get3A_1055 = arith.constant 96 : index
          %get3A_1056 = tpu.vector_load %arg8[%get3A_1054, %get3A_1055] {strides = array<i32>} : memref<64x128xf32, #tpu.memory_space<vmem>>, vector<1x16xf32>,
          %get3A_1057 = vector.shape_cast %get3A_1056 : vector<1x16xf32> to vector<16xf32>
          %mul3A_1058 = vector.broadcast %squeeze3A_1011 : f32 to vector<16xf32>
          %mul3A_1059 = arith.mulf %mul3A_1058, %get3A_1057 : vector<16xf32>
          %add3A_1060 = arith.addf %add3A_998, %mul3A_1059 : vector<16xf32>
          %get3A_1061 = arith.index_cast %add3A_1009 : i32 to index
          %get3A_1062 = arith.constant 112 : index
          %get3A_1063 = tpu.vector_load %arg8[%get3A_1061, %get3A_1062] {strides = array<i32>} : memref<64x128xf32, #tpu.memory_space<vmem>>, vector<1x16xf32>,
          %get3A_1064 = vector.shape_cast %get3A_1063 : vector<1x16xf32> to vector<16xf32>
          %mul3A_1065 = vector.broadcast %squeeze3A_1011 : f32 to vector<16xf32>
          %mul3A_1066 = arith.mulf %mul3A_1065, %get3A_1064 : vector<16xf32>
          %add3A_1067 = arith.addf %add3A_1005, %mul3A_1066 : vector<16xf32>
          %mul3A_1068 = arith.constant 32 : i32
          %mul3A_1069 = arith.muli %scan3A_110, %mul3A_1068 : i32
          %add3A_1070 = arith.constant 15 : i32
          %add3A_1071 = arith.addi %mul3A_1069, %add3A_1070 : i32
          %slice3A_1072 = vector.extract_strided_slice %get3A_134 {offsets = [15], sizes = [1], strides = [1]} : vector<16xf32> to vector<1xf32>
          %squeeze3A_1073 = vector.extract %slice3A_1072[0] : f32 from vector<1xf32>
          %get3A_1074 = arith.index_cast %add3A_1071 : i32 to index
          %get3A_1075 = arith.constant 0 : index
          %get3A_1076 = tpu.vector_load %arg8[%get3A_1074, %get3A_1075] {strides = array<i32>} : memref<64x128xf32, #tpu.memory_space<vmem>>, vector<1x16xf32>,
          %get3A_1077 = vector.shape_cast %get3A_1076 : vector<1x16xf32> to vector<16xf32>
          %mul3A_1078 = vector.broadcast %squeeze3A_1073 : f32 to vector<16xf32>
          %mul3A_1079 = arith.mulf %mul3A_1078, %get3A_1077 : vector<16xf32>
          %add3A_1080 = arith.addf %add3A_1018, %mul3A_1079 : vector<16xf32>
          %get3A_1081 = arith.index_cast %add3A_1071 : i32 to index
          %get3A_1082 = arith.constant 16 : index
          %get3A_1083 = tpu.vector_load %arg8[%get3A_1081, %get3A_1082] {strides = array<i32>} : memref<64x128xf32, #tpu.memory_space<vmem>>, vector<1x16xf32>,
          %get3A_1084 = vector.shape_cast %get3A_1083 : vector<1x16xf32> to vector<16xf32>
          %mul3A_1085 = vector.broadcast %squeeze3A_1073 : f32 to vector<16xf32>
          %mul3A_1086 = arith.mulf %mul3A_1085, %get3A_1084 : vector<16xf32>
          %add3A_1087 = arith.addf %add3A_1025, %mul3A_1086 : vector<16xf32>
          %get3A_1088 = arith.index_cast %add3A_1071 : i32 to index
          %get3A_1089 = arith.constant 32 : index
          %get3A_1090 = tpu.vector_load %arg8[%get3A_1088, %get3A_1089] {strides = array<i32>} : memref<64x128xf32, #tpu.memory_space<vmem>>, vector<1x16xf32>,
          %get3A_1091 = vector.shape_cast %get3A_1090 : vector<1x16xf32> to vector<16xf32>
          %mul3A_1092 = vector.broadcast %squeeze3A_1073 : f32 to vector<16xf32>
          %mul3A_1093 = arith.mulf %mul3A_1092, %get3A_1091 : vector<16xf32>
          %add3A_1094 = arith.addf %add3A_1032, %mul3A_1093 : vector<16xf32>
          %get3A_1095 = arith.index_cast %add3A_1071 : i32 to index
          %get3A_1096 = arith.constant 48 : index
          %get3A_1097 = tpu.vector_load %arg8[%get3A_1095, %get3A_1096] {strides = array<i32>} : memref<64x128xf32, #tpu.memory_space<vmem>>, vector<1x16xf32>,
          %get3A_1098 = vector.shape_cast %get3A_1097 : vector<1x16xf32> to vector<16xf32>
          %mul3A_1099 = vector.broadcast %squeeze3A_1073 : f32 to vector<16xf32>
          %mul3A_1100 = arith.mulf %mul3A_1099, %get3A_1098 : vector<16xf32>
          %add3A_1101 = arith.addf %add3A_1039, %mul3A_1100 : vector<16xf32>
          %get3A_1102 = arith.index_cast %add3A_1071 : i32 to index
          %get3A_1103 = arith.constant 64 : index
          %get3A_1104 = tpu.vector_load %arg8[%get3A_1102, %get3A_1103] {strides = array<i32>} : memref<64x128xf32, #tpu.memory_space<vmem>>, vector<1x16xf32>,
          %get3A_1105 = vector.shape_cast %get3A_1104 : vector<1x16xf32> to vector<16xf32>
          %mul3A_1106 = vector.broadcast %squeeze3A_1073 : f32 to vector<16xf32>
          %mul3A_1107 = arith.mulf %mul3A_1106, %get3A_1105 : vector<16xf32>
          %add3A_1108 = arith.addf %add3A_1046, %mul3A_1107 : vector<16xf32>
          %get3A_1109 = arith.index_cast %add3A_1071 : i32 to index
          %get3A_1110 = arith.constant 80 : index
          %get3A_1111 = tpu.vector_load %arg8[%get3A_1109, %get3A_1110] {strides = array<i32>} : memref<64x128xf32, #tpu.memory_space<vmem>>, vector<1x16xf32>,
          %get3A_1112 = vector.shape_cast %get3A_1111 : vector<1x16xf32> to vector<16xf32>
          %mul3A_1113 = vector.broadcast %squeeze3A_1073 : f32 to vector<16xf32>
          %mul3A_1114 = arith.mulf %mul3A_1113, %get3A_1112 : vector<16xf32>
          %add3A_1115 = arith.addf %add3A_1053, %mul3A_1114 : vector<16xf32>
          %get3A_1116 = arith.index_cast %add3A_1071 : i32 to index
          %get3A_1117 = arith.constant 96 : index
          %get3A_1118 = tpu.vector_load %arg8[%get3A_1116, %get3A_1117] {strides = array<i32>} : memref<64x128xf32, #tpu.memory_space<vmem>>, vector<1x16xf32>,
          %get3A_1119 = vector.shape_cast %get3A_1118 : vector<1x16xf32> to vector<16xf32>
          %mul3A_1120 = vector.broadcast %squeeze3A_1073 : f32 to vector<16xf32>
          %mul3A_1121 = arith.mulf %mul3A_1120, %get3A_1119 : vector<16xf32>
          %add3A_1122 = arith.addf %add3A_1060, %mul3A_1121 : vector<16xf32>
          %get3A_1123 = arith.index_cast %add3A_1071 : i32 to index
          %get3A_1124 = arith.constant 112 : index
          %get3A_1125 = tpu.vector_load %arg8[%get3A_1123, %get3A_1124] {strides = array<i32>} : memref<64x128xf32, #tpu.memory_space<vmem>>, vector<1x16xf32>,
          %get3A_1126 = vector.shape_cast %get3A_1125 : vector<1x16xf32> to vector<16xf32>
          %mul3A_1127 = vector.broadcast %squeeze3A_1073 : f32 to vector<16xf32>
          %mul3A_1128 = arith.mulf %mul3A_1127, %get3A_1126 : vector<16xf32>
          %add3A_1129 = arith.addf %add3A_1067, %mul3A_1128 : vector<16xf32>
          %mul3A_1130 = arith.constant 32 : i32
          %mul3A_1131 = arith.muli %scan3A_110, %mul3A_1130 : i32
          %add3A_1132 = arith.constant 16 : i32
          %add3A_1133 = arith.addi %mul3A_1131, %add3A_1132 : i32
          %slice3A_1134 = vector.extract_strided_slice %get3A_139 {offsets = [0], sizes = [1], strides = [1]} : vector<16xf32> to vector<1xf32>
          %squeeze3A_1135 = vector.extract %slice3A_1134[0] : f32 from vector<1xf32>
          %get3A_1136 = arith.index_cast %add3A_1133 : i32 to index
          %get3A_1137 = arith.constant 0 : index
          %get3A_1138 = tpu.vector_load %arg8[%get3A_1136, %get3A_1137] {strides = array<i32>} : memref<64x128xf32, #tpu.memory_space<vmem>>, vector<1x16xf32>,
          %get3A_1139 = vector.shape_cast %get3A_1138 : vector<1x16xf32> to vector<16xf32>
          %mul3A_1140 = vector.broadcast %squeeze3A_1135 : f32 to vector<16xf32>
          %mul3A_1141 = arith.mulf %mul3A_1140, %get3A_1139 : vector<16xf32>
          %add3A_1142 = arith.addf %add3A_1080, %mul3A_1141 : vector<16xf32>
          %get3A_1143 = arith.index_cast %add3A_1133 : i32 to index
          %get3A_1144 = arith.constant 16 : index
          %get3A_1145 = tpu.vector_load %arg8[%get3A_1143, %get3A_1144] {strides = array<i32>} : memref<64x128xf32, #tpu.memory_space<vmem>>, vector<1x16xf32>,
          %get3A_1146 = vector.shape_cast %get3A_1145 : vector<1x16xf32> to vector<16xf32>
          %mul3A_1147 = vector.broadcast %squeeze3A_1135 : f32 to vector<16xf32>
          %mul3A_1148 = arith.mulf %mul3A_1147, %get3A_1146 : vector<16xf32>
          %add3A_1149 = arith.addf %add3A_1087, %mul3A_1148 : vector<16xf32>
          %get3A_1150 = arith.index_cast %add3A_1133 : i32 to index
          %get3A_1151 = arith.constant 32 : index
          %get3A_1152 = tpu.vector_load %arg8[%get3A_1150, %get3A_1151] {strides = array<i32>} : memref<64x128xf32, #tpu.memory_space<vmem>>, vector<1x16xf32>,
          %get3A_1153 = vector.shape_cast %get3A_1152 : vector<1x16xf32> to vector<16xf32>
          %mul3A_1154 = vector.broadcast %squeeze3A_1135 : f32 to vector<16xf32>
          %mul3A_1155 = arith.mulf %mul3A_1154, %get3A_1153 : vector<16xf32>
          %add3A_1156 = arith.addf %add3A_1094, %mul3A_1155 : vector<16xf32>
          %get3A_1157 = arith.index_cast %add3A_1133 : i32 to index
          %get3A_1158 = arith.constant 48 : index
          %get3A_1159 = tpu.vector_load %arg8[%get3A_1157, %get3A_1158] {strides = array<i32>} : memref<64x128xf32, #tpu.memory_space<vmem>>, vector<1x16xf32>,
          %get3A_1160 = vector.shape_cast %get3A_1159 : vector<1x16xf32> to vector<16xf32>
          %mul3A_1161 = vector.broadcast %squeeze3A_1135 : f32 to vector<16xf32>
          %mul3A_1162 = arith.mulf %mul3A_1161, %get3A_1160 : vector<16xf32>
          %add3A_1163 = arith.addf %add3A_1101, %mul3A_1162 : vector<16xf32>
          %get3A_1164 = arith.index_cast %add3A_1133 : i32 to index
          %get3A_1165 = arith.constant 64 : index
          %get3A_1166 = tpu.vector_load %arg8[%get3A_1164, %get3A_1165] {strides = array<i32>} : memref<64x128xf32, #tpu.memory_space<vmem>>, vector<1x16xf32>,
          %get3A_1167 = vector.shape_cast %get3A_1166 : vector<1x16xf32> to vector<16xf32>
          %mul3A_1168 = vector.broadcast %squeeze3A_1135 : f32 to vector<16xf32>
          %mul3A_1169 = arith.mulf %mul3A_1168, %get3A_1167 : vector<16xf32>
          %add3A_1170 = arith.addf %add3A_1108, %mul3A_1169 : vector<16xf32>
          %get3A_1171 = arith.index_cast %add3A_1133 : i32 to index
          %get3A_1172 = arith.constant 80 : index
          %get3A_1173 = tpu.vector_load %arg8[%get3A_1171, %get3A_1172] {strides = array<i32>} : memref<64x128xf32, #tpu.memory_space<vmem>>, vector<1x16xf32>,
          %get3A_1174 = vector.shape_cast %get3A_1173 : vector<1x16xf32> to vector<16xf32>
          %mul3A_1175 = vector.broadcast %squeeze3A_1135 : f32 to vector<16xf32>
          %mul3A_1176 = arith.mulf %mul3A_1175, %get3A_1174 : vector<16xf32>
          %add3A_1177 = arith.addf %add3A_1115, %mul3A_1176 : vector<16xf32>
          %get3A_1178 = arith.index_cast %add3A_1133 : i32 to index
          %get3A_1179 = arith.constant 96 : index
          %get3A_1180 = tpu.vector_load %arg8[%get3A_1178, %get3A_1179] {strides = array<i32>} : memref<64x128xf32, #tpu.memory_space<vmem>>, vector<1x16xf32>,
          %get3A_1181 = vector.shape_cast %get3A_1180 : vector<1x16xf32> to vector<16xf32>
          %mul3A_1182 = vector.broadcast %squeeze3A_1135 : f32 to vector<16xf32>
          %mul3A_1183 = arith.mulf %mul3A_1182, %get3A_1181 : vector<16xf32>
          %add3A_1184 = arith.addf %add3A_1122, %mul3A_1183 : vector<16xf32>
          %get3A_1185 = arith.index_cast %add3A_1133 : i32 to index
          %get3A_1186 = arith.constant 112 : index
          %get3A_1187 = tpu.vector_load %arg8[%get3A_1185, %get3A_1186] {strides = array<i32>} : memref<64x128xf32, #tpu.memory_space<vmem>>, vector<1x16xf32>,
          %get3A_1188 = vector.shape_cast %get3A_1187 : vector<1x16xf32> to vector<16xf32>
          %mul3A_1189 = vector.broadcast %squeeze3A_1135 : f32 to vector<16xf32>
          %mul3A_1190 = arith.mulf %mul3A_1189, %get3A_1188 : vector<16xf32>
          %add3A_1191 = arith.addf %add3A_1129, %mul3A_1190 : vector<16xf32>
          %mul3A_1192 = arith.constant 32 : i32
          %mul3A_1193 = arith.muli %scan3A_110, %mul3A_1192 : i32
          %add3A_1194 = arith.constant 17 : i32
          %add3A_1195 = arith.addi %mul3A_1193, %add3A_1194 : i32
          %slice3A_1196 = vector.extract_strided_slice %get3A_139 {offsets = [1], sizes = [1], strides = [1]} : vector<16xf32> to vector<1xf32>
          %squeeze3A_1197 = vector.extract %slice3A_1196[0] : f32 from vector<1xf32>
          %get3A_1198 = arith.index_cast %add3A_1195 : i32 to index
          %get3A_1199 = arith.constant 0 : index
          %get3A_1200 = tpu.vector_load %arg8[%get3A_1198, %get3A_1199] {strides = array<i32>} : memref<64x128xf32, #tpu.memory_space<vmem>>, vector<1x16xf32>,
          %get3A_1201 = vector.shape_cast %get3A_1200 : vector<1x16xf32> to vector<16xf32>
          %mul3A_1202 = vector.broadcast %squeeze3A_1197 : f32 to vector<16xf32>
          %mul3A_1203 = arith.mulf %mul3A_1202, %get3A_1201 : vector<16xf32>
          %add3A_1204 = arith.addf %add3A_1142, %mul3A_1203 : vector<16xf32>
          %get3A_1205 = arith.index_cast %add3A_1195 : i32 to index
          %get3A_1206 = arith.constant 16 : index
          %get3A_1207 = tpu.vector_load %arg8[%get3A_1205, %get3A_1206] {strides = array<i32>} : memref<64x128xf32, #tpu.memory_space<vmem>>, vector<1x16xf32>,
          %get3A_1208 = vector.shape_cast %get3A_1207 : vector<1x16xf32> to vector<16xf32>
          %mul3A_1209 = vector.broadcast %squeeze3A_1197 : f32 to vector<16xf32>
          %mul3A_1210 = arith.mulf %mul3A_1209, %get3A_1208 : vector<16xf32>
          %add3A_1211 = arith.addf %add3A_1149, %mul3A_1210 : vector<16xf32>
          %get3A_1212 = arith.index_cast %add3A_1195 : i32 to index
          %get3A_1213 = arith.constant 32 : index
          %get3A_1214 = tpu.vector_load %arg8[%get3A_1212, %get3A_1213] {strides = array<i32>} : memref<64x128xf32, #tpu.memory_space<vmem>>, vector<1x16xf32>,
          %get3A_1215 = vector.shape_cast %get3A_1214 : vector<1x16xf32> to vector<16xf32>
          %mul3A_1216 = vector.broadcast %squeeze3A_1197 : f32 to vector<16xf32>
          %mul3A_1217 = arith.mulf %mul3A_1216, %get3A_1215 : vector<16xf32>
          %add3A_1218 = arith.addf %add3A_1156, %mul3A_1217 : vector<16xf32>
          %get3A_1219 = arith.index_cast %add3A_1195 : i32 to index
          %get3A_1220 = arith.constant 48 : index
          %get3A_1221 = tpu.vector_load %arg8[%get3A_1219, %get3A_1220] {strides = array<i32>} : memref<64x128xf32, #tpu.memory_space<vmem>>, vector<1x16xf32>,
          %get3A_1222 = vector.shape_cast %get3A_1221 : vector<1x16xf32> to vector<16xf32>
          %mul3A_1223 = vector.broadcast %squeeze3A_1197 : f32 to vector<16xf32>
          %mul3A_1224 = arith.mulf %mul3A_1223, %get3A_1222 : vector<16xf32>
          %add3A_1225 = arith.addf %add3A_1163, %mul3A_1224 : vector<16xf32>
          %get3A_1226 = arith.index_cast %add3A_1195 : i32 to index
          %get3A_1227 = arith.constant 64 : index
          %get3A_1228 = tpu.vector_load %arg8[%get3A_1226, %get3A_1227] {strides = array<i32>} : memref<64x128xf32, #tpu.memory_space<vmem>>, vector<1x16xf32>,
          %get3A_1229 = vector.shape_cast %get3A_1228 : vector<1x16xf32> to vector<16xf32>
          %mul3A_1230 = vector.broadcast %squeeze3A_1197 : f32 to vector<16xf32>
          %mul3A_1231 = arith.mulf %mul3A_1230, %get3A_1229 : vector<16xf32>
          %add3A_1232 = arith.addf %add3A_1170, %mul3A_1231 : vector<16xf32>
          %get3A_1233 = arith.index_cast %add3A_1195 : i32 to index
          %get3A_1234 = arith.constant 80 : index
          %get3A_1235 = tpu.vector_load %arg8[%get3A_1233, %get3A_1234] {strides = array<i32>} : memref<64x128xf32, #tpu.memory_space<vmem>>, vector<1x16xf32>,
          %get3A_1236 = vector.shape_cast %get3A_1235 : vector<1x16xf32> to vector<16xf32>
          %mul3A_1237 = vector.broadcast %squeeze3A_1197 : f32 to vector<16xf32>
          %mul3A_1238 = arith.mulf %mul3A_1237, %get3A_1236 : vector<16xf32>
          %add3A_1239 = arith.addf %add3A_1177, %mul3A_1238 : vector<16xf32>
          %get3A_1240 = arith.index_cast %add3A_1195 : i32 to index
          %get3A_1241 = arith.constant 96 : index
          %get3A_1242 = tpu.vector_load %arg8[%get3A_1240, %get3A_1241] {strides = array<i32>} : memref<64x128xf32, #tpu.memory_space<vmem>>, vector<1x16xf32>,
          %get3A_1243 = vector.shape_cast %get3A_1242 : vector<1x16xf32> to vector<16xf32>
          %mul3A_1244 = vector.broadcast %squeeze3A_1197 : f32 to vector<16xf32>
          %mul3A_1245 = arith.mulf %mul3A_1244, %get3A_1243 : vector<16xf32>
          %add3A_1246 = arith.addf %add3A_1184, %mul3A_1245 : vector<16xf32>
          %get3A_1247 = arith.index_cast %add3A_1195 : i32 to index
          %get3A_1248 = arith.constant 112 : index
          %get3A_1249 = tpu.vector_load %arg8[%get3A_1247, %get3A_1248] {strides = array<i32>} : memref<64x128xf32, #tpu.memory_space<vmem>>, vector<1x16xf32>,
          %get3A_1250 = vector.shape_cast %get3A_1249 : vector<1x16xf32> to vector<16xf32>
          %mul3A_1251 = vector.broadcast %squeeze3A_1197 : f32 to vector<16xf32>
          %mul3A_1252 = arith.mulf %mul3A_1251, %get3A_1250 : vector<16xf32>
          %add3A_1253 = arith.addf %add3A_1191, %mul3A_1252 : vector<16xf32>
          %mul3A_1254 = arith.constant 32 : i32
          %mul3A_1255 = arith.muli %scan3A_110, %mul3A_1254 : i32
          %add3A_1256 = arith.constant 18 : i32
          %add3A_1257 = arith.addi %mul3A_1255, %add3A_1256 : i32
          %slice3A_1258 = vector.extract_strided_slice %get3A_139 {offsets = [2], sizes = [1], strides = [1]} : vector<16xf32> to vector<1xf32>
          %squeeze3A_1259 = vector.extract %slice3A_1258[0] : f32 from vector<1xf32>
          %get3A_1260 = arith.index_cast %add3A_1257 : i32 to index
          %get3A_1261 = arith.constant 0 : index
          %get3A_1262 = tpu.vector_load %arg8[%get3A_1260, %get3A_1261] {strides = array<i32>} : memref<64x128xf32, #tpu.memory_space<vmem>>, vector<1x16xf32>,
          %get3A_1263 = vector.shape_cast %get3A_1262 : vector<1x16xf32> to vector<16xf32>
          %mul3A_1264 = vector.broadcast %squeeze3A_1259 : f32 to vector<16xf32>
          %mul3A_1265 = arith.mulf %mul3A_1264, %get3A_1263 : vector<16xf32>
          %add3A_1266 = arith.addf %add3A_1204, %mul3A_1265 : vector<16xf32>
          %get3A_1267 = arith.index_cast %add3A_1257 : i32 to index
          %get3A_1268 = arith.constant 16 : index
          %get3A_1269 = tpu.vector_load %arg8[%get3A_1267, %get3A_1268] {strides = array<i32>} : memref<64x128xf32, #tpu.memory_space<vmem>>, vector<1x16xf32>,
          %get3A_1270 = vector.shape_cast %get3A_1269 : vector<1x16xf32> to vector<16xf32>
          %mul3A_1271 = vector.broadcast %squeeze3A_1259 : f32 to vector<16xf32>
          %mul3A_1272 = arith.mulf %mul3A_1271, %get3A_1270 : vector<16xf32>
          %add3A_1273 = arith.addf %add3A_1211, %mul3A_1272 : vector<16xf32>
          %get3A_1274 = arith.index_cast %add3A_1257 : i32 to index
          %get3A_1275 = arith.constant 32 : index
          %get3A_1276 = tpu.vector_load %arg8[%get3A_1274, %get3A_1275] {strides = array<i32>} : memref<64x128xf32, #tpu.memory_space<vmem>>, vector<1x16xf32>,
          %get3A_1277 = vector.shape_cast %get3A_1276 : vector<1x16xf32> to vector<16xf32>
          %mul3A_1278 = vector.broadcast %squeeze3A_1259 : f32 to vector<16xf32>
          %mul3A_1279 = arith.mulf %mul3A_1278, %get3A_1277 : vector<16xf32>
          %add3A_1280 = arith.addf %add3A_1218, %mul3A_1279 : vector<16xf32>
          %get3A_1281 = arith.index_cast %add3A_1257 : i32 to index
          %get3A_1282 = arith.constant 48 : index
          %get3A_1283 = tpu.vector_load %arg8[%get3A_1281, %get3A_1282] {strides = array<i32>} : memref<64x128xf32, #tpu.memory_space<vmem>>, vector<1x16xf32>,
          %get3A_1284 = vector.shape_cast %get3A_1283 : vector<1x16xf32> to vector<16xf32>
          %mul3A_1285 = vector.broadcast %squeeze3A_1259 : f32 to vector<16xf32>
          %mul3A_1286 = arith.mulf %mul3A_1285, %get3A_1284 : vector<16xf32>
          %add3A_1287 = arith.addf %add3A_1225, %mul3A_1286 : vector<16xf32>
          %get3A_1288 = arith.index_cast %add3A_1257 : i32 to index
          %get3A_1289 = arith.constant 64 : index
          %get3A_1290 = tpu.vector_load %arg8[%get3A_1288, %get3A_1289] {strides = array<i32>} : memref<64x128xf32, #tpu.memory_space<vmem>>, vector<1x16xf32>,
          %get3A_1291 = vector.shape_cast %get3A_1290 : vector<1x16xf32> to vector<16xf32>
          %mul3A_1292 = vector.broadcast %squeeze3A_1259 : f32 to vector<16xf32>
          %mul3A_1293 = arith.mulf %mul3A_1292, %get3A_1291 : vector<16xf32>
          %add3A_1294 = arith.addf %add3A_1232, %mul3A_1293 : vector<16xf32>
          %get3A_1295 = arith.index_cast %add3A_1257 : i32 to index
          %get3A_1296 = arith.constant 80 : index
          %get3A_1297 = tpu.vector_load %arg8[%get3A_1295, %get3A_1296] {strides = array<i32>} : memref<64x128xf32, #tpu.memory_space<vmem>>, vector<1x16xf32>,
          %get3A_1298 = vector.shape_cast %get3A_1297 : vector<1x16xf32> to vector<16xf32>
          %mul3A_1299 = vector.broadcast %squeeze3A_1259 : f32 to vector<16xf32>
          %mul3A_1300 = arith.mulf %mul3A_1299, %get3A_1298 : vector<16xf32>
          %add3A_1301 = arith.addf %add3A_1239, %mul3A_1300 : vector<16xf32>
          %get3A_1302 = arith.index_cast %add3A_1257 : i32 to index
          %get3A_1303 = arith.constant 96 : index
          %get3A_1304 = tpu.vector_load %arg8[%get3A_1302, %get3A_1303] {strides = array<i32>} : memref<64x128xf32, #tpu.memory_space<vmem>>, vector<1x16xf32>,
          %get3A_1305 = vector.shape_cast %get3A_1304 : vector<1x16xf32> to vector<16xf32>
          %mul3A_1306 = vector.broadcast %squeeze3A_1259 : f32 to vector<16xf32>
          %mul3A_1307 = arith.mulf %mul3A_1306, %get3A_1305 : vector<16xf32>
          %add3A_1308 = arith.addf %add3A_1246, %mul3A_1307 : vector<16xf32>
          %get3A_1309 = arith.index_cast %add3A_1257 : i32 to index
          %get3A_1310 = arith.constant 112 : index
          %get3A_1311 = tpu.vector_load %arg8[%get3A_1309, %get3A_1310] {strides = array<i32>} : memref<64x128xf32, #tpu.memory_space<vmem>>, vector<1x16xf32>,
          %get3A_1312 = vector.shape_cast %get3A_1311 : vector<1x16xf32> to vector<16xf32>
          %mul3A_1313 = vector.broadcast %squeeze3A_1259 : f32 to vector<16xf32>
          %mul3A_1314 = arith.mulf %mul3A_1313, %get3A_1312 : vector<16xf32>
          %add3A_1315 = arith.addf %add3A_1253, %mul3A_1314 : vector<16xf32>
          %mul3A_1316 = arith.constant 32 : i32
          %mul3A_1317 = arith.muli %scan3A_110, %mul3A_1316 : i32
          %add3A_1318 = arith.constant 19 : i32
          %add3A_1319 = arith.addi %mul3A_1317, %add3A_1318 : i32
          %slice3A_1320 = vector.extract_strided_slice %get3A_139 {offsets = [3], sizes = [1], strides = [1]} : vector<16xf32> to vector<1xf32>
          %squeeze3A_1321 = vector.extract %slice3A_1320[0] : f32 from vector<1xf32>
          %get3A_1322 = arith.index_cast %add3A_1319 : i32 to index
          %get3A_1323 = arith.constant 0 : index
          %get3A_1324 = tpu.vector_load %arg8[%get3A_1322, %get3A_1323] {strides = array<i32>} : memref<64x128xf32, #tpu.memory_space<vmem>>, vector<1x16xf32>,
          %get3A_1325 = vector.shape_cast %get3A_1324 : vector<1x16xf32> to vector<16xf32>
          %mul3A_1326 = vector.broadcast %squeeze3A_1321 : f32 to vector<16xf32>
          %mul3A_1327 = arith.mulf %mul3A_1326, %get3A_1325 : vector<16xf32>
          %add3A_1328 = arith.addf %add3A_1266, %mul3A_1327 : vector<16xf32>
          %get3A_1329 = arith.index_cast %add3A_1319 : i32 to index
          %get3A_1330 = arith.constant 16 : index
          %get3A_1331 = tpu.vector_load %arg8[%get3A_1329, %get3A_1330] {strides = array<i32>} : memref<64x128xf32, #tpu.memory_space<vmem>>, vector<1x16xf32>,
          %get3A_1332 = vector.shape_cast %get3A_1331 : vector<1x16xf32> to vector<16xf32>
          %mul3A_1333 = vector.broadcast %squeeze3A_1321 : f32 to vector<16xf32>
          %mul3A_1334 = arith.mulf %mul3A_1333, %get3A_1332 : vector<16xf32>
          %add3A_1335 = arith.addf %add3A_1273, %mul3A_1334 : vector<16xf32>
          %get3A_1336 = arith.index_cast %add3A_1319 : i32 to index
          %get3A_1337 = arith.constant 32 : index
          %get3A_1338 = tpu.vector_load %arg8[%get3A_1336, %get3A_1337] {strides = array<i32>} : memref<64x128xf32, #tpu.memory_space<vmem>>, vector<1x16xf32>,
          %get3A_1339 = vector.shape_cast %get3A_1338 : vector<1x16xf32> to vector<16xf32>
          %mul3A_1340 = vector.broadcast %squeeze3A_1321 : f32 to vector<16xf32>
          %mul3A_1341 = arith.mulf %mul3A_1340, %get3A_1339 : vector<16xf32>
          %add3A_1342 = arith.addf %add3A_1280, %mul3A_1341 : vector<16xf32>
          %get3A_1343 = arith.index_cast %add3A_1319 : i32 to index
          %get3A_1344 = arith.constant 48 : index
          %get3A_1345 = tpu.vector_load %arg8[%get3A_1343, %get3A_1344] {strides = array<i32>} : memref<64x128xf32, #tpu.memory_space<vmem>>, vector<1x16xf32>,
          %get3A_1346 = vector.shape_cast %get3A_1345 : vector<1x16xf32> to vector<16xf32>
          %mul3A_1347 = vector.broadcast %squeeze3A_1321 : f32 to vector<16xf32>
          %mul3A_1348 = arith.mulf %mul3A_1347, %get3A_1346 : vector<16xf32>
          %add3A_1349 = arith.addf %add3A_1287, %mul3A_1348 : vector<16xf32>
          %get3A_1350 = arith.index_cast %add3A_1319 : i32 to index
          %get3A_1351 = arith.constant 64 : index
          %get3A_1352 = tpu.vector_load %arg8[%get3A_1350, %get3A_1351] {strides = array<i32>} : memref<64x128xf32, #tpu.memory_space<vmem>>, vector<1x16xf32>,
          %get3A_1353 = vector.shape_cast %get3A_1352 : vector<1x16xf32> to vector<16xf32>
          %mul3A_1354 = vector.broadcast %squeeze3A_1321 : f32 to vector<16xf32>
          %mul3A_1355 = arith.mulf %mul3A_1354, %get3A_1353 : vector<16xf32>
          %add3A_1356 = arith.addf %add3A_1294, %mul3A_1355 : vector<16xf32>
          %get3A_1357 = arith.index_cast %add3A_1319 : i32 to index
          %get3A_1358 = arith.constant 80 : index
          %get3A_1359 = tpu.vector_load %arg8[%get3A_1357, %get3A_1358] {strides = array<i32>} : memref<64x128xf32, #tpu.memory_space<vmem>>, vector<1x16xf32>,
          %get3A_1360 = vector.shape_cast %get3A_1359 : vector<1x16xf32> to vector<16xf32>
          %mul3A_1361 = vector.broadcast %squeeze3A_1321 : f32 to vector<16xf32>
          %mul3A_1362 = arith.mulf %mul3A_1361, %get3A_1360 : vector<16xf32>
          %add3A_1363 = arith.addf %add3A_1301, %mul3A_1362 : vector<16xf32>
          %get3A_1364 = arith.index_cast %add3A_1319 : i32 to index
          %get3A_1365 = arith.constant 96 : index
          %get3A_1366 = tpu.vector_load %arg8[%get3A_1364, %get3A_1365] {strides = array<i32>} : memref<64x128xf32, #tpu.memory_space<vmem>>, vector<1x16xf32>,
          %get3A_1367 = vector.shape_cast %get3A_1366 : vector<1x16xf32> to vector<16xf32>
          %mul3A_1368 = vector.broadcast %squeeze3A_1321 : f32 to vector<16xf32>
          %mul3A_1369 = arith.mulf %mul3A_1368, %get3A_1367 : vector<16xf32>
          %add3A_1370 = arith.addf %add3A_1308, %mul3A_1369 : vector<16xf32>
          %get3A_1371 = arith.index_cast %add3A_1319 : i32 to index
          %get3A_1372 = arith.constant 112 : index
          %get3A_1373 = tpu.vector_load %arg8[%get3A_1371, %get3A_1372] {strides = array<i32>} : memref<64x128xf32, #tpu.memory_space<vmem>>, vector<1x16xf32>,
          %get3A_1374 = vector.shape_cast %get3A_1373 : vector<1x16xf32> to vector<16xf32>
          %mul3A_1375 = vector.broadcast %squeeze3A_1321 : f32 to vector<16xf32>
          %mul3A_1376 = arith.mulf %mul3A_1375, %get3A_1374 : vector<16xf32>
          %add3A_1377 = arith.addf %add3A_1315, %mul3A_1376 : vector<16xf32>
          %mul3A_1378 = arith.constant 32 : i32
          %mul3A_1379 = arith.muli %scan3A_110, %mul3A_1378 : i32
          %add3A_1380 = arith.constant 20 : i32
          %add3A_1381 = arith.addi %mul3A_1379, %add3A_1380 : i32
          %slice3A_1382 = vector.extract_strided_slice %get3A_139 {offsets = [4], sizes = [1], strides = [1]} : vector<16xf32> to vector<1xf32>
          %squeeze3A_1383 = vector.extract %slice3A_1382[0] : f32 from vector<1xf32>
          %get3A_1384 = arith.index_cast %add3A_1381 : i32 to index
          %get3A_1385 = arith.constant 0 : index
          %get3A_1386 = tpu.vector_load %arg8[%get3A_1384, %get3A_1385] {strides = array<i32>} : memref<64x128xf32, #tpu.memory_space<vmem>>, vector<1x16xf32>,
          %get3A_1387 = vector.shape_cast %get3A_1386 : vector<1x16xf32> to vector<16xf32>
          %mul3A_1388 = vector.broadcast %squeeze3A_1383 : f32 to vector<16xf32>
          %mul3A_1389 = arith.mulf %mul3A_1388, %get3A_1387 : vector<16xf32>
          %add3A_1390 = arith.addf %add3A_1328, %mul3A_1389 : vector<16xf32>
          %get3A_1391 = arith.index_cast %add3A_1381 : i32 to index
          %get3A_1392 = arith.constant 16 : index
          %get3A_1393 = tpu.vector_load %arg8[%get3A_1391, %get3A_1392] {strides = array<i32>} : memref<64x128xf32, #tpu.memory_space<vmem>>, vector<1x16xf32>,
          %get3A_1394 = vector.shape_cast %get3A_1393 : vector<1x16xf32> to vector<16xf32>
          %mul3A_1395 = vector.broadcast %squeeze3A_1383 : f32 to vector<16xf32>
          %mul3A_1396 = arith.mulf %mul3A_1395, %get3A_1394 : vector<16xf32>
          %add3A_1397 = arith.addf %add3A_1335, %mul3A_1396 : vector<16xf32>
          %get3A_1398 = arith.index_cast %add3A_1381 : i32 to index
          %get3A_1399 = arith.constant 32 : index
          %get3A_1400 = tpu.vector_load %arg8[%get3A_1398, %get3A_1399] {strides = array<i32>} : memref<64x128xf32, #tpu.memory_space<vmem>>, vector<1x16xf32>,
          %get3A_1401 = vector.shape_cast %get3A_1400 : vector<1x16xf32> to vector<16xf32>
          %mul3A_1402 = vector.broadcast %squeeze3A_1383 : f32 to vector<16xf32>
          %mul3A_1403 = arith.mulf %mul3A_1402, %get3A_1401 : vector<16xf32>
          %add3A_1404 = arith.addf %add3A_1342, %mul3A_1403 : vector<16xf32>
          %get3A_1405 = arith.index_cast %add3A_1381 : i32 to index
          %get3A_1406 = arith.constant 48 : index
          %get3A_1407 = tpu.vector_load %arg8[%get3A_1405, %get3A_1406] {strides = array<i32>} : memref<64x128xf32, #tpu.memory_space<vmem>>, vector<1x16xf32>,
          %get3A_1408 = vector.shape_cast %get3A_1407 : vector<1x16xf32> to vector<16xf32>
          %mul3A_1409 = vector.broadcast %squeeze3A_1383 : f32 to vector<16xf32>
          %mul3A_1410 = arith.mulf %mul3A_1409, %get3A_1408 : vector<16xf32>
          %add3A_1411 = arith.addf %add3A_1349, %mul3A_1410 : vector<16xf32>
          %get3A_1412 = arith.index_cast %add3A_1381 : i32 to index
          %get3A_1413 = arith.constant 64 : index
          %get3A_1414 = tpu.vector_load %arg8[%get3A_1412, %get3A_1413] {strides = array<i32>} : memref<64x128xf32, #tpu.memory_space<vmem>>, vector<1x16xf32>,
          %get3A_1415 = vector.shape_cast %get3A_1414 : vector<1x16xf32> to vector<16xf32>
          %mul3A_1416 = vector.broadcast %squeeze3A_1383 : f32 to vector<16xf32>
          %mul3A_1417 = arith.mulf %mul3A_1416, %get3A_1415 : vector<16xf32>
          %add3A_1418 = arith.addf %add3A_1356, %mul3A_1417 : vector<16xf32>
          %get3A_1419 = arith.index_cast %add3A_1381 : i32 to index
          %get3A_1420 = arith.constant 80 : index
          %get3A_1421 = tpu.vector_load %arg8[%get3A_1419, %get3A_1420] {strides = array<i32>} : memref<64x128xf32, #tpu.memory_space<vmem>>, vector<1x16xf32>,
          %get3A_1422 = vector.shape_cast %get3A_1421 : vector<1x16xf32> to vector<16xf32>
          %mul3A_1423 = vector.broadcast %squeeze3A_1383 : f32 to vector<16xf32>
          %mul3A_1424 = arith.mulf %mul3A_1423, %get3A_1422 : vector<16xf32>
          %add3A_1425 = arith.addf %add3A_1363, %mul3A_1424 : vector<16xf32>
          %get3A_1426 = arith.index_cast %add3A_1381 : i32 to index
          %get3A_1427 = arith.constant 96 : index
          %get3A_1428 = tpu.vector_load %arg8[%get3A_1426, %get3A_1427] {strides = array<i32>} : memref<64x128xf32, #tpu.memory_space<vmem>>, vector<1x16xf32>,
          %get3A_1429 = vector.shape_cast %get3A_1428 : vector<1x16xf32> to vector<16xf32>
          %mul3A_1430 = vector.broadcast %squeeze3A_1383 : f32 to vector<16xf32>
          %mul3A_1431 = arith.mulf %mul3A_1430, %get3A_1429 : vector<16xf32>
          %add3A_1432 = arith.addf %add3A_1370, %mul3A_1431 : vector<16xf32>
          %get3A_1433 = arith.index_cast %add3A_1381 : i32 to index
          %get3A_1434 = arith.constant 112 : index
          %get3A_1435 = tpu.vector_load %arg8[%get3A_1433, %get3A_1434] {strides = array<i32>} : memref<64x128xf32, #tpu.memory_space<vmem>>, vector<1x16xf32>,
          %get3A_1436 = vector.shape_cast %get3A_1435 : vector<1x16xf32> to vector<16xf32>
          %mul3A_1437 = vector.broadcast %squeeze3A_1383 : f32 to vector<16xf32>
          %mul3A_1438 = arith.mulf %mul3A_1437, %get3A_1436 : vector<16xf32>
          %add3A_1439 = arith.addf %add3A_1377, %mul3A_1438 : vector<16xf32>
          %mul3A_1440 = arith.constant 32 : i32
          %mul3A_1441 = arith.muli %scan3A_110, %mul3A_1440 : i32
          %add3A_1442 = arith.constant 21 : i32
          %add3A_1443 = arith.addi %mul3A_1441, %add3A_1442 : i32
          %slice3A_1444 = vector.extract_strided_slice %get3A_139 {offsets = [5], sizes = [1], strides = [1]} : vector<16xf32> to vector<1xf32>
          %squeeze3A_1445 = vector.extract %slice3A_1444[0] : f32 from vector<1xf32>
          %get3A_1446 = arith.index_cast %add3A_1443 : i32 to index
          %get3A_1447 = arith.constant 0 : index
          %get3A_1448 = tpu.vector_load %arg8[%get3A_1446, %get3A_1447] {strides = array<i32>} : memref<64x128xf32, #tpu.memory_space<vmem>>, vector<1x16xf32>,
          %get3A_1449 = vector.shape_cast %get3A_1448 : vector<1x16xf32> to vector<16xf32>
          %mul3A_1450 = vector.broadcast %squeeze3A_1445 : f32 to vector<16xf32>
          %mul3A_1451 = arith.mulf %mul3A_1450, %get3A_1449 : vector<16xf32>
          %add3A_1452 = arith.addf %add3A_1390, %mul3A_1451 : vector<16xf32>
          %get3A_1453 = arith.index_cast %add3A_1443 : i32 to index
          %get3A_1454 = arith.constant 16 : index
          %get3A_1455 = tpu.vector_load %arg8[%get3A_1453, %get3A_1454] {strides = array<i32>} : memref<64x128xf32, #tpu.memory_space<vmem>>, vector<1x16xf32>,
          %get3A_1456 = vector.shape_cast %get3A_1455 : vector<1x16xf32> to vector<16xf32>
          %mul3A_1457 = vector.broadcast %squeeze3A_1445 : f32 to vector<16xf32>
          %mul3A_1458 = arith.mulf %mul3A_1457, %get3A_1456 : vector<16xf32>
          %add3A_1459 = arith.addf %add3A_1397, %mul3A_1458 : vector<16xf32>
          %get3A_1460 = arith.index_cast %add3A_1443 : i32 to index
          %get3A_1461 = arith.constant 32 : index
          %get3A_1462 = tpu.vector_load %arg8[%get3A_1460, %get3A_1461] {strides = array<i32>} : memref<64x128xf32, #tpu.memory_space<vmem>>, vector<1x16xf32>,
          %get3A_1463 = vector.shape_cast %get3A_1462 : vector<1x16xf32> to vector<16xf32>
          %mul3A_1464 = vector.broadcast %squeeze3A_1445 : f32 to vector<16xf32>
          %mul3A_1465 = arith.mulf %mul3A_1464, %get3A_1463 : vector<16xf32>
          %add3A_1466 = arith.addf %add3A_1404, %mul3A_1465 : vector<16xf32>
          %get3A_1467 = arith.index_cast %add3A_1443 : i32 to index
          %get3A_1468 = arith.constant 48 : index
          %get3A_1469 = tpu.vector_load %arg8[%get3A_1467, %get3A_1468] {strides = array<i32>} : memref<64x128xf32, #tpu.memory_space<vmem>>, vector<1x16xf32>,
          %get3A_1470 = vector.shape_cast %get3A_1469 : vector<1x16xf32> to vector<16xf32>
          %mul3A_1471 = vector.broadcast %squeeze3A_1445 : f32 to vector<16xf32>
          %mul3A_1472 = arith.mulf %mul3A_1471, %get3A_1470 : vector<16xf32>
          %add3A_1473 = arith.addf %add3A_1411, %mul3A_1472 : vector<16xf32>
          %get3A_1474 = arith.index_cast %add3A_1443 : i32 to index
          %get3A_1475 = arith.constant 64 : index
          %get3A_1476 = tpu.vector_load %arg8[%get3A_1474, %get3A_1475] {strides = array<i32>} : memref<64x128xf32, #tpu.memory_space<vmem>>, vector<1x16xf32>,
          %get3A_1477 = vector.shape_cast %get3A_1476 : vector<1x16xf32> to vector<16xf32>
          %mul3A_1478 = vector.broadcast %squeeze3A_1445 : f32 to vector<16xf32>
          %mul3A_1479 = arith.mulf %mul3A_1478, %get3A_1477 : vector<16xf32>
          %add3A_1480 = arith.addf %add3A_1418, %mul3A_1479 : vector<16xf32>
          %get3A_1481 = arith.index_cast %add3A_1443 : i32 to index
          %get3A_1482 = arith.constant 80 : index
          %get3A_1483 = tpu.vector_load %arg8[%get3A_1481, %get3A_1482] {strides = array<i32>} : memref<64x128xf32, #tpu.memory_space<vmem>>, vector<1x16xf32>,
          %get3A_1484 = vector.shape_cast %get3A_1483 : vector<1x16xf32> to vector<16xf32>
          %mul3A_1485 = vector.broadcast %squeeze3A_1445 : f32 to vector<16xf32>
          %mul3A_1486 = arith.mulf %mul3A_1485, %get3A_1484 : vector<16xf32>
          %add3A_1487 = arith.addf %add3A_1425, %mul3A_1486 : vector<16xf32>
          %get3A_1488 = arith.index_cast %add3A_1443 : i32 to index
          %get3A_1489 = arith.constant 96 : index
          %get3A_1490 = tpu.vector_load %arg8[%get3A_1488, %get3A_1489] {strides = array<i32>} : memref<64x128xf32, #tpu.memory_space<vmem>>, vector<1x16xf32>,
          %get3A_1491 = vector.shape_cast %get3A_1490 : vector<1x16xf32> to vector<16xf32>
          %mul3A_1492 = vector.broadcast %squeeze3A_1445 : f32 to vector<16xf32>
          %mul3A_1493 = arith.mulf %mul3A_1492, %get3A_1491 : vector<16xf32>
          %add3A_1494 = arith.addf %add3A_1432, %mul3A_1493 : vector<16xf32>
          %get3A_1495 = arith.index_cast %add3A_1443 : i32 to index
          %get3A_1496 = arith.constant 112 : index
          %get3A_1497 = tpu.vector_load %arg8[%get3A_1495, %get3A_1496] {strides = array<i32>} : memref<64x128xf32, #tpu.memory_space<vmem>>, vector<1x16xf32>,
          %get3A_1498 = vector.shape_cast %get3A_1497 : vector<1x16xf32> to vector<16xf32>
          %mul3A_1499 = vector.broadcast %squeeze3A_1445 : f32 to vector<16xf32>
          %mul3A_1500 = arith.mulf %mul3A_1499, %get3A_1498 : vector<16xf32>
          %add3A_1501 = arith.addf %add3A_1439, %mul3A_1500 : vector<16xf32>
          %mul3A_1502 = arith.constant 32 : i32
          %mul3A_1503 = arith.muli %scan3A_110, %mul3A_1502 : i32
          %add3A_1504 = arith.constant 22 : i32
          %add3A_1505 = arith.addi %mul3A_1503, %add3A_1504 : i32
          %slice3A_1506 = vector.extract_strided_slice %get3A_139 {offsets = [6], sizes = [1], strides = [1]} : vector<16xf32> to vector<1xf32>
          %squeeze3A_1507 = vector.extract %slice3A_1506[0] : f32 from vector<1xf32>
          %get3A_1508 = arith.index_cast %add3A_1505 : i32 to index
          %get3A_1509 = arith.constant 0 : index
          %get3A_1510 = tpu.vector_load %arg8[%get3A_1508, %get3A_1509] {strides = array<i32>} : memref<64x128xf32, #tpu.memory_space<vmem>>, vector<1x16xf32>,
          %get3A_1511 = vector.shape_cast %get3A_1510 : vector<1x16xf32> to vector<16xf32>
          %mul3A_1512 = vector.broadcast %squeeze3A_1507 : f32 to vector<16xf32>
          %mul3A_1513 = arith.mulf %mul3A_1512, %get3A_1511 : vector<16xf32>
          %add3A_1514 = arith.addf %add3A_1452, %mul3A_1513 : vector<16xf32>
          %get3A_1515 = arith.index_cast %add3A_1505 : i32 to index
          %get3A_1516 = arith.constant 16 : index
          %get3A_1517 = tpu.vector_load %arg8[%get3A_1515, %get3A_1516] {strides = array<i32>} : memref<64x128xf32, #tpu.memory_space<vmem>>, vector<1x16xf32>,
          %get3A_1518 = vector.shape_cast %get3A_1517 : vector<1x16xf32> to vector<16xf32>
          %mul3A_1519 = vector.broadcast %squeeze3A_1507 : f32 to vector<16xf32>
          %mul3A_1520 = arith.mulf %mul3A_1519, %get3A_1518 : vector<16xf32>
          %add3A_1521 = arith.addf %add3A_1459, %mul3A_1520 : vector<16xf32>
          %get3A_1522 = arith.index_cast %add3A_1505 : i32 to index
          %get3A_1523 = arith.constant 32 : index
          %get3A_1524 = tpu.vector_load %arg8[%get3A_1522, %get3A_1523] {strides = array<i32>} : memref<64x128xf32, #tpu.memory_space<vmem>>, vector<1x16xf32>,
          %get3A_1525 = vector.shape_cast %get3A_1524 : vector<1x16xf32> to vector<16xf32>
          %mul3A_1526 = vector.broadcast %squeeze3A_1507 : f32 to vector<16xf32>
          %mul3A_1527 = arith.mulf %mul3A_1526, %get3A_1525 : vector<16xf32>
          %add3A_1528 = arith.addf %add3A_1466, %mul3A_1527 : vector<16xf32>
          %get3A_1529 = arith.index_cast %add3A_1505 : i32 to index
          %get3A_1530 = arith.constant 48 : index
          %get3A_1531 = tpu.vector_load %arg8[%get3A_1529, %get3A_1530] {strides = array<i32>} : memref<64x128xf32, #tpu.memory_space<vmem>>, vector<1x16xf32>,
          %get3A_1532 = vector.shape_cast %get3A_1531 : vector<1x16xf32> to vector<16xf32>
          %mul3A_1533 = vector.broadcast %squeeze3A_1507 : f32 to vector<16xf32>
          %mul3A_1534 = arith.mulf %mul3A_1533, %get3A_1532 : vector<16xf32>
          %add3A_1535 = arith.addf %add3A_1473, %mul3A_1534 : vector<16xf32>
          %get3A_1536 = arith.index_cast %add3A_1505 : i32 to index
          %get3A_1537 = arith.constant 64 : index
          %get3A_1538 = tpu.vector_load %arg8[%get3A_1536, %get3A_1537] {strides = array<i32>} : memref<64x128xf32, #tpu.memory_space<vmem>>, vector<1x16xf32>,
          %get3A_1539 = vector.shape_cast %get3A_1538 : vector<1x16xf32> to vector<16xf32>
          %mul3A_1540 = vector.broadcast %squeeze3A_1507 : f32 to vector<16xf32>
          %mul3A_1541 = arith.mulf %mul3A_1540, %get3A_1539 : vector<16xf32>
          %add3A_1542 = arith.addf %add3A_1480, %mul3A_1541 : vector<16xf32>
          %get3A_1543 = arith.index_cast %add3A_1505 : i32 to index
          %get3A_1544 = arith.constant 80 : index
          %get3A_1545 = tpu.vector_load %arg8[%get3A_1543, %get3A_1544] {strides = array<i32>} : memref<64x128xf32, #tpu.memory_space<vmem>>, vector<1x16xf32>,
          %get3A_1546 = vector.shape_cast %get3A_1545 : vector<1x16xf32> to vector<16xf32>
          %mul3A_1547 = vector.broadcast %squeeze3A_1507 : f32 to vector<16xf32>
          %mul3A_1548 = arith.mulf %mul3A_1547, %get3A_1546 : vector<16xf32>
          %add3A_1549 = arith.addf %add3A_1487, %mul3A_1548 : vector<16xf32>
          %get3A_1550 = arith.index_cast %add3A_1505 : i32 to index
          %get3A_1551 = arith.constant 96 : index
          %get3A_1552 = tpu.vector_load %arg8[%get3A_1550, %get3A_1551] {strides = array<i32>} : memref<64x128xf32, #tpu.memory_space<vmem>>, vector<1x16xf32>,
          %get3A_1553 = vector.shape_cast %get3A_1552 : vector<1x16xf32> to vector<16xf32>
          %mul3A_1554 = vector.broadcast %squeeze3A_1507 : f32 to vector<16xf32>
          %mul3A_1555 = arith.mulf %mul3A_1554, %get3A_1553 : vector<16xf32>
          %add3A_1556 = arith.addf %add3A_1494, %mul3A_1555 : vector<16xf32>
          %get3A_1557 = arith.index_cast %add3A_1505 : i32 to index
          %get3A_1558 = arith.constant 112 : index
          %get3A_1559 = tpu.vector_load %arg8[%get3A_1557, %get3A_1558] {strides = array<i32>} : memref<64x128xf32, #tpu.memory_space<vmem>>, vector<1x16xf32>,
          %get3A_1560 = vector.shape_cast %get3A_1559 : vector<1x16xf32> to vector<16xf32>
          %mul3A_1561 = vector.broadcast %squeeze3A_1507 : f32 to vector<16xf32>
          %mul3A_1562 = arith.mulf %mul3A_1561, %get3A_1560 : vector<16xf32>
          %add3A_1563 = arith.addf %add3A_1501, %mul3A_1562 : vector<16xf32>
          %mul3A_1564 = arith.constant 32 : i32
          %mul3A_1565 = arith.muli %scan3A_110, %mul3A_1564 : i32
          %add3A_1566 = arith.constant 23 : i32
          %add3A_1567 = arith.addi %mul3A_1565, %add3A_1566 : i32
          %slice3A_1568 = vector.extract_strided_slice %get3A_139 {offsets = [7], sizes = [1], strides = [1]} : vector<16xf32> to vector<1xf32>
          %squeeze3A_1569 = vector.extract %slice3A_1568[0] : f32 from vector<1xf32>
          %get3A_1570 = arith.index_cast %add3A_1567 : i32 to index
          %get3A_1571 = arith.constant 0 : index
          %get3A_1572 = tpu.vector_load %arg8[%get3A_1570, %get3A_1571] {strides = array<i32>} : memref<64x128xf32, #tpu.memory_space<vmem>>, vector<1x16xf32>,
          %get3A_1573 = vector.shape_cast %get3A_1572 : vector<1x16xf32> to vector<16xf32>
          %mul3A_1574 = vector.broadcast %squeeze3A_1569 : f32 to vector<16xf32>
          %mul3A_1575 = arith.mulf %mul3A_1574, %get3A_1573 : vector<16xf32>
          %add3A_1576 = arith.addf %add3A_1514, %mul3A_1575 : vector<16xf32>
          %get3A_1577 = arith.index_cast %add3A_1567 : i32 to index
          %get3A_1578 = arith.constant 16 : index
          %get3A_1579 = tpu.vector_load %arg8[%get3A_1577, %get3A_1578] {strides = array<i32>} : memref<64x128xf32, #tpu.memory_space<vmem>>, vector<1x16xf32>,
          %get3A_1580 = vector.shape_cast %get3A_1579 : vector<1x16xf32> to vector<16xf32>
          %mul3A_1581 = vector.broadcast %squeeze3A_1569 : f32 to vector<16xf32>
          %mul3A_1582 = arith.mulf %mul3A_1581, %get3A_1580 : vector<16xf32>
          %add3A_1583 = arith.addf %add3A_1521, %mul3A_1582 : vector<16xf32>
          %get3A_1584 = arith.index_cast %add3A_1567 : i32 to index
          %get3A_1585 = arith.constant 32 : index
          %get3A_1586 = tpu.vector_load %arg8[%get3A_1584, %get3A_1585] {strides = array<i32>} : memref<64x128xf32, #tpu.memory_space<vmem>>, vector<1x16xf32>,
          %get3A_1587 = vector.shape_cast %get3A_1586 : vector<1x16xf32> to vector<16xf32>
          %mul3A_1588 = vector.broadcast %squeeze3A_1569 : f32 to vector<16xf32>
          %mul3A_1589 = arith.mulf %mul3A_1588, %get3A_1587 : vector<16xf32>
          %add3A_1590 = arith.addf %add3A_1528, %mul3A_1589 : vector<16xf32>
          %get3A_1591 = arith.index_cast %add3A_1567 : i32 to index
          %get3A_1592 = arith.constant 48 : index
          %get3A_1593 = tpu.vector_load %arg8[%get3A_1591, %get3A_1592] {strides = array<i32>} : memref<64x128xf32, #tpu.memory_space<vmem>>, vector<1x16xf32>,
          %get3A_1594 = vector.shape_cast %get3A_1593 : vector<1x16xf32> to vector<16xf32>
          %mul3A_1595 = vector.broadcast %squeeze3A_1569 : f32 to vector<16xf32>
          %mul3A_1596 = arith.mulf %mul3A_1595, %get3A_1594 : vector<16xf32>
          %add3A_1597 = arith.addf %add3A_1535, %mul3A_1596 : vector<16xf32>
          %get3A_1598 = arith.index_cast %add3A_1567 : i32 to index
          %get3A_1599 = arith.constant 64 : index
          %get3A_1600 = tpu.vector_load %arg8[%get3A_1598, %get3A_1599] {strides = array<i32>} : memref<64x128xf32, #tpu.memory_space<vmem>>, vector<1x16xf32>,
          %get3A_1601 = vector.shape_cast %get3A_1600 : vector<1x16xf32> to vector<16xf32>
          %mul3A_1602 = vector.broadcast %squeeze3A_1569 : f32 to vector<16xf32>
          %mul3A_1603 = arith.mulf %mul3A_1602, %get3A_1601 : vector<16xf32>
          %add3A_1604 = arith.addf %add3A_1542, %mul3A_1603 : vector<16xf32>
          %get3A_1605 = arith.index_cast %add3A_1567 : i32 to index
          %get3A_1606 = arith.constant 80 : index
          %get3A_1607 = tpu.vector_load %arg8[%get3A_1605, %get3A_1606] {strides = array<i32>} : memref<64x128xf32, #tpu.memory_space<vmem>>, vector<1x16xf32>,
          %get3A_1608 = vector.shape_cast %get3A_1607 : vector<1x16xf32> to vector<16xf32>
          %mul3A_1609 = vector.broadcast %squeeze3A_1569 : f32 to vector<16xf32>
          %mul3A_1610 = arith.mulf %mul3A_1609, %get3A_1608 : vector<16xf32>
          %add3A_1611 = arith.addf %add3A_1549, %mul3A_1610 : vector<16xf32>
          %get3A_1612 = arith.index_cast %add3A_1567 : i32 to index
          %get3A_1613 = arith.constant 96 : index
          %get3A_1614 = tpu.vector_load %arg8[%get3A_1612, %get3A_1613] {strides = array<i32>} : memref<64x128xf32, #tpu.memory_space<vmem>>, vector<1x16xf32>,
          %get3A_1615 = vector.shape_cast %get3A_1614 : vector<1x16xf32> to vector<16xf32>
          %mul3A_1616 = vector.broadcast %squeeze3A_1569 : f32 to vector<16xf32>
          %mul3A_1617 = arith.mulf %mul3A_1616, %get3A_1615 : vector<16xf32>
          %add3A_1618 = arith.addf %add3A_1556, %mul3A_1617 : vector<16xf32>
          %get3A_1619 = arith.index_cast %add3A_1567 : i32 to index
          %get3A_1620 = arith.constant 112 : index
          %get3A_1621 = tpu.vector_load %arg8[%get3A_1619, %get3A_1620] {strides = array<i32>} : memref<64x128xf32, #tpu.memory_space<vmem>>, vector<1x16xf32>,
          %get3A_1622 = vector.shape_cast %get3A_1621 : vector<1x16xf32> to vector<16xf32>
          %mul3A_1623 = vector.broadcast %squeeze3A_1569 : f32 to vector<16xf32>
          %mul3A_1624 = arith.mulf %mul3A_1623, %get3A_1622 : vector<16xf32>
          %add3A_1625 = arith.addf %add3A_1563, %mul3A_1624 : vector<16xf32>
          %mul3A_1626 = arith.constant 32 : i32
          %mul3A_1627 = arith.muli %scan3A_110, %mul3A_1626 : i32
          %add3A_1628 = arith.constant 24 : i32
          %add3A_1629 = arith.addi %mul3A_1627, %add3A_1628 : i32
          %slice3A_1630 = vector.extract_strided_slice %get3A_139 {offsets = [8], sizes = [1], strides = [1]} : vector<16xf32> to vector<1xf32>
          %squeeze3A_1631 = vector.extract %slice3A_1630[0] : f32 from vector<1xf32>
          %get3A_1632 = arith.index_cast %add3A_1629 : i32 to index
          %get3A_1633 = arith.constant 0 : index
          %get3A_1634 = tpu.vector_load %arg8[%get3A_1632, %get3A_1633] {strides = array<i32>} : memref<64x128xf32, #tpu.memory_space<vmem>>, vector<1x16xf32>,
          %get3A_1635 = vector.shape_cast %get3A_1634 : vector<1x16xf32> to vector<16xf32>
          %mul3A_1636 = vector.broadcast %squeeze3A_1631 : f32 to vector<16xf32>
          %mul3A_1637 = arith.mulf %mul3A_1636, %get3A_1635 : vector<16xf32>
          %add3A_1638 = arith.addf %add3A_1576, %mul3A_1637 : vector<16xf32>
          %get3A_1639 = arith.index_cast %add3A_1629 : i32 to index
          %get3A_1640 = arith.constant 16 : index
          %get3A_1641 = tpu.vector_load %arg8[%get3A_1639, %get3A_1640] {strides = array<i32>} : memref<64x128xf32, #tpu.memory_space<vmem>>, vector<1x16xf32>,
          %get3A_1642 = vector.shape_cast %get3A_1641 : vector<1x16xf32> to vector<16xf32>
          %mul3A_1643 = vector.broadcast %squeeze3A_1631 : f32 to vector<16xf32>
          %mul3A_1644 = arith.mulf %mul3A_1643, %get3A_1642 : vector<16xf32>
          %add3A_1645 = arith.addf %add3A_1583, %mul3A_1644 : vector<16xf32>
          %get3A_1646 = arith.index_cast %add3A_1629 : i32 to index
          %get3A_1647 = arith.constant 32 : index
          %get3A_1648 = tpu.vector_load %arg8[%get3A_1646, %get3A_1647] {strides = array<i32>} : memref<64x128xf32, #tpu.memory_space<vmem>>, vector<1x16xf32>,
          %get3A_1649 = vector.shape_cast %get3A_1648 : vector<1x16xf32> to vector<16xf32>
          %mul3A_1650 = vector.broadcast %squeeze3A_1631 : f32 to vector<16xf32>
          %mul3A_1651 = arith.mulf %mul3A_1650, %get3A_1649 : vector<16xf32>
          %add3A_1652 = arith.addf %add3A_1590, %mul3A_1651 : vector<16xf32>
          %get3A_1653 = arith.index_cast %add3A_1629 : i32 to index
          %get3A_1654 = arith.constant 48 : index
          %get3A_1655 = tpu.vector_load %arg8[%get3A_1653, %get3A_1654] {strides = array<i32>} : memref<64x128xf32, #tpu.memory_space<vmem>>, vector<1x16xf32>,
          %get3A_1656 = vector.shape_cast %get3A_1655 : vector<1x16xf32> to vector<16xf32>
          %mul3A_1657 = vector.broadcast %squeeze3A_1631 : f32 to vector<16xf32>
          %mul3A_1658 = arith.mulf %mul3A_1657, %get3A_1656 : vector<16xf32>
          %add3A_1659 = arith.addf %add3A_1597, %mul3A_1658 : vector<16xf32>
          %get3A_1660 = arith.index_cast %add3A_1629 : i32 to index
          %get3A_1661 = arith.constant 64 : index
          %get3A_1662 = tpu.vector_load %arg8[%get3A_1660, %get3A_1661] {strides = array<i32>} : memref<64x128xf32, #tpu.memory_space<vmem>>, vector<1x16xf32>,
          %get3A_1663 = vector.shape_cast %get3A_1662 : vector<1x16xf32> to vector<16xf32>
          %mul3A_1664 = vector.broadcast %squeeze3A_1631 : f32 to vector<16xf32>
          %mul3A_1665 = arith.mulf %mul3A_1664, %get3A_1663 : vector<16xf32>
          %add3A_1666 = arith.addf %add3A_1604, %mul3A_1665 : vector<16xf32>
          %get3A_1667 = arith.index_cast %add3A_1629 : i32 to index
          %get3A_1668 = arith.constant 80 : index
          %get3A_1669 = tpu.vector_load %arg8[%get3A_1667, %get3A_1668] {strides = array<i32>} : memref<64x128xf32, #tpu.memory_space<vmem>>, vector<1x16xf32>,
          %get3A_1670 = vector.shape_cast %get3A_1669 : vector<1x16xf32> to vector<16xf32>
          %mul3A_1671 = vector.broadcast %squeeze3A_1631 : f32 to vector<16xf32>
          %mul3A_1672 = arith.mulf %mul3A_1671, %get3A_1670 : vector<16xf32>
          %add3A_1673 = arith.addf %add3A_1611, %mul3A_1672 : vector<16xf32>
          %get3A_1674 = arith.index_cast %add3A_1629 : i32 to index
          %get3A_1675 = arith.constant 96 : index
          %get3A_1676 = tpu.vector_load %arg8[%get3A_1674, %get3A_1675] {strides = array<i32>} : memref<64x128xf32, #tpu.memory_space<vmem>>, vector<1x16xf32>,
          %get3A_1677 = vector.shape_cast %get3A_1676 : vector<1x16xf32> to vector<16xf32>
          %mul3A_1678 = vector.broadcast %squeeze3A_1631 : f32 to vector<16xf32>
          %mul3A_1679 = arith.mulf %mul3A_1678, %get3A_1677 : vector<16xf32>
          %add3A_1680 = arith.addf %add3A_1618, %mul3A_1679 : vector<16xf32>
          %get3A_1681 = arith.index_cast %add3A_1629 : i32 to index
          %get3A_1682 = arith.constant 112 : index
          %get3A_1683 = tpu.vector_load %arg8[%get3A_1681, %get3A_1682] {strides = array<i32>} : memref<64x128xf32, #tpu.memory_space<vmem>>, vector<1x16xf32>,
          %get3A_1684 = vector.shape_cast %get3A_1683 : vector<1x16xf32> to vector<16xf32>
          %mul3A_1685 = vector.broadcast %squeeze3A_1631 : f32 to vector<16xf32>
          %mul3A_1686 = arith.mulf %mul3A_1685, %get3A_1684 : vector<16xf32>
          %add3A_1687 = arith.addf %add3A_1625, %mul3A_1686 : vector<16xf32>
          %mul3A_1688 = arith.constant 32 : i32
          %mul3A_1689 = arith.muli %scan3A_110, %mul3A_1688 : i32
          %add3A_1690 = arith.constant 25 : i32
          %add3A_1691 = arith.addi %mul3A_1689, %add3A_1690 : i32
          %slice3A_1692 = vector.extract_strided_slice %get3A_139 {offsets = [9], sizes = [1], strides = [1]} : vector<16xf32> to vector<1xf32>
          %squeeze3A_1693 = vector.extract %slice3A_1692[0] : f32 from vector<1xf32>
          %get3A_1694 = arith.index_cast %add3A_1691 : i32 to index
          %get3A_1695 = arith.constant 0 : index
          %get3A_1696 = tpu.vector_load %arg8[%get3A_1694, %get3A_1695] {strides = array<i32>} : memref<64x128xf32, #tpu.memory_space<vmem>>, vector<1x16xf32>,
          %get3A_1697 = vector.shape_cast %get3A_1696 : vector<1x16xf32> to vector<16xf32>
          %mul3A_1698 = vector.broadcast %squeeze3A_1693 : f32 to vector<16xf32>
          %mul3A_1699 = arith.mulf %mul3A_1698, %get3A_1697 : vector<16xf32>
          %add3A_1700 = arith.addf %add3A_1638, %mul3A_1699 : vector<16xf32>
          %get3A_1701 = arith.index_cast %add3A_1691 : i32 to index
          %get3A_1702 = arith.constant 16 : index
          %get3A_1703 = tpu.vector_load %arg8[%get3A_1701, %get3A_1702] {strides = array<i32>} : memref<64x128xf32, #tpu.memory_space<vmem>>, vector<1x16xf32>,
          %get3A_1704 = vector.shape_cast %get3A_1703 : vector<1x16xf32> to vector<16xf32>
          %mul3A_1705 = vector.broadcast %squeeze3A_1693 : f32 to vector<16xf32>
          %mul3A_1706 = arith.mulf %mul3A_1705, %get3A_1704 : vector<16xf32>
          %add3A_1707 = arith.addf %add3A_1645, %mul3A_1706 : vector<16xf32>
          %get3A_1708 = arith.index_cast %add3A_1691 : i32 to index
          %get3A_1709 = arith.constant 32 : index
          %get3A_1710 = tpu.vector_load %arg8[%get3A_1708, %get3A_1709] {strides = array<i32>} : memref<64x128xf32, #tpu.memory_space<vmem>>, vector<1x16xf32>,
          %get3A_1711 = vector.shape_cast %get3A_1710 : vector<1x16xf32> to vector<16xf32>
          %mul3A_1712 = vector.broadcast %squeeze3A_1693 : f32 to vector<16xf32>
          %mul3A_1713 = arith.mulf %mul3A_1712, %get3A_1711 : vector<16xf32>
          %add3A_1714 = arith.addf %add3A_1652, %mul3A_1713 : vector<16xf32>
          %get3A_1715 = arith.index_cast %add3A_1691 : i32 to index
          %get3A_1716 = arith.constant 48 : index
          %get3A_1717 = tpu.vector_load %arg8[%get3A_1715, %get3A_1716] {strides = array<i32>} : memref<64x128xf32, #tpu.memory_space<vmem>>, vector<1x16xf32>,
          %get3A_1718 = vector.shape_cast %get3A_1717 : vector<1x16xf32> to vector<16xf32>
          %mul3A_1719 = vector.broadcast %squeeze3A_1693 : f32 to vector<16xf32>
          %mul3A_1720 = arith.mulf %mul3A_1719, %get3A_1718 : vector<16xf32>
          %add3A_1721 = arith.addf %add3A_1659, %mul3A_1720 : vector<16xf32>
          %get3A_1722 = arith.index_cast %add3A_1691 : i32 to index
          %get3A_1723 = arith.constant 64 : index
          %get3A_1724 = tpu.vector_load %arg8[%get3A_1722, %get3A_1723] {strides = array<i32>} : memref<64x128xf32, #tpu.memory_space<vmem>>, vector<1x16xf32>,
          %get3A_1725 = vector.shape_cast %get3A_1724 : vector<1x16xf32> to vector<16xf32>
          %mul3A_1726 = vector.broadcast %squeeze3A_1693 : f32 to vector<16xf32>
          %mul3A_1727 = arith.mulf %mul3A_1726, %get3A_1725 : vector<16xf32>
          %add3A_1728 = arith.addf %add3A_1666, %mul3A_1727 : vector<16xf32>
          %get3A_1729 = arith.index_cast %add3A_1691 : i32 to index
          %get3A_1730 = arith.constant 80 : index
          %get3A_1731 = tpu.vector_load %arg8[%get3A_1729, %get3A_1730] {strides = array<i32>} : memref<64x128xf32, #tpu.memory_space<vmem>>, vector<1x16xf32>,
          %get3A_1732 = vector.shape_cast %get3A_1731 : vector<1x16xf32> to vector<16xf32>
          %mul3A_1733 = vector.broadcast %squeeze3A_1693 : f32 to vector<16xf32>
          %mul3A_1734 = arith.mulf %mul3A_1733, %get3A_1732 : vector<16xf32>
          %add3A_1735 = arith.addf %add3A_1673, %mul3A_1734 : vector<16xf32>
          %get3A_1736 = arith.index_cast %add3A_1691 : i32 to index
          %get3A_1737 = arith.constant 96 : index
          %get3A_1738 = tpu.vector_load %arg8[%get3A_1736, %get3A_1737] {strides = array<i32>} : memref<64x128xf32, #tpu.memory_space<vmem>>, vector<1x16xf32>,
          %get3A_1739 = vector.shape_cast %get3A_1738 : vector<1x16xf32> to vector<16xf32>
          %mul3A_1740 = vector.broadcast %squeeze3A_1693 : f32 to vector<16xf32>
          %mul3A_1741 = arith.mulf %mul3A_1740, %get3A_1739 : vector<16xf32>
          %add3A_1742 = arith.addf %add3A_1680, %mul3A_1741 : vector<16xf32>
          %get3A_1743 = arith.index_cast %add3A_1691 : i32 to index
          %get3A_1744 = arith.constant 112 : index
          %get3A_1745 = tpu.vector_load %arg8[%get3A_1743, %get3A_1744] {strides = array<i32>} : memref<64x128xf32, #tpu.memory_space<vmem>>, vector<1x16xf32>,
          %get3A_1746 = vector.shape_cast %get3A_1745 : vector<1x16xf32> to vector<16xf32>
          %mul3A_1747 = vector.broadcast %squeeze3A_1693 : f32 to vector<16xf32>
          %mul3A_1748 = arith.mulf %mul3A_1747, %get3A_1746 : vector<16xf32>
          %add3A_1749 = arith.addf %add3A_1687, %mul3A_1748 : vector<16xf32>
          %mul3A_1750 = arith.constant 32 : i32
          %mul3A_1751 = arith.muli %scan3A_110, %mul3A_1750 : i32
          %add3A_1752 = arith.constant 26 : i32
          %add3A_1753 = arith.addi %mul3A_1751, %add3A_1752 : i32
          %slice3A_1754 = vector.extract_strided_slice %get3A_139 {offsets = [10], sizes = [1], strides = [1]} : vector<16xf32> to vector<1xf32>
          %squeeze3A_1755 = vector.extract %slice3A_1754[0] : f32 from vector<1xf32>
          %get3A_1756 = arith.index_cast %add3A_1753 : i32 to index
          %get3A_1757 = arith.constant 0 : index
          %get3A_1758 = tpu.vector_load %arg8[%get3A_1756, %get3A_1757] {strides = array<i32>} : memref<64x128xf32, #tpu.memory_space<vmem>>, vector<1x16xf32>,
          %get3A_1759 = vector.shape_cast %get3A_1758 : vector<1x16xf32> to vector<16xf32>
          %mul3A_1760 = vector.broadcast %squeeze3A_1755 : f32 to vector<16xf32>
          %mul3A_1761 = arith.mulf %mul3A_1760, %get3A_1759 : vector<16xf32>
          %add3A_1762 = arith.addf %add3A_1700, %mul3A_1761 : vector<16xf32>
          %get3A_1763 = arith.index_cast %add3A_1753 : i32 to index
          %get3A_1764 = arith.constant 16 : index
          %get3A_1765 = tpu.vector_load %arg8[%get3A_1763, %get3A_1764] {strides = array<i32>} : memref<64x128xf32, #tpu.memory_space<vmem>>, vector<1x16xf32>,
          %get3A_1766 = vector.shape_cast %get3A_1765 : vector<1x16xf32> to vector<16xf32>
          %mul3A_1767 = vector.broadcast %squeeze3A_1755 : f32 to vector<16xf32>
          %mul3A_1768 = arith.mulf %mul3A_1767, %get3A_1766 : vector<16xf32>
          %add3A_1769 = arith.addf %add3A_1707, %mul3A_1768 : vector<16xf32>
          %get3A_1770 = arith.index_cast %add3A_1753 : i32 to index
          %get3A_1771 = arith.constant 32 : index
          %get3A_1772 = tpu.vector_load %arg8[%get3A_1770, %get3A_1771] {strides = array<i32>} : memref<64x128xf32, #tpu.memory_space<vmem>>, vector<1x16xf32>,
          %get3A_1773 = vector.shape_cast %get3A_1772 : vector<1x16xf32> to vector<16xf32>
          %mul3A_1774 = vector.broadcast %squeeze3A_1755 : f32 to vector<16xf32>
          %mul3A_1775 = arith.mulf %mul3A_1774, %get3A_1773 : vector<16xf32>
          %add3A_1776 = arith.addf %add3A_1714, %mul3A_1775 : vector<16xf32>
          %get3A_1777 = arith.index_cast %add3A_1753 : i32 to index
          %get3A_1778 = arith.constant 48 : index
          %get3A_1779 = tpu.vector_load %arg8[%get3A_1777, %get3A_1778] {strides = array<i32>} : memref<64x128xf32, #tpu.memory_space<vmem>>, vector<1x16xf32>,
          %get3A_1780 = vector.shape_cast %get3A_1779 : vector<1x16xf32> to vector<16xf32>
          %mul3A_1781 = vector.broadcast %squeeze3A_1755 : f32 to vector<16xf32>
          %mul3A_1782 = arith.mulf %mul3A_1781, %get3A_1780 : vector<16xf32>
          %add3A_1783 = arith.addf %add3A_1721, %mul3A_1782 : vector<16xf32>
          %get3A_1784 = arith.index_cast %add3A_1753 : i32 to index
          %get3A_1785 = arith.constant 64 : index
          %get3A_1786 = tpu.vector_load %arg8[%get3A_1784, %get3A_1785] {strides = array<i32>} : memref<64x128xf32, #tpu.memory_space<vmem>>, vector<1x16xf32>,
          %get3A_1787 = vector.shape_cast %get3A_1786 : vector<1x16xf32> to vector<16xf32>
          %mul3A_1788 = vector.broadcast %squeeze3A_1755 : f32 to vector<16xf32>
          %mul3A_1789 = arith.mulf %mul3A_1788, %get3A_1787 : vector<16xf32>
          %add3A_1790 = arith.addf %add3A_1728, %mul3A_1789 : vector<16xf32>
          %get3A_1791 = arith.index_cast %add3A_1753 : i32 to index
          %get3A_1792 = arith.constant 80 : index
          %get3A_1793 = tpu.vector_load %arg8[%get3A_1791, %get3A_1792] {strides = array<i32>} : memref<64x128xf32, #tpu.memory_space<vmem>>, vector<1x16xf32>,
          %get3A_1794 = vector.shape_cast %get3A_1793 : vector<1x16xf32> to vector<16xf32>
          %mul3A_1795 = vector.broadcast %squeeze3A_1755 : f32 to vector<16xf32>
          %mul3A_1796 = arith.mulf %mul3A_1795, %get3A_1794 : vector<16xf32>
          %add3A_1797 = arith.addf %add3A_1735, %mul3A_1796 : vector<16xf32>
          %get3A_1798 = arith.index_cast %add3A_1753 : i32 to index
          %get3A_1799 = arith.constant 96 : index
          %get3A_1800 = tpu.vector_load %arg8[%get3A_1798, %get3A_1799] {strides = array<i32>} : memref<64x128xf32, #tpu.memory_space<vmem>>, vector<1x16xf32>,
          %get3A_1801 = vector.shape_cast %get3A_1800 : vector<1x16xf32> to vector<16xf32>
          %mul3A_1802 = vector.broadcast %squeeze3A_1755 : f32 to vector<16xf32>
          %mul3A_1803 = arith.mulf %mul3A_1802, %get3A_1801 : vector<16xf32>
          %add3A_1804 = arith.addf %add3A_1742, %mul3A_1803 : vector<16xf32>
          %get3A_1805 = arith.index_cast %add3A_1753 : i32 to index
          %get3A_1806 = arith.constant 112 : index
          %get3A_1807 = tpu.vector_load %arg8[%get3A_1805, %get3A_1806] {strides = array<i32>} : memref<64x128xf32, #tpu.memory_space<vmem>>, vector<1x16xf32>,
          %get3A_1808 = vector.shape_cast %get3A_1807 : vector<1x16xf32> to vector<16xf32>
          %mul3A_1809 = vector.broadcast %squeeze3A_1755 : f32 to vector<16xf32>
          %mul3A_1810 = arith.mulf %mul3A_1809, %get3A_1808 : vector<16xf32>
          %add3A_1811 = arith.addf %add3A_1749, %mul3A_1810 : vector<16xf32>
          %mul3A_1812 = arith.constant 32 : i32
          %mul3A_1813 = arith.muli %scan3A_110, %mul3A_1812 : i32
          %add3A_1814 = arith.constant 27 : i32
          %add3A_1815 = arith.addi %mul3A_1813, %add3A_1814 : i32
          %slice3A_1816 = vector.extract_strided_slice %get3A_139 {offsets = [11], sizes = [1], strides = [1]} : vector<16xf32> to vector<1xf32>
          %squeeze3A_1817 = vector.extract %slice3A_1816[0] : f32 from vector<1xf32>
          %get3A_1818 = arith.index_cast %add3A_1815 : i32 to index
          %get3A_1819 = arith.constant 0 : index
          %get3A_1820 = tpu.vector_load %arg8[%get3A_1818, %get3A_1819] {strides = array<i32>} : memref<64x128xf32, #tpu.memory_space<vmem>>, vector<1x16xf32>,
          %get3A_1821 = vector.shape_cast %get3A_1820 : vector<1x16xf32> to vector<16xf32>
          %mul3A_1822 = vector.broadcast %squeeze3A_1817 : f32 to vector<16xf32>
          %mul3A_1823 = arith.mulf %mul3A_1822, %get3A_1821 : vector<16xf32>
          %add3A_1824 = arith.addf %add3A_1762, %mul3A_1823 : vector<16xf32>
          %get3A_1825 = arith.index_cast %add3A_1815 : i32 to index
          %get3A_1826 = arith.constant 16 : index
          %get3A_1827 = tpu.vector_load %arg8[%get3A_1825, %get3A_1826] {strides = array<i32>} : memref<64x128xf32, #tpu.memory_space<vmem>>, vector<1x16xf32>,
          %get3A_1828 = vector.shape_cast %get3A_1827 : vector<1x16xf32> to vector<16xf32>
          %mul3A_1829 = vector.broadcast %squeeze3A_1817 : f32 to vector<16xf32>
          %mul3A_1830 = arith.mulf %mul3A_1829, %get3A_1828 : vector<16xf32>
          %add3A_1831 = arith.addf %add3A_1769, %mul3A_1830 : vector<16xf32>
          %get3A_1832 = arith.index_cast %add3A_1815 : i32 to index
          %get3A_1833 = arith.constant 32 : index
          %get3A_1834 = tpu.vector_load %arg8[%get3A_1832, %get3A_1833] {strides = array<i32>} : memref<64x128xf32, #tpu.memory_space<vmem>>, vector<1x16xf32>,
          %get3A_1835 = vector.shape_cast %get3A_1834 : vector<1x16xf32> to vector<16xf32>
          %mul3A_1836 = vector.broadcast %squeeze3A_1817 : f32 to vector<16xf32>
          %mul3A_1837 = arith.mulf %mul3A_1836, %get3A_1835 : vector<16xf32>
          %add3A_1838 = arith.addf %add3A_1776, %mul3A_1837 : vector<16xf32>
          %get3A_1839 = arith.index_cast %add3A_1815 : i32 to index
          %get3A_1840 = arith.constant 48 : index
          %get3A_1841 = tpu.vector_load %arg8[%get3A_1839, %get3A_1840] {strides = array<i32>} : memref<64x128xf32, #tpu.memory_space<vmem>>, vector<1x16xf32>,
          %get3A_1842 = vector.shape_cast %get3A_1841 : vector<1x16xf32> to vector<16xf32>
          %mul3A_1843 = vector.broadcast %squeeze3A_1817 : f32 to vector<16xf32>
          %mul3A_1844 = arith.mulf %mul3A_1843, %get3A_1842 : vector<16xf32>
          %add3A_1845 = arith.addf %add3A_1783, %mul3A_1844 : vector<16xf32>
          %get3A_1846 = arith.index_cast %add3A_1815 : i32 to index
          %get3A_1847 = arith.constant 64 : index
          %get3A_1848 = tpu.vector_load %arg8[%get3A_1846, %get3A_1847] {strides = array<i32>} : memref<64x128xf32, #tpu.memory_space<vmem>>, vector<1x16xf32>,
          %get3A_1849 = vector.shape_cast %get3A_1848 : vector<1x16xf32> to vector<16xf32>
          %mul3A_1850 = vector.broadcast %squeeze3A_1817 : f32 to vector<16xf32>
          %mul3A_1851 = arith.mulf %mul3A_1850, %get3A_1849 : vector<16xf32>
          %add3A_1852 = arith.addf %add3A_1790, %mul3A_1851 : vector<16xf32>
          %get3A_1853 = arith.index_cast %add3A_1815 : i32 to index
          %get3A_1854 = arith.constant 80 : index
          %get3A_1855 = tpu.vector_load %arg8[%get3A_1853, %get3A_1854] {strides = array<i32>} : memref<64x128xf32, #tpu.memory_space<vmem>>, vector<1x16xf32>,
          %get3A_1856 = vector.shape_cast %get3A_1855 : vector<1x16xf32> to vector<16xf32>
          %mul3A_1857 = vector.broadcast %squeeze3A_1817 : f32 to vector<16xf32>
          %mul3A_1858 = arith.mulf %mul3A_1857, %get3A_1856 : vector<16xf32>
          %add3A_1859 = arith.addf %add3A_1797, %mul3A_1858 : vector<16xf32>
          %get3A_1860 = arith.index_cast %add3A_1815 : i32 to index
          %get3A_1861 = arith.constant 96 : index
          %get3A_1862 = tpu.vector_load %arg8[%get3A_1860, %get3A_1861] {strides = array<i32>} : memref<64x128xf32, #tpu.memory_space<vmem>>, vector<1x16xf32>,
          %get3A_1863 = vector.shape_cast %get3A_1862 : vector<1x16xf32> to vector<16xf32>
          %mul3A_1864 = vector.broadcast %squeeze3A_1817 : f32 to vector<16xf32>
          %mul3A_1865 = arith.mulf %mul3A_1864, %get3A_1863 : vector<16xf32>
          %add3A_1866 = arith.addf %add3A_1804, %mul3A_1865 : vector<16xf32>
          %get3A_1867 = arith.index_cast %add3A_1815 : i32 to index
          %get3A_1868 = arith.constant 112 : index
          %get3A_1869 = tpu.vector_load %arg8[%get3A_1867, %get3A_1868] {strides = array<i32>} : memref<64x128xf32, #tpu.memory_space<vmem>>, vector<1x16xf32>,
          %get3A_1870 = vector.shape_cast %get3A_1869 : vector<1x16xf32> to vector<16xf32>
          %mul3A_1871 = vector.broadcast %squeeze3A_1817 : f32 to vector<16xf32>
          %mul3A_1872 = arith.mulf %mul3A_1871, %get3A_1870 : vector<16xf32>
          %add3A_1873 = arith.addf %add3A_1811, %mul3A_1872 : vector<16xf32>
          %mul3A_1874 = arith.constant 32 : i32
          %mul3A_1875 = arith.muli %scan3A_110, %mul3A_1874 : i32
          %add3A_1876 = arith.constant 28 : i32
          %add3A_1877 = arith.addi %mul3A_1875, %add3A_1876 : i32
          %slice3A_1878 = vector.extract_strided_slice %get3A_139 {offsets = [12], sizes = [1], strides = [1]} : vector<16xf32> to vector<1xf32>
          %squeeze3A_1879 = vector.extract %slice3A_1878[0] : f32 from vector<1xf32>
          %get3A_1880 = arith.index_cast %add3A_1877 : i32 to index
          %get3A_1881 = arith.constant 0 : index
          %get3A_1882 = tpu.vector_load %arg8[%get3A_1880, %get3A_1881] {strides = array<i32>} : memref<64x128xf32, #tpu.memory_space<vmem>>, vector<1x16xf32>,
          %get3A_1883 = vector.shape_cast %get3A_1882 : vector<1x16xf32> to vector<16xf32>
          %mul3A_1884 = vector.broadcast %squeeze3A_1879 : f32 to vector<16xf32>
          %mul3A_1885 = arith.mulf %mul3A_1884, %get3A_1883 : vector<16xf32>
          %add3A_1886 = arith.addf %add3A_1824, %mul3A_1885 : vector<16xf32>
          %get3A_1887 = arith.index_cast %add3A_1877 : i32 to index
          %get3A_1888 = arith.constant 16 : index
          %get3A_1889 = tpu.vector_load %arg8[%get3A_1887, %get3A_1888] {strides = array<i32>} : memref<64x128xf32, #tpu.memory_space<vmem>>, vector<1x16xf32>,
          %get3A_1890 = vector.shape_cast %get3A_1889 : vector<1x16xf32> to vector<16xf32>
          %mul3A_1891 = vector.broadcast %squeeze3A_1879 : f32 to vector<16xf32>
          %mul3A_1892 = arith.mulf %mul3A_1891, %get3A_1890 : vector<16xf32>
          %add3A_1893 = arith.addf %add3A_1831, %mul3A_1892 : vector<16xf32>
          %get3A_1894 = arith.index_cast %add3A_1877 : i32 to index
          %get3A_1895 = arith.constant 32 : index
          %get3A_1896 = tpu.vector_load %arg8[%get3A_1894, %get3A_1895] {strides = array<i32>} : memref<64x128xf32, #tpu.memory_space<vmem>>, vector<1x16xf32>,
          %get3A_1897 = vector.shape_cast %get3A_1896 : vector<1x16xf32> to vector<16xf32>
          %mul3A_1898 = vector.broadcast %squeeze3A_1879 : f32 to vector<16xf32>
          %mul3A_1899 = arith.mulf %mul3A_1898, %get3A_1897 : vector<16xf32>
          %add3A_1900 = arith.addf %add3A_1838, %mul3A_1899 : vector<16xf32>
          %get3A_1901 = arith.index_cast %add3A_1877 : i32 to index
          %get3A_1902 = arith.constant 48 : index
          %get3A_1903 = tpu.vector_load %arg8[%get3A_1901, %get3A_1902] {strides = array<i32>} : memref<64x128xf32, #tpu.memory_space<vmem>>, vector<1x16xf32>,
          %get3A_1904 = vector.shape_cast %get3A_1903 : vector<1x16xf32> to vector<16xf32>
          %mul3A_1905 = vector.broadcast %squeeze3A_1879 : f32 to vector<16xf32>
          %mul3A_1906 = arith.mulf %mul3A_1905, %get3A_1904 : vector<16xf32>
          %add3A_1907 = arith.addf %add3A_1845, %mul3A_1906 : vector<16xf32>
          %get3A_1908 = arith.index_cast %add3A_1877 : i32 to index
          %get3A_1909 = arith.constant 64 : index
          %get3A_1910 = tpu.vector_load %arg8[%get3A_1908, %get3A_1909] {strides = array<i32>} : memref<64x128xf32, #tpu.memory_space<vmem>>, vector<1x16xf32>,
          %get3A_1911 = vector.shape_cast %get3A_1910 : vector<1x16xf32> to vector<16xf32>
          %mul3A_1912 = vector.broadcast %squeeze3A_1879 : f32 to vector<16xf32>
          %mul3A_1913 = arith.mulf %mul3A_1912, %get3A_1911 : vector<16xf32>
          %add3A_1914 = arith.addf %add3A_1852, %mul3A_1913 : vector<16xf32>
          %get3A_1915 = arith.index_cast %add3A_1877 : i32 to index
          %get3A_1916 = arith.constant 80 : index
          %get3A_1917 = tpu.vector_load %arg8[%get3A_1915, %get3A_1916] {strides = array<i32>} : memref<64x128xf32, #tpu.memory_space<vmem>>, vector<1x16xf32>,
          %get3A_1918 = vector.shape_cast %get3A_1917 : vector<1x16xf32> to vector<16xf32>
          %mul3A_1919 = vector.broadcast %squeeze3A_1879 : f32 to vector<16xf32>
          %mul3A_1920 = arith.mulf %mul3A_1919, %get3A_1918 : vector<16xf32>
          %add3A_1921 = arith.addf %add3A_1859, %mul3A_1920 : vector<16xf32>
          %get3A_1922 = arith.index_cast %add3A_1877 : i32 to index
          %get3A_1923 = arith.constant 96 : index
          %get3A_1924 = tpu.vector_load %arg8[%get3A_1922, %get3A_1923] {strides = array<i32>} : memref<64x128xf32, #tpu.memory_space<vmem>>, vector<1x16xf32>,
          %get3A_1925 = vector.shape_cast %get3A_1924 : vector<1x16xf32> to vector<16xf32>
          %mul3A_1926 = vector.broadcast %squeeze3A_1879 : f32 to vector<16xf32>
          %mul3A_1927 = arith.mulf %mul3A_1926, %get3A_1925 : vector<16xf32>
          %add3A_1928 = arith.addf %add3A_1866, %mul3A_1927 : vector<16xf32>
          %get3A_1929 = arith.index_cast %add3A_1877 : i32 to index
          %get3A_1930 = arith.constant 112 : index
          %get3A_1931 = tpu.vector_load %arg8[%get3A_1929, %get3A_1930] {strides = array<i32>} : memref<64x128xf32, #tpu.memory_space<vmem>>, vector<1x16xf32>,
          %get3A_1932 = vector.shape_cast %get3A_1931 : vector<1x16xf32> to vector<16xf32>
          %mul3A_1933 = vector.broadcast %squeeze3A_1879 : f32 to vector<16xf32>
          %mul3A_1934 = arith.mulf %mul3A_1933, %get3A_1932 : vector<16xf32>
          %add3A_1935 = arith.addf %add3A_1873, %mul3A_1934 : vector<16xf32>
          %mul3A_1936 = arith.constant 32 : i32
          %mul3A_1937 = arith.muli %scan3A_110, %mul3A_1936 : i32
          %add3A_1938 = arith.constant 29 : i32
          %add3A_1939 = arith.addi %mul3A_1937, %add3A_1938 : i32
          %slice3A_1940 = vector.extract_strided_slice %get3A_139 {offsets = [13], sizes = [1], strides = [1]} : vector<16xf32> to vector<1xf32>
          %squeeze3A_1941 = vector.extract %slice3A_1940[0] : f32 from vector<1xf32>
          %get3A_1942 = arith.index_cast %add3A_1939 : i32 to index
          %get3A_1943 = arith.constant 0 : index
          %get3A_1944 = tpu.vector_load %arg8[%get3A_1942, %get3A_1943] {strides = array<i32>} : memref<64x128xf32, #tpu.memory_space<vmem>>, vector<1x16xf32>,
          %get3A_1945 = vector.shape_cast %get3A_1944 : vector<1x16xf32> to vector<16xf32>
          %mul3A_1946 = vector.broadcast %squeeze3A_1941 : f32 to vector<16xf32>
          %mul3A_1947 = arith.mulf %mul3A_1946, %get3A_1945 : vector<16xf32>
          %add3A_1948 = arith.addf %add3A_1886, %mul3A_1947 : vector<16xf32>
          %get3A_1949 = arith.index_cast %add3A_1939 : i32 to index
          %get3A_1950 = arith.constant 16 : index
          %get3A_1951 = tpu.vector_load %arg8[%get3A_1949, %get3A_1950] {strides = array<i32>} : memref<64x128xf32, #tpu.memory_space<vmem>>, vector<1x16xf32>,
          %get3A_1952 = vector.shape_cast %get3A_1951 : vector<1x16xf32> to vector<16xf32>
          %mul3A_1953 = vector.broadcast %squeeze3A_1941 : f32 to vector<16xf32>
          %mul3A_1954 = arith.mulf %mul3A_1953, %get3A_1952 : vector<16xf32>
          %add3A_1955 = arith.addf %add3A_1893, %mul3A_1954 : vector<16xf32>
          %get3A_1956 = arith.index_cast %add3A_1939 : i32 to index
          %get3A_1957 = arith.constant 32 : index
          %get3A_1958 = tpu.vector_load %arg8[%get3A_1956, %get3A_1957] {strides = array<i32>} : memref<64x128xf32, #tpu.memory_space<vmem>>, vector<1x16xf32>,
          %get3A_1959 = vector.shape_cast %get3A_1958 : vector<1x16xf32> to vector<16xf32>
          %mul3A_1960 = vector.broadcast %squeeze3A_1941 : f32 to vector<16xf32>
          %mul3A_1961 = arith.mulf %mul3A_1960, %get3A_1959 : vector<16xf32>
          %add3A_1962 = arith.addf %add3A_1900, %mul3A_1961 : vector<16xf32>
          %get3A_1963 = arith.index_cast %add3A_1939 : i32 to index
          %get3A_1964 = arith.constant 48 : index
          %get3A_1965 = tpu.vector_load %arg8[%get3A_1963, %get3A_1964] {strides = array<i32>} : memref<64x128xf32, #tpu.memory_space<vmem>>, vector<1x16xf32>,
          %get3A_1966 = vector.shape_cast %get3A_1965 : vector<1x16xf32> to vector<16xf32>
          %mul3A_1967 = vector.broadcast %squeeze3A_1941 : f32 to vector<16xf32>
          %mul3A_1968 = arith.mulf %mul3A_1967, %get3A_1966 : vector<16xf32>
          %add3A_1969 = arith.addf %add3A_1907, %mul3A_1968 : vector<16xf32>
          %get3A_1970 = arith.index_cast %add3A_1939 : i32 to index
          %get3A_1971 = arith.constant 64 : index
          %get3A_1972 = tpu.vector_load %arg8[%get3A_1970, %get3A_1971] {strides = array<i32>} : memref<64x128xf32, #tpu.memory_space<vmem>>, vector<1x16xf32>,
          %get3A_1973 = vector.shape_cast %get3A_1972 : vector<1x16xf32> to vector<16xf32>
          %mul3A_1974 = vector.broadcast %squeeze3A_1941 : f32 to vector<16xf32>
          %mul3A_1975 = arith.mulf %mul3A_1974, %get3A_1973 : vector<16xf32>
          %add3A_1976 = arith.addf %add3A_1914, %mul3A_1975 : vector<16xf32>
          %get3A_1977 = arith.index_cast %add3A_1939 : i32 to index
          %get3A_1978 = arith.constant 80 : index
          %get3A_1979 = tpu.vector_load %arg8[%get3A_1977, %get3A_1978] {strides = array<i32>} : memref<64x128xf32, #tpu.memory_space<vmem>>, vector<1x16xf32>,
          %get3A_1980 = vector.shape_cast %get3A_1979 : vector<1x16xf32> to vector<16xf32>
          %mul3A_1981 = vector.broadcast %squeeze3A_1941 : f32 to vector<16xf32>
          %mul3A_1982 = arith.mulf %mul3A_1981, %get3A_1980 : vector<16xf32>
          %add3A_1983 = arith.addf %add3A_1921, %mul3A_1982 : vector<16xf32>
          %get3A_1984 = arith.index_cast %add3A_1939 : i32 to index
          %get3A_1985 = arith.constant 96 : index
          %get3A_1986 = tpu.vector_load %arg8[%get3A_1984, %get3A_1985] {strides = array<i32>} : memref<64x128xf32, #tpu.memory_space<vmem>>, vector<1x16xf32>,
          %get3A_1987 = vector.shape_cast %get3A_1986 : vector<1x16xf32> to vector<16xf32>
          %mul3A_1988 = vector.broadcast %squeeze3A_1941 : f32 to vector<16xf32>
          %mul3A_1989 = arith.mulf %mul3A_1988, %get3A_1987 : vector<16xf32>
          %add3A_1990 = arith.addf %add3A_1928, %mul3A_1989 : vector<16xf32>
          %get3A_1991 = arith.index_cast %add3A_1939 : i32 to index
          %get3A_1992 = arith.constant 112 : index
          %get3A_1993 = tpu.vector_load %arg8[%get3A_1991, %get3A_1992] {strides = array<i32>} : memref<64x128xf32, #tpu.memory_space<vmem>>, vector<1x16xf32>,
          %get3A_1994 = vector.shape_cast %get3A_1993 : vector<1x16xf32> to vector<16xf32>
          %mul3A_1995 = vector.broadcast %squeeze3A_1941 : f32 to vector<16xf32>
          %mul3A_1996 = arith.mulf %mul3A_1995, %get3A_1994 : vector<16xf32>
          %add3A_1997 = arith.addf %add3A_1935, %mul3A_1996 : vector<16xf32>
          %mul3A_1998 = arith.constant 32 : i32
          %mul3A_1999 = arith.muli %scan3A_110, %mul3A_1998 : i32
          %add3A_2000 = arith.constant 30 : i32
          %add3A_2001 = arith.addi %mul3A_1999, %add3A_2000 : i32
          %slice3A_2002 = vector.extract_strided_slice %get3A_139 {offsets = [14], sizes = [1], strides = [1]} : vector<16xf32> to vector<1xf32>
          %squeeze3A_2003 = vector.extract %slice3A_2002[0] : f32 from vector<1xf32>
          %get3A_2004 = arith.index_cast %add3A_2001 : i32 to index
          %get3A_2005 = arith.constant 0 : index
          %get3A_2006 = tpu.vector_load %arg8[%get3A_2004, %get3A_2005] {strides = array<i32>} : memref<64x128xf32, #tpu.memory_space<vmem>>, vector<1x16xf32>,
          %get3A_2007 = vector.shape_cast %get3A_2006 : vector<1x16xf32> to vector<16xf32>
          %mul3A_2008 = vector.broadcast %squeeze3A_2003 : f32 to vector<16xf32>
          %mul3A_2009 = arith.mulf %mul3A_2008, %get3A_2007 : vector<16xf32>
          %add3A_2010 = arith.addf %add3A_1948, %mul3A_2009 : vector<16xf32>
          %get3A_2011 = arith.index_cast %add3A_2001 : i32 to index
          %get3A_2012 = arith.constant 16 : index
          %get3A_2013 = tpu.vector_load %arg8[%get3A_2011, %get3A_2012] {strides = array<i32>} : memref<64x128xf32, #tpu.memory_space<vmem>>, vector<1x16xf32>,
          %get3A_2014 = vector.shape_cast %get3A_2013 : vector<1x16xf32> to vector<16xf32>
          %mul3A_2015 = vector.broadcast %squeeze3A_2003 : f32 to vector<16xf32>
          %mul3A_2016 = arith.mulf %mul3A_2015, %get3A_2014 : vector<16xf32>
          %add3A_2017 = arith.addf %add3A_1955, %mul3A_2016 : vector<16xf32>
          %get3A_2018 = arith.index_cast %add3A_2001 : i32 to index
          %get3A_2019 = arith.constant 32 : index
          %get3A_2020 = tpu.vector_load %arg8[%get3A_2018, %get3A_2019] {strides = array<i32>} : memref<64x128xf32, #tpu.memory_space<vmem>>, vector<1x16xf32>,
          %get3A_2021 = vector.shape_cast %get3A_2020 : vector<1x16xf32> to vector<16xf32>
          %mul3A_2022 = vector.broadcast %squeeze3A_2003 : f32 to vector<16xf32>
          %mul3A_2023 = arith.mulf %mul3A_2022, %get3A_2021 : vector<16xf32>
          %add3A_2024 = arith.addf %add3A_1962, %mul3A_2023 : vector<16xf32>
          %get3A_2025 = arith.index_cast %add3A_2001 : i32 to index
          %get3A_2026 = arith.constant 48 : index
          %get3A_2027 = tpu.vector_load %arg8[%get3A_2025, %get3A_2026] {strides = array<i32>} : memref<64x128xf32, #tpu.memory_space<vmem>>, vector<1x16xf32>,
          %get3A_2028 = vector.shape_cast %get3A_2027 : vector<1x16xf32> to vector<16xf32>
          %mul3A_2029 = vector.broadcast %squeeze3A_2003 : f32 to vector<16xf32>
          %mul3A_2030 = arith.mulf %mul3A_2029, %get3A_2028 : vector<16xf32>
          %add3A_2031 = arith.addf %add3A_1969, %mul3A_2030 : vector<16xf32>
          %get3A_2032 = arith.index_cast %add3A_2001 : i32 to index
          %get3A_2033 = arith.constant 64 : index
          %get3A_2034 = tpu.vector_load %arg8[%get3A_2032, %get3A_2033] {strides = array<i32>} : memref<64x128xf32, #tpu.memory_space<vmem>>, vector<1x16xf32>,
          %get3A_2035 = vector.shape_cast %get3A_2034 : vector<1x16xf32> to vector<16xf32>
          %mul3A_2036 = vector.broadcast %squeeze3A_2003 : f32 to vector<16xf32>
          %mul3A_2037 = arith.mulf %mul3A_2036, %get3A_2035 : vector<16xf32>
          %add3A_2038 = arith.addf %add3A_1976, %mul3A_2037 : vector<16xf32>
          %get3A_2039 = arith.index_cast %add3A_2001 : i32 to index
          %get3A_2040 = arith.constant 80 : index
          %get3A_2041 = tpu.vector_load %arg8[%get3A_2039, %get3A_2040] {strides = array<i32>} : memref<64x128xf32, #tpu.memory_space<vmem>>, vector<1x16xf32>,
          %get3A_2042 = vector.shape_cast %get3A_2041 : vector<1x16xf32> to vector<16xf32>
          %mul3A_2043 = vector.broadcast %squeeze3A_2003 : f32 to vector<16xf32>
          %mul3A_2044 = arith.mulf %mul3A_2043, %get3A_2042 : vector<16xf32>
          %add3A_2045 = arith.addf %add3A_1983, %mul3A_2044 : vector<16xf32>
          %get3A_2046 = arith.index_cast %add3A_2001 : i32 to index
          %get3A_2047 = arith.constant 96 : index
          %get3A_2048 = tpu.vector_load %arg8[%get3A_2046, %get3A_2047] {strides = array<i32>} : memref<64x128xf32, #tpu.memory_space<vmem>>, vector<1x16xf32>,
          %get3A_2049 = vector.shape_cast %get3A_2048 : vector<1x16xf32> to vector<16xf32>
          %mul3A_2050 = vector.broadcast %squeeze3A_2003 : f32 to vector<16xf32>
          %mul3A_2051 = arith.mulf %mul3A_2050, %get3A_2049 : vector<16xf32>
          %add3A_2052 = arith.addf %add3A_1990, %mul3A_2051 : vector<16xf32>
          %get3A_2053 = arith.index_cast %add3A_2001 : i32 to index
          %get3A_2054 = arith.constant 112 : index
          %get3A_2055 = tpu.vector_load %arg8[%get3A_2053, %get3A_2054] {strides = array<i32>} : memref<64x128xf32, #tpu.memory_space<vmem>>, vector<1x16xf32>,
          %get3A_2056 = vector.shape_cast %get3A_2055 : vector<1x16xf32> to vector<16xf32>
          %mul3A_2057 = vector.broadcast %squeeze3A_2003 : f32 to vector<16xf32>
          %mul3A_2058 = arith.mulf %mul3A_2057, %get3A_2056 : vector<16xf32>
          %add3A_2059 = arith.addf %add3A_1997, %mul3A_2058 : vector<16xf32>
          %mul3A_2060 = arith.constant 32 : i32
          %mul3A_2061 = arith.muli %scan3A_110, %mul3A_2060 : i32
          %add3A_2062 = arith.constant 31 : i32
          %add3A_2063 = arith.addi %mul3A_2061, %add3A_2062 : i32
          %slice3A_2064 = vector.extract_strided_slice %get3A_139 {offsets = [15], sizes = [1], strides = [1]} : vector<16xf32> to vector<1xf32>
          %squeeze3A_2065 = vector.extract %slice3A_2064[0] : f32 from vector<1xf32>
          %get3A_2066 = arith.index_cast %add3A_2063 : i32 to index
          %get3A_2067 = arith.constant 0 : index
          %get3A_2068 = tpu.vector_load %arg8[%get3A_2066, %get3A_2067] {strides = array<i32>} : memref<64x128xf32, #tpu.memory_space<vmem>>, vector<1x16xf32>,
          %get3A_2069 = vector.shape_cast %get3A_2068 : vector<1x16xf32> to vector<16xf32>
          %mul3A_2070 = vector.broadcast %squeeze3A_2065 : f32 to vector<16xf32>
          %mul3A_2071 = arith.mulf %mul3A_2070, %get3A_2069 : vector<16xf32>
          %add3A_2072 = arith.addf %add3A_2010, %mul3A_2071 : vector<16xf32>
          %get3A_2073 = arith.index_cast %add3A_2063 : i32 to index
          %get3A_2074 = arith.constant 16 : index
          %get3A_2075 = tpu.vector_load %arg8[%get3A_2073, %get3A_2074] {strides = array<i32>} : memref<64x128xf32, #tpu.memory_space<vmem>>, vector<1x16xf32>,
          %get3A_2076 = vector.shape_cast %get3A_2075 : vector<1x16xf32> to vector<16xf32>
          %mul3A_2077 = vector.broadcast %squeeze3A_2065 : f32 to vector<16xf32>
          %mul3A_2078 = arith.mulf %mul3A_2077, %get3A_2076 : vector<16xf32>
          %add3A_2079 = arith.addf %add3A_2017, %mul3A_2078 : vector<16xf32>
          %get3A_2080 = arith.index_cast %add3A_2063 : i32 to index
          %get3A_2081 = arith.constant 32 : index
          %get3A_2082 = tpu.vector_load %arg8[%get3A_2080, %get3A_2081] {strides = array<i32>} : memref<64x128xf32, #tpu.memory_space<vmem>>, vector<1x16xf32>,
          %get3A_2083 = vector.shape_cast %get3A_2082 : vector<1x16xf32> to vector<16xf32>
          %mul3A_2084 = vector.broadcast %squeeze3A_2065 : f32 to vector<16xf32>
          %mul3A_2085 = arith.mulf %mul3A_2084, %get3A_2083 : vector<16xf32>
          %add3A_2086 = arith.addf %add3A_2024, %mul3A_2085 : vector<16xf32>
          %get3A_2087 = arith.index_cast %add3A_2063 : i32 to index
          %get3A_2088 = arith.constant 48 : index
          %get3A_2089 = tpu.vector_load %arg8[%get3A_2087, %get3A_2088] {strides = array<i32>} : memref<64x128xf32, #tpu.memory_space<vmem>>, vector<1x16xf32>,
          %get3A_2090 = vector.shape_cast %get3A_2089 : vector<1x16xf32> to vector<16xf32>
          %mul3A_2091 = vector.broadcast %squeeze3A_2065 : f32 to vector<16xf32>
          %mul3A_2092 = arith.mulf %mul3A_2091, %get3A_2090 : vector<16xf32>
          %add3A_2093 = arith.addf %add3A_2031, %mul3A_2092 : vector<16xf32>
          %get3A_2094 = arith.index_cast %add3A_2063 : i32 to index
          %get3A_2095 = arith.constant 64 : index
          %get3A_2096 = tpu.vector_load %arg8[%get3A_2094, %get3A_2095] {strides = array<i32>} : memref<64x128xf32, #tpu.memory_space<vmem>>, vector<1x16xf32>,
          %get3A_2097 = vector.shape_cast %get3A_2096 : vector<1x16xf32> to vector<16xf32>
          %mul3A_2098 = vector.broadcast %squeeze3A_2065 : f32 to vector<16xf32>
          %mul3A_2099 = arith.mulf %mul3A_2098, %get3A_2097 : vector<16xf32>
          %add3A_2100 = arith.addf %add3A_2038, %mul3A_2099 : vector<16xf32>
          %get3A_2101 = arith.index_cast %add3A_2063 : i32 to index
          %get3A_2102 = arith.constant 80 : index
          %get3A_2103 = tpu.vector_load %arg8[%get3A_2101, %get3A_2102] {strides = array<i32>} : memref<64x128xf32, #tpu.memory_space<vmem>>, vector<1x16xf32>,
          %get3A_2104 = vector.shape_cast %get3A_2103 : vector<1x16xf32> to vector<16xf32>
          %mul3A_2105 = vector.broadcast %squeeze3A_2065 : f32 to vector<16xf32>
          %mul3A_2106 = arith.mulf %mul3A_2105, %get3A_2104 : vector<16xf32>
          %add3A_2107 = arith.addf %add3A_2045, %mul3A_2106 : vector<16xf32>
          %get3A_2108 = arith.index_cast %add3A_2063 : i32 to index
          %get3A_2109 = arith.constant 96 : index
          %get3A_2110 = tpu.vector_load %arg8[%get3A_2108, %get3A_2109] {strides = array<i32>} : memref<64x128xf32, #tpu.memory_space<vmem>>, vector<1x16xf32>,
          %get3A_2111 = vector.shape_cast %get3A_2110 : vector<1x16xf32> to vector<16xf32>
          %mul3A_2112 = vector.broadcast %squeeze3A_2065 : f32 to vector<16xf32>
          %mul3A_2113 = arith.mulf %mul3A_2112, %get3A_2111 : vector<16xf32>
          %add3A_2114 = arith.addf %add3A_2052, %mul3A_2113 : vector<16xf32>
          %get3A_2115 = arith.index_cast %add3A_2063 : i32 to index
          %get3A_2116 = arith.constant 112 : index
          %get3A_2117 = tpu.vector_load %arg8[%get3A_2115, %get3A_2116] {strides = array<i32>} : memref<64x128xf32, #tpu.memory_space<vmem>>, vector<1x16xf32>,
          %get3A_2118 = vector.shape_cast %get3A_2117 : vector<1x16xf32> to vector<16xf32>
          %mul3A_2119 = vector.broadcast %squeeze3A_2065 : f32 to vector<16xf32>
          %mul3A_2120 = arith.mulf %mul3A_2119, %get3A_2118 : vector<16xf32>
          %add3A_2121 = arith.addf %add3A_2059, %mul3A_2120 : vector<16xf32>
          %mul3A_2122 = arith.constant 2 : i32
          %mul3A_2123 = arith.muli %scan3A_58, %mul3A_2122 : i32
          %add3A_2124 = arith.constant 0 : i32
          %add3A_2125 = arith.addi %mul3A_2123, %add3A_2124 : i32
          %mul3A_2126 = arith.constant 2 : i32
          %mul3A_2127 = arith.muli %add3A_2125, %mul3A_2126 : i32
          %add3A_2128 = arith.addi %mul3A_2127, %scan3A_110 : i32
          %swap3A = arith.index_cast %add3A_2128 : i32 to index
          %swap3A_2129 = arith.constant 0 : index
          %swap3A_2130 = tpu.vector_load %arg10[%swap3A, %swap3A_2129] {strides = array<i32>} : memref<32x128xf32, #tpu.memory_space<vmem>>, vector<1x16xf32>,
          %swap3A_2131 = vector.shape_cast %swap3A_2130 : vector<1x16xf32> to vector<16xf32>
          %swap3A_2132 = vector.shape_cast %add3A_2072 : vector<16xf32> to vector<1x16xf32>
          tpu.vector_store %arg10[%swap3A, %swap3A_2129], %swap3A_2132 {strides = array<i32>} : memref<32x128xf32, #tpu.memory_space<vmem>>, vector<1x16xf32>,
          %swap3A_2133 = arith.index_cast %add3A_2128 : i32 to index
          %swap3A_2134 = arith.constant 16 : index
          %swap3A_2135 = tpu.vector_load %arg10[%swap3A_2133, %swap3A_2134] {strides = array<i32>} : memref<32x128xf32, #tpu.memory_space<vmem>>, vector<1x16xf32>,
          %swap3A_2136 = vector.shape_cast %swap3A_2135 : vector<1x16xf32> to vector<16xf32>
          %swap3A_2137 = vector.shape_cast %add3A_2079 : vector<16xf32> to vector<1x16xf32>
          tpu.vector_store %arg10[%swap3A_2133, %swap3A_2134], %swap3A_2137 {strides = array<i32>} : memref<32x128xf32, #tpu.memory_space<vmem>>, vector<1x16xf32>,
          %swap3A_2138 = arith.index_cast %add3A_2128 : i32 to index
          %swap3A_2139 = arith.constant 32 : index
          %swap3A_2140 = tpu.vector_load %arg10[%swap3A_2138, %swap3A_2139] {strides = array<i32>} : memref<32x128xf32, #tpu.memory_space<vmem>>, vector<1x16xf32>,
          %swap3A_2141 = vector.shape_cast %swap3A_2140 : vector<1x16xf32> to vector<16xf32>
          %swap3A_2142 = vector.shape_cast %add3A_2086 : vector<16xf32> to vector<1x16xf32>
          tpu.vector_store %arg10[%swap3A_2138, %swap3A_2139], %swap3A_2142 {strides = array<i32>} : memref<32x128xf32, #tpu.memory_space<vmem>>, vector<1x16xf32>,
          %swap3A_2143 = arith.index_cast %add3A_2128 : i32 to index
          %swap3A_2144 = arith.constant 48 : index
          %swap3A_2145 = tpu.vector_load %arg10[%swap3A_2143, %swap3A_2144] {strides = array<i32>} : memref<32x128xf32, #tpu.memory_space<vmem>>, vector<1x16xf32>,
          %swap3A_2146 = vector.shape_cast %swap3A_2145 : vector<1x16xf32> to vector<16xf32>
          %swap3A_2147 = vector.shape_cast %add3A_2093 : vector<16xf32> to vector<1x16xf32>
          tpu.vector_store %arg10[%swap3A_2143, %swap3A_2144], %swap3A_2147 {strides = array<i32>} : memref<32x128xf32, #tpu.memory_space<vmem>>, vector<1x16xf32>,
          %swap3A_2148 = arith.index_cast %add3A_2128 : i32 to index
          %swap3A_2149 = arith.constant 64 : index
          %swap3A_2150 = tpu.vector_load %arg10[%swap3A_2148, %swap3A_2149] {strides = array<i32>} : memref<32x128xf32, #tpu.memory_space<vmem>>, vector<1x16xf32>,
          %swap3A_2151 = vector.shape_cast %swap3A_2150 : vector<1x16xf32> to vector<16xf32>
          %swap3A_2152 = vector.shape_cast %add3A_2100 : vector<16xf32> to vector<1x16xf32>
          tpu.vector_store %arg10[%swap3A_2148, %swap3A_2149], %swap3A_2152 {strides = array<i32>} : memref<32x128xf32, #tpu.memory_space<vmem>>, vector<1x16xf32>,
          %swap3A_2153 = arith.index_cast %add3A_2128 : i32 to index
          %swap3A_2154 = arith.constant 80 : index
          %swap3A_2155 = tpu.vector_load %arg10[%swap3A_2153, %swap3A_2154] {strides = array<i32>} : memref<32x128xf32, #tpu.memory_space<vmem>>, vector<1x16xf32>,
          %swap3A_2156 = vector.shape_cast %swap3A_2155 : vector<1x16xf32> to vector<16xf32>
          %swap3A_2157 = vector.shape_cast %add3A_2107 : vector<16xf32> to vector<1x16xf32>
          tpu.vector_store %arg10[%swap3A_2153, %swap3A_2154], %swap3A_2157 {strides = array<i32>} : memref<32x128xf32, #tpu.memory_space<vmem>>, vector<1x16xf32>,
          %swap3A_2158 = arith.index_cast %add3A_2128 : i32 to index
          %swap3A_2159 = arith.constant 96 : index
          %swap3A_2160 = tpu.vector_load %arg10[%swap3A_2158, %swap3A_2159] {strides = array<i32>} : memref<32x128xf32, #tpu.memory_space<vmem>>, vector<1x16xf32>,
          %swap3A_2161 = vector.shape_cast %swap3A_2160 : vector<1x16xf32> to vector<16xf32>
          %swap3A_2162 = vector.shape_cast %add3A_2114 : vector<16xf32> to vector<1x16xf32>
          tpu.vector_store %arg10[%swap3A_2158, %swap3A_2159], %swap3A_2162 {strides = array<i32>} : memref<32x128xf32, #tpu.memory_space<vmem>>, vector<1x16xf32>,
          %swap3A_2163 = arith.index_cast %add3A_2128 : i32 to index
          %swap3A_2164 = arith.constant 112 : index
          %swap3A_2165 = tpu.vector_load %arg10[%swap3A_2163, %swap3A_2164] {strides = array<i32>} : memref<32x128xf32, #tpu.memory_space<vmem>>, vector<1x16xf32>,
          %swap3A_2166 = vector.shape_cast %swap3A_2165 : vector<1x16xf32> to vector<16xf32>
          %swap3A_2167 = vector.shape_cast %add3A_2121 : vector<16xf32> to vector<1x16xf32>
          tpu.vector_store %arg10[%swap3A_2163, %swap3A_2164], %swap3A_2167 {strides = array<i32>} : memref<32x128xf32, #tpu.memory_space<vmem>>, vector<1x16xf32>,
        }
        %scan3A_76 = arith.constant 2 : i32
        %add3A_77 = arith.constant 2 : i32
        %add3A_78 = arith.addi %add3A_65, %add3A_77 : i32
        %lt3A_79 = arith.constant 160 : i32
        %lt3A_80 = arith.cmpi slt, %add3A_78, %lt3A_79 : i32
        %convert_element_type3A_81 = arith.extui %lt3A_80 : i1 to i32
        %cond3A_82 = arith.constant 0 : i32
        %cond3A_83 = arith.cmpi ne, %convert_element_type3A_81, %cond3A_82 : i32
        scf.if %cond3A_83 {
          %add3A_110 = arith.constant 2 : i32
          %add3A_111 = arith.addi %add3A_65, %add3A_110 : i32
          %mul3A_112 = arith.constant 64 : i32
          %mul3A_113 = arith.muli %add3A_111, %mul3A_112 : i32
          %dma_start3A_114 = tpu.memref_slice %arg6[%mul3A_113] : memref<10240xi32, #tpu.memory_space<vmem>> -> memref<64xi32, #tpu.memory_space<vmem>>
          %dma_start3A_115 = arith.constant 0 : i32
          %dma_start3A_116 = arith.constant 0 : i32
          %dma_start3A_117 = tpu.memref_slice %arg11[%dma_start3A_115, %dma_start3A_116] : memref<10000x128xf32, #tpu.memory_space<vmem_shared>> -> memref<10000x128xf32, #tpu.memory_space<vmem_shared>>
          tpu.enqueue_indirect_dma source(%dma_start3A_117 : memref<10000x128xf32, #tpu.memory_space<vmem_shared>>) target(%arg8 : memref<64x128xf32, #tpu.memory_space<vmem>>) offsets(%dma_start3A_114 : memref<64xi32, #tpu.memory_space<vmem>>) semaphore(%arg12 : memref<!tpu.dma_semaphore, #tpu.memory_space<semaphore_mem>>)
        } else {
        }
        %mul3A_84 = arith.constant 16 : i32
        %mul3A_85 = arith.muli %scan3A_35, %mul3A_84 : i32
        %mul3A_86 = arith.constant 2 : i32
        %mul3A_87 = arith.muli %scan3A_58, %mul3A_86 : i32
        %add3A_88 = arith.addi %mul3A_85, %mul3A_87 : i32
        %add3A_89 = arith.constant 1 : i32
        %add3A_90 = arith.addi %add3A_88, %add3A_89 : i32
        %dma_wait3A_91 = arith.constant 0 : i32
        %dma_wait3A_92 = arith.constant 0 : i32
        %dma_wait3A_93 = tpu.memref_slice %arg2[%dma_wait3A_91, %dma_wait3A_92] : memref<10000x128xf32, #tpu.memory_space<hbm>> -> memref<64x128xf32, #tpu.memory_space<hbm>>
        %dma_wait3A_94 = arith.constant 0 : i32
        %dma_wait3A_95 = arith.constant 0 : i32
        %dma_wait3A_96 = tpu.memref_slice %arg2[%dma_wait3A_94, %dma_wait3A_95] : memref<10000x128xf32, #tpu.memory_space<hbm>> -> memref<64x128xf32, #tpu.memory_space<hbm>>
        tpu.wait_dma2 semaphore(%arg13 : memref<!tpu.dma_semaphore, #tpu.memory_space<semaphore_mem>>) src(%dma_wait3A_96 : memref<64x128xf32, #tpu.memory_space<hbm>>) dst(%arg9 : memref<64x128xf32, #tpu.memory_space<vmem>>)
        %scan3A_97 = arith.constant 0 : i32
        %scan3A_98 = arith.constant 0 : i32
        %scan3A_99 = arith.constant 2 : i32
        %scan3A_100 = arith.addi %scan3A_98, %scan3A_99 : i32
        %scan3A_101 = arith.constant 1 : i32
        scf.for %scan3A_110 = %scan3A_98 to %scan3A_100 step %scan3A_101  : i32 {
          %broadcast_in_dim3A = arith.constant 0.000000e+00 : f32
          %broadcast_in_dim3A_111 = vector.broadcast %broadcast_in_dim3A : f32 to vector<16xf32>
          %broadcast_in_dim3A_112 = arith.constant 0.000000e+00 : f32
          %broadcast_in_dim3A_113 = vector.broadcast %broadcast_in_dim3A_112 : f32 to vector<16xf32>
          %broadcast_in_dim3A_114 = arith.constant 0.000000e+00 : f32
          %broadcast_in_dim3A_115 = vector.broadcast %broadcast_in_dim3A_114 : f32 to vector<16xf32>
          %broadcast_in_dim3A_116 = arith.constant 0.000000e+00 : f32
          %broadcast_in_dim3A_117 = vector.broadcast %broadcast_in_dim3A_116 : f32 to vector<16xf32>
          %broadcast_in_dim3A_118 = arith.constant 0.000000e+00 : f32
          %broadcast_in_dim3A_119 = vector.broadcast %broadcast_in_dim3A_118 : f32 to vector<16xf32>
          %broadcast_in_dim3A_120 = arith.constant 0.000000e+00 : f32
          %broadcast_in_dim3A_121 = vector.broadcast %broadcast_in_dim3A_120 : f32 to vector<16xf32>
          %broadcast_in_dim3A_122 = arith.constant 0.000000e+00 : f32
          %broadcast_in_dim3A_123 = vector.broadcast %broadcast_in_dim3A_122 : f32 to vector<16xf32>
          %broadcast_in_dim3A_124 = arith.constant 0.000000e+00 : f32
          %broadcast_in_dim3A_125 = vector.broadcast %broadcast_in_dim3A_124 : f32 to vector<16xf32>
          %mul3A_126 = arith.constant 64 : i32
          %mul3A_127 = arith.muli %add3A_90, %mul3A_126 : i32
          %mul3A_128 = arith.constant 32 : i32
          %mul3A_129 = arith.muli %scan3A_110, %mul3A_128 : i32
          %add3A_130 = arith.addi %mul3A_127, %mul3A_129 : i32
          %add3A_131 = arith.constant 0 : i32
          %add3A_132 = arith.addi %add3A_130, %add3A_131 : i32
          %get3A = arith.index_cast %add3A_132 : i32 to index
          %get3A_133 = tpu.vector_load %arg7[%get3A] {strides = array<i32>} : memref<10240xf32, #tpu.memory_space<vmem>>, vector<16xf32>,
          %get3A_134 = vector.shape_cast %get3A_133 : vector<16xf32> to vector<16xf32>
          %add3A_135 = arith.constant 16 : i32
          %add3A_136 = arith.addi %add3A_130, %add3A_135 : i32
          %get3A_137 = arith.index_cast %add3A_136 : i32 to index
          %get3A_138 = tpu.vector_load %arg7[%get3A_137] {strides = array<i32>} : memref<10240xf32, #tpu.memory_space<vmem>>, vector<16xf32>,
          %get3A_139 = vector.shape_cast %get3A_138 : vector<16xf32> to vector<16xf32>
          %mul3A_140 = arith.constant 32 : i32
          %mul3A_141 = arith.muli %scan3A_110, %mul3A_140 : i32
          %add3A_142 = arith.constant 0 : i32
          %add3A_143 = arith.addi %mul3A_141, %add3A_142 : i32
          %slice3A = vector.extract_strided_slice %get3A_134 {offsets = [0], sizes = [1], strides = [1]} : vector<16xf32> to vector<1xf32>
          %squeeze3A = vector.extract %slice3A[0] : f32 from vector<1xf32>
          %get3A_144 = arith.index_cast %add3A_143 : i32 to index
          %get3A_145 = arith.constant 0 : index
          %get3A_146 = tpu.vector_load %arg9[%get3A_144, %get3A_145] {strides = array<i32>} : memref<64x128xf32, #tpu.memory_space<vmem>>, vector<1x16xf32>,
          %get3A_147 = vector.shape_cast %get3A_146 : vector<1x16xf32> to vector<16xf32>
          %mul3A_148 = vector.broadcast %squeeze3A : f32 to vector<16xf32>
          %mul3A_149 = arith.mulf %mul3A_148, %get3A_147 : vector<16xf32>
          %add3A_150 = arith.addf %broadcast_in_dim3A_111, %mul3A_149 : vector<16xf32>
          %get3A_151 = arith.index_cast %add3A_143 : i32 to index
          %get3A_152 = arith.constant 16 : index
          %get3A_153 = tpu.vector_load %arg9[%get3A_151, %get3A_152] {strides = array<i32>} : memref<64x128xf32, #tpu.memory_space<vmem>>, vector<1x16xf32>,
          %get3A_154 = vector.shape_cast %get3A_153 : vector<1x16xf32> to vector<16xf32>
          %mul3A_155 = vector.broadcast %squeeze3A : f32 to vector<16xf32>
          %mul3A_156 = arith.mulf %mul3A_155, %get3A_154 : vector<16xf32>
          %add3A_157 = arith.addf %broadcast_in_dim3A_113, %mul3A_156 : vector<16xf32>
          %get3A_158 = arith.index_cast %add3A_143 : i32 to index
          %get3A_159 = arith.constant 32 : index
          %get3A_160 = tpu.vector_load %arg9[%get3A_158, %get3A_159] {strides = array<i32>} : memref<64x128xf32, #tpu.memory_space<vmem>>, vector<1x16xf32>,
          %get3A_161 = vector.shape_cast %get3A_160 : vector<1x16xf32> to vector<16xf32>
          %mul3A_162 = vector.broadcast %squeeze3A : f32 to vector<16xf32>
          %mul3A_163 = arith.mulf %mul3A_162, %get3A_161 : vector<16xf32>
          %add3A_164 = arith.addf %broadcast_in_dim3A_115, %mul3A_163 : vector<16xf32>
          %get3A_165 = arith.index_cast %add3A_143 : i32 to index
          %get3A_166 = arith.constant 48 : index
          %get3A_167 = tpu.vector_load %arg9[%get3A_165, %get3A_166] {strides = array<i32>} : memref<64x128xf32, #tpu.memory_space<vmem>>, vector<1x16xf32>,
          %get3A_168 = vector.shape_cast %get3A_167 : vector<1x16xf32> to vector<16xf32>
          %mul3A_169 = vector.broadcast %squeeze3A : f32 to vector<16xf32>
          %mul3A_170 = arith.mulf %mul3A_169, %get3A_168 : vector<16xf32>
          %add3A_171 = arith.addf %broadcast_in_dim3A_117, %mul3A_170 : vector<16xf32>
          %get3A_172 = arith.index_cast %add3A_143 : i32 to index
          %get3A_173 = arith.constant 64 : index
          %get3A_174 = tpu.vector_load %arg9[%get3A_172, %get3A_173] {strides = array<i32>} : memref<64x128xf32, #tpu.memory_space<vmem>>, vector<1x16xf32>,
          %get3A_175 = vector.shape_cast %get3A_174 : vector<1x16xf32> to vector<16xf32>
          %mul3A_176 = vector.broadcast %squeeze3A : f32 to vector<16xf32>
          %mul3A_177 = arith.mulf %mul3A_176, %get3A_175 : vector<16xf32>
          %add3A_178 = arith.addf %broadcast_in_dim3A_119, %mul3A_177 : vector<16xf32>
          %get3A_179 = arith.index_cast %add3A_143 : i32 to index
          %get3A_180 = arith.constant 80 : index
          %get3A_181 = tpu.vector_load %arg9[%get3A_179, %get3A_180] {strides = array<i32>} : memref<64x128xf32, #tpu.memory_space<vmem>>, vector<1x16xf32>,
          %get3A_182 = vector.shape_cast %get3A_181 : vector<1x16xf32> to vector<16xf32>
          %mul3A_183 = vector.broadcast %squeeze3A : f32 to vector<16xf32>
          %mul3A_184 = arith.mulf %mul3A_183, %get3A_182 : vector<16xf32>
          %add3A_185 = arith.addf %broadcast_in_dim3A_121, %mul3A_184 : vector<16xf32>
          %get3A_186 = arith.index_cast %add3A_143 : i32 to index
          %get3A_187 = arith.constant 96 : index
          %get3A_188 = tpu.vector_load %arg9[%get3A_186, %get3A_187] {strides = array<i32>} : memref<64x128xf32, #tpu.memory_space<vmem>>, vector<1x16xf32>,
          %get3A_189 = vector.shape_cast %get3A_188 : vector<1x16xf32> to vector<16xf32>
          %mul3A_190 = vector.broadcast %squeeze3A : f32 to vector<16xf32>
          %mul3A_191 = arith.mulf %mul3A_190, %get3A_189 : vector<16xf32>
          %add3A_192 = arith.addf %broadcast_in_dim3A_123, %mul3A_191 : vector<16xf32>
          %get3A_193 = arith.index_cast %add3A_143 : i32 to index
          %get3A_194 = arith.constant 112 : index
          %get3A_195 = tpu.vector_load %arg9[%get3A_193, %get3A_194] {strides = array<i32>} : memref<64x128xf32, #tpu.memory_space<vmem>>, vector<1x16xf32>,
          %get3A_196 = vector.shape_cast %get3A_195 : vector<1x16xf32> to vector<16xf32>
          %mul3A_197 = vector.broadcast %squeeze3A : f32 to vector<16xf32>
          %mul3A_198 = arith.mulf %mul3A_197, %get3A_196 : vector<16xf32>
          %add3A_199 = arith.addf %broadcast_in_dim3A_125, %mul3A_198 : vector<16xf32>
          %mul3A_200 = arith.constant 32 : i32
          %mul3A_201 = arith.muli %scan3A_110, %mul3A_200 : i32
          %add3A_202 = arith.constant 1 : i32
          %add3A_203 = arith.addi %mul3A_201, %add3A_202 : i32
          %slice3A_204 = vector.extract_strided_slice %get3A_134 {offsets = [1], sizes = [1], strides = [1]} : vector<16xf32> to vector<1xf32>
          %squeeze3A_205 = vector.extract %slice3A_204[0] : f32 from vector<1xf32>
          %get3A_206 = arith.index_cast %add3A_203 : i32 to index
          %get3A_207 = arith.constant 0 : index
          %get3A_208 = tpu.vector_load %arg9[%get3A_206, %get3A_207] {strides = array<i32>} : memref<64x128xf32, #tpu.memory_space<vmem>>, vector<1x16xf32>,
          %get3A_209 = vector.shape_cast %get3A_208 : vector<1x16xf32> to vector<16xf32>
          %mul3A_210 = vector.broadcast %squeeze3A_205 : f32 to vector<16xf32>
          %mul3A_211 = arith.mulf %mul3A_210, %get3A_209 : vector<16xf32>
          %add3A_212 = arith.addf %add3A_150, %mul3A_211 : vector<16xf32>
          %get3A_213 = arith.index_cast %add3A_203 : i32 to index
          %get3A_214 = arith.constant 16 : index
          %get3A_215 = tpu.vector_load %arg9[%get3A_213, %get3A_214] {strides = array<i32>} : memref<64x128xf32, #tpu.memory_space<vmem>>, vector<1x16xf32>,
          %get3A_216 = vector.shape_cast %get3A_215 : vector<1x16xf32> to vector<16xf32>
          %mul3A_217 = vector.broadcast %squeeze3A_205 : f32 to vector<16xf32>
          %mul3A_218 = arith.mulf %mul3A_217, %get3A_216 : vector<16xf32>
          %add3A_219 = arith.addf %add3A_157, %mul3A_218 : vector<16xf32>
          %get3A_220 = arith.index_cast %add3A_203 : i32 to index
          %get3A_221 = arith.constant 32 : index
          %get3A_222 = tpu.vector_load %arg9[%get3A_220, %get3A_221] {strides = array<i32>} : memref<64x128xf32, #tpu.memory_space<vmem>>, vector<1x16xf32>,
          %get3A_223 = vector.shape_cast %get3A_222 : vector<1x16xf32> to vector<16xf32>
          %mul3A_224 = vector.broadcast %squeeze3A_205 : f32 to vector<16xf32>
          %mul3A_225 = arith.mulf %mul3A_224, %get3A_223 : vector<16xf32>
          %add3A_226 = arith.addf %add3A_164, %mul3A_225 : vector<16xf32>
          %get3A_227 = arith.index_cast %add3A_203 : i32 to index
          %get3A_228 = arith.constant 48 : index
          %get3A_229 = tpu.vector_load %arg9[%get3A_227, %get3A_228] {strides = array<i32>} : memref<64x128xf32, #tpu.memory_space<vmem>>, vector<1x16xf32>,
          %get3A_230 = vector.shape_cast %get3A_229 : vector<1x16xf32> to vector<16xf32>
          %mul3A_231 = vector.broadcast %squeeze3A_205 : f32 to vector<16xf32>
          %mul3A_232 = arith.mulf %mul3A_231, %get3A_230 : vector<16xf32>
          %add3A_233 = arith.addf %add3A_171, %mul3A_232 : vector<16xf32>
          %get3A_234 = arith.index_cast %add3A_203 : i32 to index
          %get3A_235 = arith.constant 64 : index
          %get3A_236 = tpu.vector_load %arg9[%get3A_234, %get3A_235] {strides = array<i32>} : memref<64x128xf32, #tpu.memory_space<vmem>>, vector<1x16xf32>,
          %get3A_237 = vector.shape_cast %get3A_236 : vector<1x16xf32> to vector<16xf32>
          %mul3A_238 = vector.broadcast %squeeze3A_205 : f32 to vector<16xf32>
          %mul3A_239 = arith.mulf %mul3A_238, %get3A_237 : vector<16xf32>
          %add3A_240 = arith.addf %add3A_178, %mul3A_239 : vector<16xf32>
          %get3A_241 = arith.index_cast %add3A_203 : i32 to index
          %get3A_242 = arith.constant 80 : index
          %get3A_243 = tpu.vector_load %arg9[%get3A_241, %get3A_242] {strides = array<i32>} : memref<64x128xf32, #tpu.memory_space<vmem>>, vector<1x16xf32>,
          %get3A_244 = vector.shape_cast %get3A_243 : vector<1x16xf32> to vector<16xf32>
          %mul3A_245 = vector.broadcast %squeeze3A_205 : f32 to vector<16xf32>
          %mul3A_246 = arith.mulf %mul3A_245, %get3A_244 : vector<16xf32>
          %add3A_247 = arith.addf %add3A_185, %mul3A_246 : vector<16xf32>
          %get3A_248 = arith.index_cast %add3A_203 : i32 to index
          %get3A_249 = arith.constant 96 : index
          %get3A_250 = tpu.vector_load %arg9[%get3A_248, %get3A_249] {strides = array<i32>} : memref<64x128xf32, #tpu.memory_space<vmem>>, vector<1x16xf32>,
          %get3A_251 = vector.shape_cast %get3A_250 : vector<1x16xf32> to vector<16xf32>
          %mul3A_252 = vector.broadcast %squeeze3A_205 : f32 to vector<16xf32>
          %mul3A_253 = arith.mulf %mul3A_252, %get3A_251 : vector<16xf32>
          %add3A_254 = arith.addf %add3A_192, %mul3A_253 : vector<16xf32>
          %get3A_255 = arith.index_cast %add3A_203 : i32 to index
          %get3A_256 = arith.constant 112 : index
          %get3A_257 = tpu.vector_load %arg9[%get3A_255, %get3A_256] {strides = array<i32>} : memref<64x128xf32, #tpu.memory_space<vmem>>, vector<1x16xf32>,
          %get3A_258 = vector.shape_cast %get3A_257 : vector<1x16xf32> to vector<16xf32>
          %mul3A_259 = vector.broadcast %squeeze3A_205 : f32 to vector<16xf32>
          %mul3A_260 = arith.mulf %mul3A_259, %get3A_258 : vector<16xf32>
          %add3A_261 = arith.addf %add3A_199, %mul3A_260 : vector<16xf32>
          %mul3A_262 = arith.constant 32 : i32
          %mul3A_263 = arith.muli %scan3A_110, %mul3A_262 : i32
          %add3A_264 = arith.constant 2 : i32
          %add3A_265 = arith.addi %mul3A_263, %add3A_264 : i32
          %slice3A_266 = vector.extract_strided_slice %get3A_134 {offsets = [2], sizes = [1], strides = [1]} : vector<16xf32> to vector<1xf32>
          %squeeze3A_267 = vector.extract %slice3A_266[0] : f32 from vector<1xf32>
          %get3A_268 = arith.index_cast %add3A_265 : i32 to index
          %get3A_269 = arith.constant 0 : index
          %get3A_270 = tpu.vector_load %arg9[%get3A_268, %get3A_269] {strides = array<i32>} : memref<64x128xf32, #tpu.memory_space<vmem>>, vector<1x16xf32>,
          %get3A_271 = vector.shape_cast %get3A_270 : vector<1x16xf32> to vector<16xf32>
          %mul3A_272 = vector.broadcast %squeeze3A_267 : f32 to vector<16xf32>
          %mul3A_273 = arith.mulf %mul3A_272, %get3A_271 : vector<16xf32>
          %add3A_274 = arith.addf %add3A_212, %mul3A_273 : vector<16xf32>
          %get3A_275 = arith.index_cast %add3A_265 : i32 to index
          %get3A_276 = arith.constant 16 : index
          %get3A_277 = tpu.vector_load %arg9[%get3A_275, %get3A_276] {strides = array<i32>} : memref<64x128xf32, #tpu.memory_space<vmem>>, vector<1x16xf32>,
          %get3A_278 = vector.shape_cast %get3A_277 : vector<1x16xf32> to vector<16xf32>
          %mul3A_279 = vector.broadcast %squeeze3A_267 : f32 to vector<16xf32>
          %mul3A_280 = arith.mulf %mul3A_279, %get3A_278 : vector<16xf32>
          %add3A_281 = arith.addf %add3A_219, %mul3A_280 : vector<16xf32>
          %get3A_282 = arith.index_cast %add3A_265 : i32 to index
          %get3A_283 = arith.constant 32 : index
          %get3A_284 = tpu.vector_load %arg9[%get3A_282, %get3A_283] {strides = array<i32>} : memref<64x128xf32, #tpu.memory_space<vmem>>, vector<1x16xf32>,
          %get3A_285 = vector.shape_cast %get3A_284 : vector<1x16xf32> to vector<16xf32>
          %mul3A_286 = vector.broadcast %squeeze3A_267 : f32 to vector<16xf32>
          %mul3A_287 = arith.mulf %mul3A_286, %get3A_285 : vector<16xf32>
          %add3A_288 = arith.addf %add3A_226, %mul3A_287 : vector<16xf32>
          %get3A_289 = arith.index_cast %add3A_265 : i32 to index
          %get3A_290 = arith.constant 48 : index
          %get3A_291 = tpu.vector_load %arg9[%get3A_289, %get3A_290] {strides = array<i32>} : memref<64x128xf32, #tpu.memory_space<vmem>>, vector<1x16xf32>,
          %get3A_292 = vector.shape_cast %get3A_291 : vector<1x16xf32> to vector<16xf32>
          %mul3A_293 = vector.broadcast %squeeze3A_267 : f32 to vector<16xf32>
          %mul3A_294 = arith.mulf %mul3A_293, %get3A_292 : vector<16xf32>
          %add3A_295 = arith.addf %add3A_233, %mul3A_294 : vector<16xf32>
          %get3A_296 = arith.index_cast %add3A_265 : i32 to index
          %get3A_297 = arith.constant 64 : index
          %get3A_298 = tpu.vector_load %arg9[%get3A_296, %get3A_297] {strides = array<i32>} : memref<64x128xf32, #tpu.memory_space<vmem>>, vector<1x16xf32>,
          %get3A_299 = vector.shape_cast %get3A_298 : vector<1x16xf32> to vector<16xf32>
          %mul3A_300 = vector.broadcast %squeeze3A_267 : f32 to vector<16xf32>
          %mul3A_301 = arith.mulf %mul3A_300, %get3A_299 : vector<16xf32>
          %add3A_302 = arith.addf %add3A_240, %mul3A_301 : vector<16xf32>
          %get3A_303 = arith.index_cast %add3A_265 : i32 to index
          %get3A_304 = arith.constant 80 : index
          %get3A_305 = tpu.vector_load %arg9[%get3A_303, %get3A_304] {strides = array<i32>} : memref<64x128xf32, #tpu.memory_space<vmem>>, vector<1x16xf32>,
          %get3A_306 = vector.shape_cast %get3A_305 : vector<1x16xf32> to vector<16xf32>
          %mul3A_307 = vector.broadcast %squeeze3A_267 : f32 to vector<16xf32>
          %mul3A_308 = arith.mulf %mul3A_307, %get3A_306 : vector<16xf32>
          %add3A_309 = arith.addf %add3A_247, %mul3A_308 : vector<16xf32>
          %get3A_310 = arith.index_cast %add3A_265 : i32 to index
          %get3A_311 = arith.constant 96 : index
          %get3A_312 = tpu.vector_load %arg9[%get3A_310, %get3A_311] {strides = array<i32>} : memref<64x128xf32, #tpu.memory_space<vmem>>, vector<1x16xf32>,
          %get3A_313 = vector.shape_cast %get3A_312 : vector<1x16xf32> to vector<16xf32>
          %mul3A_314 = vector.broadcast %squeeze3A_267 : f32 to vector<16xf32>
          %mul3A_315 = arith.mulf %mul3A_314, %get3A_313 : vector<16xf32>
          %add3A_316 = arith.addf %add3A_254, %mul3A_315 : vector<16xf32>
          %get3A_317 = arith.index_cast %add3A_265 : i32 to index
          %get3A_318 = arith.constant 112 : index
          %get3A_319 = tpu.vector_load %arg9[%get3A_317, %get3A_318] {strides = array<i32>} : memref<64x128xf32, #tpu.memory_space<vmem>>, vector<1x16xf32>,
          %get3A_320 = vector.shape_cast %get3A_319 : vector<1x16xf32> to vector<16xf32>
          %mul3A_321 = vector.broadcast %squeeze3A_267 : f32 to vector<16xf32>
          %mul3A_322 = arith.mulf %mul3A_321, %get3A_320 : vector<16xf32>
          %add3A_323 = arith.addf %add3A_261, %mul3A_322 : vector<16xf32>
          %mul3A_324 = arith.constant 32 : i32
          %mul3A_325 = arith.muli %scan3A_110, %mul3A_324 : i32
          %add3A_326 = arith.constant 3 : i32
          %add3A_327 = arith.addi %mul3A_325, %add3A_326 : i32
          %slice3A_328 = vector.extract_strided_slice %get3A_134 {offsets = [3], sizes = [1], strides = [1]} : vector<16xf32> to vector<1xf32>
          %squeeze3A_329 = vector.extract %slice3A_328[0] : f32 from vector<1xf32>
          %get3A_330 = arith.index_cast %add3A_327 : i32 to index
          %get3A_331 = arith.constant 0 : index
          %get3A_332 = tpu.vector_load %arg9[%get3A_330, %get3A_331] {strides = array<i32>} : memref<64x128xf32, #tpu.memory_space<vmem>>, vector<1x16xf32>,
          %get3A_333 = vector.shape_cast %get3A_332 : vector<1x16xf32> to vector<16xf32>
          %mul3A_334 = vector.broadcast %squeeze3A_329 : f32 to vector<16xf32>
          %mul3A_335 = arith.mulf %mul3A_334, %get3A_333 : vector<16xf32>
          %add3A_336 = arith.addf %add3A_274, %mul3A_335 : vector<16xf32>
          %get3A_337 = arith.index_cast %add3A_327 : i32 to index
          %get3A_338 = arith.constant 16 : index
          %get3A_339 = tpu.vector_load %arg9[%get3A_337, %get3A_338] {strides = array<i32>} : memref<64x128xf32, #tpu.memory_space<vmem>>, vector<1x16xf32>,
          %get3A_340 = vector.shape_cast %get3A_339 : vector<1x16xf32> to vector<16xf32>
          %mul3A_341 = vector.broadcast %squeeze3A_329 : f32 to vector<16xf32>
          %mul3A_342 = arith.mulf %mul3A_341, %get3A_340 : vector<16xf32>
          %add3A_343 = arith.addf %add3A_281, %mul3A_342 : vector<16xf32>
          %get3A_344 = arith.index_cast %add3A_327 : i32 to index
          %get3A_345 = arith.constant 32 : index
          %get3A_346 = tpu.vector_load %arg9[%get3A_344, %get3A_345] {strides = array<i32>} : memref<64x128xf32, #tpu.memory_space<vmem>>, vector<1x16xf32>,
          %get3A_347 = vector.shape_cast %get3A_346 : vector<1x16xf32> to vector<16xf32>
          %mul3A_348 = vector.broadcast %squeeze3A_329 : f32 to vector<16xf32>
          %mul3A_349 = arith.mulf %mul3A_348, %get3A_347 : vector<16xf32>
          %add3A_350 = arith.addf %add3A_288, %mul3A_349 : vector<16xf32>
          %get3A_351 = arith.index_cast %add3A_327 : i32 to index
          %get3A_352 = arith.constant 48 : index
          %get3A_353 = tpu.vector_load %arg9[%get3A_351, %get3A_352] {strides = array<i32>} : memref<64x128xf32, #tpu.memory_space<vmem>>, vector<1x16xf32>,
          %get3A_354 = vector.shape_cast %get3A_353 : vector<1x16xf32> to vector<16xf32>
          %mul3A_355 = vector.broadcast %squeeze3A_329 : f32 to vector<16xf32>
          %mul3A_356 = arith.mulf %mul3A_355, %get3A_354 : vector<16xf32>
          %add3A_357 = arith.addf %add3A_295, %mul3A_356 : vector<16xf32>
          %get3A_358 = arith.index_cast %add3A_327 : i32 to index
          %get3A_359 = arith.constant 64 : index
          %get3A_360 = tpu.vector_load %arg9[%get3A_358, %get3A_359] {strides = array<i32>} : memref<64x128xf32, #tpu.memory_space<vmem>>, vector<1x16xf32>,
          %get3A_361 = vector.shape_cast %get3A_360 : vector<1x16xf32> to vector<16xf32>
          %mul3A_362 = vector.broadcast %squeeze3A_329 : f32 to vector<16xf32>
          %mul3A_363 = arith.mulf %mul3A_362, %get3A_361 : vector<16xf32>
          %add3A_364 = arith.addf %add3A_302, %mul3A_363 : vector<16xf32>
          %get3A_365 = arith.index_cast %add3A_327 : i32 to index
          %get3A_366 = arith.constant 80 : index
          %get3A_367 = tpu.vector_load %arg9[%get3A_365, %get3A_366] {strides = array<i32>} : memref<64x128xf32, #tpu.memory_space<vmem>>, vector<1x16xf32>,
          %get3A_368 = vector.shape_cast %get3A_367 : vector<1x16xf32> to vector<16xf32>
          %mul3A_369 = vector.broadcast %squeeze3A_329 : f32 to vector<16xf32>
          %mul3A_370 = arith.mulf %mul3A_369, %get3A_368 : vector<16xf32>
          %add3A_371 = arith.addf %add3A_309, %mul3A_370 : vector<16xf32>
          %get3A_372 = arith.index_cast %add3A_327 : i32 to index
          %get3A_373 = arith.constant 96 : index
          %get3A_374 = tpu.vector_load %arg9[%get3A_372, %get3A_373] {strides = array<i32>} : memref<64x128xf32, #tpu.memory_space<vmem>>, vector<1x16xf32>,
          %get3A_375 = vector.shape_cast %get3A_374 : vector<1x16xf32> to vector<16xf32>
          %mul3A_376 = vector.broadcast %squeeze3A_329 : f32 to vector<16xf32>
          %mul3A_377 = arith.mulf %mul3A_376, %get3A_375 : vector<16xf32>
          %add3A_378 = arith.addf %add3A_316, %mul3A_377 : vector<16xf32>
          %get3A_379 = arith.index_cast %add3A_327 : i32 to index
          %get3A_380 = arith.constant 112 : index
          %get3A_381 = tpu.vector_load %arg9[%get3A_379, %get3A_380] {strides = array<i32>} : memref<64x128xf32, #tpu.memory_space<vmem>>, vector<1x16xf32>,
          %get3A_382 = vector.shape_cast %get3A_381 : vector<1x16xf32> to vector<16xf32>
          %mul3A_383 = vector.broadcast %squeeze3A_329 : f32 to vector<16xf32>
          %mul3A_384 = arith.mulf %mul3A_383, %get3A_382 : vector<16xf32>
          %add3A_385 = arith.addf %add3A_323, %mul3A_384 : vector<16xf32>
          %mul3A_386 = arith.constant 32 : i32
          %mul3A_387 = arith.muli %scan3A_110, %mul3A_386 : i32
          %add3A_388 = arith.constant 4 : i32
          %add3A_389 = arith.addi %mul3A_387, %add3A_388 : i32
          %slice3A_390 = vector.extract_strided_slice %get3A_134 {offsets = [4], sizes = [1], strides = [1]} : vector<16xf32> to vector<1xf32>
          %squeeze3A_391 = vector.extract %slice3A_390[0] : f32 from vector<1xf32>
          %get3A_392 = arith.index_cast %add3A_389 : i32 to index
          %get3A_393 = arith.constant 0 : index
          %get3A_394 = tpu.vector_load %arg9[%get3A_392, %get3A_393] {strides = array<i32>} : memref<64x128xf32, #tpu.memory_space<vmem>>, vector<1x16xf32>,
          %get3A_395 = vector.shape_cast %get3A_394 : vector<1x16xf32> to vector<16xf32>
          %mul3A_396 = vector.broadcast %squeeze3A_391 : f32 to vector<16xf32>
          %mul3A_397 = arith.mulf %mul3A_396, %get3A_395 : vector<16xf32>
          %add3A_398 = arith.addf %add3A_336, %mul3A_397 : vector<16xf32>
          %get3A_399 = arith.index_cast %add3A_389 : i32 to index
          %get3A_400 = arith.constant 16 : index
          %get3A_401 = tpu.vector_load %arg9[%get3A_399, %get3A_400] {strides = array<i32>} : memref<64x128xf32, #tpu.memory_space<vmem>>, vector<1x16xf32>,
          %get3A_402 = vector.shape_cast %get3A_401 : vector<1x16xf32> to vector<16xf32>
          %mul3A_403 = vector.broadcast %squeeze3A_391 : f32 to vector<16xf32>
          %mul3A_404 = arith.mulf %mul3A_403, %get3A_402 : vector<16xf32>
          %add3A_405 = arith.addf %add3A_343, %mul3A_404 : vector<16xf32>
          %get3A_406 = arith.index_cast %add3A_389 : i32 to index
          %get3A_407 = arith.constant 32 : index
          %get3A_408 = tpu.vector_load %arg9[%get3A_406, %get3A_407] {strides = array<i32>} : memref<64x128xf32, #tpu.memory_space<vmem>>, vector<1x16xf32>,
          %get3A_409 = vector.shape_cast %get3A_408 : vector<1x16xf32> to vector<16xf32>
          %mul3A_410 = vector.broadcast %squeeze3A_391 : f32 to vector<16xf32>
          %mul3A_411 = arith.mulf %mul3A_410, %get3A_409 : vector<16xf32>
          %add3A_412 = arith.addf %add3A_350, %mul3A_411 : vector<16xf32>
          %get3A_413 = arith.index_cast %add3A_389 : i32 to index
          %get3A_414 = arith.constant 48 : index
          %get3A_415 = tpu.vector_load %arg9[%get3A_413, %get3A_414] {strides = array<i32>} : memref<64x128xf32, #tpu.memory_space<vmem>>, vector<1x16xf32>,
          %get3A_416 = vector.shape_cast %get3A_415 : vector<1x16xf32> to vector<16xf32>
          %mul3A_417 = vector.broadcast %squeeze3A_391 : f32 to vector<16xf32>
          %mul3A_418 = arith.mulf %mul3A_417, %get3A_416 : vector<16xf32>
          %add3A_419 = arith.addf %add3A_357, %mul3A_418 : vector<16xf32>
          %get3A_420 = arith.index_cast %add3A_389 : i32 to index
          %get3A_421 = arith.constant 64 : index
          %get3A_422 = tpu.vector_load %arg9[%get3A_420, %get3A_421] {strides = array<i32>} : memref<64x128xf32, #tpu.memory_space<vmem>>, vector<1x16xf32>,
          %get3A_423 = vector.shape_cast %get3A_422 : vector<1x16xf32> to vector<16xf32>
          %mul3A_424 = vector.broadcast %squeeze3A_391 : f32 to vector<16xf32>
          %mul3A_425 = arith.mulf %mul3A_424, %get3A_423 : vector<16xf32>
          %add3A_426 = arith.addf %add3A_364, %mul3A_425 : vector<16xf32>
          %get3A_427 = arith.index_cast %add3A_389 : i32 to index
          %get3A_428 = arith.constant 80 : index
          %get3A_429 = tpu.vector_load %arg9[%get3A_427, %get3A_428] {strides = array<i32>} : memref<64x128xf32, #tpu.memory_space<vmem>>, vector<1x16xf32>,
          %get3A_430 = vector.shape_cast %get3A_429 : vector<1x16xf32> to vector<16xf32>
          %mul3A_431 = vector.broadcast %squeeze3A_391 : f32 to vector<16xf32>
          %mul3A_432 = arith.mulf %mul3A_431, %get3A_430 : vector<16xf32>
          %add3A_433 = arith.addf %add3A_371, %mul3A_432 : vector<16xf32>
          %get3A_434 = arith.index_cast %add3A_389 : i32 to index
          %get3A_435 = arith.constant 96 : index
          %get3A_436 = tpu.vector_load %arg9[%get3A_434, %get3A_435] {strides = array<i32>} : memref<64x128xf32, #tpu.memory_space<vmem>>, vector<1x16xf32>,
          %get3A_437 = vector.shape_cast %get3A_436 : vector<1x16xf32> to vector<16xf32>
          %mul3A_438 = vector.broadcast %squeeze3A_391 : f32 to vector<16xf32>
          %mul3A_439 = arith.mulf %mul3A_438, %get3A_437 : vector<16xf32>
          %add3A_440 = arith.addf %add3A_378, %mul3A_439 : vector<16xf32>
          %get3A_441 = arith.index_cast %add3A_389 : i32 to index
          %get3A_442 = arith.constant 112 : index
          %get3A_443 = tpu.vector_load %arg9[%get3A_441, %get3A_442] {strides = array<i32>} : memref<64x128xf32, #tpu.memory_space<vmem>>, vector<1x16xf32>,
          %get3A_444 = vector.shape_cast %get3A_443 : vector<1x16xf32> to vector<16xf32>
          %mul3A_445 = vector.broadcast %squeeze3A_391 : f32 to vector<16xf32>
          %mul3A_446 = arith.mulf %mul3A_445, %get3A_444 : vector<16xf32>
          %add3A_447 = arith.addf %add3A_385, %mul3A_446 : vector<16xf32>
          %mul3A_448 = arith.constant 32 : i32
          %mul3A_449 = arith.muli %scan3A_110, %mul3A_448 : i32
          %add3A_450 = arith.constant 5 : i32
          %add3A_451 = arith.addi %mul3A_449, %add3A_450 : i32
          %slice3A_452 = vector.extract_strided_slice %get3A_134 {offsets = [5], sizes = [1], strides = [1]} : vector<16xf32> to vector<1xf32>
          %squeeze3A_453 = vector.extract %slice3A_452[0] : f32 from vector<1xf32>
          %get3A_454 = arith.index_cast %add3A_451 : i32 to index
          %get3A_455 = arith.constant 0 : index
          %get3A_456 = tpu.vector_load %arg9[%get3A_454, %get3A_455] {strides = array<i32>} : memref<64x128xf32, #tpu.memory_space<vmem>>, vector<1x16xf32>,
          %get3A_457 = vector.shape_cast %get3A_456 : vector<1x16xf32> to vector<16xf32>
          %mul3A_458 = vector.broadcast %squeeze3A_453 : f32 to vector<16xf32>
          %mul3A_459 = arith.mulf %mul3A_458, %get3A_457 : vector<16xf32>
          %add3A_460 = arith.addf %add3A_398, %mul3A_459 : vector<16xf32>
          %get3A_461 = arith.index_cast %add3A_451 : i32 to index
          %get3A_462 = arith.constant 16 : index
          %get3A_463 = tpu.vector_load %arg9[%get3A_461, %get3A_462] {strides = array<i32>} : memref<64x128xf32, #tpu.memory_space<vmem>>, vector<1x16xf32>,
          %get3A_464 = vector.shape_cast %get3A_463 : vector<1x16xf32> to vector<16xf32>
          %mul3A_465 = vector.broadcast %squeeze3A_453 : f32 to vector<16xf32>
          %mul3A_466 = arith.mulf %mul3A_465, %get3A_464 : vector<16xf32>
          %add3A_467 = arith.addf %add3A_405, %mul3A_466 : vector<16xf32>
          %get3A_468 = arith.index_cast %add3A_451 : i32 to index
          %get3A_469 = arith.constant 32 : index
          %get3A_470 = tpu.vector_load %arg9[%get3A_468, %get3A_469] {strides = array<i32>} : memref<64x128xf32, #tpu.memory_space<vmem>>, vector<1x16xf32>,
          %get3A_471 = vector.shape_cast %get3A_470 : vector<1x16xf32> to vector<16xf32>
          %mul3A_472 = vector.broadcast %squeeze3A_453 : f32 to vector<16xf32>
          %mul3A_473 = arith.mulf %mul3A_472, %get3A_471 : vector<16xf32>
          %add3A_474 = arith.addf %add3A_412, %mul3A_473 : vector<16xf32>
          %get3A_475 = arith.index_cast %add3A_451 : i32 to index
          %get3A_476 = arith.constant 48 : index
          %get3A_477 = tpu.vector_load %arg9[%get3A_475, %get3A_476] {strides = array<i32>} : memref<64x128xf32, #tpu.memory_space<vmem>>, vector<1x16xf32>,
          %get3A_478 = vector.shape_cast %get3A_477 : vector<1x16xf32> to vector<16xf32>
          %mul3A_479 = vector.broadcast %squeeze3A_453 : f32 to vector<16xf32>
          %mul3A_480 = arith.mulf %mul3A_479, %get3A_478 : vector<16xf32>
          %add3A_481 = arith.addf %add3A_419, %mul3A_480 : vector<16xf32>
          %get3A_482 = arith.index_cast %add3A_451 : i32 to index
          %get3A_483 = arith.constant 64 : index
          %get3A_484 = tpu.vector_load %arg9[%get3A_482, %get3A_483] {strides = array<i32>} : memref<64x128xf32, #tpu.memory_space<vmem>>, vector<1x16xf32>,
          %get3A_485 = vector.shape_cast %get3A_484 : vector<1x16xf32> to vector<16xf32>
          %mul3A_486 = vector.broadcast %squeeze3A_453 : f32 to vector<16xf32>
          %mul3A_487 = arith.mulf %mul3A_486, %get3A_485 : vector<16xf32>
          %add3A_488 = arith.addf %add3A_426, %mul3A_487 : vector<16xf32>
          %get3A_489 = arith.index_cast %add3A_451 : i32 to index
          %get3A_490 = arith.constant 80 : index
          %get3A_491 = tpu.vector_load %arg9[%get3A_489, %get3A_490] {strides = array<i32>} : memref<64x128xf32, #tpu.memory_space<vmem>>, vector<1x16xf32>,
          %get3A_492 = vector.shape_cast %get3A_491 : vector<1x16xf32> to vector<16xf32>
          %mul3A_493 = vector.broadcast %squeeze3A_453 : f32 to vector<16xf32>
          %mul3A_494 = arith.mulf %mul3A_493, %get3A_492 : vector<16xf32>
          %add3A_495 = arith.addf %add3A_433, %mul3A_494 : vector<16xf32>
          %get3A_496 = arith.index_cast %add3A_451 : i32 to index
          %get3A_497 = arith.constant 96 : index
          %get3A_498 = tpu.vector_load %arg9[%get3A_496, %get3A_497] {strides = array<i32>} : memref<64x128xf32, #tpu.memory_space<vmem>>, vector<1x16xf32>,
          %get3A_499 = vector.shape_cast %get3A_498 : vector<1x16xf32> to vector<16xf32>
          %mul3A_500 = vector.broadcast %squeeze3A_453 : f32 to vector<16xf32>
          %mul3A_501 = arith.mulf %mul3A_500, %get3A_499 : vector<16xf32>
          %add3A_502 = arith.addf %add3A_440, %mul3A_501 : vector<16xf32>
          %get3A_503 = arith.index_cast %add3A_451 : i32 to index
          %get3A_504 = arith.constant 112 : index
          %get3A_505 = tpu.vector_load %arg9[%get3A_503, %get3A_504] {strides = array<i32>} : memref<64x128xf32, #tpu.memory_space<vmem>>, vector<1x16xf32>,
          %get3A_506 = vector.shape_cast %get3A_505 : vector<1x16xf32> to vector<16xf32>
          %mul3A_507 = vector.broadcast %squeeze3A_453 : f32 to vector<16xf32>
          %mul3A_508 = arith.mulf %mul3A_507, %get3A_506 : vector<16xf32>
          %add3A_509 = arith.addf %add3A_447, %mul3A_508 : vector<16xf32>
          %mul3A_510 = arith.constant 32 : i32
          %mul3A_511 = arith.muli %scan3A_110, %mul3A_510 : i32
          %add3A_512 = arith.constant 6 : i32
          %add3A_513 = arith.addi %mul3A_511, %add3A_512 : i32
          %slice3A_514 = vector.extract_strided_slice %get3A_134 {offsets = [6], sizes = [1], strides = [1]} : vector<16xf32> to vector<1xf32>
          %squeeze3A_515 = vector.extract %slice3A_514[0] : f32 from vector<1xf32>
          %get3A_516 = arith.index_cast %add3A_513 : i32 to index
          %get3A_517 = arith.constant 0 : index
          %get3A_518 = tpu.vector_load %arg9[%get3A_516, %get3A_517] {strides = array<i32>} : memref<64x128xf32, #tpu.memory_space<vmem>>, vector<1x16xf32>,
          %get3A_519 = vector.shape_cast %get3A_518 : vector<1x16xf32> to vector<16xf32>
          %mul3A_520 = vector.broadcast %squeeze3A_515 : f32 to vector<16xf32>
          %mul3A_521 = arith.mulf %mul3A_520, %get3A_519 : vector<16xf32>
          %add3A_522 = arith.addf %add3A_460, %mul3A_521 : vector<16xf32>
          %get3A_523 = arith.index_cast %add3A_513 : i32 to index
          %get3A_524 = arith.constant 16 : index
          %get3A_525 = tpu.vector_load %arg9[%get3A_523, %get3A_524] {strides = array<i32>} : memref<64x128xf32, #tpu.memory_space<vmem>>, vector<1x16xf32>,
          %get3A_526 = vector.shape_cast %get3A_525 : vector<1x16xf32> to vector<16xf32>
          %mul3A_527 = vector.broadcast %squeeze3A_515 : f32 to vector<16xf32>
          %mul3A_528 = arith.mulf %mul3A_527, %get3A_526 : vector<16xf32>
          %add3A_529 = arith.addf %add3A_467, %mul3A_528 : vector<16xf32>
          %get3A_530 = arith.index_cast %add3A_513 : i32 to index
          %get3A_531 = arith.constant 32 : index
          %get3A_532 = tpu.vector_load %arg9[%get3A_530, %get3A_531] {strides = array<i32>} : memref<64x128xf32, #tpu.memory_space<vmem>>, vector<1x16xf32>,
          %get3A_533 = vector.shape_cast %get3A_532 : vector<1x16xf32> to vector<16xf32>
          %mul3A_534 = vector.broadcast %squeeze3A_515 : f32 to vector<16xf32>
          %mul3A_535 = arith.mulf %mul3A_534, %get3A_533 : vector<16xf32>
          %add3A_536 = arith.addf %add3A_474, %mul3A_535 : vector<16xf32>
          %get3A_537 = arith.index_cast %add3A_513 : i32 to index
          %get3A_538 = arith.constant 48 : index
          %get3A_539 = tpu.vector_load %arg9[%get3A_537, %get3A_538] {strides = array<i32>} : memref<64x128xf32, #tpu.memory_space<vmem>>, vector<1x16xf32>,
          %get3A_540 = vector.shape_cast %get3A_539 : vector<1x16xf32> to vector<16xf32>
          %mul3A_541 = vector.broadcast %squeeze3A_515 : f32 to vector<16xf32>
          %mul3A_542 = arith.mulf %mul3A_541, %get3A_540 : vector<16xf32>
          %add3A_543 = arith.addf %add3A_481, %mul3A_542 : vector<16xf32>
          %get3A_544 = arith.index_cast %add3A_513 : i32 to index
          %get3A_545 = arith.constant 64 : index
          %get3A_546 = tpu.vector_load %arg9[%get3A_544, %get3A_545] {strides = array<i32>} : memref<64x128xf32, #tpu.memory_space<vmem>>, vector<1x16xf32>,
          %get3A_547 = vector.shape_cast %get3A_546 : vector<1x16xf32> to vector<16xf32>
          %mul3A_548 = vector.broadcast %squeeze3A_515 : f32 to vector<16xf32>
          %mul3A_549 = arith.mulf %mul3A_548, %get3A_547 : vector<16xf32>
          %add3A_550 = arith.addf %add3A_488, %mul3A_549 : vector<16xf32>
          %get3A_551 = arith.index_cast %add3A_513 : i32 to index
          %get3A_552 = arith.constant 80 : index
          %get3A_553 = tpu.vector_load %arg9[%get3A_551, %get3A_552] {strides = array<i32>} : memref<64x128xf32, #tpu.memory_space<vmem>>, vector<1x16xf32>,
          %get3A_554 = vector.shape_cast %get3A_553 : vector<1x16xf32> to vector<16xf32>
          %mul3A_555 = vector.broadcast %squeeze3A_515 : f32 to vector<16xf32>
          %mul3A_556 = arith.mulf %mul3A_555, %get3A_554 : vector<16xf32>
          %add3A_557 = arith.addf %add3A_495, %mul3A_556 : vector<16xf32>
          %get3A_558 = arith.index_cast %add3A_513 : i32 to index
          %get3A_559 = arith.constant 96 : index
          %get3A_560 = tpu.vector_load %arg9[%get3A_558, %get3A_559] {strides = array<i32>} : memref<64x128xf32, #tpu.memory_space<vmem>>, vector<1x16xf32>,
          %get3A_561 = vector.shape_cast %get3A_560 : vector<1x16xf32> to vector<16xf32>
          %mul3A_562 = vector.broadcast %squeeze3A_515 : f32 to vector<16xf32>
          %mul3A_563 = arith.mulf %mul3A_562, %get3A_561 : vector<16xf32>
          %add3A_564 = arith.addf %add3A_502, %mul3A_563 : vector<16xf32>
          %get3A_565 = arith.index_cast %add3A_513 : i32 to index
          %get3A_566 = arith.constant 112 : index
          %get3A_567 = tpu.vector_load %arg9[%get3A_565, %get3A_566] {strides = array<i32>} : memref<64x128xf32, #tpu.memory_space<vmem>>, vector<1x16xf32>,
          %get3A_568 = vector.shape_cast %get3A_567 : vector<1x16xf32> to vector<16xf32>
          %mul3A_569 = vector.broadcast %squeeze3A_515 : f32 to vector<16xf32>
          %mul3A_570 = arith.mulf %mul3A_569, %get3A_568 : vector<16xf32>
          %add3A_571 = arith.addf %add3A_509, %mul3A_570 : vector<16xf32>
          %mul3A_572 = arith.constant 32 : i32
          %mul3A_573 = arith.muli %scan3A_110, %mul3A_572 : i32
          %add3A_574 = arith.constant 7 : i32
          %add3A_575 = arith.addi %mul3A_573, %add3A_574 : i32
          %slice3A_576 = vector.extract_strided_slice %get3A_134 {offsets = [7], sizes = [1], strides = [1]} : vector<16xf32> to vector<1xf32>
          %squeeze3A_577 = vector.extract %slice3A_576[0] : f32 from vector<1xf32>
          %get3A_578 = arith.index_cast %add3A_575 : i32 to index
          %get3A_579 = arith.constant 0 : index
          %get3A_580 = tpu.vector_load %arg9[%get3A_578, %get3A_579] {strides = array<i32>} : memref<64x128xf32, #tpu.memory_space<vmem>>, vector<1x16xf32>,
          %get3A_581 = vector.shape_cast %get3A_580 : vector<1x16xf32> to vector<16xf32>
          %mul3A_582 = vector.broadcast %squeeze3A_577 : f32 to vector<16xf32>
          %mul3A_583 = arith.mulf %mul3A_582, %get3A_581 : vector<16xf32>
          %add3A_584 = arith.addf %add3A_522, %mul3A_583 : vector<16xf32>
          %get3A_585 = arith.index_cast %add3A_575 : i32 to index
          %get3A_586 = arith.constant 16 : index
          %get3A_587 = tpu.vector_load %arg9[%get3A_585, %get3A_586] {strides = array<i32>} : memref<64x128xf32, #tpu.memory_space<vmem>>, vector<1x16xf32>,
          %get3A_588 = vector.shape_cast %get3A_587 : vector<1x16xf32> to vector<16xf32>
          %mul3A_589 = vector.broadcast %squeeze3A_577 : f32 to vector<16xf32>
          %mul3A_590 = arith.mulf %mul3A_589, %get3A_588 : vector<16xf32>
          %add3A_591 = arith.addf %add3A_529, %mul3A_590 : vector<16xf32>
          %get3A_592 = arith.index_cast %add3A_575 : i32 to index
          %get3A_593 = arith.constant 32 : index
          %get3A_594 = tpu.vector_load %arg9[%get3A_592, %get3A_593] {strides = array<i32>} : memref<64x128xf32, #tpu.memory_space<vmem>>, vector<1x16xf32>,
          %get3A_595 = vector.shape_cast %get3A_594 : vector<1x16xf32> to vector<16xf32>
          %mul3A_596 = vector.broadcast %squeeze3A_577 : f32 to vector<16xf32>
          %mul3A_597 = arith.mulf %mul3A_596, %get3A_595 : vector<16xf32>
          %add3A_598 = arith.addf %add3A_536, %mul3A_597 : vector<16xf32>
          %get3A_599 = arith.index_cast %add3A_575 : i32 to index
          %get3A_600 = arith.constant 48 : index
          %get3A_601 = tpu.vector_load %arg9[%get3A_599, %get3A_600] {strides = array<i32>} : memref<64x128xf32, #tpu.memory_space<vmem>>, vector<1x16xf32>,
          %get3A_602 = vector.shape_cast %get3A_601 : vector<1x16xf32> to vector<16xf32>
          %mul3A_603 = vector.broadcast %squeeze3A_577 : f32 to vector<16xf32>
          %mul3A_604 = arith.mulf %mul3A_603, %get3A_602 : vector<16xf32>
          %add3A_605 = arith.addf %add3A_543, %mul3A_604 : vector<16xf32>
          %get3A_606 = arith.index_cast %add3A_575 : i32 to index
          %get3A_607 = arith.constant 64 : index
          %get3A_608 = tpu.vector_load %arg9[%get3A_606, %get3A_607] {strides = array<i32>} : memref<64x128xf32, #tpu.memory_space<vmem>>, vector<1x16xf32>,
          %get3A_609 = vector.shape_cast %get3A_608 : vector<1x16xf32> to vector<16xf32>
          %mul3A_610 = vector.broadcast %squeeze3A_577 : f32 to vector<16xf32>
          %mul3A_611 = arith.mulf %mul3A_610, %get3A_609 : vector<16xf32>
          %add3A_612 = arith.addf %add3A_550, %mul3A_611 : vector<16xf32>
          %get3A_613 = arith.index_cast %add3A_575 : i32 to index
          %get3A_614 = arith.constant 80 : index
          %get3A_615 = tpu.vector_load %arg9[%get3A_613, %get3A_614] {strides = array<i32>} : memref<64x128xf32, #tpu.memory_space<vmem>>, vector<1x16xf32>,
          %get3A_616 = vector.shape_cast %get3A_615 : vector<1x16xf32> to vector<16xf32>
          %mul3A_617 = vector.broadcast %squeeze3A_577 : f32 to vector<16xf32>
          %mul3A_618 = arith.mulf %mul3A_617, %get3A_616 : vector<16xf32>
          %add3A_619 = arith.addf %add3A_557, %mul3A_618 : vector<16xf32>
          %get3A_620 = arith.index_cast %add3A_575 : i32 to index
          %get3A_621 = arith.constant 96 : index
          %get3A_622 = tpu.vector_load %arg9[%get3A_620, %get3A_621] {strides = array<i32>} : memref<64x128xf32, #tpu.memory_space<vmem>>, vector<1x16xf32>,
          %get3A_623 = vector.shape_cast %get3A_622 : vector<1x16xf32> to vector<16xf32>
          %mul3A_624 = vector.broadcast %squeeze3A_577 : f32 to vector<16xf32>
          %mul3A_625 = arith.mulf %mul3A_624, %get3A_623 : vector<16xf32>
          %add3A_626 = arith.addf %add3A_564, %mul3A_625 : vector<16xf32>
          %get3A_627 = arith.index_cast %add3A_575 : i32 to index
          %get3A_628 = arith.constant 112 : index
          %get3A_629 = tpu.vector_load %arg9[%get3A_627, %get3A_628] {strides = array<i32>} : memref<64x128xf32, #tpu.memory_space<vmem>>, vector<1x16xf32>,
          %get3A_630 = vector.shape_cast %get3A_629 : vector<1x16xf32> to vector<16xf32>
          %mul3A_631 = vector.broadcast %squeeze3A_577 : f32 to vector<16xf32>
          %mul3A_632 = arith.mulf %mul3A_631, %get3A_630 : vector<16xf32>
          %add3A_633 = arith.addf %add3A_571, %mul3A_632 : vector<16xf32>
          %mul3A_634 = arith.constant 32 : i32
          %mul3A_635 = arith.muli %scan3A_110, %mul3A_634 : i32
          %add3A_636 = arith.constant 8 : i32
          %add3A_637 = arith.addi %mul3A_635, %add3A_636 : i32
          %slice3A_638 = vector.extract_strided_slice %get3A_134 {offsets = [8], sizes = [1], strides = [1]} : vector<16xf32> to vector<1xf32>
          %squeeze3A_639 = vector.extract %slice3A_638[0] : f32 from vector<1xf32>
          %get3A_640 = arith.index_cast %add3A_637 : i32 to index
          %get3A_641 = arith.constant 0 : index
          %get3A_642 = tpu.vector_load %arg9[%get3A_640, %get3A_641] {strides = array<i32>} : memref<64x128xf32, #tpu.memory_space<vmem>>, vector<1x16xf32>,
          %get3A_643 = vector.shape_cast %get3A_642 : vector<1x16xf32> to vector<16xf32>
          %mul3A_644 = vector.broadcast %squeeze3A_639 : f32 to vector<16xf32>
          %mul3A_645 = arith.mulf %mul3A_644, %get3A_643 : vector<16xf32>
          %add3A_646 = arith.addf %add3A_584, %mul3A_645 : vector<16xf32>
          %get3A_647 = arith.index_cast %add3A_637 : i32 to index
          %get3A_648 = arith.constant 16 : index
          %get3A_649 = tpu.vector_load %arg9[%get3A_647, %get3A_648] {strides = array<i32>} : memref<64x128xf32, #tpu.memory_space<vmem>>, vector<1x16xf32>,
          %get3A_650 = vector.shape_cast %get3A_649 : vector<1x16xf32> to vector<16xf32>
          %mul3A_651 = vector.broadcast %squeeze3A_639 : f32 to vector<16xf32>
          %mul3A_652 = arith.mulf %mul3A_651, %get3A_650 : vector<16xf32>
          %add3A_653 = arith.addf %add3A_591, %mul3A_652 : vector<16xf32>
          %get3A_654 = arith.index_cast %add3A_637 : i32 to index
          %get3A_655 = arith.constant 32 : index
          %get3A_656 = tpu.vector_load %arg9[%get3A_654, %get3A_655] {strides = array<i32>} : memref<64x128xf32, #tpu.memory_space<vmem>>, vector<1x16xf32>,
          %get3A_657 = vector.shape_cast %get3A_656 : vector<1x16xf32> to vector<16xf32>
          %mul3A_658 = vector.broadcast %squeeze3A_639 : f32 to vector<16xf32>
          %mul3A_659 = arith.mulf %mul3A_658, %get3A_657 : vector<16xf32>
          %add3A_660 = arith.addf %add3A_598, %mul3A_659 : vector<16xf32>
          %get3A_661 = arith.index_cast %add3A_637 : i32 to index
          %get3A_662 = arith.constant 48 : index
          %get3A_663 = tpu.vector_load %arg9[%get3A_661, %get3A_662] {strides = array<i32>} : memref<64x128xf32, #tpu.memory_space<vmem>>, vector<1x16xf32>,
          %get3A_664 = vector.shape_cast %get3A_663 : vector<1x16xf32> to vector<16xf32>
          %mul3A_665 = vector.broadcast %squeeze3A_639 : f32 to vector<16xf32>
          %mul3A_666 = arith.mulf %mul3A_665, %get3A_664 : vector<16xf32>
          %add3A_667 = arith.addf %add3A_605, %mul3A_666 : vector<16xf32>
          %get3A_668 = arith.index_cast %add3A_637 : i32 to index
          %get3A_669 = arith.constant 64 : index
          %get3A_670 = tpu.vector_load %arg9[%get3A_668, %get3A_669] {strides = array<i32>} : memref<64x128xf32, #tpu.memory_space<vmem>>, vector<1x16xf32>,
          %get3A_671 = vector.shape_cast %get3A_670 : vector<1x16xf32> to vector<16xf32>
          %mul3A_672 = vector.broadcast %squeeze3A_639 : f32 to vector<16xf32>
          %mul3A_673 = arith.mulf %mul3A_672, %get3A_671 : vector<16xf32>
          %add3A_674 = arith.addf %add3A_612, %mul3A_673 : vector<16xf32>
          %get3A_675 = arith.index_cast %add3A_637 : i32 to index
          %get3A_676 = arith.constant 80 : index
          %get3A_677 = tpu.vector_load %arg9[%get3A_675, %get3A_676] {strides = array<i32>} : memref<64x128xf32, #tpu.memory_space<vmem>>, vector<1x16xf32>,
          %get3A_678 = vector.shape_cast %get3A_677 : vector<1x16xf32> to vector<16xf32>
          %mul3A_679 = vector.broadcast %squeeze3A_639 : f32 to vector<16xf32>
          %mul3A_680 = arith.mulf %mul3A_679, %get3A_678 : vector<16xf32>
          %add3A_681 = arith.addf %add3A_619, %mul3A_680 : vector<16xf32>
          %get3A_682 = arith.index_cast %add3A_637 : i32 to index
          %get3A_683 = arith.constant 96 : index
          %get3A_684 = tpu.vector_load %arg9[%get3A_682, %get3A_683] {strides = array<i32>} : memref<64x128xf32, #tpu.memory_space<vmem>>, vector<1x16xf32>,
          %get3A_685 = vector.shape_cast %get3A_684 : vector<1x16xf32> to vector<16xf32>
          %mul3A_686 = vector.broadcast %squeeze3A_639 : f32 to vector<16xf32>
          %mul3A_687 = arith.mulf %mul3A_686, %get3A_685 : vector<16xf32>
          %add3A_688 = arith.addf %add3A_626, %mul3A_687 : vector<16xf32>
          %get3A_689 = arith.index_cast %add3A_637 : i32 to index
          %get3A_690 = arith.constant 112 : index
          %get3A_691 = tpu.vector_load %arg9[%get3A_689, %get3A_690] {strides = array<i32>} : memref<64x128xf32, #tpu.memory_space<vmem>>, vector<1x16xf32>,
          %get3A_692 = vector.shape_cast %get3A_691 : vector<1x16xf32> to vector<16xf32>
          %mul3A_693 = vector.broadcast %squeeze3A_639 : f32 to vector<16xf32>
          %mul3A_694 = arith.mulf %mul3A_693, %get3A_692 : vector<16xf32>
          %add3A_695 = arith.addf %add3A_633, %mul3A_694 : vector<16xf32>
          %mul3A_696 = arith.constant 32 : i32
          %mul3A_697 = arith.muli %scan3A_110, %mul3A_696 : i32
          %add3A_698 = arith.constant 9 : i32
          %add3A_699 = arith.addi %mul3A_697, %add3A_698 : i32
          %slice3A_700 = vector.extract_strided_slice %get3A_134 {offsets = [9], sizes = [1], strides = [1]} : vector<16xf32> to vector<1xf32>
          %squeeze3A_701 = vector.extract %slice3A_700[0] : f32 from vector<1xf32>
          %get3A_702 = arith.index_cast %add3A_699 : i32 to index
          %get3A_703 = arith.constant 0 : index
          %get3A_704 = tpu.vector_load %arg9[%get3A_702, %get3A_703] {strides = array<i32>} : memref<64x128xf32, #tpu.memory_space<vmem>>, vector<1x16xf32>,
          %get3A_705 = vector.shape_cast %get3A_704 : vector<1x16xf32> to vector<16xf32>
          %mul3A_706 = vector.broadcast %squeeze3A_701 : f32 to vector<16xf32>
          %mul3A_707 = arith.mulf %mul3A_706, %get3A_705 : vector<16xf32>
          %add3A_708 = arith.addf %add3A_646, %mul3A_707 : vector<16xf32>
          %get3A_709 = arith.index_cast %add3A_699 : i32 to index
          %get3A_710 = arith.constant 16 : index
          %get3A_711 = tpu.vector_load %arg9[%get3A_709, %get3A_710] {strides = array<i32>} : memref<64x128xf32, #tpu.memory_space<vmem>>, vector<1x16xf32>,
          %get3A_712 = vector.shape_cast %get3A_711 : vector<1x16xf32> to vector<16xf32>
          %mul3A_713 = vector.broadcast %squeeze3A_701 : f32 to vector<16xf32>
          %mul3A_714 = arith.mulf %mul3A_713, %get3A_712 : vector<16xf32>
          %add3A_715 = arith.addf %add3A_653, %mul3A_714 : vector<16xf32>
          %get3A_716 = arith.index_cast %add3A_699 : i32 to index
          %get3A_717 = arith.constant 32 : index
          %get3A_718 = tpu.vector_load %arg9[%get3A_716, %get3A_717] {strides = array<i32>} : memref<64x128xf32, #tpu.memory_space<vmem>>, vector<1x16xf32>,
          %get3A_719 = vector.shape_cast %get3A_718 : vector<1x16xf32> to vector<16xf32>
          %mul3A_720 = vector.broadcast %squeeze3A_701 : f32 to vector<16xf32>
          %mul3A_721 = arith.mulf %mul3A_720, %get3A_719 : vector<16xf32>
          %add3A_722 = arith.addf %add3A_660, %mul3A_721 : vector<16xf32>
          %get3A_723 = arith.index_cast %add3A_699 : i32 to index
          %get3A_724 = arith.constant 48 : index
          %get3A_725 = tpu.vector_load %arg9[%get3A_723, %get3A_724] {strides = array<i32>} : memref<64x128xf32, #tpu.memory_space<vmem>>, vector<1x16xf32>,
          %get3A_726 = vector.shape_cast %get3A_725 : vector<1x16xf32> to vector<16xf32>
          %mul3A_727 = vector.broadcast %squeeze3A_701 : f32 to vector<16xf32>
          %mul3A_728 = arith.mulf %mul3A_727, %get3A_726 : vector<16xf32>
          %add3A_729 = arith.addf %add3A_667, %mul3A_728 : vector<16xf32>
          %get3A_730 = arith.index_cast %add3A_699 : i32 to index
          %get3A_731 = arith.constant 64 : index
          %get3A_732 = tpu.vector_load %arg9[%get3A_730, %get3A_731] {strides = array<i32>} : memref<64x128xf32, #tpu.memory_space<vmem>>, vector<1x16xf32>,
          %get3A_733 = vector.shape_cast %get3A_732 : vector<1x16xf32> to vector<16xf32>
          %mul3A_734 = vector.broadcast %squeeze3A_701 : f32 to vector<16xf32>
          %mul3A_735 = arith.mulf %mul3A_734, %get3A_733 : vector<16xf32>
          %add3A_736 = arith.addf %add3A_674, %mul3A_735 : vector<16xf32>
          %get3A_737 = arith.index_cast %add3A_699 : i32 to index
          %get3A_738 = arith.constant 80 : index
          %get3A_739 = tpu.vector_load %arg9[%get3A_737, %get3A_738] {strides = array<i32>} : memref<64x128xf32, #tpu.memory_space<vmem>>, vector<1x16xf32>,
          %get3A_740 = vector.shape_cast %get3A_739 : vector<1x16xf32> to vector<16xf32>
          %mul3A_741 = vector.broadcast %squeeze3A_701 : f32 to vector<16xf32>
          %mul3A_742 = arith.mulf %mul3A_741, %get3A_740 : vector<16xf32>
          %add3A_743 = arith.addf %add3A_681, %mul3A_742 : vector<16xf32>
          %get3A_744 = arith.index_cast %add3A_699 : i32 to index
          %get3A_745 = arith.constant 96 : index
          %get3A_746 = tpu.vector_load %arg9[%get3A_744, %get3A_745] {strides = array<i32>} : memref<64x128xf32, #tpu.memory_space<vmem>>, vector<1x16xf32>,
          %get3A_747 = vector.shape_cast %get3A_746 : vector<1x16xf32> to vector<16xf32>
          %mul3A_748 = vector.broadcast %squeeze3A_701 : f32 to vector<16xf32>
          %mul3A_749 = arith.mulf %mul3A_748, %get3A_747 : vector<16xf32>
          %add3A_750 = arith.addf %add3A_688, %mul3A_749 : vector<16xf32>
          %get3A_751 = arith.index_cast %add3A_699 : i32 to index
          %get3A_752 = arith.constant 112 : index
          %get3A_753 = tpu.vector_load %arg9[%get3A_751, %get3A_752] {strides = array<i32>} : memref<64x128xf32, #tpu.memory_space<vmem>>, vector<1x16xf32>,
          %get3A_754 = vector.shape_cast %get3A_753 : vector<1x16xf32> to vector<16xf32>
          %mul3A_755 = vector.broadcast %squeeze3A_701 : f32 to vector<16xf32>
          %mul3A_756 = arith.mulf %mul3A_755, %get3A_754 : vector<16xf32>
          %add3A_757 = arith.addf %add3A_695, %mul3A_756 : vector<16xf32>
          %mul3A_758 = arith.constant 32 : i32
          %mul3A_759 = arith.muli %scan3A_110, %mul3A_758 : i32
          %add3A_760 = arith.constant 10 : i32
          %add3A_761 = arith.addi %mul3A_759, %add3A_760 : i32
          %slice3A_762 = vector.extract_strided_slice %get3A_134 {offsets = [10], sizes = [1], strides = [1]} : vector<16xf32> to vector<1xf32>
          %squeeze3A_763 = vector.extract %slice3A_762[0] : f32 from vector<1xf32>
          %get3A_764 = arith.index_cast %add3A_761 : i32 to index
          %get3A_765 = arith.constant 0 : index
          %get3A_766 = tpu.vector_load %arg9[%get3A_764, %get3A_765] {strides = array<i32>} : memref<64x128xf32, #tpu.memory_space<vmem>>, vector<1x16xf32>,
          %get3A_767 = vector.shape_cast %get3A_766 : vector<1x16xf32> to vector<16xf32>
          %mul3A_768 = vector.broadcast %squeeze3A_763 : f32 to vector<16xf32>
          %mul3A_769 = arith.mulf %mul3A_768, %get3A_767 : vector<16xf32>
          %add3A_770 = arith.addf %add3A_708, %mul3A_769 : vector<16xf32>
          %get3A_771 = arith.index_cast %add3A_761 : i32 to index
          %get3A_772 = arith.constant 16 : index
          %get3A_773 = tpu.vector_load %arg9[%get3A_771, %get3A_772] {strides = array<i32>} : memref<64x128xf32, #tpu.memory_space<vmem>>, vector<1x16xf32>,
          %get3A_774 = vector.shape_cast %get3A_773 : vector<1x16xf32> to vector<16xf32>
          %mul3A_775 = vector.broadcast %squeeze3A_763 : f32 to vector<16xf32>
          %mul3A_776 = arith.mulf %mul3A_775, %get3A_774 : vector<16xf32>
          %add3A_777 = arith.addf %add3A_715, %mul3A_776 : vector<16xf32>
          %get3A_778 = arith.index_cast %add3A_761 : i32 to index
          %get3A_779 = arith.constant 32 : index
          %get3A_780 = tpu.vector_load %arg9[%get3A_778, %get3A_779] {strides = array<i32>} : memref<64x128xf32, #tpu.memory_space<vmem>>, vector<1x16xf32>,
          %get3A_781 = vector.shape_cast %get3A_780 : vector<1x16xf32> to vector<16xf32>
          %mul3A_782 = vector.broadcast %squeeze3A_763 : f32 to vector<16xf32>
          %mul3A_783 = arith.mulf %mul3A_782, %get3A_781 : vector<16xf32>
          %add3A_784 = arith.addf %add3A_722, %mul3A_783 : vector<16xf32>
          %get3A_785 = arith.index_cast %add3A_761 : i32 to index
          %get3A_786 = arith.constant 48 : index
          %get3A_787 = tpu.vector_load %arg9[%get3A_785, %get3A_786] {strides = array<i32>} : memref<64x128xf32, #tpu.memory_space<vmem>>, vector<1x16xf32>,
          %get3A_788 = vector.shape_cast %get3A_787 : vector<1x16xf32> to vector<16xf32>
          %mul3A_789 = vector.broadcast %squeeze3A_763 : f32 to vector<16xf32>
          %mul3A_790 = arith.mulf %mul3A_789, %get3A_788 : vector<16xf32>
          %add3A_791 = arith.addf %add3A_729, %mul3A_790 : vector<16xf32>
          %get3A_792 = arith.index_cast %add3A_761 : i32 to index
          %get3A_793 = arith.constant 64 : index
          %get3A_794 = tpu.vector_load %arg9[%get3A_792, %get3A_793] {strides = array<i32>} : memref<64x128xf32, #tpu.memory_space<vmem>>, vector<1x16xf32>,
          %get3A_795 = vector.shape_cast %get3A_794 : vector<1x16xf32> to vector<16xf32>
          %mul3A_796 = vector.broadcast %squeeze3A_763 : f32 to vector<16xf32>
          %mul3A_797 = arith.mulf %mul3A_796, %get3A_795 : vector<16xf32>
          %add3A_798 = arith.addf %add3A_736, %mul3A_797 : vector<16xf32>
          %get3A_799 = arith.index_cast %add3A_761 : i32 to index
          %get3A_800 = arith.constant 80 : index
          %get3A_801 = tpu.vector_load %arg9[%get3A_799, %get3A_800] {strides = array<i32>} : memref<64x128xf32, #tpu.memory_space<vmem>>, vector<1x16xf32>,
          %get3A_802 = vector.shape_cast %get3A_801 : vector<1x16xf32> to vector<16xf32>
          %mul3A_803 = vector.broadcast %squeeze3A_763 : f32 to vector<16xf32>
          %mul3A_804 = arith.mulf %mul3A_803, %get3A_802 : vector<16xf32>
          %add3A_805 = arith.addf %add3A_743, %mul3A_804 : vector<16xf32>
          %get3A_806 = arith.index_cast %add3A_761 : i32 to index
          %get3A_807 = arith.constant 96 : index
          %get3A_808 = tpu.vector_load %arg9[%get3A_806, %get3A_807] {strides = array<i32>} : memref<64x128xf32, #tpu.memory_space<vmem>>, vector<1x16xf32>,
          %get3A_809 = vector.shape_cast %get3A_808 : vector<1x16xf32> to vector<16xf32>
          %mul3A_810 = vector.broadcast %squeeze3A_763 : f32 to vector<16xf32>
          %mul3A_811 = arith.mulf %mul3A_810, %get3A_809 : vector<16xf32>
          %add3A_812 = arith.addf %add3A_750, %mul3A_811 : vector<16xf32>
          %get3A_813 = arith.index_cast %add3A_761 : i32 to index
          %get3A_814 = arith.constant 112 : index
          %get3A_815 = tpu.vector_load %arg9[%get3A_813, %get3A_814] {strides = array<i32>} : memref<64x128xf32, #tpu.memory_space<vmem>>, vector<1x16xf32>,
          %get3A_816 = vector.shape_cast %get3A_815 : vector<1x16xf32> to vector<16xf32>
          %mul3A_817 = vector.broadcast %squeeze3A_763 : f32 to vector<16xf32>
          %mul3A_818 = arith.mulf %mul3A_817, %get3A_816 : vector<16xf32>
          %add3A_819 = arith.addf %add3A_757, %mul3A_818 : vector<16xf32>
          %mul3A_820 = arith.constant 32 : i32
          %mul3A_821 = arith.muli %scan3A_110, %mul3A_820 : i32
          %add3A_822 = arith.constant 11 : i32
          %add3A_823 = arith.addi %mul3A_821, %add3A_822 : i32
          %slice3A_824 = vector.extract_strided_slice %get3A_134 {offsets = [11], sizes = [1], strides = [1]} : vector<16xf32> to vector<1xf32>
          %squeeze3A_825 = vector.extract %slice3A_824[0] : f32 from vector<1xf32>
          %get3A_826 = arith.index_cast %add3A_823 : i32 to index
          %get3A_827 = arith.constant 0 : index
          %get3A_828 = tpu.vector_load %arg9[%get3A_826, %get3A_827] {strides = array<i32>} : memref<64x128xf32, #tpu.memory_space<vmem>>, vector<1x16xf32>,
          %get3A_829 = vector.shape_cast %get3A_828 : vector<1x16xf32> to vector<16xf32>
          %mul3A_830 = vector.broadcast %squeeze3A_825 : f32 to vector<16xf32>
          %mul3A_831 = arith.mulf %mul3A_830, %get3A_829 : vector<16xf32>
          %add3A_832 = arith.addf %add3A_770, %mul3A_831 : vector<16xf32>
          %get3A_833 = arith.index_cast %add3A_823 : i32 to index
          %get3A_834 = arith.constant 16 : index
          %get3A_835 = tpu.vector_load %arg9[%get3A_833, %get3A_834] {strides = array<i32>} : memref<64x128xf32, #tpu.memory_space<vmem>>, vector<1x16xf32>,
          %get3A_836 = vector.shape_cast %get3A_835 : vector<1x16xf32> to vector<16xf32>
          %mul3A_837 = vector.broadcast %squeeze3A_825 : f32 to vector<16xf32>
          %mul3A_838 = arith.mulf %mul3A_837, %get3A_836 : vector<16xf32>
          %add3A_839 = arith.addf %add3A_777, %mul3A_838 : vector<16xf32>
          %get3A_840 = arith.index_cast %add3A_823 : i32 to index
          %get3A_841 = arith.constant 32 : index
          %get3A_842 = tpu.vector_load %arg9[%get3A_840, %get3A_841] {strides = array<i32>} : memref<64x128xf32, #tpu.memory_space<vmem>>, vector<1x16xf32>,
          %get3A_843 = vector.shape_cast %get3A_842 : vector<1x16xf32> to vector<16xf32>
          %mul3A_844 = vector.broadcast %squeeze3A_825 : f32 to vector<16xf32>
          %mul3A_845 = arith.mulf %mul3A_844, %get3A_843 : vector<16xf32>
          %add3A_846 = arith.addf %add3A_784, %mul3A_845 : vector<16xf32>
          %get3A_847 = arith.index_cast %add3A_823 : i32 to index
          %get3A_848 = arith.constant 48 : index
          %get3A_849 = tpu.vector_load %arg9[%get3A_847, %get3A_848] {strides = array<i32>} : memref<64x128xf32, #tpu.memory_space<vmem>>, vector<1x16xf32>,
          %get3A_850 = vector.shape_cast %get3A_849 : vector<1x16xf32> to vector<16xf32>
          %mul3A_851 = vector.broadcast %squeeze3A_825 : f32 to vector<16xf32>
          %mul3A_852 = arith.mulf %mul3A_851, %get3A_850 : vector<16xf32>
          %add3A_853 = arith.addf %add3A_791, %mul3A_852 : vector<16xf32>
          %get3A_854 = arith.index_cast %add3A_823 : i32 to index
          %get3A_855 = arith.constant 64 : index
          %get3A_856 = tpu.vector_load %arg9[%get3A_854, %get3A_855] {strides = array<i32>} : memref<64x128xf32, #tpu.memory_space<vmem>>, vector<1x16xf32>,
          %get3A_857 = vector.shape_cast %get3A_856 : vector<1x16xf32> to vector<16xf32>
          %mul3A_858 = vector.broadcast %squeeze3A_825 : f32 to vector<16xf32>
          %mul3A_859 = arith.mulf %mul3A_858, %get3A_857 : vector<16xf32>
          %add3A_860 = arith.addf %add3A_798, %mul3A_859 : vector<16xf32>
          %get3A_861 = arith.index_cast %add3A_823 : i32 to index
          %get3A_862 = arith.constant 80 : index
          %get3A_863 = tpu.vector_load %arg9[%get3A_861, %get3A_862] {strides = array<i32>} : memref<64x128xf32, #tpu.memory_space<vmem>>, vector<1x16xf32>,
          %get3A_864 = vector.shape_cast %get3A_863 : vector<1x16xf32> to vector<16xf32>
          %mul3A_865 = vector.broadcast %squeeze3A_825 : f32 to vector<16xf32>
          %mul3A_866 = arith.mulf %mul3A_865, %get3A_864 : vector<16xf32>
          %add3A_867 = arith.addf %add3A_805, %mul3A_866 : vector<16xf32>
          %get3A_868 = arith.index_cast %add3A_823 : i32 to index
          %get3A_869 = arith.constant 96 : index
          %get3A_870 = tpu.vector_load %arg9[%get3A_868, %get3A_869] {strides = array<i32>} : memref<64x128xf32, #tpu.memory_space<vmem>>, vector<1x16xf32>,
          %get3A_871 = vector.shape_cast %get3A_870 : vector<1x16xf32> to vector<16xf32>
          %mul3A_872 = vector.broadcast %squeeze3A_825 : f32 to vector<16xf32>
          %mul3A_873 = arith.mulf %mul3A_872, %get3A_871 : vector<16xf32>
          %add3A_874 = arith.addf %add3A_812, %mul3A_873 : vector<16xf32>
          %get3A_875 = arith.index_cast %add3A_823 : i32 to index
          %get3A_876 = arith.constant 112 : index
          %get3A_877 = tpu.vector_load %arg9[%get3A_875, %get3A_876] {strides = array<i32>} : memref<64x128xf32, #tpu.memory_space<vmem>>, vector<1x16xf32>,
          %get3A_878 = vector.shape_cast %get3A_877 : vector<1x16xf32> to vector<16xf32>
          %mul3A_879 = vector.broadcast %squeeze3A_825 : f32 to vector<16xf32>
          %mul3A_880 = arith.mulf %mul3A_879, %get3A_878 : vector<16xf32>
          %add3A_881 = arith.addf %add3A_819, %mul3A_880 : vector<16xf32>
          %mul3A_882 = arith.constant 32 : i32
          %mul3A_883 = arith.muli %scan3A_110, %mul3A_882 : i32
          %add3A_884 = arith.constant 12 : i32
          %add3A_885 = arith.addi %mul3A_883, %add3A_884 : i32
          %slice3A_886 = vector.extract_strided_slice %get3A_134 {offsets = [12], sizes = [1], strides = [1]} : vector<16xf32> to vector<1xf32>
          %squeeze3A_887 = vector.extract %slice3A_886[0] : f32 from vector<1xf32>
          %get3A_888 = arith.index_cast %add3A_885 : i32 to index
          %get3A_889 = arith.constant 0 : index
          %get3A_890 = tpu.vector_load %arg9[%get3A_888, %get3A_889] {strides = array<i32>} : memref<64x128xf32, #tpu.memory_space<vmem>>, vector<1x16xf32>,
          %get3A_891 = vector.shape_cast %get3A_890 : vector<1x16xf32> to vector<16xf32>
          %mul3A_892 = vector.broadcast %squeeze3A_887 : f32 to vector<16xf32>
          %mul3A_893 = arith.mulf %mul3A_892, %get3A_891 : vector<16xf32>
          %add3A_894 = arith.addf %add3A_832, %mul3A_893 : vector<16xf32>
          %get3A_895 = arith.index_cast %add3A_885 : i32 to index
          %get3A_896 = arith.constant 16 : index
          %get3A_897 = tpu.vector_load %arg9[%get3A_895, %get3A_896] {strides = array<i32>} : memref<64x128xf32, #tpu.memory_space<vmem>>, vector<1x16xf32>,
          %get3A_898 = vector.shape_cast %get3A_897 : vector<1x16xf32> to vector<16xf32>
          %mul3A_899 = vector.broadcast %squeeze3A_887 : f32 to vector<16xf32>
          %mul3A_900 = arith.mulf %mul3A_899, %get3A_898 : vector<16xf32>
          %add3A_901 = arith.addf %add3A_839, %mul3A_900 : vector<16xf32>
          %get3A_902 = arith.index_cast %add3A_885 : i32 to index
          %get3A_903 = arith.constant 32 : index
          %get3A_904 = tpu.vector_load %arg9[%get3A_902, %get3A_903] {strides = array<i32>} : memref<64x128xf32, #tpu.memory_space<vmem>>, vector<1x16xf32>,
          %get3A_905 = vector.shape_cast %get3A_904 : vector<1x16xf32> to vector<16xf32>
          %mul3A_906 = vector.broadcast %squeeze3A_887 : f32 to vector<16xf32>
          %mul3A_907 = arith.mulf %mul3A_906, %get3A_905 : vector<16xf32>
          %add3A_908 = arith.addf %add3A_846, %mul3A_907 : vector<16xf32>
          %get3A_909 = arith.index_cast %add3A_885 : i32 to index
          %get3A_910 = arith.constant 48 : index
          %get3A_911 = tpu.vector_load %arg9[%get3A_909, %get3A_910] {strides = array<i32>} : memref<64x128xf32, #tpu.memory_space<vmem>>, vector<1x16xf32>,
          %get3A_912 = vector.shape_cast %get3A_911 : vector<1x16xf32> to vector<16xf32>
          %mul3A_913 = vector.broadcast %squeeze3A_887 : f32 to vector<16xf32>
          %mul3A_914 = arith.mulf %mul3A_913, %get3A_912 : vector<16xf32>
          %add3A_915 = arith.addf %add3A_853, %mul3A_914 : vector<16xf32>
          %get3A_916 = arith.index_cast %add3A_885 : i32 to index
          %get3A_917 = arith.constant 64 : index
          %get3A_918 = tpu.vector_load %arg9[%get3A_916, %get3A_917] {strides = array<i32>} : memref<64x128xf32, #tpu.memory_space<vmem>>, vector<1x16xf32>,
          %get3A_919 = vector.shape_cast %get3A_918 : vector<1x16xf32> to vector<16xf32>
          %mul3A_920 = vector.broadcast %squeeze3A_887 : f32 to vector<16xf32>
          %mul3A_921 = arith.mulf %mul3A_920, %get3A_919 : vector<16xf32>
          %add3A_922 = arith.addf %add3A_860, %mul3A_921 : vector<16xf32>
          %get3A_923 = arith.index_cast %add3A_885 : i32 to index
          %get3A_924 = arith.constant 80 : index
          %get3A_925 = tpu.vector_load %arg9[%get3A_923, %get3A_924] {strides = array<i32>} : memref<64x128xf32, #tpu.memory_space<vmem>>, vector<1x16xf32>,
          %get3A_926 = vector.shape_cast %get3A_925 : vector<1x16xf32> to vector<16xf32>
          %mul3A_927 = vector.broadcast %squeeze3A_887 : f32 to vector<16xf32>
          %mul3A_928 = arith.mulf %mul3A_927, %get3A_926 : vector<16xf32>
          %add3A_929 = arith.addf %add3A_867, %mul3A_928 : vector<16xf32>
          %get3A_930 = arith.index_cast %add3A_885 : i32 to index
          %get3A_931 = arith.constant 96 : index
          %get3A_932 = tpu.vector_load %arg9[%get3A_930, %get3A_931] {strides = array<i32>} : memref<64x128xf32, #tpu.memory_space<vmem>>, vector<1x16xf32>,
          %get3A_933 = vector.shape_cast %get3A_932 : vector<1x16xf32> to vector<16xf32>
          %mul3A_934 = vector.broadcast %squeeze3A_887 : f32 to vector<16xf32>
          %mul3A_935 = arith.mulf %mul3A_934, %get3A_933 : vector<16xf32>
          %add3A_936 = arith.addf %add3A_874, %mul3A_935 : vector<16xf32>
          %get3A_937 = arith.index_cast %add3A_885 : i32 to index
          %get3A_938 = arith.constant 112 : index
          %get3A_939 = tpu.vector_load %arg9[%get3A_937, %get3A_938] {strides = array<i32>} : memref<64x128xf32, #tpu.memory_space<vmem>>, vector<1x16xf32>,
          %get3A_940 = vector.shape_cast %get3A_939 : vector<1x16xf32> to vector<16xf32>
          %mul3A_941 = vector.broadcast %squeeze3A_887 : f32 to vector<16xf32>
          %mul3A_942 = arith.mulf %mul3A_941, %get3A_940 : vector<16xf32>
          %add3A_943 = arith.addf %add3A_881, %mul3A_942 : vector<16xf32>
          %mul3A_944 = arith.constant 32 : i32
          %mul3A_945 = arith.muli %scan3A_110, %mul3A_944 : i32
          %add3A_946 = arith.constant 13 : i32
          %add3A_947 = arith.addi %mul3A_945, %add3A_946 : i32
          %slice3A_948 = vector.extract_strided_slice %get3A_134 {offsets = [13], sizes = [1], strides = [1]} : vector<16xf32> to vector<1xf32>
          %squeeze3A_949 = vector.extract %slice3A_948[0] : f32 from vector<1xf32>
          %get3A_950 = arith.index_cast %add3A_947 : i32 to index
          %get3A_951 = arith.constant 0 : index
          %get3A_952 = tpu.vector_load %arg9[%get3A_950, %get3A_951] {strides = array<i32>} : memref<64x128xf32, #tpu.memory_space<vmem>>, vector<1x16xf32>,
          %get3A_953 = vector.shape_cast %get3A_952 : vector<1x16xf32> to vector<16xf32>
          %mul3A_954 = vector.broadcast %squeeze3A_949 : f32 to vector<16xf32>
          %mul3A_955 = arith.mulf %mul3A_954, %get3A_953 : vector<16xf32>
          %add3A_956 = arith.addf %add3A_894, %mul3A_955 : vector<16xf32>
          %get3A_957 = arith.index_cast %add3A_947 : i32 to index
          %get3A_958 = arith.constant 16 : index
          %get3A_959 = tpu.vector_load %arg9[%get3A_957, %get3A_958] {strides = array<i32>} : memref<64x128xf32, #tpu.memory_space<vmem>>, vector<1x16xf32>,
          %get3A_960 = vector.shape_cast %get3A_959 : vector<1x16xf32> to vector<16xf32>
          %mul3A_961 = vector.broadcast %squeeze3A_949 : f32 to vector<16xf32>
          %mul3A_962 = arith.mulf %mul3A_961, %get3A_960 : vector<16xf32>
          %add3A_963 = arith.addf %add3A_901, %mul3A_962 : vector<16xf32>
          %get3A_964 = arith.index_cast %add3A_947 : i32 to index
          %get3A_965 = arith.constant 32 : index
          %get3A_966 = tpu.vector_load %arg9[%get3A_964, %get3A_965] {strides = array<i32>} : memref<64x128xf32, #tpu.memory_space<vmem>>, vector<1x16xf32>,
          %get3A_967 = vector.shape_cast %get3A_966 : vector<1x16xf32> to vector<16xf32>
          %mul3A_968 = vector.broadcast %squeeze3A_949 : f32 to vector<16xf32>
          %mul3A_969 = arith.mulf %mul3A_968, %get3A_967 : vector<16xf32>
          %add3A_970 = arith.addf %add3A_908, %mul3A_969 : vector<16xf32>
          %get3A_971 = arith.index_cast %add3A_947 : i32 to index
          %get3A_972 = arith.constant 48 : index
          %get3A_973 = tpu.vector_load %arg9[%get3A_971, %get3A_972] {strides = array<i32>} : memref<64x128xf32, #tpu.memory_space<vmem>>, vector<1x16xf32>,
          %get3A_974 = vector.shape_cast %get3A_973 : vector<1x16xf32> to vector<16xf32>
          %mul3A_975 = vector.broadcast %squeeze3A_949 : f32 to vector<16xf32>
          %mul3A_976 = arith.mulf %mul3A_975, %get3A_974 : vector<16xf32>
          %add3A_977 = arith.addf %add3A_915, %mul3A_976 : vector<16xf32>
          %get3A_978 = arith.index_cast %add3A_947 : i32 to index
          %get3A_979 = arith.constant 64 : index
          %get3A_980 = tpu.vector_load %arg9[%get3A_978, %get3A_979] {strides = array<i32>} : memref<64x128xf32, #tpu.memory_space<vmem>>, vector<1x16xf32>,
          %get3A_981 = vector.shape_cast %get3A_980 : vector<1x16xf32> to vector<16xf32>
          %mul3A_982 = vector.broadcast %squeeze3A_949 : f32 to vector<16xf32>
          %mul3A_983 = arith.mulf %mul3A_982, %get3A_981 : vector<16xf32>
          %add3A_984 = arith.addf %add3A_922, %mul3A_983 : vector<16xf32>
          %get3A_985 = arith.index_cast %add3A_947 : i32 to index
          %get3A_986 = arith.constant 80 : index
          %get3A_987 = tpu.vector_load %arg9[%get3A_985, %get3A_986] {strides = array<i32>} : memref<64x128xf32, #tpu.memory_space<vmem>>, vector<1x16xf32>,
          %get3A_988 = vector.shape_cast %get3A_987 : vector<1x16xf32> to vector<16xf32>
          %mul3A_989 = vector.broadcast %squeeze3A_949 : f32 to vector<16xf32>
          %mul3A_990 = arith.mulf %mul3A_989, %get3A_988 : vector<16xf32>
          %add3A_991 = arith.addf %add3A_929, %mul3A_990 : vector<16xf32>
          %get3A_992 = arith.index_cast %add3A_947 : i32 to index
          %get3A_993 = arith.constant 96 : index
          %get3A_994 = tpu.vector_load %arg9[%get3A_992, %get3A_993] {strides = array<i32>} : memref<64x128xf32, #tpu.memory_space<vmem>>, vector<1x16xf32>,
          %get3A_995 = vector.shape_cast %get3A_994 : vector<1x16xf32> to vector<16xf32>
          %mul3A_996 = vector.broadcast %squeeze3A_949 : f32 to vector<16xf32>
          %mul3A_997 = arith.mulf %mul3A_996, %get3A_995 : vector<16xf32>
          %add3A_998 = arith.addf %add3A_936, %mul3A_997 : vector<16xf32>
          %get3A_999 = arith.index_cast %add3A_947 : i32 to index
          %get3A_1000 = arith.constant 112 : index
          %get3A_1001 = tpu.vector_load %arg9[%get3A_999, %get3A_1000] {strides = array<i32>} : memref<64x128xf32, #tpu.memory_space<vmem>>, vector<1x16xf32>,
          %get3A_1002 = vector.shape_cast %get3A_1001 : vector<1x16xf32> to vector<16xf32>
          %mul3A_1003 = vector.broadcast %squeeze3A_949 : f32 to vector<16xf32>
          %mul3A_1004 = arith.mulf %mul3A_1003, %get3A_1002 : vector<16xf32>
          %add3A_1005 = arith.addf %add3A_943, %mul3A_1004 : vector<16xf32>
          %mul3A_1006 = arith.constant 32 : i32
          %mul3A_1007 = arith.muli %scan3A_110, %mul3A_1006 : i32
          %add3A_1008 = arith.constant 14 : i32
          %add3A_1009 = arith.addi %mul3A_1007, %add3A_1008 : i32
          %slice3A_1010 = vector.extract_strided_slice %get3A_134 {offsets = [14], sizes = [1], strides = [1]} : vector<16xf32> to vector<1xf32>
          %squeeze3A_1011 = vector.extract %slice3A_1010[0] : f32 from vector<1xf32>
          %get3A_1012 = arith.index_cast %add3A_1009 : i32 to index
          %get3A_1013 = arith.constant 0 : index
          %get3A_1014 = tpu.vector_load %arg9[%get3A_1012, %get3A_1013] {strides = array<i32>} : memref<64x128xf32, #tpu.memory_space<vmem>>, vector<1x16xf32>,
          %get3A_1015 = vector.shape_cast %get3A_1014 : vector<1x16xf32> to vector<16xf32>
          %mul3A_1016 = vector.broadcast %squeeze3A_1011 : f32 to vector<16xf32>
          %mul3A_1017 = arith.mulf %mul3A_1016, %get3A_1015 : vector<16xf32>
          %add3A_1018 = arith.addf %add3A_956, %mul3A_1017 : vector<16xf32>
          %get3A_1019 = arith.index_cast %add3A_1009 : i32 to index
          %get3A_1020 = arith.constant 16 : index
          %get3A_1021 = tpu.vector_load %arg9[%get3A_1019, %get3A_1020] {strides = array<i32>} : memref<64x128xf32, #tpu.memory_space<vmem>>, vector<1x16xf32>,
          %get3A_1022 = vector.shape_cast %get3A_1021 : vector<1x16xf32> to vector<16xf32>
          %mul3A_1023 = vector.broadcast %squeeze3A_1011 : f32 to vector<16xf32>
          %mul3A_1024 = arith.mulf %mul3A_1023, %get3A_1022 : vector<16xf32>
          %add3A_1025 = arith.addf %add3A_963, %mul3A_1024 : vector<16xf32>
          %get3A_1026 = arith.index_cast %add3A_1009 : i32 to index
          %get3A_1027 = arith.constant 32 : index
          %get3A_1028 = tpu.vector_load %arg9[%get3A_1026, %get3A_1027] {strides = array<i32>} : memref<64x128xf32, #tpu.memory_space<vmem>>, vector<1x16xf32>,
          %get3A_1029 = vector.shape_cast %get3A_1028 : vector<1x16xf32> to vector<16xf32>
          %mul3A_1030 = vector.broadcast %squeeze3A_1011 : f32 to vector<16xf32>
          %mul3A_1031 = arith.mulf %mul3A_1030, %get3A_1029 : vector<16xf32>
          %add3A_1032 = arith.addf %add3A_970, %mul3A_1031 : vector<16xf32>
          %get3A_1033 = arith.index_cast %add3A_1009 : i32 to index
          %get3A_1034 = arith.constant 48 : index
          %get3A_1035 = tpu.vector_load %arg9[%get3A_1033, %get3A_1034] {strides = array<i32>} : memref<64x128xf32, #tpu.memory_space<vmem>>, vector<1x16xf32>,
          %get3A_1036 = vector.shape_cast %get3A_1035 : vector<1x16xf32> to vector<16xf32>
          %mul3A_1037 = vector.broadcast %squeeze3A_1011 : f32 to vector<16xf32>
          %mul3A_1038 = arith.mulf %mul3A_1037, %get3A_1036 : vector<16xf32>
          %add3A_1039 = arith.addf %add3A_977, %mul3A_1038 : vector<16xf32>
          %get3A_1040 = arith.index_cast %add3A_1009 : i32 to index
          %get3A_1041 = arith.constant 64 : index
          %get3A_1042 = tpu.vector_load %arg9[%get3A_1040, %get3A_1041] {strides = array<i32>} : memref<64x128xf32, #tpu.memory_space<vmem>>, vector<1x16xf32>,
          %get3A_1043 = vector.shape_cast %get3A_1042 : vector<1x16xf32> to vector<16xf32>
          %mul3A_1044 = vector.broadcast %squeeze3A_1011 : f32 to vector<16xf32>
          %mul3A_1045 = arith.mulf %mul3A_1044, %get3A_1043 : vector<16xf32>
          %add3A_1046 = arith.addf %add3A_984, %mul3A_1045 : vector<16xf32>
          %get3A_1047 = arith.index_cast %add3A_1009 : i32 to index
          %get3A_1048 = arith.constant 80 : index
          %get3A_1049 = tpu.vector_load %arg9[%get3A_1047, %get3A_1048] {strides = array<i32>} : memref<64x128xf32, #tpu.memory_space<vmem>>, vector<1x16xf32>,
          %get3A_1050 = vector.shape_cast %get3A_1049 : vector<1x16xf32> to vector<16xf32>
          %mul3A_1051 = vector.broadcast %squeeze3A_1011 : f32 to vector<16xf32>
          %mul3A_1052 = arith.mulf %mul3A_1051, %get3A_1050 : vector<16xf32>
          %add3A_1053 = arith.addf %add3A_991, %mul3A_1052 : vector<16xf32>
          %get3A_1054 = arith.index_cast %add3A_1009 : i32 to index
          %get3A_1055 = arith.constant 96 : index
          %get3A_1056 = tpu.vector_load %arg9[%get3A_1054, %get3A_1055] {strides = array<i32>} : memref<64x128xf32, #tpu.memory_space<vmem>>, vector<1x16xf32>,
          %get3A_1057 = vector.shape_cast %get3A_1056 : vector<1x16xf32> to vector<16xf32>
          %mul3A_1058 = vector.broadcast %squeeze3A_1011 : f32 to vector<16xf32>
          %mul3A_1059 = arith.mulf %mul3A_1058, %get3A_1057 : vector<16xf32>
          %add3A_1060 = arith.addf %add3A_998, %mul3A_1059 : vector<16xf32>
          %get3A_1061 = arith.index_cast %add3A_1009 : i32 to index
          %get3A_1062 = arith.constant 112 : index
          %get3A_1063 = tpu.vector_load %arg9[%get3A_1061, %get3A_1062] {strides = array<i32>} : memref<64x128xf32, #tpu.memory_space<vmem>>, vector<1x16xf32>,
          %get3A_1064 = vector.shape_cast %get3A_1063 : vector<1x16xf32> to vector<16xf32>
          %mul3A_1065 = vector.broadcast %squeeze3A_1011 : f32 to vector<16xf32>
          %mul3A_1066 = arith.mulf %mul3A_1065, %get3A_1064 : vector<16xf32>
          %add3A_1067 = arith.addf %add3A_1005, %mul3A_1066 : vector<16xf32>
          %mul3A_1068 = arith.constant 32 : i32
          %mul3A_1069 = arith.muli %scan3A_110, %mul3A_1068 : i32
          %add3A_1070 = arith.constant 15 : i32
          %add3A_1071 = arith.addi %mul3A_1069, %add3A_1070 : i32
          %slice3A_1072 = vector.extract_strided_slice %get3A_134 {offsets = [15], sizes = [1], strides = [1]} : vector<16xf32> to vector<1xf32>
          %squeeze3A_1073 = vector.extract %slice3A_1072[0] : f32 from vector<1xf32>
          %get3A_1074 = arith.index_cast %add3A_1071 : i32 to index
          %get3A_1075 = arith.constant 0 : index
          %get3A_1076 = tpu.vector_load %arg9[%get3A_1074, %get3A_1075] {strides = array<i32>} : memref<64x128xf32, #tpu.memory_space<vmem>>, vector<1x16xf32>,
          %get3A_1077 = vector.shape_cast %get3A_1076 : vector<1x16xf32> to vector<16xf32>
          %mul3A_1078 = vector.broadcast %squeeze3A_1073 : f32 to vector<16xf32>
          %mul3A_1079 = arith.mulf %mul3A_1078, %get3A_1077 : vector<16xf32>
          %add3A_1080 = arith.addf %add3A_1018, %mul3A_1079 : vector<16xf32>
          %get3A_1081 = arith.index_cast %add3A_1071 : i32 to index
          %get3A_1082 = arith.constant 16 : index
          %get3A_1083 = tpu.vector_load %arg9[%get3A_1081, %get3A_1082] {strides = array<i32>} : memref<64x128xf32, #tpu.memory_space<vmem>>, vector<1x16xf32>,
          %get3A_1084 = vector.shape_cast %get3A_1083 : vector<1x16xf32> to vector<16xf32>
          %mul3A_1085 = vector.broadcast %squeeze3A_1073 : f32 to vector<16xf32>
          %mul3A_1086 = arith.mulf %mul3A_1085, %get3A_1084 : vector<16xf32>
          %add3A_1087 = arith.addf %add3A_1025, %mul3A_1086 : vector<16xf32>
          %get3A_1088 = arith.index_cast %add3A_1071 : i32 to index
          %get3A_1089 = arith.constant 32 : index
          %get3A_1090 = tpu.vector_load %arg9[%get3A_1088, %get3A_1089] {strides = array<i32>} : memref<64x128xf32, #tpu.memory_space<vmem>>, vector<1x16xf32>,
          %get3A_1091 = vector.shape_cast %get3A_1090 : vector<1x16xf32> to vector<16xf32>
          %mul3A_1092 = vector.broadcast %squeeze3A_1073 : f32 to vector<16xf32>
          %mul3A_1093 = arith.mulf %mul3A_1092, %get3A_1091 : vector<16xf32>
          %add3A_1094 = arith.addf %add3A_1032, %mul3A_1093 : vector<16xf32>
          %get3A_1095 = arith.index_cast %add3A_1071 : i32 to index
          %get3A_1096 = arith.constant 48 : index
          %get3A_1097 = tpu.vector_load %arg9[%get3A_1095, %get3A_1096] {strides = array<i32>} : memref<64x128xf32, #tpu.memory_space<vmem>>, vector<1x16xf32>,
          %get3A_1098 = vector.shape_cast %get3A_1097 : vector<1x16xf32> to vector<16xf32>
          %mul3A_1099 = vector.broadcast %squeeze3A_1073 : f32 to vector<16xf32>
          %mul3A_1100 = arith.mulf %mul3A_1099, %get3A_1098 : vector<16xf32>
          %add3A_1101 = arith.addf %add3A_1039, %mul3A_1100 : vector<16xf32>
          %get3A_1102 = arith.index_cast %add3A_1071 : i32 to index
          %get3A_1103 = arith.constant 64 : index
          %get3A_1104 = tpu.vector_load %arg9[%get3A_1102, %get3A_1103] {strides = array<i32>} : memref<64x128xf32, #tpu.memory_space<vmem>>, vector<1x16xf32>,
          %get3A_1105 = vector.shape_cast %get3A_1104 : vector<1x16xf32> to vector<16xf32>
          %mul3A_1106 = vector.broadcast %squeeze3A_1073 : f32 to vector<16xf32>
          %mul3A_1107 = arith.mulf %mul3A_1106, %get3A_1105 : vector<16xf32>
          %add3A_1108 = arith.addf %add3A_1046, %mul3A_1107 : vector<16xf32>
          %get3A_1109 = arith.index_cast %add3A_1071 : i32 to index
          %get3A_1110 = arith.constant 80 : index
          %get3A_1111 = tpu.vector_load %arg9[%get3A_1109, %get3A_1110] {strides = array<i32>} : memref<64x128xf32, #tpu.memory_space<vmem>>, vector<1x16xf32>,
          %get3A_1112 = vector.shape_cast %get3A_1111 : vector<1x16xf32> to vector<16xf32>
          %mul3A_1113 = vector.broadcast %squeeze3A_1073 : f32 to vector<16xf32>
          %mul3A_1114 = arith.mulf %mul3A_1113, %get3A_1112 : vector<16xf32>
          %add3A_1115 = arith.addf %add3A_1053, %mul3A_1114 : vector<16xf32>
          %get3A_1116 = arith.index_cast %add3A_1071 : i32 to index
          %get3A_1117 = arith.constant 96 : index
          %get3A_1118 = tpu.vector_load %arg9[%get3A_1116, %get3A_1117] {strides = array<i32>} : memref<64x128xf32, #tpu.memory_space<vmem>>, vector<1x16xf32>,
          %get3A_1119 = vector.shape_cast %get3A_1118 : vector<1x16xf32> to vector<16xf32>
          %mul3A_1120 = vector.broadcast %squeeze3A_1073 : f32 to vector<16xf32>
          %mul3A_1121 = arith.mulf %mul3A_1120, %get3A_1119 : vector<16xf32>
          %add3A_1122 = arith.addf %add3A_1060, %mul3A_1121 : vector<16xf32>
          %get3A_1123 = arith.index_cast %add3A_1071 : i32 to index
          %get3A_1124 = arith.constant 112 : index
          %get3A_1125 = tpu.vector_load %arg9[%get3A_1123, %get3A_1124] {strides = array<i32>} : memref<64x128xf32, #tpu.memory_space<vmem>>, vector<1x16xf32>,
          %get3A_1126 = vector.shape_cast %get3A_1125 : vector<1x16xf32> to vector<16xf32>
          %mul3A_1127 = vector.broadcast %squeeze3A_1073 : f32 to vector<16xf32>
          %mul3A_1128 = arith.mulf %mul3A_1127, %get3A_1126 : vector<16xf32>
          %add3A_1129 = arith.addf %add3A_1067, %mul3A_1128 : vector<16xf32>
          %mul3A_1130 = arith.constant 32 : i32
          %mul3A_1131 = arith.muli %scan3A_110, %mul3A_1130 : i32
          %add3A_1132 = arith.constant 16 : i32
          %add3A_1133 = arith.addi %mul3A_1131, %add3A_1132 : i32
          %slice3A_1134 = vector.extract_strided_slice %get3A_139 {offsets = [0], sizes = [1], strides = [1]} : vector<16xf32> to vector<1xf32>
          %squeeze3A_1135 = vector.extract %slice3A_1134[0] : f32 from vector<1xf32>
          %get3A_1136 = arith.index_cast %add3A_1133 : i32 to index
          %get3A_1137 = arith.constant 0 : index
          %get3A_1138 = tpu.vector_load %arg9[%get3A_1136, %get3A_1137] {strides = array<i32>} : memref<64x128xf32, #tpu.memory_space<vmem>>, vector<1x16xf32>,
          %get3A_1139 = vector.shape_cast %get3A_1138 : vector<1x16xf32> to vector<16xf32>
          %mul3A_1140 = vector.broadcast %squeeze3A_1135 : f32 to vector<16xf32>
          %mul3A_1141 = arith.mulf %mul3A_1140, %get3A_1139 : vector<16xf32>
          %add3A_1142 = arith.addf %add3A_1080, %mul3A_1141 : vector<16xf32>
          %get3A_1143 = arith.index_cast %add3A_1133 : i32 to index
          %get3A_1144 = arith.constant 16 : index
          %get3A_1145 = tpu.vector_load %arg9[%get3A_1143, %get3A_1144] {strides = array<i32>} : memref<64x128xf32, #tpu.memory_space<vmem>>, vector<1x16xf32>,
          %get3A_1146 = vector.shape_cast %get3A_1145 : vector<1x16xf32> to vector<16xf32>
          %mul3A_1147 = vector.broadcast %squeeze3A_1135 : f32 to vector<16xf32>
          %mul3A_1148 = arith.mulf %mul3A_1147, %get3A_1146 : vector<16xf32>
          %add3A_1149 = arith.addf %add3A_1087, %mul3A_1148 : vector<16xf32>
          %get3A_1150 = arith.index_cast %add3A_1133 : i32 to index
          %get3A_1151 = arith.constant 32 : index
          %get3A_1152 = tpu.vector_load %arg9[%get3A_1150, %get3A_1151] {strides = array<i32>} : memref<64x128xf32, #tpu.memory_space<vmem>>, vector<1x16xf32>,
          %get3A_1153 = vector.shape_cast %get3A_1152 : vector<1x16xf32> to vector<16xf32>
          %mul3A_1154 = vector.broadcast %squeeze3A_1135 : f32 to vector<16xf32>
          %mul3A_1155 = arith.mulf %mul3A_1154, %get3A_1153 : vector<16xf32>
          %add3A_1156 = arith.addf %add3A_1094, %mul3A_1155 : vector<16xf32>
          %get3A_1157 = arith.index_cast %add3A_1133 : i32 to index
          %get3A_1158 = arith.constant 48 : index
          %get3A_1159 = tpu.vector_load %arg9[%get3A_1157, %get3A_1158] {strides = array<i32>} : memref<64x128xf32, #tpu.memory_space<vmem>>, vector<1x16xf32>,
          %get3A_1160 = vector.shape_cast %get3A_1159 : vector<1x16xf32> to vector<16xf32>
          %mul3A_1161 = vector.broadcast %squeeze3A_1135 : f32 to vector<16xf32>
          %mul3A_1162 = arith.mulf %mul3A_1161, %get3A_1160 : vector<16xf32>
          %add3A_1163 = arith.addf %add3A_1101, %mul3A_1162 : vector<16xf32>
          %get3A_1164 = arith.index_cast %add3A_1133 : i32 to index
          %get3A_1165 = arith.constant 64 : index
          %get3A_1166 = tpu.vector_load %arg9[%get3A_1164, %get3A_1165] {strides = array<i32>} : memref<64x128xf32, #tpu.memory_space<vmem>>, vector<1x16xf32>,
          %get3A_1167 = vector.shape_cast %get3A_1166 : vector<1x16xf32> to vector<16xf32>
          %mul3A_1168 = vector.broadcast %squeeze3A_1135 : f32 to vector<16xf32>
          %mul3A_1169 = arith.mulf %mul3A_1168, %get3A_1167 : vector<16xf32>
          %add3A_1170 = arith.addf %add3A_1108, %mul3A_1169 : vector<16xf32>
          %get3A_1171 = arith.index_cast %add3A_1133 : i32 to index
          %get3A_1172 = arith.constant 80 : index
          %get3A_1173 = tpu.vector_load %arg9[%get3A_1171, %get3A_1172] {strides = array<i32>} : memref<64x128xf32, #tpu.memory_space<vmem>>, vector<1x16xf32>,
          %get3A_1174 = vector.shape_cast %get3A_1173 : vector<1x16xf32> to vector<16xf32>
          %mul3A_1175 = vector.broadcast %squeeze3A_1135 : f32 to vector<16xf32>
          %mul3A_1176 = arith.mulf %mul3A_1175, %get3A_1174 : vector<16xf32>
          %add3A_1177 = arith.addf %add3A_1115, %mul3A_1176 : vector<16xf32>
          %get3A_1178 = arith.index_cast %add3A_1133 : i32 to index
          %get3A_1179 = arith.constant 96 : index
          %get3A_1180 = tpu.vector_load %arg9[%get3A_1178, %get3A_1179] {strides = array<i32>} : memref<64x128xf32, #tpu.memory_space<vmem>>, vector<1x16xf32>,
          %get3A_1181 = vector.shape_cast %get3A_1180 : vector<1x16xf32> to vector<16xf32>
          %mul3A_1182 = vector.broadcast %squeeze3A_1135 : f32 to vector<16xf32>
          %mul3A_1183 = arith.mulf %mul3A_1182, %get3A_1181 : vector<16xf32>
          %add3A_1184 = arith.addf %add3A_1122, %mul3A_1183 : vector<16xf32>
          %get3A_1185 = arith.index_cast %add3A_1133 : i32 to index
          %get3A_1186 = arith.constant 112 : index
          %get3A_1187 = tpu.vector_load %arg9[%get3A_1185, %get3A_1186] {strides = array<i32>} : memref<64x128xf32, #tpu.memory_space<vmem>>, vector<1x16xf32>,
          %get3A_1188 = vector.shape_cast %get3A_1187 : vector<1x16xf32> to vector<16xf32>
          %mul3A_1189 = vector.broadcast %squeeze3A_1135 : f32 to vector<16xf32>
          %mul3A_1190 = arith.mulf %mul3A_1189, %get3A_1188 : vector<16xf32>
          %add3A_1191 = arith.addf %add3A_1129, %mul3A_1190 : vector<16xf32>
          %mul3A_1192 = arith.constant 32 : i32
          %mul3A_1193 = arith.muli %scan3A_110, %mul3A_1192 : i32
          %add3A_1194 = arith.constant 17 : i32
          %add3A_1195 = arith.addi %mul3A_1193, %add3A_1194 : i32
          %slice3A_1196 = vector.extract_strided_slice %get3A_139 {offsets = [1], sizes = [1], strides = [1]} : vector<16xf32> to vector<1xf32>
          %squeeze3A_1197 = vector.extract %slice3A_1196[0] : f32 from vector<1xf32>
          %get3A_1198 = arith.index_cast %add3A_1195 : i32 to index
          %get3A_1199 = arith.constant 0 : index
          %get3A_1200 = tpu.vector_load %arg9[%get3A_1198, %get3A_1199] {strides = array<i32>} : memref<64x128xf32, #tpu.memory_space<vmem>>, vector<1x16xf32>,
          %get3A_1201 = vector.shape_cast %get3A_1200 : vector<1x16xf32> to vector<16xf32>
          %mul3A_1202 = vector.broadcast %squeeze3A_1197 : f32 to vector<16xf32>
          %mul3A_1203 = arith.mulf %mul3A_1202, %get3A_1201 : vector<16xf32>
          %add3A_1204 = arith.addf %add3A_1142, %mul3A_1203 : vector<16xf32>
          %get3A_1205 = arith.index_cast %add3A_1195 : i32 to index
          %get3A_1206 = arith.constant 16 : index
          %get3A_1207 = tpu.vector_load %arg9[%get3A_1205, %get3A_1206] {strides = array<i32>} : memref<64x128xf32, #tpu.memory_space<vmem>>, vector<1x16xf32>,
          %get3A_1208 = vector.shape_cast %get3A_1207 : vector<1x16xf32> to vector<16xf32>
          %mul3A_1209 = vector.broadcast %squeeze3A_1197 : f32 to vector<16xf32>
          %mul3A_1210 = arith.mulf %mul3A_1209, %get3A_1208 : vector<16xf32>
          %add3A_1211 = arith.addf %add3A_1149, %mul3A_1210 : vector<16xf32>
          %get3A_1212 = arith.index_cast %add3A_1195 : i32 to index
          %get3A_1213 = arith.constant 32 : index
          %get3A_1214 = tpu.vector_load %arg9[%get3A_1212, %get3A_1213] {strides = array<i32>} : memref<64x128xf32, #tpu.memory_space<vmem>>, vector<1x16xf32>,
          %get3A_1215 = vector.shape_cast %get3A_1214 : vector<1x16xf32> to vector<16xf32>
          %mul3A_1216 = vector.broadcast %squeeze3A_1197 : f32 to vector<16xf32>
          %mul3A_1217 = arith.mulf %mul3A_1216, %get3A_1215 : vector<16xf32>
          %add3A_1218 = arith.addf %add3A_1156, %mul3A_1217 : vector<16xf32>
          %get3A_1219 = arith.index_cast %add3A_1195 : i32 to index
          %get3A_1220 = arith.constant 48 : index
          %get3A_1221 = tpu.vector_load %arg9[%get3A_1219, %get3A_1220] {strides = array<i32>} : memref<64x128xf32, #tpu.memory_space<vmem>>, vector<1x16xf32>,
          %get3A_1222 = vector.shape_cast %get3A_1221 : vector<1x16xf32> to vector<16xf32>
          %mul3A_1223 = vector.broadcast %squeeze3A_1197 : f32 to vector<16xf32>
          %mul3A_1224 = arith.mulf %mul3A_1223, %get3A_1222 : vector<16xf32>
          %add3A_1225 = arith.addf %add3A_1163, %mul3A_1224 : vector<16xf32>
          %get3A_1226 = arith.index_cast %add3A_1195 : i32 to index
          %get3A_1227 = arith.constant 64 : index
          %get3A_1228 = tpu.vector_load %arg9[%get3A_1226, %get3A_1227] {strides = array<i32>} : memref<64x128xf32, #tpu.memory_space<vmem>>, vector<1x16xf32>,
          %get3A_1229 = vector.shape_cast %get3A_1228 : vector<1x16xf32> to vector<16xf32>
          %mul3A_1230 = vector.broadcast %squeeze3A_1197 : f32 to vector<16xf32>
          %mul3A_1231 = arith.mulf %mul3A_1230, %get3A_1229 : vector<16xf32>
          %add3A_1232 = arith.addf %add3A_1170, %mul3A_1231 : vector<16xf32>
          %get3A_1233 = arith.index_cast %add3A_1195 : i32 to index
          %get3A_1234 = arith.constant 80 : index
          %get3A_1235 = tpu.vector_load %arg9[%get3A_1233, %get3A_1234] {strides = array<i32>} : memref<64x128xf32, #tpu.memory_space<vmem>>, vector<1x16xf32>,
          %get3A_1236 = vector.shape_cast %get3A_1235 : vector<1x16xf32> to vector<16xf32>
          %mul3A_1237 = vector.broadcast %squeeze3A_1197 : f32 to vector<16xf32>
          %mul3A_1238 = arith.mulf %mul3A_1237, %get3A_1236 : vector<16xf32>
          %add3A_1239 = arith.addf %add3A_1177, %mul3A_1238 : vector<16xf32>
          %get3A_1240 = arith.index_cast %add3A_1195 : i32 to index
          %get3A_1241 = arith.constant 96 : index
          %get3A_1242 = tpu.vector_load %arg9[%get3A_1240, %get3A_1241] {strides = array<i32>} : memref<64x128xf32, #tpu.memory_space<vmem>>, vector<1x16xf32>,
          %get3A_1243 = vector.shape_cast %get3A_1242 : vector<1x16xf32> to vector<16xf32>
          %mul3A_1244 = vector.broadcast %squeeze3A_1197 : f32 to vector<16xf32>
          %mul3A_1245 = arith.mulf %mul3A_1244, %get3A_1243 : vector<16xf32>
          %add3A_1246 = arith.addf %add3A_1184, %mul3A_1245 : vector<16xf32>
          %get3A_1247 = arith.index_cast %add3A_1195 : i32 to index
          %get3A_1248 = arith.constant 112 : index
          %get3A_1249 = tpu.vector_load %arg9[%get3A_1247, %get3A_1248] {strides = array<i32>} : memref<64x128xf32, #tpu.memory_space<vmem>>, vector<1x16xf32>,
          %get3A_1250 = vector.shape_cast %get3A_1249 : vector<1x16xf32> to vector<16xf32>
          %mul3A_1251 = vector.broadcast %squeeze3A_1197 : f32 to vector<16xf32>
          %mul3A_1252 = arith.mulf %mul3A_1251, %get3A_1250 : vector<16xf32>
          %add3A_1253 = arith.addf %add3A_1191, %mul3A_1252 : vector<16xf32>
          %mul3A_1254 = arith.constant 32 : i32
          %mul3A_1255 = arith.muli %scan3A_110, %mul3A_1254 : i32
          %add3A_1256 = arith.constant 18 : i32
          %add3A_1257 = arith.addi %mul3A_1255, %add3A_1256 : i32
          %slice3A_1258 = vector.extract_strided_slice %get3A_139 {offsets = [2], sizes = [1], strides = [1]} : vector<16xf32> to vector<1xf32>
          %squeeze3A_1259 = vector.extract %slice3A_1258[0] : f32 from vector<1xf32>
          %get3A_1260 = arith.index_cast %add3A_1257 : i32 to index
          %get3A_1261 = arith.constant 0 : index
          %get3A_1262 = tpu.vector_load %arg9[%get3A_1260, %get3A_1261] {strides = array<i32>} : memref<64x128xf32, #tpu.memory_space<vmem>>, vector<1x16xf32>,
          %get3A_1263 = vector.shape_cast %get3A_1262 : vector<1x16xf32> to vector<16xf32>
          %mul3A_1264 = vector.broadcast %squeeze3A_1259 : f32 to vector<16xf32>
          %mul3A_1265 = arith.mulf %mul3A_1264, %get3A_1263 : vector<16xf32>
          %add3A_1266 = arith.addf %add3A_1204, %mul3A_1265 : vector<16xf32>
          %get3A_1267 = arith.index_cast %add3A_1257 : i32 to index
          %get3A_1268 = arith.constant 16 : index
          %get3A_1269 = tpu.vector_load %arg9[%get3A_1267, %get3A_1268] {strides = array<i32>} : memref<64x128xf32, #tpu.memory_space<vmem>>, vector<1x16xf32>,
          %get3A_1270 = vector.shape_cast %get3A_1269 : vector<1x16xf32> to vector<16xf32>
          %mul3A_1271 = vector.broadcast %squeeze3A_1259 : f32 to vector<16xf32>
          %mul3A_1272 = arith.mulf %mul3A_1271, %get3A_1270 : vector<16xf32>
          %add3A_1273 = arith.addf %add3A_1211, %mul3A_1272 : vector<16xf32>
          %get3A_1274 = arith.index_cast %add3A_1257 : i32 to index
          %get3A_1275 = arith.constant 32 : index
          %get3A_1276 = tpu.vector_load %arg9[%get3A_1274, %get3A_1275] {strides = array<i32>} : memref<64x128xf32, #tpu.memory_space<vmem>>, vector<1x16xf32>,
          %get3A_1277 = vector.shape_cast %get3A_1276 : vector<1x16xf32> to vector<16xf32>
          %mul3A_1278 = vector.broadcast %squeeze3A_1259 : f32 to vector<16xf32>
          %mul3A_1279 = arith.mulf %mul3A_1278, %get3A_1277 : vector<16xf32>
          %add3A_1280 = arith.addf %add3A_1218, %mul3A_1279 : vector<16xf32>
          %get3A_1281 = arith.index_cast %add3A_1257 : i32 to index
          %get3A_1282 = arith.constant 48 : index
          %get3A_1283 = tpu.vector_load %arg9[%get3A_1281, %get3A_1282] {strides = array<i32>} : memref<64x128xf32, #tpu.memory_space<vmem>>, vector<1x16xf32>,
          %get3A_1284 = vector.shape_cast %get3A_1283 : vector<1x16xf32> to vector<16xf32>
          %mul3A_1285 = vector.broadcast %squeeze3A_1259 : f32 to vector<16xf32>
          %mul3A_1286 = arith.mulf %mul3A_1285, %get3A_1284 : vector<16xf32>
          %add3A_1287 = arith.addf %add3A_1225, %mul3A_1286 : vector<16xf32>
          %get3A_1288 = arith.index_cast %add3A_1257 : i32 to index
          %get3A_1289 = arith.constant 64 : index
          %get3A_1290 = tpu.vector_load %arg9[%get3A_1288, %get3A_1289] {strides = array<i32>} : memref<64x128xf32, #tpu.memory_space<vmem>>, vector<1x16xf32>,
          %get3A_1291 = vector.shape_cast %get3A_1290 : vector<1x16xf32> to vector<16xf32>
          %mul3A_1292 = vector.broadcast %squeeze3A_1259 : f32 to vector<16xf32>
          %mul3A_1293 = arith.mulf %mul3A_1292, %get3A_1291 : vector<16xf32>
          %add3A_1294 = arith.addf %add3A_1232, %mul3A_1293 : vector<16xf32>
          %get3A_1295 = arith.index_cast %add3A_1257 : i32 to index
          %get3A_1296 = arith.constant 80 : index
          %get3A_1297 = tpu.vector_load %arg9[%get3A_1295, %get3A_1296] {strides = array<i32>} : memref<64x128xf32, #tpu.memory_space<vmem>>, vector<1x16xf32>,
          %get3A_1298 = vector.shape_cast %get3A_1297 : vector<1x16xf32> to vector<16xf32>
          %mul3A_1299 = vector.broadcast %squeeze3A_1259 : f32 to vector<16xf32>
          %mul3A_1300 = arith.mulf %mul3A_1299, %get3A_1298 : vector<16xf32>
          %add3A_1301 = arith.addf %add3A_1239, %mul3A_1300 : vector<16xf32>
          %get3A_1302 = arith.index_cast %add3A_1257 : i32 to index
          %get3A_1303 = arith.constant 96 : index
          %get3A_1304 = tpu.vector_load %arg9[%get3A_1302, %get3A_1303] {strides = array<i32>} : memref<64x128xf32, #tpu.memory_space<vmem>>, vector<1x16xf32>,
          %get3A_1305 = vector.shape_cast %get3A_1304 : vector<1x16xf32> to vector<16xf32>
          %mul3A_1306 = vector.broadcast %squeeze3A_1259 : f32 to vector<16xf32>
          %mul3A_1307 = arith.mulf %mul3A_1306, %get3A_1305 : vector<16xf32>
          %add3A_1308 = arith.addf %add3A_1246, %mul3A_1307 : vector<16xf32>
          %get3A_1309 = arith.index_cast %add3A_1257 : i32 to index
          %get3A_1310 = arith.constant 112 : index
          %get3A_1311 = tpu.vector_load %arg9[%get3A_1309, %get3A_1310] {strides = array<i32>} : memref<64x128xf32, #tpu.memory_space<vmem>>, vector<1x16xf32>,
          %get3A_1312 = vector.shape_cast %get3A_1311 : vector<1x16xf32> to vector<16xf32>
          %mul3A_1313 = vector.broadcast %squeeze3A_1259 : f32 to vector<16xf32>
          %mul3A_1314 = arith.mulf %mul3A_1313, %get3A_1312 : vector<16xf32>
          %add3A_1315 = arith.addf %add3A_1253, %mul3A_1314 : vector<16xf32>
          %mul3A_1316 = arith.constant 32 : i32
          %mul3A_1317 = arith.muli %scan3A_110, %mul3A_1316 : i32
          %add3A_1318 = arith.constant 19 : i32
          %add3A_1319 = arith.addi %mul3A_1317, %add3A_1318 : i32
          %slice3A_1320 = vector.extract_strided_slice %get3A_139 {offsets = [3], sizes = [1], strides = [1]} : vector<16xf32> to vector<1xf32>
          %squeeze3A_1321 = vector.extract %slice3A_1320[0] : f32 from vector<1xf32>
          %get3A_1322 = arith.index_cast %add3A_1319 : i32 to index
          %get3A_1323 = arith.constant 0 : index
          %get3A_1324 = tpu.vector_load %arg9[%get3A_1322, %get3A_1323] {strides = array<i32>} : memref<64x128xf32, #tpu.memory_space<vmem>>, vector<1x16xf32>,
          %get3A_1325 = vector.shape_cast %get3A_1324 : vector<1x16xf32> to vector<16xf32>
          %mul3A_1326 = vector.broadcast %squeeze3A_1321 : f32 to vector<16xf32>
          %mul3A_1327 = arith.mulf %mul3A_1326, %get3A_1325 : vector<16xf32>
          %add3A_1328 = arith.addf %add3A_1266, %mul3A_1327 : vector<16xf32>
          %get3A_1329 = arith.index_cast %add3A_1319 : i32 to index
          %get3A_1330 = arith.constant 16 : index
          %get3A_1331 = tpu.vector_load %arg9[%get3A_1329, %get3A_1330] {strides = array<i32>} : memref<64x128xf32, #tpu.memory_space<vmem>>, vector<1x16xf32>,
          %get3A_1332 = vector.shape_cast %get3A_1331 : vector<1x16xf32> to vector<16xf32>
          %mul3A_1333 = vector.broadcast %squeeze3A_1321 : f32 to vector<16xf32>
          %mul3A_1334 = arith.mulf %mul3A_1333, %get3A_1332 : vector<16xf32>
          %add3A_1335 = arith.addf %add3A_1273, %mul3A_1334 : vector<16xf32>
          %get3A_1336 = arith.index_cast %add3A_1319 : i32 to index
          %get3A_1337 = arith.constant 32 : index
          %get3A_1338 = tpu.vector_load %arg9[%get3A_1336, %get3A_1337] {strides = array<i32>} : memref<64x128xf32, #tpu.memory_space<vmem>>, vector<1x16xf32>,
          %get3A_1339 = vector.shape_cast %get3A_1338 : vector<1x16xf32> to vector<16xf32>
          %mul3A_1340 = vector.broadcast %squeeze3A_1321 : f32 to vector<16xf32>
          %mul3A_1341 = arith.mulf %mul3A_1340, %get3A_1339 : vector<16xf32>
          %add3A_1342 = arith.addf %add3A_1280, %mul3A_1341 : vector<16xf32>
          %get3A_1343 = arith.index_cast %add3A_1319 : i32 to index
          %get3A_1344 = arith.constant 48 : index
          %get3A_1345 = tpu.vector_load %arg9[%get3A_1343, %get3A_1344] {strides = array<i32>} : memref<64x128xf32, #tpu.memory_space<vmem>>, vector<1x16xf32>,
          %get3A_1346 = vector.shape_cast %get3A_1345 : vector<1x16xf32> to vector<16xf32>
          %mul3A_1347 = vector.broadcast %squeeze3A_1321 : f32 to vector<16xf32>
          %mul3A_1348 = arith.mulf %mul3A_1347, %get3A_1346 : vector<16xf32>
          %add3A_1349 = arith.addf %add3A_1287, %mul3A_1348 : vector<16xf32>
          %get3A_1350 = arith.index_cast %add3A_1319 : i32 to index
          %get3A_1351 = arith.constant 64 : index
          %get3A_1352 = tpu.vector_load %arg9[%get3A_1350, %get3A_1351] {strides = array<i32>} : memref<64x128xf32, #tpu.memory_space<vmem>>, vector<1x16xf32>,
          %get3A_1353 = vector.shape_cast %get3A_1352 : vector<1x16xf32> to vector<16xf32>
          %mul3A_1354 = vector.broadcast %squeeze3A_1321 : f32 to vector<16xf32>
          %mul3A_1355 = arith.mulf %mul3A_1354, %get3A_1353 : vector<16xf32>
          %add3A_1356 = arith.addf %add3A_1294, %mul3A_1355 : vector<16xf32>
          %get3A_1357 = arith.index_cast %add3A_1319 : i32 to index
          %get3A_1358 = arith.constant 80 : index
          %get3A_1359 = tpu.vector_load %arg9[%get3A_1357, %get3A_1358] {strides = array<i32>} : memref<64x128xf32, #tpu.memory_space<vmem>>, vector<1x16xf32>,
          %get3A_1360 = vector.shape_cast %get3A_1359 : vector<1x16xf32> to vector<16xf32>
          %mul3A_1361 = vector.broadcast %squeeze3A_1321 : f32 to vector<16xf32>
          %mul3A_1362 = arith.mulf %mul3A_1361, %get3A_1360 : vector<16xf32>
          %add3A_1363 = arith.addf %add3A_1301, %mul3A_1362 : vector<16xf32>
          %get3A_1364 = arith.index_cast %add3A_1319 : i32 to index
          %get3A_1365 = arith.constant 96 : index
          %get3A_1366 = tpu.vector_load %arg9[%get3A_1364, %get3A_1365] {strides = array<i32>} : memref<64x128xf32, #tpu.memory_space<vmem>>, vector<1x16xf32>,
          %get3A_1367 = vector.shape_cast %get3A_1366 : vector<1x16xf32> to vector<16xf32>
          %mul3A_1368 = vector.broadcast %squeeze3A_1321 : f32 to vector<16xf32>
          %mul3A_1369 = arith.mulf %mul3A_1368, %get3A_1367 : vector<16xf32>
          %add3A_1370 = arith.addf %add3A_1308, %mul3A_1369 : vector<16xf32>
          %get3A_1371 = arith.index_cast %add3A_1319 : i32 to index
          %get3A_1372 = arith.constant 112 : index
          %get3A_1373 = tpu.vector_load %arg9[%get3A_1371, %get3A_1372] {strides = array<i32>} : memref<64x128xf32, #tpu.memory_space<vmem>>, vector<1x16xf32>,
          %get3A_1374 = vector.shape_cast %get3A_1373 : vector<1x16xf32> to vector<16xf32>
          %mul3A_1375 = vector.broadcast %squeeze3A_1321 : f32 to vector<16xf32>
          %mul3A_1376 = arith.mulf %mul3A_1375, %get3A_1374 : vector<16xf32>
          %add3A_1377 = arith.addf %add3A_1315, %mul3A_1376 : vector<16xf32>
          %mul3A_1378 = arith.constant 32 : i32
          %mul3A_1379 = arith.muli %scan3A_110, %mul3A_1378 : i32
          %add3A_1380 = arith.constant 20 : i32
          %add3A_1381 = arith.addi %mul3A_1379, %add3A_1380 : i32
          %slice3A_1382 = vector.extract_strided_slice %get3A_139 {offsets = [4], sizes = [1], strides = [1]} : vector<16xf32> to vector<1xf32>
          %squeeze3A_1383 = vector.extract %slice3A_1382[0] : f32 from vector<1xf32>
          %get3A_1384 = arith.index_cast %add3A_1381 : i32 to index
          %get3A_1385 = arith.constant 0 : index
          %get3A_1386 = tpu.vector_load %arg9[%get3A_1384, %get3A_1385] {strides = array<i32>} : memref<64x128xf32, #tpu.memory_space<vmem>>, vector<1x16xf32>,
          %get3A_1387 = vector.shape_cast %get3A_1386 : vector<1x16xf32> to vector<16xf32>
          %mul3A_1388 = vector.broadcast %squeeze3A_1383 : f32 to vector<16xf32>
          %mul3A_1389 = arith.mulf %mul3A_1388, %get3A_1387 : vector<16xf32>
          %add3A_1390 = arith.addf %add3A_1328, %mul3A_1389 : vector<16xf32>
          %get3A_1391 = arith.index_cast %add3A_1381 : i32 to index
          %get3A_1392 = arith.constant 16 : index
          %get3A_1393 = tpu.vector_load %arg9[%get3A_1391, %get3A_1392] {strides = array<i32>} : memref<64x128xf32, #tpu.memory_space<vmem>>, vector<1x16xf32>,
          %get3A_1394 = vector.shape_cast %get3A_1393 : vector<1x16xf32> to vector<16xf32>
          %mul3A_1395 = vector.broadcast %squeeze3A_1383 : f32 to vector<16xf32>
          %mul3A_1396 = arith.mulf %mul3A_1395, %get3A_1394 : vector<16xf32>
          %add3A_1397 = arith.addf %add3A_1335, %mul3A_1396 : vector<16xf32>
          %get3A_1398 = arith.index_cast %add3A_1381 : i32 to index
          %get3A_1399 = arith.constant 32 : index
          %get3A_1400 = tpu.vector_load %arg9[%get3A_1398, %get3A_1399] {strides = array<i32>} : memref<64x128xf32, #tpu.memory_space<vmem>>, vector<1x16xf32>,
          %get3A_1401 = vector.shape_cast %get3A_1400 : vector<1x16xf32> to vector<16xf32>
          %mul3A_1402 = vector.broadcast %squeeze3A_1383 : f32 to vector<16xf32>
          %mul3A_1403 = arith.mulf %mul3A_1402, %get3A_1401 : vector<16xf32>
          %add3A_1404 = arith.addf %add3A_1342, %mul3A_1403 : vector<16xf32>
          %get3A_1405 = arith.index_cast %add3A_1381 : i32 to index
          %get3A_1406 = arith.constant 48 : index
          %get3A_1407 = tpu.vector_load %arg9[%get3A_1405, %get3A_1406] {strides = array<i32>} : memref<64x128xf32, #tpu.memory_space<vmem>>, vector<1x16xf32>,
          %get3A_1408 = vector.shape_cast %get3A_1407 : vector<1x16xf32> to vector<16xf32>
          %mul3A_1409 = vector.broadcast %squeeze3A_1383 : f32 to vector<16xf32>
          %mul3A_1410 = arith.mulf %mul3A_1409, %get3A_1408 : vector<16xf32>
          %add3A_1411 = arith.addf %add3A_1349, %mul3A_1410 : vector<16xf32>
          %get3A_1412 = arith.index_cast %add3A_1381 : i32 to index
          %get3A_1413 = arith.constant 64 : index
          %get3A_1414 = tpu.vector_load %arg9[%get3A_1412, %get3A_1413] {strides = array<i32>} : memref<64x128xf32, #tpu.memory_space<vmem>>, vector<1x16xf32>,
          %get3A_1415 = vector.shape_cast %get3A_1414 : vector<1x16xf32> to vector<16xf32>
          %mul3A_1416 = vector.broadcast %squeeze3A_1383 : f32 to vector<16xf32>
          %mul3A_1417 = arith.mulf %mul3A_1416, %get3A_1415 : vector<16xf32>
          %add3A_1418 = arith.addf %add3A_1356, %mul3A_1417 : vector<16xf32>
          %get3A_1419 = arith.index_cast %add3A_1381 : i32 to index
          %get3A_1420 = arith.constant 80 : index
          %get3A_1421 = tpu.vector_load %arg9[%get3A_1419, %get3A_1420] {strides = array<i32>} : memref<64x128xf32, #tpu.memory_space<vmem>>, vector<1x16xf32>,
          %get3A_1422 = vector.shape_cast %get3A_1421 : vector<1x16xf32> to vector<16xf32>
          %mul3A_1423 = vector.broadcast %squeeze3A_1383 : f32 to vector<16xf32>
          %mul3A_1424 = arith.mulf %mul3A_1423, %get3A_1422 : vector<16xf32>
          %add3A_1425 = arith.addf %add3A_1363, %mul3A_1424 : vector<16xf32>
          %get3A_1426 = arith.index_cast %add3A_1381 : i32 to index
          %get3A_1427 = arith.constant 96 : index
          %get3A_1428 = tpu.vector_load %arg9[%get3A_1426, %get3A_1427] {strides = array<i32>} : memref<64x128xf32, #tpu.memory_space<vmem>>, vector<1x16xf32>,
          %get3A_1429 = vector.shape_cast %get3A_1428 : vector<1x16xf32> to vector<16xf32>
          %mul3A_1430 = vector.broadcast %squeeze3A_1383 : f32 to vector<16xf32>
          %mul3A_1431 = arith.mulf %mul3A_1430, %get3A_1429 : vector<16xf32>
          %add3A_1432 = arith.addf %add3A_1370, %mul3A_1431 : vector<16xf32>
          %get3A_1433 = arith.index_cast %add3A_1381 : i32 to index
          %get3A_1434 = arith.constant 112 : index
          %get3A_1435 = tpu.vector_load %arg9[%get3A_1433, %get3A_1434] {strides = array<i32>} : memref<64x128xf32, #tpu.memory_space<vmem>>, vector<1x16xf32>,
          %get3A_1436 = vector.shape_cast %get3A_1435 : vector<1x16xf32> to vector<16xf32>
          %mul3A_1437 = vector.broadcast %squeeze3A_1383 : f32 to vector<16xf32>
          %mul3A_1438 = arith.mulf %mul3A_1437, %get3A_1436 : vector<16xf32>
          %add3A_1439 = arith.addf %add3A_1377, %mul3A_1438 : vector<16xf32>
          %mul3A_1440 = arith.constant 32 : i32
          %mul3A_1441 = arith.muli %scan3A_110, %mul3A_1440 : i32
          %add3A_1442 = arith.constant 21 : i32
          %add3A_1443 = arith.addi %mul3A_1441, %add3A_1442 : i32
          %slice3A_1444 = vector.extract_strided_slice %get3A_139 {offsets = [5], sizes = [1], strides = [1]} : vector<16xf32> to vector<1xf32>
          %squeeze3A_1445 = vector.extract %slice3A_1444[0] : f32 from vector<1xf32>
          %get3A_1446 = arith.index_cast %add3A_1443 : i32 to index
          %get3A_1447 = arith.constant 0 : index
          %get3A_1448 = tpu.vector_load %arg9[%get3A_1446, %get3A_1447] {strides = array<i32>} : memref<64x128xf32, #tpu.memory_space<vmem>>, vector<1x16xf32>,
          %get3A_1449 = vector.shape_cast %get3A_1448 : vector<1x16xf32> to vector<16xf32>
          %mul3A_1450 = vector.broadcast %squeeze3A_1445 : f32 to vector<16xf32>
          %mul3A_1451 = arith.mulf %mul3A_1450, %get3A_1449 : vector<16xf32>
          %add3A_1452 = arith.addf %add3A_1390, %mul3A_1451 : vector<16xf32>
          %get3A_1453 = arith.index_cast %add3A_1443 : i32 to index
          %get3A_1454 = arith.constant 16 : index
          %get3A_1455 = tpu.vector_load %arg9[%get3A_1453, %get3A_1454] {strides = array<i32>} : memref<64x128xf32, #tpu.memory_space<vmem>>, vector<1x16xf32>,
          %get3A_1456 = vector.shape_cast %get3A_1455 : vector<1x16xf32> to vector<16xf32>
          %mul3A_1457 = vector.broadcast %squeeze3A_1445 : f32 to vector<16xf32>
          %mul3A_1458 = arith.mulf %mul3A_1457, %get3A_1456 : vector<16xf32>
          %add3A_1459 = arith.addf %add3A_1397, %mul3A_1458 : vector<16xf32>
          %get3A_1460 = arith.index_cast %add3A_1443 : i32 to index
          %get3A_1461 = arith.constant 32 : index
          %get3A_1462 = tpu.vector_load %arg9[%get3A_1460, %get3A_1461] {strides = array<i32>} : memref<64x128xf32, #tpu.memory_space<vmem>>, vector<1x16xf32>,
          %get3A_1463 = vector.shape_cast %get3A_1462 : vector<1x16xf32> to vector<16xf32>
          %mul3A_1464 = vector.broadcast %squeeze3A_1445 : f32 to vector<16xf32>
          %mul3A_1465 = arith.mulf %mul3A_1464, %get3A_1463 : vector<16xf32>
          %add3A_1466 = arith.addf %add3A_1404, %mul3A_1465 : vector<16xf32>
          %get3A_1467 = arith.index_cast %add3A_1443 : i32 to index
          %get3A_1468 = arith.constant 48 : index
          %get3A_1469 = tpu.vector_load %arg9[%get3A_1467, %get3A_1468] {strides = array<i32>} : memref<64x128xf32, #tpu.memory_space<vmem>>, vector<1x16xf32>,
          %get3A_1470 = vector.shape_cast %get3A_1469 : vector<1x16xf32> to vector<16xf32>
          %mul3A_1471 = vector.broadcast %squeeze3A_1445 : f32 to vector<16xf32>
          %mul3A_1472 = arith.mulf %mul3A_1471, %get3A_1470 : vector<16xf32>
          %add3A_1473 = arith.addf %add3A_1411, %mul3A_1472 : vector<16xf32>
          %get3A_1474 = arith.index_cast %add3A_1443 : i32 to index
          %get3A_1475 = arith.constant 64 : index
          %get3A_1476 = tpu.vector_load %arg9[%get3A_1474, %get3A_1475] {strides = array<i32>} : memref<64x128xf32, #tpu.memory_space<vmem>>, vector<1x16xf32>,
          %get3A_1477 = vector.shape_cast %get3A_1476 : vector<1x16xf32> to vector<16xf32>
          %mul3A_1478 = vector.broadcast %squeeze3A_1445 : f32 to vector<16xf32>
          %mul3A_1479 = arith.mulf %mul3A_1478, %get3A_1477 : vector<16xf32>
          %add3A_1480 = arith.addf %add3A_1418, %mul3A_1479 : vector<16xf32>
          %get3A_1481 = arith.index_cast %add3A_1443 : i32 to index
          %get3A_1482 = arith.constant 80 : index
          %get3A_1483 = tpu.vector_load %arg9[%get3A_1481, %get3A_1482] {strides = array<i32>} : memref<64x128xf32, #tpu.memory_space<vmem>>, vector<1x16xf32>,
          %get3A_1484 = vector.shape_cast %get3A_1483 : vector<1x16xf32> to vector<16xf32>
          %mul3A_1485 = vector.broadcast %squeeze3A_1445 : f32 to vector<16xf32>
          %mul3A_1486 = arith.mulf %mul3A_1485, %get3A_1484 : vector<16xf32>
          %add3A_1487 = arith.addf %add3A_1425, %mul3A_1486 : vector<16xf32>
          %get3A_1488 = arith.index_cast %add3A_1443 : i32 to index
          %get3A_1489 = arith.constant 96 : index
          %get3A_1490 = tpu.vector_load %arg9[%get3A_1488, %get3A_1489] {strides = array<i32>} : memref<64x128xf32, #tpu.memory_space<vmem>>, vector<1x16xf32>,
          %get3A_1491 = vector.shape_cast %get3A_1490 : vector<1x16xf32> to vector<16xf32>
          %mul3A_1492 = vector.broadcast %squeeze3A_1445 : f32 to vector<16xf32>
          %mul3A_1493 = arith.mulf %mul3A_1492, %get3A_1491 : vector<16xf32>
          %add3A_1494 = arith.addf %add3A_1432, %mul3A_1493 : vector<16xf32>
          %get3A_1495 = arith.index_cast %add3A_1443 : i32 to index
          %get3A_1496 = arith.constant 112 : index
          %get3A_1497 = tpu.vector_load %arg9[%get3A_1495, %get3A_1496] {strides = array<i32>} : memref<64x128xf32, #tpu.memory_space<vmem>>, vector<1x16xf32>,
          %get3A_1498 = vector.shape_cast %get3A_1497 : vector<1x16xf32> to vector<16xf32>
          %mul3A_1499 = vector.broadcast %squeeze3A_1445 : f32 to vector<16xf32>
          %mul3A_1500 = arith.mulf %mul3A_1499, %get3A_1498 : vector<16xf32>
          %add3A_1501 = arith.addf %add3A_1439, %mul3A_1500 : vector<16xf32>
          %mul3A_1502 = arith.constant 32 : i32
          %mul3A_1503 = arith.muli %scan3A_110, %mul3A_1502 : i32
          %add3A_1504 = arith.constant 22 : i32
          %add3A_1505 = arith.addi %mul3A_1503, %add3A_1504 : i32
          %slice3A_1506 = vector.extract_strided_slice %get3A_139 {offsets = [6], sizes = [1], strides = [1]} : vector<16xf32> to vector<1xf32>
          %squeeze3A_1507 = vector.extract %slice3A_1506[0] : f32 from vector<1xf32>
          %get3A_1508 = arith.index_cast %add3A_1505 : i32 to index
          %get3A_1509 = arith.constant 0 : index
          %get3A_1510 = tpu.vector_load %arg9[%get3A_1508, %get3A_1509] {strides = array<i32>} : memref<64x128xf32, #tpu.memory_space<vmem>>, vector<1x16xf32>,
          %get3A_1511 = vector.shape_cast %get3A_1510 : vector<1x16xf32> to vector<16xf32>
          %mul3A_1512 = vector.broadcast %squeeze3A_1507 : f32 to vector<16xf32>
          %mul3A_1513 = arith.mulf %mul3A_1512, %get3A_1511 : vector<16xf32>
          %add3A_1514 = arith.addf %add3A_1452, %mul3A_1513 : vector<16xf32>
          %get3A_1515 = arith.index_cast %add3A_1505 : i32 to index
          %get3A_1516 = arith.constant 16 : index
          %get3A_1517 = tpu.vector_load %arg9[%get3A_1515, %get3A_1516] {strides = array<i32>} : memref<64x128xf32, #tpu.memory_space<vmem>>, vector<1x16xf32>,
          %get3A_1518 = vector.shape_cast %get3A_1517 : vector<1x16xf32> to vector<16xf32>
          %mul3A_1519 = vector.broadcast %squeeze3A_1507 : f32 to vector<16xf32>
          %mul3A_1520 = arith.mulf %mul3A_1519, %get3A_1518 : vector<16xf32>
          %add3A_1521 = arith.addf %add3A_1459, %mul3A_1520 : vector<16xf32>
          %get3A_1522 = arith.index_cast %add3A_1505 : i32 to index
          %get3A_1523 = arith.constant 32 : index
          %get3A_1524 = tpu.vector_load %arg9[%get3A_1522, %get3A_1523] {strides = array<i32>} : memref<64x128xf32, #tpu.memory_space<vmem>>, vector<1x16xf32>,
          %get3A_1525 = vector.shape_cast %get3A_1524 : vector<1x16xf32> to vector<16xf32>
          %mul3A_1526 = vector.broadcast %squeeze3A_1507 : f32 to vector<16xf32>
          %mul3A_1527 = arith.mulf %mul3A_1526, %get3A_1525 : vector<16xf32>
          %add3A_1528 = arith.addf %add3A_1466, %mul3A_1527 : vector<16xf32>
          %get3A_1529 = arith.index_cast %add3A_1505 : i32 to index
          %get3A_1530 = arith.constant 48 : index
          %get3A_1531 = tpu.vector_load %arg9[%get3A_1529, %get3A_1530] {strides = array<i32>} : memref<64x128xf32, #tpu.memory_space<vmem>>, vector<1x16xf32>,
          %get3A_1532 = vector.shape_cast %get3A_1531 : vector<1x16xf32> to vector<16xf32>
          %mul3A_1533 = vector.broadcast %squeeze3A_1507 : f32 to vector<16xf32>
          %mul3A_1534 = arith.mulf %mul3A_1533, %get3A_1532 : vector<16xf32>
          %add3A_1535 = arith.addf %add3A_1473, %mul3A_1534 : vector<16xf32>
          %get3A_1536 = arith.index_cast %add3A_1505 : i32 to index
          %get3A_1537 = arith.constant 64 : index
          %get3A_1538 = tpu.vector_load %arg9[%get3A_1536, %get3A_1537] {strides = array<i32>} : memref<64x128xf32, #tpu.memory_space<vmem>>, vector<1x16xf32>,
          %get3A_1539 = vector.shape_cast %get3A_1538 : vector<1x16xf32> to vector<16xf32>
          %mul3A_1540 = vector.broadcast %squeeze3A_1507 : f32 to vector<16xf32>
          %mul3A_1541 = arith.mulf %mul3A_1540, %get3A_1539 : vector<16xf32>
          %add3A_1542 = arith.addf %add3A_1480, %mul3A_1541 : vector<16xf32>
          %get3A_1543 = arith.index_cast %add3A_1505 : i32 to index
          %get3A_1544 = arith.constant 80 : index
          %get3A_1545 = tpu.vector_load %arg9[%get3A_1543, %get3A_1544] {strides = array<i32>} : memref<64x128xf32, #tpu.memory_space<vmem>>, vector<1x16xf32>,
          %get3A_1546 = vector.shape_cast %get3A_1545 : vector<1x16xf32> to vector<16xf32>
          %mul3A_1547 = vector.broadcast %squeeze3A_1507 : f32 to vector<16xf32>
          %mul3A_1548 = arith.mulf %mul3A_1547, %get3A_1546 : vector<16xf32>
          %add3A_1549 = arith.addf %add3A_1487, %mul3A_1548 : vector<16xf32>
          %get3A_1550 = arith.index_cast %add3A_1505 : i32 to index
          %get3A_1551 = arith.constant 96 : index
          %get3A_1552 = tpu.vector_load %arg9[%get3A_1550, %get3A_1551] {strides = array<i32>} : memref<64x128xf32, #tpu.memory_space<vmem>>, vector<1x16xf32>,
          %get3A_1553 = vector.shape_cast %get3A_1552 : vector<1x16xf32> to vector<16xf32>
          %mul3A_1554 = vector.broadcast %squeeze3A_1507 : f32 to vector<16xf32>
          %mul3A_1555 = arith.mulf %mul3A_1554, %get3A_1553 : vector<16xf32>
          %add3A_1556 = arith.addf %add3A_1494, %mul3A_1555 : vector<16xf32>
          %get3A_1557 = arith.index_cast %add3A_1505 : i32 to index
          %get3A_1558 = arith.constant 112 : index
          %get3A_1559 = tpu.vector_load %arg9[%get3A_1557, %get3A_1558] {strides = array<i32>} : memref<64x128xf32, #tpu.memory_space<vmem>>, vector<1x16xf32>,
          %get3A_1560 = vector.shape_cast %get3A_1559 : vector<1x16xf32> to vector<16xf32>
          %mul3A_1561 = vector.broadcast %squeeze3A_1507 : f32 to vector<16xf32>
          %mul3A_1562 = arith.mulf %mul3A_1561, %get3A_1560 : vector<16xf32>
          %add3A_1563 = arith.addf %add3A_1501, %mul3A_1562 : vector<16xf32>
          %mul3A_1564 = arith.constant 32 : i32
          %mul3A_1565 = arith.muli %scan3A_110, %mul3A_1564 : i32
          %add3A_1566 = arith.constant 23 : i32
          %add3A_1567 = arith.addi %mul3A_1565, %add3A_1566 : i32
          %slice3A_1568 = vector.extract_strided_slice %get3A_139 {offsets = [7], sizes = [1], strides = [1]} : vector<16xf32> to vector<1xf32>
          %squeeze3A_1569 = vector.extract %slice3A_1568[0] : f32 from vector<1xf32>
          %get3A_1570 = arith.index_cast %add3A_1567 : i32 to index
          %get3A_1571 = arith.constant 0 : index
          %get3A_1572 = tpu.vector_load %arg9[%get3A_1570, %get3A_1571] {strides = array<i32>} : memref<64x128xf32, #tpu.memory_space<vmem>>, vector<1x16xf32>,
          %get3A_1573 = vector.shape_cast %get3A_1572 : vector<1x16xf32> to vector<16xf32>
          %mul3A_1574 = vector.broadcast %squeeze3A_1569 : f32 to vector<16xf32>
          %mul3A_1575 = arith.mulf %mul3A_1574, %get3A_1573 : vector<16xf32>
          %add3A_1576 = arith.addf %add3A_1514, %mul3A_1575 : vector<16xf32>
          %get3A_1577 = arith.index_cast %add3A_1567 : i32 to index
          %get3A_1578 = arith.constant 16 : index
          %get3A_1579 = tpu.vector_load %arg9[%get3A_1577, %get3A_1578] {strides = array<i32>} : memref<64x128xf32, #tpu.memory_space<vmem>>, vector<1x16xf32>,
          %get3A_1580 = vector.shape_cast %get3A_1579 : vector<1x16xf32> to vector<16xf32>
          %mul3A_1581 = vector.broadcast %squeeze3A_1569 : f32 to vector<16xf32>
          %mul3A_1582 = arith.mulf %mul3A_1581, %get3A_1580 : vector<16xf32>
          %add3A_1583 = arith.addf %add3A_1521, %mul3A_1582 : vector<16xf32>
          %get3A_1584 = arith.index_cast %add3A_1567 : i32 to index
          %get3A_1585 = arith.constant 32 : index
          %get3A_1586 = tpu.vector_load %arg9[%get3A_1584, %get3A_1585] {strides = array<i32>} : memref<64x128xf32, #tpu.memory_space<vmem>>, vector<1x16xf32>,
          %get3A_1587 = vector.shape_cast %get3A_1586 : vector<1x16xf32> to vector<16xf32>
          %mul3A_1588 = vector.broadcast %squeeze3A_1569 : f32 to vector<16xf32>
          %mul3A_1589 = arith.mulf %mul3A_1588, %get3A_1587 : vector<16xf32>
          %add3A_1590 = arith.addf %add3A_1528, %mul3A_1589 : vector<16xf32>
          %get3A_1591 = arith.index_cast %add3A_1567 : i32 to index
          %get3A_1592 = arith.constant 48 : index
          %get3A_1593 = tpu.vector_load %arg9[%get3A_1591, %get3A_1592] {strides = array<i32>} : memref<64x128xf32, #tpu.memory_space<vmem>>, vector<1x16xf32>,
          %get3A_1594 = vector.shape_cast %get3A_1593 : vector<1x16xf32> to vector<16xf32>
          %mul3A_1595 = vector.broadcast %squeeze3A_1569 : f32 to vector<16xf32>
          %mul3A_1596 = arith.mulf %mul3A_1595, %get3A_1594 : vector<16xf32>
          %add3A_1597 = arith.addf %add3A_1535, %mul3A_1596 : vector<16xf32>
          %get3A_1598 = arith.index_cast %add3A_1567 : i32 to index
          %get3A_1599 = arith.constant 64 : index
          %get3A_1600 = tpu.vector_load %arg9[%get3A_1598, %get3A_1599] {strides = array<i32>} : memref<64x128xf32, #tpu.memory_space<vmem>>, vector<1x16xf32>,
          %get3A_1601 = vector.shape_cast %get3A_1600 : vector<1x16xf32> to vector<16xf32>
          %mul3A_1602 = vector.broadcast %squeeze3A_1569 : f32 to vector<16xf32>
          %mul3A_1603 = arith.mulf %mul3A_1602, %get3A_1601 : vector<16xf32>
          %add3A_1604 = arith.addf %add3A_1542, %mul3A_1603 : vector<16xf32>
          %get3A_1605 = arith.index_cast %add3A_1567 : i32 to index
          %get3A_1606 = arith.constant 80 : index
          %get3A_1607 = tpu.vector_load %arg9[%get3A_1605, %get3A_1606] {strides = array<i32>} : memref<64x128xf32, #tpu.memory_space<vmem>>, vector<1x16xf32>,
          %get3A_1608 = vector.shape_cast %get3A_1607 : vector<1x16xf32> to vector<16xf32>
          %mul3A_1609 = vector.broadcast %squeeze3A_1569 : f32 to vector<16xf32>
          %mul3A_1610 = arith.mulf %mul3A_1609, %get3A_1608 : vector<16xf32>
          %add3A_1611 = arith.addf %add3A_1549, %mul3A_1610 : vector<16xf32>
          %get3A_1612 = arith.index_cast %add3A_1567 : i32 to index
          %get3A_1613 = arith.constant 96 : index
          %get3A_1614 = tpu.vector_load %arg9[%get3A_1612, %get3A_1613] {strides = array<i32>} : memref<64x128xf32, #tpu.memory_space<vmem>>, vector<1x16xf32>,
          %get3A_1615 = vector.shape_cast %get3A_1614 : vector<1x16xf32> to vector<16xf32>
          %mul3A_1616 = vector.broadcast %squeeze3A_1569 : f32 to vector<16xf32>
          %mul3A_1617 = arith.mulf %mul3A_1616, %get3A_1615 : vector<16xf32>
          %add3A_1618 = arith.addf %add3A_1556, %mul3A_1617 : vector<16xf32>
          %get3A_1619 = arith.index_cast %add3A_1567 : i32 to index
          %get3A_1620 = arith.constant 112 : index
          %get3A_1621 = tpu.vector_load %arg9[%get3A_1619, %get3A_1620] {strides = array<i32>} : memref<64x128xf32, #tpu.memory_space<vmem>>, vector<1x16xf32>,
          %get3A_1622 = vector.shape_cast %get3A_1621 : vector<1x16xf32> to vector<16xf32>
          %mul3A_1623 = vector.broadcast %squeeze3A_1569 : f32 to vector<16xf32>
          %mul3A_1624 = arith.mulf %mul3A_1623, %get3A_1622 : vector<16xf32>
          %add3A_1625 = arith.addf %add3A_1563, %mul3A_1624 : vector<16xf32>
          %mul3A_1626 = arith.constant 32 : i32
          %mul3A_1627 = arith.muli %scan3A_110, %mul3A_1626 : i32
          %add3A_1628 = arith.constant 24 : i32
          %add3A_1629 = arith.addi %mul3A_1627, %add3A_1628 : i32
          %slice3A_1630 = vector.extract_strided_slice %get3A_139 {offsets = [8], sizes = [1], strides = [1]} : vector<16xf32> to vector<1xf32>
          %squeeze3A_1631 = vector.extract %slice3A_1630[0] : f32 from vector<1xf32>
          %get3A_1632 = arith.index_cast %add3A_1629 : i32 to index
          %get3A_1633 = arith.constant 0 : index
          %get3A_1634 = tpu.vector_load %arg9[%get3A_1632, %get3A_1633] {strides = array<i32>} : memref<64x128xf32, #tpu.memory_space<vmem>>, vector<1x16xf32>,
          %get3A_1635 = vector.shape_cast %get3A_1634 : vector<1x16xf32> to vector<16xf32>
          %mul3A_1636 = vector.broadcast %squeeze3A_1631 : f32 to vector<16xf32>
          %mul3A_1637 = arith.mulf %mul3A_1636, %get3A_1635 : vector<16xf32>
          %add3A_1638 = arith.addf %add3A_1576, %mul3A_1637 : vector<16xf32>
          %get3A_1639 = arith.index_cast %add3A_1629 : i32 to index
          %get3A_1640 = arith.constant 16 : index
          %get3A_1641 = tpu.vector_load %arg9[%get3A_1639, %get3A_1640] {strides = array<i32>} : memref<64x128xf32, #tpu.memory_space<vmem>>, vector<1x16xf32>,
          %get3A_1642 = vector.shape_cast %get3A_1641 : vector<1x16xf32> to vector<16xf32>
          %mul3A_1643 = vector.broadcast %squeeze3A_1631 : f32 to vector<16xf32>
          %mul3A_1644 = arith.mulf %mul3A_1643, %get3A_1642 : vector<16xf32>
          %add3A_1645 = arith.addf %add3A_1583, %mul3A_1644 : vector<16xf32>
          %get3A_1646 = arith.index_cast %add3A_1629 : i32 to index
          %get3A_1647 = arith.constant 32 : index
          %get3A_1648 = tpu.vector_load %arg9[%get3A_1646, %get3A_1647] {strides = array<i32>} : memref<64x128xf32, #tpu.memory_space<vmem>>, vector<1x16xf32>,
          %get3A_1649 = vector.shape_cast %get3A_1648 : vector<1x16xf32> to vector<16xf32>
          %mul3A_1650 = vector.broadcast %squeeze3A_1631 : f32 to vector<16xf32>
          %mul3A_1651 = arith.mulf %mul3A_1650, %get3A_1649 : vector<16xf32>
          %add3A_1652 = arith.addf %add3A_1590, %mul3A_1651 : vector<16xf32>
          %get3A_1653 = arith.index_cast %add3A_1629 : i32 to index
          %get3A_1654 = arith.constant 48 : index
          %get3A_1655 = tpu.vector_load %arg9[%get3A_1653, %get3A_1654] {strides = array<i32>} : memref<64x128xf32, #tpu.memory_space<vmem>>, vector<1x16xf32>,
          %get3A_1656 = vector.shape_cast %get3A_1655 : vector<1x16xf32> to vector<16xf32>
          %mul3A_1657 = vector.broadcast %squeeze3A_1631 : f32 to vector<16xf32>
          %mul3A_1658 = arith.mulf %mul3A_1657, %get3A_1656 : vector<16xf32>
          %add3A_1659 = arith.addf %add3A_1597, %mul3A_1658 : vector<16xf32>
          %get3A_1660 = arith.index_cast %add3A_1629 : i32 to index
          %get3A_1661 = arith.constant 64 : index
          %get3A_1662 = tpu.vector_load %arg9[%get3A_1660, %get3A_1661] {strides = array<i32>} : memref<64x128xf32, #tpu.memory_space<vmem>>, vector<1x16xf32>,
          %get3A_1663 = vector.shape_cast %get3A_1662 : vector<1x16xf32> to vector<16xf32>
          %mul3A_1664 = vector.broadcast %squeeze3A_1631 : f32 to vector<16xf32>
          %mul3A_1665 = arith.mulf %mul3A_1664, %get3A_1663 : vector<16xf32>
          %add3A_1666 = arith.addf %add3A_1604, %mul3A_1665 : vector<16xf32>
          %get3A_1667 = arith.index_cast %add3A_1629 : i32 to index
          %get3A_1668 = arith.constant 80 : index
          %get3A_1669 = tpu.vector_load %arg9[%get3A_1667, %get3A_1668] {strides = array<i32>} : memref<64x128xf32, #tpu.memory_space<vmem>>, vector<1x16xf32>,
          %get3A_1670 = vector.shape_cast %get3A_1669 : vector<1x16xf32> to vector<16xf32>
          %mul3A_1671 = vector.broadcast %squeeze3A_1631 : f32 to vector<16xf32>
          %mul3A_1672 = arith.mulf %mul3A_1671, %get3A_1670 : vector<16xf32>
          %add3A_1673 = arith.addf %add3A_1611, %mul3A_1672 : vector<16xf32>
          %get3A_1674 = arith.index_cast %add3A_1629 : i32 to index
          %get3A_1675 = arith.constant 96 : index
          %get3A_1676 = tpu.vector_load %arg9[%get3A_1674, %get3A_1675] {strides = array<i32>} : memref<64x128xf32, #tpu.memory_space<vmem>>, vector<1x16xf32>,
          %get3A_1677 = vector.shape_cast %get3A_1676 : vector<1x16xf32> to vector<16xf32>
          %mul3A_1678 = vector.broadcast %squeeze3A_1631 : f32 to vector<16xf32>
          %mul3A_1679 = arith.mulf %mul3A_1678, %get3A_1677 : vector<16xf32>
          %add3A_1680 = arith.addf %add3A_1618, %mul3A_1679 : vector<16xf32>
          %get3A_1681 = arith.index_cast %add3A_1629 : i32 to index
          %get3A_1682 = arith.constant 112 : index
          %get3A_1683 = tpu.vector_load %arg9[%get3A_1681, %get3A_1682] {strides = array<i32>} : memref<64x128xf32, #tpu.memory_space<vmem>>, vector<1x16xf32>,
          %get3A_1684 = vector.shape_cast %get3A_1683 : vector<1x16xf32> to vector<16xf32>
          %mul3A_1685 = vector.broadcast %squeeze3A_1631 : f32 to vector<16xf32>
          %mul3A_1686 = arith.mulf %mul3A_1685, %get3A_1684 : vector<16xf32>
          %add3A_1687 = arith.addf %add3A_1625, %mul3A_1686 : vector<16xf32>
          %mul3A_1688 = arith.constant 32 : i32
          %mul3A_1689 = arith.muli %scan3A_110, %mul3A_1688 : i32
          %add3A_1690 = arith.constant 25 : i32
          %add3A_1691 = arith.addi %mul3A_1689, %add3A_1690 : i32
          %slice3A_1692 = vector.extract_strided_slice %get3A_139 {offsets = [9], sizes = [1], strides = [1]} : vector<16xf32> to vector<1xf32>
          %squeeze3A_1693 = vector.extract %slice3A_1692[0] : f32 from vector<1xf32>
          %get3A_1694 = arith.index_cast %add3A_1691 : i32 to index
          %get3A_1695 = arith.constant 0 : index
          %get3A_1696 = tpu.vector_load %arg9[%get3A_1694, %get3A_1695] {strides = array<i32>} : memref<64x128xf32, #tpu.memory_space<vmem>>, vector<1x16xf32>,
          %get3A_1697 = vector.shape_cast %get3A_1696 : vector<1x16xf32> to vector<16xf32>
          %mul3A_1698 = vector.broadcast %squeeze3A_1693 : f32 to vector<16xf32>
          %mul3A_1699 = arith.mulf %mul3A_1698, %get3A_1697 : vector<16xf32>
          %add3A_1700 = arith.addf %add3A_1638, %mul3A_1699 : vector<16xf32>
          %get3A_1701 = arith.index_cast %add3A_1691 : i32 to index
          %get3A_1702 = arith.constant 16 : index
          %get3A_1703 = tpu.vector_load %arg9[%get3A_1701, %get3A_1702] {strides = array<i32>} : memref<64x128xf32, #tpu.memory_space<vmem>>, vector<1x16xf32>,
          %get3A_1704 = vector.shape_cast %get3A_1703 : vector<1x16xf32> to vector<16xf32>
          %mul3A_1705 = vector.broadcast %squeeze3A_1693 : f32 to vector<16xf32>
          %mul3A_1706 = arith.mulf %mul3A_1705, %get3A_1704 : vector<16xf32>
          %add3A_1707 = arith.addf %add3A_1645, %mul3A_1706 : vector<16xf32>
          %get3A_1708 = arith.index_cast %add3A_1691 : i32 to index
          %get3A_1709 = arith.constant 32 : index
          %get3A_1710 = tpu.vector_load %arg9[%get3A_1708, %get3A_1709] {strides = array<i32>} : memref<64x128xf32, #tpu.memory_space<vmem>>, vector<1x16xf32>,
          %get3A_1711 = vector.shape_cast %get3A_1710 : vector<1x16xf32> to vector<16xf32>
          %mul3A_1712 = vector.broadcast %squeeze3A_1693 : f32 to vector<16xf32>
          %mul3A_1713 = arith.mulf %mul3A_1712, %get3A_1711 : vector<16xf32>
          %add3A_1714 = arith.addf %add3A_1652, %mul3A_1713 : vector<16xf32>
          %get3A_1715 = arith.index_cast %add3A_1691 : i32 to index
          %get3A_1716 = arith.constant 48 : index
          %get3A_1717 = tpu.vector_load %arg9[%get3A_1715, %get3A_1716] {strides = array<i32>} : memref<64x128xf32, #tpu.memory_space<vmem>>, vector<1x16xf32>,
          %get3A_1718 = vector.shape_cast %get3A_1717 : vector<1x16xf32> to vector<16xf32>
          %mul3A_1719 = vector.broadcast %squeeze3A_1693 : f32 to vector<16xf32>
          %mul3A_1720 = arith.mulf %mul3A_1719, %get3A_1718 : vector<16xf32>
          %add3A_1721 = arith.addf %add3A_1659, %mul3A_1720 : vector<16xf32>
          %get3A_1722 = arith.index_cast %add3A_1691 : i32 to index
          %get3A_1723 = arith.constant 64 : index
          %get3A_1724 = tpu.vector_load %arg9[%get3A_1722, %get3A_1723] {strides = array<i32>} : memref<64x128xf32, #tpu.memory_space<vmem>>, vector<1x16xf32>,
          %get3A_1725 = vector.shape_cast %get3A_1724 : vector<1x16xf32> to vector<16xf32>
          %mul3A_1726 = vector.broadcast %squeeze3A_1693 : f32 to vector<16xf32>
          %mul3A_1727 = arith.mulf %mul3A_1726, %get3A_1725 : vector<16xf32>
          %add3A_1728 = arith.addf %add3A_1666, %mul3A_1727 : vector<16xf32>
          %get3A_1729 = arith.index_cast %add3A_1691 : i32 to index
          %get3A_1730 = arith.constant 80 : index
          %get3A_1731 = tpu.vector_load %arg9[%get3A_1729, %get3A_1730] {strides = array<i32>} : memref<64x128xf32, #tpu.memory_space<vmem>>, vector<1x16xf32>,
          %get3A_1732 = vector.shape_cast %get3A_1731 : vector<1x16xf32> to vector<16xf32>
          %mul3A_1733 = vector.broadcast %squeeze3A_1693 : f32 to vector<16xf32>
          %mul3A_1734 = arith.mulf %mul3A_1733, %get3A_1732 : vector<16xf32>
          %add3A_1735 = arith.addf %add3A_1673, %mul3A_1734 : vector<16xf32>
          %get3A_1736 = arith.index_cast %add3A_1691 : i32 to index
          %get3A_1737 = arith.constant 96 : index
          %get3A_1738 = tpu.vector_load %arg9[%get3A_1736, %get3A_1737] {strides = array<i32>} : memref<64x128xf32, #tpu.memory_space<vmem>>, vector<1x16xf32>,
          %get3A_1739 = vector.shape_cast %get3A_1738 : vector<1x16xf32> to vector<16xf32>
          %mul3A_1740 = vector.broadcast %squeeze3A_1693 : f32 to vector<16xf32>
          %mul3A_1741 = arith.mulf %mul3A_1740, %get3A_1739 : vector<16xf32>
          %add3A_1742 = arith.addf %add3A_1680, %mul3A_1741 : vector<16xf32>
          %get3A_1743 = arith.index_cast %add3A_1691 : i32 to index
          %get3A_1744 = arith.constant 112 : index
          %get3A_1745 = tpu.vector_load %arg9[%get3A_1743, %get3A_1744] {strides = array<i32>} : memref<64x128xf32, #tpu.memory_space<vmem>>, vector<1x16xf32>,
          %get3A_1746 = vector.shape_cast %get3A_1745 : vector<1x16xf32> to vector<16xf32>
          %mul3A_1747 = vector.broadcast %squeeze3A_1693 : f32 to vector<16xf32>
          %mul3A_1748 = arith.mulf %mul3A_1747, %get3A_1746 : vector<16xf32>
          %add3A_1749 = arith.addf %add3A_1687, %mul3A_1748 : vector<16xf32>
          %mul3A_1750 = arith.constant 32 : i32
          %mul3A_1751 = arith.muli %scan3A_110, %mul3A_1750 : i32
          %add3A_1752 = arith.constant 26 : i32
          %add3A_1753 = arith.addi %mul3A_1751, %add3A_1752 : i32
          %slice3A_1754 = vector.extract_strided_slice %get3A_139 {offsets = [10], sizes = [1], strides = [1]} : vector<16xf32> to vector<1xf32>
          %squeeze3A_1755 = vector.extract %slice3A_1754[0] : f32 from vector<1xf32>
          %get3A_1756 = arith.index_cast %add3A_1753 : i32 to index
          %get3A_1757 = arith.constant 0 : index
          %get3A_1758 = tpu.vector_load %arg9[%get3A_1756, %get3A_1757] {strides = array<i32>} : memref<64x128xf32, #tpu.memory_space<vmem>>, vector<1x16xf32>,
          %get3A_1759 = vector.shape_cast %get3A_1758 : vector<1x16xf32> to vector<16xf32>
          %mul3A_1760 = vector.broadcast %squeeze3A_1755 : f32 to vector<16xf32>
          %mul3A_1761 = arith.mulf %mul3A_1760, %get3A_1759 : vector<16xf32>
          %add3A_1762 = arith.addf %add3A_1700, %mul3A_1761 : vector<16xf32>
          %get3A_1763 = arith.index_cast %add3A_1753 : i32 to index
          %get3A_1764 = arith.constant 16 : index
          %get3A_1765 = tpu.vector_load %arg9[%get3A_1763, %get3A_1764] {strides = array<i32>} : memref<64x128xf32, #tpu.memory_space<vmem>>, vector<1x16xf32>,
          %get3A_1766 = vector.shape_cast %get3A_1765 : vector<1x16xf32> to vector<16xf32>
          %mul3A_1767 = vector.broadcast %squeeze3A_1755 : f32 to vector<16xf32>
          %mul3A_1768 = arith.mulf %mul3A_1767, %get3A_1766 : vector<16xf32>
          %add3A_1769 = arith.addf %add3A_1707, %mul3A_1768 : vector<16xf32>
          %get3A_1770 = arith.index_cast %add3A_1753 : i32 to index
          %get3A_1771 = arith.constant 32 : index
          %get3A_1772 = tpu.vector_load %arg9[%get3A_1770, %get3A_1771] {strides = array<i32>} : memref<64x128xf32, #tpu.memory_space<vmem>>, vector<1x16xf32>,
          %get3A_1773 = vector.shape_cast %get3A_1772 : vector<1x16xf32> to vector<16xf32>
          %mul3A_1774 = vector.broadcast %squeeze3A_1755 : f32 to vector<16xf32>
          %mul3A_1775 = arith.mulf %mul3A_1774, %get3A_1773 : vector<16xf32>
          %add3A_1776 = arith.addf %add3A_1714, %mul3A_1775 : vector<16xf32>
          %get3A_1777 = arith.index_cast %add3A_1753 : i32 to index
          %get3A_1778 = arith.constant 48 : index
          %get3A_1779 = tpu.vector_load %arg9[%get3A_1777, %get3A_1778] {strides = array<i32>} : memref<64x128xf32, #tpu.memory_space<vmem>>, vector<1x16xf32>,
          %get3A_1780 = vector.shape_cast %get3A_1779 : vector<1x16xf32> to vector<16xf32>
          %mul3A_1781 = vector.broadcast %squeeze3A_1755 : f32 to vector<16xf32>
          %mul3A_1782 = arith.mulf %mul3A_1781, %get3A_1780 : vector<16xf32>
          %add3A_1783 = arith.addf %add3A_1721, %mul3A_1782 : vector<16xf32>
          %get3A_1784 = arith.index_cast %add3A_1753 : i32 to index
          %get3A_1785 = arith.constant 64 : index
          %get3A_1786 = tpu.vector_load %arg9[%get3A_1784, %get3A_1785] {strides = array<i32>} : memref<64x128xf32, #tpu.memory_space<vmem>>, vector<1x16xf32>,
          %get3A_1787 = vector.shape_cast %get3A_1786 : vector<1x16xf32> to vector<16xf32>
          %mul3A_1788 = vector.broadcast %squeeze3A_1755 : f32 to vector<16xf32>
          %mul3A_1789 = arith.mulf %mul3A_1788, %get3A_1787 : vector<16xf32>
          %add3A_1790 = arith.addf %add3A_1728, %mul3A_1789 : vector<16xf32>
          %get3A_1791 = arith.index_cast %add3A_1753 : i32 to index
          %get3A_1792 = arith.constant 80 : index
          %get3A_1793 = tpu.vector_load %arg9[%get3A_1791, %get3A_1792] {strides = array<i32>} : memref<64x128xf32, #tpu.memory_space<vmem>>, vector<1x16xf32>,
          %get3A_1794 = vector.shape_cast %get3A_1793 : vector<1x16xf32> to vector<16xf32>
          %mul3A_1795 = vector.broadcast %squeeze3A_1755 : f32 to vector<16xf32>
          %mul3A_1796 = arith.mulf %mul3A_1795, %get3A_1794 : vector<16xf32>
          %add3A_1797 = arith.addf %add3A_1735, %mul3A_1796 : vector<16xf32>
          %get3A_1798 = arith.index_cast %add3A_1753 : i32 to index
          %get3A_1799 = arith.constant 96 : index
          %get3A_1800 = tpu.vector_load %arg9[%get3A_1798, %get3A_1799] {strides = array<i32>} : memref<64x128xf32, #tpu.memory_space<vmem>>, vector<1x16xf32>,
          %get3A_1801 = vector.shape_cast %get3A_1800 : vector<1x16xf32> to vector<16xf32>
          %mul3A_1802 = vector.broadcast %squeeze3A_1755 : f32 to vector<16xf32>
          %mul3A_1803 = arith.mulf %mul3A_1802, %get3A_1801 : vector<16xf32>
          %add3A_1804 = arith.addf %add3A_1742, %mul3A_1803 : vector<16xf32>
          %get3A_1805 = arith.index_cast %add3A_1753 : i32 to index
          %get3A_1806 = arith.constant 112 : index
          %get3A_1807 = tpu.vector_load %arg9[%get3A_1805, %get3A_1806] {strides = array<i32>} : memref<64x128xf32, #tpu.memory_space<vmem>>, vector<1x16xf32>,
          %get3A_1808 = vector.shape_cast %get3A_1807 : vector<1x16xf32> to vector<16xf32>
          %mul3A_1809 = vector.broadcast %squeeze3A_1755 : f32 to vector<16xf32>
          %mul3A_1810 = arith.mulf %mul3A_1809, %get3A_1808 : vector<16xf32>
          %add3A_1811 = arith.addf %add3A_1749, %mul3A_1810 : vector<16xf32>
          %mul3A_1812 = arith.constant 32 : i32
          %mul3A_1813 = arith.muli %scan3A_110, %mul3A_1812 : i32
          %add3A_1814 = arith.constant 27 : i32
          %add3A_1815 = arith.addi %mul3A_1813, %add3A_1814 : i32
          %slice3A_1816 = vector.extract_strided_slice %get3A_139 {offsets = [11], sizes = [1], strides = [1]} : vector<16xf32> to vector<1xf32>
          %squeeze3A_1817 = vector.extract %slice3A_1816[0] : f32 from vector<1xf32>
          %get3A_1818 = arith.index_cast %add3A_1815 : i32 to index
          %get3A_1819 = arith.constant 0 : index
          %get3A_1820 = tpu.vector_load %arg9[%get3A_1818, %get3A_1819] {strides = array<i32>} : memref<64x128xf32, #tpu.memory_space<vmem>>, vector<1x16xf32>,
          %get3A_1821 = vector.shape_cast %get3A_1820 : vector<1x16xf32> to vector<16xf32>
          %mul3A_1822 = vector.broadcast %squeeze3A_1817 : f32 to vector<16xf32>
          %mul3A_1823 = arith.mulf %mul3A_1822, %get3A_1821 : vector<16xf32>
          %add3A_1824 = arith.addf %add3A_1762, %mul3A_1823 : vector<16xf32>
          %get3A_1825 = arith.index_cast %add3A_1815 : i32 to index
          %get3A_1826 = arith.constant 16 : index
          %get3A_1827 = tpu.vector_load %arg9[%get3A_1825, %get3A_1826] {strides = array<i32>} : memref<64x128xf32, #tpu.memory_space<vmem>>, vector<1x16xf32>,
          %get3A_1828 = vector.shape_cast %get3A_1827 : vector<1x16xf32> to vector<16xf32>
          %mul3A_1829 = vector.broadcast %squeeze3A_1817 : f32 to vector<16xf32>
          %mul3A_1830 = arith.mulf %mul3A_1829, %get3A_1828 : vector<16xf32>
          %add3A_1831 = arith.addf %add3A_1769, %mul3A_1830 : vector<16xf32>
          %get3A_1832 = arith.index_cast %add3A_1815 : i32 to index
          %get3A_1833 = arith.constant 32 : index
          %get3A_1834 = tpu.vector_load %arg9[%get3A_1832, %get3A_1833] {strides = array<i32>} : memref<64x128xf32, #tpu.memory_space<vmem>>, vector<1x16xf32>,
          %get3A_1835 = vector.shape_cast %get3A_1834 : vector<1x16xf32> to vector<16xf32>
          %mul3A_1836 = vector.broadcast %squeeze3A_1817 : f32 to vector<16xf32>
          %mul3A_1837 = arith.mulf %mul3A_1836, %get3A_1835 : vector<16xf32>
          %add3A_1838 = arith.addf %add3A_1776, %mul3A_1837 : vector<16xf32>
          %get3A_1839 = arith.index_cast %add3A_1815 : i32 to index
          %get3A_1840 = arith.constant 48 : index
          %get3A_1841 = tpu.vector_load %arg9[%get3A_1839, %get3A_1840] {strides = array<i32>} : memref<64x128xf32, #tpu.memory_space<vmem>>, vector<1x16xf32>,
          %get3A_1842 = vector.shape_cast %get3A_1841 : vector<1x16xf32> to vector<16xf32>
          %mul3A_1843 = vector.broadcast %squeeze3A_1817 : f32 to vector<16xf32>
          %mul3A_1844 = arith.mulf %mul3A_1843, %get3A_1842 : vector<16xf32>
          %add3A_1845 = arith.addf %add3A_1783, %mul3A_1844 : vector<16xf32>
          %get3A_1846 = arith.index_cast %add3A_1815 : i32 to index
          %get3A_1847 = arith.constant 64 : index
          %get3A_1848 = tpu.vector_load %arg9[%get3A_1846, %get3A_1847] {strides = array<i32>} : memref<64x128xf32, #tpu.memory_space<vmem>>, vector<1x16xf32>,
          %get3A_1849 = vector.shape_cast %get3A_1848 : vector<1x16xf32> to vector<16xf32>
          %mul3A_1850 = vector.broadcast %squeeze3A_1817 : f32 to vector<16xf32>
          %mul3A_1851 = arith.mulf %mul3A_1850, %get3A_1849 : vector<16xf32>
          %add3A_1852 = arith.addf %add3A_1790, %mul3A_1851 : vector<16xf32>
          %get3A_1853 = arith.index_cast %add3A_1815 : i32 to index
          %get3A_1854 = arith.constant 80 : index
          %get3A_1855 = tpu.vector_load %arg9[%get3A_1853, %get3A_1854] {strides = array<i32>} : memref<64x128xf32, #tpu.memory_space<vmem>>, vector<1x16xf32>,
          %get3A_1856 = vector.shape_cast %get3A_1855 : vector<1x16xf32> to vector<16xf32>
          %mul3A_1857 = vector.broadcast %squeeze3A_1817 : f32 to vector<16xf32>
          %mul3A_1858 = arith.mulf %mul3A_1857, %get3A_1856 : vector<16xf32>
          %add3A_1859 = arith.addf %add3A_1797, %mul3A_1858 : vector<16xf32>
          %get3A_1860 = arith.index_cast %add3A_1815 : i32 to index
          %get3A_1861 = arith.constant 96 : index
          %get3A_1862 = tpu.vector_load %arg9[%get3A_1860, %get3A_1861] {strides = array<i32>} : memref<64x128xf32, #tpu.memory_space<vmem>>, vector<1x16xf32>,
          %get3A_1863 = vector.shape_cast %get3A_1862 : vector<1x16xf32> to vector<16xf32>
          %mul3A_1864 = vector.broadcast %squeeze3A_1817 : f32 to vector<16xf32>
          %mul3A_1865 = arith.mulf %mul3A_1864, %get3A_1863 : vector<16xf32>
          %add3A_1866 = arith.addf %add3A_1804, %mul3A_1865 : vector<16xf32>
          %get3A_1867 = arith.index_cast %add3A_1815 : i32 to index
          %get3A_1868 = arith.constant 112 : index
          %get3A_1869 = tpu.vector_load %arg9[%get3A_1867, %get3A_1868] {strides = array<i32>} : memref<64x128xf32, #tpu.memory_space<vmem>>, vector<1x16xf32>,
          %get3A_1870 = vector.shape_cast %get3A_1869 : vector<1x16xf32> to vector<16xf32>
          %mul3A_1871 = vector.broadcast %squeeze3A_1817 : f32 to vector<16xf32>
          %mul3A_1872 = arith.mulf %mul3A_1871, %get3A_1870 : vector<16xf32>
          %add3A_1873 = arith.addf %add3A_1811, %mul3A_1872 : vector<16xf32>
          %mul3A_1874 = arith.constant 32 : i32
          %mul3A_1875 = arith.muli %scan3A_110, %mul3A_1874 : i32
          %add3A_1876 = arith.constant 28 : i32
          %add3A_1877 = arith.addi %mul3A_1875, %add3A_1876 : i32
          %slice3A_1878 = vector.extract_strided_slice %get3A_139 {offsets = [12], sizes = [1], strides = [1]} : vector<16xf32> to vector<1xf32>
          %squeeze3A_1879 = vector.extract %slice3A_1878[0] : f32 from vector<1xf32>
          %get3A_1880 = arith.index_cast %add3A_1877 : i32 to index
          %get3A_1881 = arith.constant 0 : index
          %get3A_1882 = tpu.vector_load %arg9[%get3A_1880, %get3A_1881] {strides = array<i32>} : memref<64x128xf32, #tpu.memory_space<vmem>>, vector<1x16xf32>,
          %get3A_1883 = vector.shape_cast %get3A_1882 : vector<1x16xf32> to vector<16xf32>
          %mul3A_1884 = vector.broadcast %squeeze3A_1879 : f32 to vector<16xf32>
          %mul3A_1885 = arith.mulf %mul3A_1884, %get3A_1883 : vector<16xf32>
          %add3A_1886 = arith.addf %add3A_1824, %mul3A_1885 : vector<16xf32>
          %get3A_1887 = arith.index_cast %add3A_1877 : i32 to index
          %get3A_1888 = arith.constant 16 : index
          %get3A_1889 = tpu.vector_load %arg9[%get3A_1887, %get3A_1888] {strides = array<i32>} : memref<64x128xf32, #tpu.memory_space<vmem>>, vector<1x16xf32>,
          %get3A_1890 = vector.shape_cast %get3A_1889 : vector<1x16xf32> to vector<16xf32>
          %mul3A_1891 = vector.broadcast %squeeze3A_1879 : f32 to vector<16xf32>
          %mul3A_1892 = arith.mulf %mul3A_1891, %get3A_1890 : vector<16xf32>
          %add3A_1893 = arith.addf %add3A_1831, %mul3A_1892 : vector<16xf32>
          %get3A_1894 = arith.index_cast %add3A_1877 : i32 to index
          %get3A_1895 = arith.constant 32 : index
          %get3A_1896 = tpu.vector_load %arg9[%get3A_1894, %get3A_1895] {strides = array<i32>} : memref<64x128xf32, #tpu.memory_space<vmem>>, vector<1x16xf32>,
          %get3A_1897 = vector.shape_cast %get3A_1896 : vector<1x16xf32> to vector<16xf32>
          %mul3A_1898 = vector.broadcast %squeeze3A_1879 : f32 to vector<16xf32>
          %mul3A_1899 = arith.mulf %mul3A_1898, %get3A_1897 : vector<16xf32>
          %add3A_1900 = arith.addf %add3A_1838, %mul3A_1899 : vector<16xf32>
          %get3A_1901 = arith.index_cast %add3A_1877 : i32 to index
          %get3A_1902 = arith.constant 48 : index
          %get3A_1903 = tpu.vector_load %arg9[%get3A_1901, %get3A_1902] {strides = array<i32>} : memref<64x128xf32, #tpu.memory_space<vmem>>, vector<1x16xf32>,
          %get3A_1904 = vector.shape_cast %get3A_1903 : vector<1x16xf32> to vector<16xf32>
          %mul3A_1905 = vector.broadcast %squeeze3A_1879 : f32 to vector<16xf32>
          %mul3A_1906 = arith.mulf %mul3A_1905, %get3A_1904 : vector<16xf32>
          %add3A_1907 = arith.addf %add3A_1845, %mul3A_1906 : vector<16xf32>
          %get3A_1908 = arith.index_cast %add3A_1877 : i32 to index
          %get3A_1909 = arith.constant 64 : index
          %get3A_1910 = tpu.vector_load %arg9[%get3A_1908, %get3A_1909] {strides = array<i32>} : memref<64x128xf32, #tpu.memory_space<vmem>>, vector<1x16xf32>,
          %get3A_1911 = vector.shape_cast %get3A_1910 : vector<1x16xf32> to vector<16xf32>
          %mul3A_1912 = vector.broadcast %squeeze3A_1879 : f32 to vector<16xf32>
          %mul3A_1913 = arith.mulf %mul3A_1912, %get3A_1911 : vector<16xf32>
          %add3A_1914 = arith.addf %add3A_1852, %mul3A_1913 : vector<16xf32>
          %get3A_1915 = arith.index_cast %add3A_1877 : i32 to index
          %get3A_1916 = arith.constant 80 : index
          %get3A_1917 = tpu.vector_load %arg9[%get3A_1915, %get3A_1916] {strides = array<i32>} : memref<64x128xf32, #tpu.memory_space<vmem>>, vector<1x16xf32>,
          %get3A_1918 = vector.shape_cast %get3A_1917 : vector<1x16xf32> to vector<16xf32>
          %mul3A_1919 = vector.broadcast %squeeze3A_1879 : f32 to vector<16xf32>
          %mul3A_1920 = arith.mulf %mul3A_1919, %get3A_1918 : vector<16xf32>
          %add3A_1921 = arith.addf %add3A_1859, %mul3A_1920 : vector<16xf32>
          %get3A_1922 = arith.index_cast %add3A_1877 : i32 to index
          %get3A_1923 = arith.constant 96 : index
          %get3A_1924 = tpu.vector_load %arg9[%get3A_1922, %get3A_1923] {strides = array<i32>} : memref<64x128xf32, #tpu.memory_space<vmem>>, vector<1x16xf32>,
          %get3A_1925 = vector.shape_cast %get3A_1924 : vector<1x16xf32> to vector<16xf32>
          %mul3A_1926 = vector.broadcast %squeeze3A_1879 : f32 to vector<16xf32>
          %mul3A_1927 = arith.mulf %mul3A_1926, %get3A_1925 : vector<16xf32>
          %add3A_1928 = arith.addf %add3A_1866, %mul3A_1927 : vector<16xf32>
          %get3A_1929 = arith.index_cast %add3A_1877 : i32 to index
          %get3A_1930 = arith.constant 112 : index
          %get3A_1931 = tpu.vector_load %arg9[%get3A_1929, %get3A_1930] {strides = array<i32>} : memref<64x128xf32, #tpu.memory_space<vmem>>, vector<1x16xf32>,
          %get3A_1932 = vector.shape_cast %get3A_1931 : vector<1x16xf32> to vector<16xf32>
          %mul3A_1933 = vector.broadcast %squeeze3A_1879 : f32 to vector<16xf32>
          %mul3A_1934 = arith.mulf %mul3A_1933, %get3A_1932 : vector<16xf32>
          %add3A_1935 = arith.addf %add3A_1873, %mul3A_1934 : vector<16xf32>
          %mul3A_1936 = arith.constant 32 : i32
          %mul3A_1937 = arith.muli %scan3A_110, %mul3A_1936 : i32
          %add3A_1938 = arith.constant 29 : i32
          %add3A_1939 = arith.addi %mul3A_1937, %add3A_1938 : i32
          %slice3A_1940 = vector.extract_strided_slice %get3A_139 {offsets = [13], sizes = [1], strides = [1]} : vector<16xf32> to vector<1xf32>
          %squeeze3A_1941 = vector.extract %slice3A_1940[0] : f32 from vector<1xf32>
          %get3A_1942 = arith.index_cast %add3A_1939 : i32 to index
          %get3A_1943 = arith.constant 0 : index
          %get3A_1944 = tpu.vector_load %arg9[%get3A_1942, %get3A_1943] {strides = array<i32>} : memref<64x128xf32, #tpu.memory_space<vmem>>, vector<1x16xf32>,
          %get3A_1945 = vector.shape_cast %get3A_1944 : vector<1x16xf32> to vector<16xf32>
          %mul3A_1946 = vector.broadcast %squeeze3A_1941 : f32 to vector<16xf32>
          %mul3A_1947 = arith.mulf %mul3A_1946, %get3A_1945 : vector<16xf32>
          %add3A_1948 = arith.addf %add3A_1886, %mul3A_1947 : vector<16xf32>
          %get3A_1949 = arith.index_cast %add3A_1939 : i32 to index
          %get3A_1950 = arith.constant 16 : index
          %get3A_1951 = tpu.vector_load %arg9[%get3A_1949, %get3A_1950] {strides = array<i32>} : memref<64x128xf32, #tpu.memory_space<vmem>>, vector<1x16xf32>,
          %get3A_1952 = vector.shape_cast %get3A_1951 : vector<1x16xf32> to vector<16xf32>
          %mul3A_1953 = vector.broadcast %squeeze3A_1941 : f32 to vector<16xf32>
          %mul3A_1954 = arith.mulf %mul3A_1953, %get3A_1952 : vector<16xf32>
          %add3A_1955 = arith.addf %add3A_1893, %mul3A_1954 : vector<16xf32>
          %get3A_1956 = arith.index_cast %add3A_1939 : i32 to index
          %get3A_1957 = arith.constant 32 : index
          %get3A_1958 = tpu.vector_load %arg9[%get3A_1956, %get3A_1957] {strides = array<i32>} : memref<64x128xf32, #tpu.memory_space<vmem>>, vector<1x16xf32>,
          %get3A_1959 = vector.shape_cast %get3A_1958 : vector<1x16xf32> to vector<16xf32>
          %mul3A_1960 = vector.broadcast %squeeze3A_1941 : f32 to vector<16xf32>
          %mul3A_1961 = arith.mulf %mul3A_1960, %get3A_1959 : vector<16xf32>
          %add3A_1962 = arith.addf %add3A_1900, %mul3A_1961 : vector<16xf32>
          %get3A_1963 = arith.index_cast %add3A_1939 : i32 to index
          %get3A_1964 = arith.constant 48 : index
          %get3A_1965 = tpu.vector_load %arg9[%get3A_1963, %get3A_1964] {strides = array<i32>} : memref<64x128xf32, #tpu.memory_space<vmem>>, vector<1x16xf32>,
          %get3A_1966 = vector.shape_cast %get3A_1965 : vector<1x16xf32> to vector<16xf32>
          %mul3A_1967 = vector.broadcast %squeeze3A_1941 : f32 to vector<16xf32>
          %mul3A_1968 = arith.mulf %mul3A_1967, %get3A_1966 : vector<16xf32>
          %add3A_1969 = arith.addf %add3A_1907, %mul3A_1968 : vector<16xf32>
          %get3A_1970 = arith.index_cast %add3A_1939 : i32 to index
          %get3A_1971 = arith.constant 64 : index
          %get3A_1972 = tpu.vector_load %arg9[%get3A_1970, %get3A_1971] {strides = array<i32>} : memref<64x128xf32, #tpu.memory_space<vmem>>, vector<1x16xf32>,
          %get3A_1973 = vector.shape_cast %get3A_1972 : vector<1x16xf32> to vector<16xf32>
          %mul3A_1974 = vector.broadcast %squeeze3A_1941 : f32 to vector<16xf32>
          %mul3A_1975 = arith.mulf %mul3A_1974, %get3A_1973 : vector<16xf32>
          %add3A_1976 = arith.addf %add3A_1914, %mul3A_1975 : vector<16xf32>
          %get3A_1977 = arith.index_cast %add3A_1939 : i32 to index
          %get3A_1978 = arith.constant 80 : index
          %get3A_1979 = tpu.vector_load %arg9[%get3A_1977, %get3A_1978] {strides = array<i32>} : memref<64x128xf32, #tpu.memory_space<vmem>>, vector<1x16xf32>,
          %get3A_1980 = vector.shape_cast %get3A_1979 : vector<1x16xf32> to vector<16xf32>
          %mul3A_1981 = vector.broadcast %squeeze3A_1941 : f32 to vector<16xf32>
          %mul3A_1982 = arith.mulf %mul3A_1981, %get3A_1980 : vector<16xf32>
          %add3A_1983 = arith.addf %add3A_1921, %mul3A_1982 : vector<16xf32>
          %get3A_1984 = arith.index_cast %add3A_1939 : i32 to index
          %get3A_1985 = arith.constant 96 : index
          %get3A_1986 = tpu.vector_load %arg9[%get3A_1984, %get3A_1985] {strides = array<i32>} : memref<64x128xf32, #tpu.memory_space<vmem>>, vector<1x16xf32>,
          %get3A_1987 = vector.shape_cast %get3A_1986 : vector<1x16xf32> to vector<16xf32>
          %mul3A_1988 = vector.broadcast %squeeze3A_1941 : f32 to vector<16xf32>
          %mul3A_1989 = arith.mulf %mul3A_1988, %get3A_1987 : vector<16xf32>
          %add3A_1990 = arith.addf %add3A_1928, %mul3A_1989 : vector<16xf32>
          %get3A_1991 = arith.index_cast %add3A_1939 : i32 to index
          %get3A_1992 = arith.constant 112 : index
          %get3A_1993 = tpu.vector_load %arg9[%get3A_1991, %get3A_1992] {strides = array<i32>} : memref<64x128xf32, #tpu.memory_space<vmem>>, vector<1x16xf32>,
          %get3A_1994 = vector.shape_cast %get3A_1993 : vector<1x16xf32> to vector<16xf32>
          %mul3A_1995 = vector.broadcast %squeeze3A_1941 : f32 to vector<16xf32>
          %mul3A_1996 = arith.mulf %mul3A_1995, %get3A_1994 : vector<16xf32>
          %add3A_1997 = arith.addf %add3A_1935, %mul3A_1996 : vector<16xf32>
          %mul3A_1998 = arith.constant 32 : i32
          %mul3A_1999 = arith.muli %scan3A_110, %mul3A_1998 : i32
          %add3A_2000 = arith.constant 30 : i32
          %add3A_2001 = arith.addi %mul3A_1999, %add3A_2000 : i32
          %slice3A_2002 = vector.extract_strided_slice %get3A_139 {offsets = [14], sizes = [1], strides = [1]} : vector<16xf32> to vector<1xf32>
          %squeeze3A_2003 = vector.extract %slice3A_2002[0] : f32 from vector<1xf32>
          %get3A_2004 = arith.index_cast %add3A_2001 : i32 to index
          %get3A_2005 = arith.constant 0 : index
          %get3A_2006 = tpu.vector_load %arg9[%get3A_2004, %get3A_2005] {strides = array<i32>} : memref<64x128xf32, #tpu.memory_space<vmem>>, vector<1x16xf32>,
          %get3A_2007 = vector.shape_cast %get3A_2006 : vector<1x16xf32> to vector<16xf32>
          %mul3A_2008 = vector.broadcast %squeeze3A_2003 : f32 to vector<16xf32>
          %mul3A_2009 = arith.mulf %mul3A_2008, %get3A_2007 : vector<16xf32>
          %add3A_2010 = arith.addf %add3A_1948, %mul3A_2009 : vector<16xf32>
          %get3A_2011 = arith.index_cast %add3A_2001 : i32 to index
          %get3A_2012 = arith.constant 16 : index
          %get3A_2013 = tpu.vector_load %arg9[%get3A_2011, %get3A_2012] {strides = array<i32>} : memref<64x128xf32, #tpu.memory_space<vmem>>, vector<1x16xf32>,
          %get3A_2014 = vector.shape_cast %get3A_2013 : vector<1x16xf32> to vector<16xf32>
          %mul3A_2015 = vector.broadcast %squeeze3A_2003 : f32 to vector<16xf32>
          %mul3A_2016 = arith.mulf %mul3A_2015, %get3A_2014 : vector<16xf32>
          %add3A_2017 = arith.addf %add3A_1955, %mul3A_2016 : vector<16xf32>
          %get3A_2018 = arith.index_cast %add3A_2001 : i32 to index
          %get3A_2019 = arith.constant 32 : index
          %get3A_2020 = tpu.vector_load %arg9[%get3A_2018, %get3A_2019] {strides = array<i32>} : memref<64x128xf32, #tpu.memory_space<vmem>>, vector<1x16xf32>,
          %get3A_2021 = vector.shape_cast %get3A_2020 : vector<1x16xf32> to vector<16xf32>
          %mul3A_2022 = vector.broadcast %squeeze3A_2003 : f32 to vector<16xf32>
          %mul3A_2023 = arith.mulf %mul3A_2022, %get3A_2021 : vector<16xf32>
          %add3A_2024 = arith.addf %add3A_1962, %mul3A_2023 : vector<16xf32>
          %get3A_2025 = arith.index_cast %add3A_2001 : i32 to index
          %get3A_2026 = arith.constant 48 : index
          %get3A_2027 = tpu.vector_load %arg9[%get3A_2025, %get3A_2026] {strides = array<i32>} : memref<64x128xf32, #tpu.memory_space<vmem>>, vector<1x16xf32>,
          %get3A_2028 = vector.shape_cast %get3A_2027 : vector<1x16xf32> to vector<16xf32>
          %mul3A_2029 = vector.broadcast %squeeze3A_2003 : f32 to vector<16xf32>
          %mul3A_2030 = arith.mulf %mul3A_2029, %get3A_2028 : vector<16xf32>
          %add3A_2031 = arith.addf %add3A_1969, %mul3A_2030 : vector<16xf32>
          %get3A_2032 = arith.index_cast %add3A_2001 : i32 to index
          %get3A_2033 = arith.constant 64 : index
          %get3A_2034 = tpu.vector_load %arg9[%get3A_2032, %get3A_2033] {strides = array<i32>} : memref<64x128xf32, #tpu.memory_space<vmem>>, vector<1x16xf32>,
          %get3A_2035 = vector.shape_cast %get3A_2034 : vector<1x16xf32> to vector<16xf32>
          %mul3A_2036 = vector.broadcast %squeeze3A_2003 : f32 to vector<16xf32>
          %mul3A_2037 = arith.mulf %mul3A_2036, %get3A_2035 : vector<16xf32>
          %add3A_2038 = arith.addf %add3A_1976, %mul3A_2037 : vector<16xf32>
          %get3A_2039 = arith.index_cast %add3A_2001 : i32 to index
          %get3A_2040 = arith.constant 80 : index
          %get3A_2041 = tpu.vector_load %arg9[%get3A_2039, %get3A_2040] {strides = array<i32>} : memref<64x128xf32, #tpu.memory_space<vmem>>, vector<1x16xf32>,
          %get3A_2042 = vector.shape_cast %get3A_2041 : vector<1x16xf32> to vector<16xf32>
          %mul3A_2043 = vector.broadcast %squeeze3A_2003 : f32 to vector<16xf32>
          %mul3A_2044 = arith.mulf %mul3A_2043, %get3A_2042 : vector<16xf32>
          %add3A_2045 = arith.addf %add3A_1983, %mul3A_2044 : vector<16xf32>
          %get3A_2046 = arith.index_cast %add3A_2001 : i32 to index
          %get3A_2047 = arith.constant 96 : index
          %get3A_2048 = tpu.vector_load %arg9[%get3A_2046, %get3A_2047] {strides = array<i32>} : memref<64x128xf32, #tpu.memory_space<vmem>>, vector<1x16xf32>,
          %get3A_2049 = vector.shape_cast %get3A_2048 : vector<1x16xf32> to vector<16xf32>
          %mul3A_2050 = vector.broadcast %squeeze3A_2003 : f32 to vector<16xf32>
          %mul3A_2051 = arith.mulf %mul3A_2050, %get3A_2049 : vector<16xf32>
          %add3A_2052 = arith.addf %add3A_1990, %mul3A_2051 : vector<16xf32>
          %get3A_2053 = arith.index_cast %add3A_2001 : i32 to index
          %get3A_2054 = arith.constant 112 : index
          %get3A_2055 = tpu.vector_load %arg9[%get3A_2053, %get3A_2054] {strides = array<i32>} : memref<64x128xf32, #tpu.memory_space<vmem>>, vector<1x16xf32>,
          %get3A_2056 = vector.shape_cast %get3A_2055 : vector<1x16xf32> to vector<16xf32>
          %mul3A_2057 = vector.broadcast %squeeze3A_2003 : f32 to vector<16xf32>
          %mul3A_2058 = arith.mulf %mul3A_2057, %get3A_2056 : vector<16xf32>
          %add3A_2059 = arith.addf %add3A_1997, %mul3A_2058 : vector<16xf32>
          %mul3A_2060 = arith.constant 32 : i32
          %mul3A_2061 = arith.muli %scan3A_110, %mul3A_2060 : i32
          %add3A_2062 = arith.constant 31 : i32
          %add3A_2063 = arith.addi %mul3A_2061, %add3A_2062 : i32
          %slice3A_2064 = vector.extract_strided_slice %get3A_139 {offsets = [15], sizes = [1], strides = [1]} : vector<16xf32> to vector<1xf32>
          %squeeze3A_2065 = vector.extract %slice3A_2064[0] : f32 from vector<1xf32>
          %get3A_2066 = arith.index_cast %add3A_2063 : i32 to index
          %get3A_2067 = arith.constant 0 : index
          %get3A_2068 = tpu.vector_load %arg9[%get3A_2066, %get3A_2067] {strides = array<i32>} : memref<64x128xf32, #tpu.memory_space<vmem>>, vector<1x16xf32>,
          %get3A_2069 = vector.shape_cast %get3A_2068 : vector<1x16xf32> to vector<16xf32>
          %mul3A_2070 = vector.broadcast %squeeze3A_2065 : f32 to vector<16xf32>
          %mul3A_2071 = arith.mulf %mul3A_2070, %get3A_2069 : vector<16xf32>
          %add3A_2072 = arith.addf %add3A_2010, %mul3A_2071 : vector<16xf32>
          %get3A_2073 = arith.index_cast %add3A_2063 : i32 to index
          %get3A_2074 = arith.constant 16 : index
          %get3A_2075 = tpu.vector_load %arg9[%get3A_2073, %get3A_2074] {strides = array<i32>} : memref<64x128xf32, #tpu.memory_space<vmem>>, vector<1x16xf32>,
          %get3A_2076 = vector.shape_cast %get3A_2075 : vector<1x16xf32> to vector<16xf32>
          %mul3A_2077 = vector.broadcast %squeeze3A_2065 : f32 to vector<16xf32>
          %mul3A_2078 = arith.mulf %mul3A_2077, %get3A_2076 : vector<16xf32>
          %add3A_2079 = arith.addf %add3A_2017, %mul3A_2078 : vector<16xf32>
          %get3A_2080 = arith.index_cast %add3A_2063 : i32 to index
          %get3A_2081 = arith.constant 32 : index
          %get3A_2082 = tpu.vector_load %arg9[%get3A_2080, %get3A_2081] {strides = array<i32>} : memref<64x128xf32, #tpu.memory_space<vmem>>, vector<1x16xf32>,
          %get3A_2083 = vector.shape_cast %get3A_2082 : vector<1x16xf32> to vector<16xf32>
          %mul3A_2084 = vector.broadcast %squeeze3A_2065 : f32 to vector<16xf32>
          %mul3A_2085 = arith.mulf %mul3A_2084, %get3A_2083 : vector<16xf32>
          %add3A_2086 = arith.addf %add3A_2024, %mul3A_2085 : vector<16xf32>
          %get3A_2087 = arith.index_cast %add3A_2063 : i32 to index
          %get3A_2088 = arith.constant 48 : index
          %get3A_2089 = tpu.vector_load %arg9[%get3A_2087, %get3A_2088] {strides = array<i32>} : memref<64x128xf32, #tpu.memory_space<vmem>>, vector<1x16xf32>,
          %get3A_2090 = vector.shape_cast %get3A_2089 : vector<1x16xf32> to vector<16xf32>
          %mul3A_2091 = vector.broadcast %squeeze3A_2065 : f32 to vector<16xf32>
          %mul3A_2092 = arith.mulf %mul3A_2091, %get3A_2090 : vector<16xf32>
          %add3A_2093 = arith.addf %add3A_2031, %mul3A_2092 : vector<16xf32>
          %get3A_2094 = arith.index_cast %add3A_2063 : i32 to index
          %get3A_2095 = arith.constant 64 : index
          %get3A_2096 = tpu.vector_load %arg9[%get3A_2094, %get3A_2095] {strides = array<i32>} : memref<64x128xf32, #tpu.memory_space<vmem>>, vector<1x16xf32>,
          %get3A_2097 = vector.shape_cast %get3A_2096 : vector<1x16xf32> to vector<16xf32>
          %mul3A_2098 = vector.broadcast %squeeze3A_2065 : f32 to vector<16xf32>
          %mul3A_2099 = arith.mulf %mul3A_2098, %get3A_2097 : vector<16xf32>
          %add3A_2100 = arith.addf %add3A_2038, %mul3A_2099 : vector<16xf32>
          %get3A_2101 = arith.index_cast %add3A_2063 : i32 to index
          %get3A_2102 = arith.constant 80 : index
          %get3A_2103 = tpu.vector_load %arg9[%get3A_2101, %get3A_2102] {strides = array<i32>} : memref<64x128xf32, #tpu.memory_space<vmem>>, vector<1x16xf32>,
          %get3A_2104 = vector.shape_cast %get3A_2103 : vector<1x16xf32> to vector<16xf32>
          %mul3A_2105 = vector.broadcast %squeeze3A_2065 : f32 to vector<16xf32>
          %mul3A_2106 = arith.mulf %mul3A_2105, %get3A_2104 : vector<16xf32>
          %add3A_2107 = arith.addf %add3A_2045, %mul3A_2106 : vector<16xf32>
          %get3A_2108 = arith.index_cast %add3A_2063 : i32 to index
          %get3A_2109 = arith.constant 96 : index
          %get3A_2110 = tpu.vector_load %arg9[%get3A_2108, %get3A_2109] {strides = array<i32>} : memref<64x128xf32, #tpu.memory_space<vmem>>, vector<1x16xf32>,
          %get3A_2111 = vector.shape_cast %get3A_2110 : vector<1x16xf32> to vector<16xf32>
          %mul3A_2112 = vector.broadcast %squeeze3A_2065 : f32 to vector<16xf32>
          %mul3A_2113 = arith.mulf %mul3A_2112, %get3A_2111 : vector<16xf32>
          %add3A_2114 = arith.addf %add3A_2052, %mul3A_2113 : vector<16xf32>
          %get3A_2115 = arith.index_cast %add3A_2063 : i32 to index
          %get3A_2116 = arith.constant 112 : index
          %get3A_2117 = tpu.vector_load %arg9[%get3A_2115, %get3A_2116] {strides = array<i32>} : memref<64x128xf32, #tpu.memory_space<vmem>>, vector<1x16xf32>,
          %get3A_2118 = vector.shape_cast %get3A_2117 : vector<1x16xf32> to vector<16xf32>
          %mul3A_2119 = vector.broadcast %squeeze3A_2065 : f32 to vector<16xf32>
          %mul3A_2120 = arith.mulf %mul3A_2119, %get3A_2118 : vector<16xf32>
          %add3A_2121 = arith.addf %add3A_2059, %mul3A_2120 : vector<16xf32>
          %mul3A_2122 = arith.constant 2 : i32
          %mul3A_2123 = arith.muli %scan3A_58, %mul3A_2122 : i32
          %add3A_2124 = arith.constant 1 : i32
          %add3A_2125 = arith.addi %mul3A_2123, %add3A_2124 : i32
          %mul3A_2126 = arith.constant 2 : i32
          %mul3A_2127 = arith.muli %add3A_2125, %mul3A_2126 : i32
          %add3A_2128 = arith.addi %mul3A_2127, %scan3A_110 : i32
          %swap3A = arith.index_cast %add3A_2128 : i32 to index
          %swap3A_2129 = arith.constant 0 : index
          %swap3A_2130 = tpu.vector_load %arg10[%swap3A, %swap3A_2129] {strides = array<i32>} : memref<32x128xf32, #tpu.memory_space<vmem>>, vector<1x16xf32>,
          %swap3A_2131 = vector.shape_cast %swap3A_2130 : vector<1x16xf32> to vector<16xf32>
          %swap3A_2132 = vector.shape_cast %add3A_2072 : vector<16xf32> to vector<1x16xf32>
          tpu.vector_store %arg10[%swap3A, %swap3A_2129], %swap3A_2132 {strides = array<i32>} : memref<32x128xf32, #tpu.memory_space<vmem>>, vector<1x16xf32>,
          %swap3A_2133 = arith.index_cast %add3A_2128 : i32 to index
          %swap3A_2134 = arith.constant 16 : index
          %swap3A_2135 = tpu.vector_load %arg10[%swap3A_2133, %swap3A_2134] {strides = array<i32>} : memref<32x128xf32, #tpu.memory_space<vmem>>, vector<1x16xf32>,
          %swap3A_2136 = vector.shape_cast %swap3A_2135 : vector<1x16xf32> to vector<16xf32>
          %swap3A_2137 = vector.shape_cast %add3A_2079 : vector<16xf32> to vector<1x16xf32>
          tpu.vector_store %arg10[%swap3A_2133, %swap3A_2134], %swap3A_2137 {strides = array<i32>} : memref<32x128xf32, #tpu.memory_space<vmem>>, vector<1x16xf32>,
          %swap3A_2138 = arith.index_cast %add3A_2128 : i32 to index
          %swap3A_2139 = arith.constant 32 : index
          %swap3A_2140 = tpu.vector_load %arg10[%swap3A_2138, %swap3A_2139] {strides = array<i32>} : memref<32x128xf32, #tpu.memory_space<vmem>>, vector<1x16xf32>,
          %swap3A_2141 = vector.shape_cast %swap3A_2140 : vector<1x16xf32> to vector<16xf32>
          %swap3A_2142 = vector.shape_cast %add3A_2086 : vector<16xf32> to vector<1x16xf32>
          tpu.vector_store %arg10[%swap3A_2138, %swap3A_2139], %swap3A_2142 {strides = array<i32>} : memref<32x128xf32, #tpu.memory_space<vmem>>, vector<1x16xf32>,
          %swap3A_2143 = arith.index_cast %add3A_2128 : i32 to index
          %swap3A_2144 = arith.constant 48 : index
          %swap3A_2145 = tpu.vector_load %arg10[%swap3A_2143, %swap3A_2144] {strides = array<i32>} : memref<32x128xf32, #tpu.memory_space<vmem>>, vector<1x16xf32>,
          %swap3A_2146 = vector.shape_cast %swap3A_2145 : vector<1x16xf32> to vector<16xf32>
          %swap3A_2147 = vector.shape_cast %add3A_2093 : vector<16xf32> to vector<1x16xf32>
          tpu.vector_store %arg10[%swap3A_2143, %swap3A_2144], %swap3A_2147 {strides = array<i32>} : memref<32x128xf32, #tpu.memory_space<vmem>>, vector<1x16xf32>,
          %swap3A_2148 = arith.index_cast %add3A_2128 : i32 to index
          %swap3A_2149 = arith.constant 64 : index
          %swap3A_2150 = tpu.vector_load %arg10[%swap3A_2148, %swap3A_2149] {strides = array<i32>} : memref<32x128xf32, #tpu.memory_space<vmem>>, vector<1x16xf32>,
          %swap3A_2151 = vector.shape_cast %swap3A_2150 : vector<1x16xf32> to vector<16xf32>
          %swap3A_2152 = vector.shape_cast %add3A_2100 : vector<16xf32> to vector<1x16xf32>
          tpu.vector_store %arg10[%swap3A_2148, %swap3A_2149], %swap3A_2152 {strides = array<i32>} : memref<32x128xf32, #tpu.memory_space<vmem>>, vector<1x16xf32>,
          %swap3A_2153 = arith.index_cast %add3A_2128 : i32 to index
          %swap3A_2154 = arith.constant 80 : index
          %swap3A_2155 = tpu.vector_load %arg10[%swap3A_2153, %swap3A_2154] {strides = array<i32>} : memref<32x128xf32, #tpu.memory_space<vmem>>, vector<1x16xf32>,
          %swap3A_2156 = vector.shape_cast %swap3A_2155 : vector<1x16xf32> to vector<16xf32>
          %swap3A_2157 = vector.shape_cast %add3A_2107 : vector<16xf32> to vector<1x16xf32>
          tpu.vector_store %arg10[%swap3A_2153, %swap3A_2154], %swap3A_2157 {strides = array<i32>} : memref<32x128xf32, #tpu.memory_space<vmem>>, vector<1x16xf32>,
          %swap3A_2158 = arith.index_cast %add3A_2128 : i32 to index
          %swap3A_2159 = arith.constant 96 : index
          %swap3A_2160 = tpu.vector_load %arg10[%swap3A_2158, %swap3A_2159] {strides = array<i32>} : memref<32x128xf32, #tpu.memory_space<vmem>>, vector<1x16xf32>,
          %swap3A_2161 = vector.shape_cast %swap3A_2160 : vector<1x16xf32> to vector<16xf32>
          %swap3A_2162 = vector.shape_cast %add3A_2114 : vector<16xf32> to vector<1x16xf32>
          tpu.vector_store %arg10[%swap3A_2158, %swap3A_2159], %swap3A_2162 {strides = array<i32>} : memref<32x128xf32, #tpu.memory_space<vmem>>, vector<1x16xf32>,
          %swap3A_2163 = arith.index_cast %add3A_2128 : i32 to index
          %swap3A_2164 = arith.constant 112 : index
          %swap3A_2165 = tpu.vector_load %arg10[%swap3A_2163, %swap3A_2164] {strides = array<i32>} : memref<32x128xf32, #tpu.memory_space<vmem>>, vector<1x16xf32>,
          %swap3A_2166 = vector.shape_cast %swap3A_2165 : vector<1x16xf32> to vector<16xf32>
          %swap3A_2167 = vector.shape_cast %add3A_2121 : vector<16xf32> to vector<1x16xf32>
          tpu.vector_store %arg10[%swap3A_2163, %swap3A_2164], %swap3A_2167 {strides = array<i32>} : memref<32x128xf32, #tpu.memory_space<vmem>>, vector<1x16xf32>,
        }
        %scan3A_102 = arith.constant 2 : i32
        %add3A_103 = arith.constant 2 : i32
        %add3A_104 = arith.addi %add3A_90, %add3A_103 : i32
        %lt3A_105 = arith.constant 160 : i32
        %lt3A_106 = arith.cmpi slt, %add3A_104, %lt3A_105 : i32
        %convert_element_type3A_107 = arith.extui %lt3A_106 : i1 to i32
        %cond3A_108 = arith.constant 0 : i32
        %cond3A_109 = arith.cmpi ne, %convert_element_type3A_107, %cond3A_108 : i32
        scf.if %cond3A_109 {
          %add3A_110 = arith.constant 2 : i32
          %add3A_111 = arith.addi %add3A_90, %add3A_110 : i32
          %mul3A_112 = arith.constant 64 : i32
          %mul3A_113 = arith.muli %add3A_111, %mul3A_112 : i32
          %dma_start3A_114 = tpu.memref_slice %arg6[%mul3A_113] : memref<10240xi32, #tpu.memory_space<vmem>> -> memref<64xi32, #tpu.memory_space<vmem>>
          %dma_start3A_115 = arith.constant 0 : i32
          %dma_start3A_116 = arith.constant 0 : i32
          %dma_start3A_117 = tpu.memref_slice %arg11[%dma_start3A_115, %dma_start3A_116] : memref<10000x128xf32, #tpu.memory_space<vmem_shared>> -> memref<10000x128xf32, #tpu.memory_space<vmem_shared>>
          tpu.enqueue_indirect_dma source(%dma_start3A_117 : memref<10000x128xf32, #tpu.memory_space<vmem_shared>>) target(%arg9 : memref<64x128xf32, #tpu.memory_space<vmem>>) offsets(%dma_start3A_114 : memref<64xi32, #tpu.memory_space<vmem>>) semaphore(%arg13 : memref<!tpu.dma_semaphore, #tpu.memory_space<semaphore_mem>>)
        } else {
        }
      }
      %scan3A_41 = arith.constant 8 : i32
      %mul3A_42 = arith.constant 32 : i32
      %mul3A_43 = arith.muli %scan3A_35, %mul3A_42 : i32
      %add3A_44 = arith.addi %mul3A_2, %mul3A_43 : i32
      %add3A_45 = arith.constant 32 : i32
      %add3A_46 = arith.addi %add3A_44, %add3A_45 : i32
      %le3A = arith.constant 10000 : i32
      %le3A_47 = arith.cmpi sle, %add3A_46, %le3A : i32
      %convert_element_type3A_48 = arith.extui %le3A_47 : i1 to i32
      %cond3A_49 = arith.constant 0 : i32
      %cond3A_50 = arith.cmpi ne, %convert_element_type3A_48, %cond3A_49 : i32
      scf.if %cond3A_50 {
        "tpu.region"() ({
          %run_scoped3A = tpu.sem_alloc : memref<!tpu.dma_semaphore, #tpu.memory_space<semaphore_mem>>
          %dma_start3A_58 = arith.constant 0 : i32
          %dma_start3A_59 = tpu.memref_slice %arg5[%add3A_44, %dma_start3A_58] : memref<10000x128xf32, #tpu.memory_space<hbm>> -> memref<32x128xf32, #tpu.memory_space<hbm>>
          %dma_start3A_60 = arith.constant 0 : i32
          %dma_start3A_61 = tpu.memref_slice %arg5[%add3A_44, %dma_start3A_60] : memref<10000x128xf32, #tpu.memory_space<hbm>> -> memref<32x128xf32, #tpu.memory_space<hbm>>
          tpu.enqueue_dma source(%arg10 : memref<32x128xf32, #tpu.memory_space<vmem>>) target(%dma_start3A_61 : memref<32x128xf32, #tpu.memory_space<hbm>>) target_semaphore(%run_scoped3A : memref<!tpu.dma_semaphore, #tpu.memory_space<semaphore_mem>>)
          %dma_wait3A = arith.constant 0 : i32
          %dma_wait3A_62 = tpu.memref_slice %arg5[%add3A_44, %dma_wait3A] : memref<10000x128xf32, #tpu.memory_space<hbm>> -> memref<32x128xf32, #tpu.memory_space<hbm>>
          %dma_wait3A_63 = arith.constant 0 : i32
          %dma_wait3A_64 = tpu.memref_slice %arg5[%add3A_44, %dma_wait3A_63] : memref<10000x128xf32, #tpu.memory_space<hbm>> -> memref<32x128xf32, #tpu.memory_space<hbm>>
          tpu.wait_dma2 semaphore(%run_scoped3A : memref<!tpu.dma_semaphore, #tpu.memory_space<semaphore_mem>>) src(%arg10 : memref<32x128xf32, #tpu.memory_space<vmem>>) dst(%dma_wait3A_64 : memref<32x128xf32, #tpu.memory_space<hbm>>)
          tpu.yield
        }) : () -> ()
      } else {
      }
      %lt3A = arith.constant 10000 : i32
      %lt3A_51 = arith.cmpi slt, %add3A_44, %lt3A : i32
      %add3A_52 = arith.constant 32 : i32
      %add3A_53 = arith.addi %add3A_44, %add3A_52 : i32
      %gt3A = arith.constant 10000 : i32
      %gt3A_54 = arith.cmpi sgt, %add3A_53, %gt3A : i32
      %and3A = arith.andi %lt3A_51, %gt3A_54 : i1
      %convert_element_type3A_55 = arith.extui %and3A : i1 to i32
      %cond3A_56 = arith.constant 0 : i32
      %cond3A_57 = arith.cmpi ne, %convert_element_type3A_55, %cond3A_56 : i32
      scf.if %cond3A_57 {
        "tpu.region"() ({
          %run_scoped3A = tpu.sem_alloc : memref<!tpu.dma_semaphore, #tpu.memory_space<semaphore_mem>>
          %dma_start3A_58 = arith.constant 0 : i32
          %dma_start3A_59 = arith.constant 0 : i32
          %dma_start3A_60 = tpu.memref_slice %arg10[%dma_start3A_58, %dma_start3A_59] : memref<32x128xf32, #tpu.memory_space<vmem>> -> memref<16x128xf32, #tpu.memory_space<vmem>>
          %dma_start3A_61 = arith.constant 0 : i32
          %dma_start3A_62 = tpu.memref_slice %arg5[%add3A_44, %dma_start3A_61] : memref<10000x128xf32, #tpu.memory_space<hbm>> -> memref<16x128xf32, #tpu.memory_space<hbm>>
          %dma_start3A_63 = arith.constant 0 : i32
          %dma_start3A_64 = tpu.memref_slice %arg5[%add3A_44, %dma_start3A_63] : memref<10000x128xf32, #tpu.memory_space<hbm>> -> memref<16x128xf32, #tpu.memory_space<hbm>>
          %dma_start3A_65 = arith.constant 0 : i32
          %dma_start3A_66 = arith.constant 0 : i32
          %dma_start3A_67 = tpu.memref_slice %arg10[%dma_start3A_65, %dma_start3A_66] : memref<32x128xf32, #tpu.memory_space<vmem>> -> memref<16x128xf32, #tpu.memory_space<vmem>>
          tpu.enqueue_dma source(%dma_start3A_67 : memref<16x128xf32, #tpu.memory_space<vmem>>) target(%dma_start3A_64 : memref<16x128xf32, #tpu.memory_space<hbm>>) target_semaphore(%run_scoped3A : memref<!tpu.dma_semaphore, #tpu.memory_space<semaphore_mem>>)
          %dma_wait3A = arith.constant 0 : i32
          %dma_wait3A_68 = arith.constant 0 : i32
          %dma_wait3A_69 = tpu.memref_slice %arg10[%dma_wait3A, %dma_wait3A_68] : memref<32x128xf32, #tpu.memory_space<vmem>> -> memref<16x128xf32, #tpu.memory_space<vmem>>
          %dma_wait3A_70 = arith.constant 0 : i32
          %dma_wait3A_71 = tpu.memref_slice %arg5[%add3A_44, %dma_wait3A_70] : memref<10000x128xf32, #tpu.memory_space<hbm>> -> memref<16x128xf32, #tpu.memory_space<hbm>>
          %dma_wait3A_72 = arith.constant 0 : i32
          %dma_wait3A_73 = tpu.memref_slice %arg5[%add3A_44, %dma_wait3A_72] : memref<10000x128xf32, #tpu.memory_space<hbm>> -> memref<16x128xf32, #tpu.memory_space<hbm>>
          %dma_wait3A_74 = arith.constant 0 : i32
          %dma_wait3A_75 = arith.constant 0 : i32
          %dma_wait3A_76 = tpu.memref_slice %arg10[%dma_wait3A_74, %dma_wait3A_75] : memref<32x128xf32, #tpu.memory_space<vmem>> -> memref<16x128xf32, #tpu.memory_space<vmem>>
          tpu.wait_dma2 semaphore(%run_scoped3A : memref<!tpu.dma_semaphore, #tpu.memory_space<semaphore_mem>>) src(%dma_wait3A_76 : memref<16x128xf32, #tpu.memory_space<vmem>>) dst(%dma_wait3A_73 : memref<16x128xf32, #tpu.memory_space<hbm>>)
          tpu.yield
        }) : () -> ()
      } else {
      }
    }
    %scan3A_34 = arith.constant 10 : i32
    return
  }
}

</mosaic_0001>

<sc_bundles>
// kernel: kernel.3.cloned.1.call-start
scs
__scs_entry_jumppad:
0x0: {  	(pc) =	sbr.rel $0x88, $3  }
0x1: {  	(tag) =	ssettag $0x0;
	lr =	simm.s32 $0x1  }
0x2: {  	[smem:$0x3F9E] =	sst lr;
	_ =	strace $0xD0000000  }
0x3: {  	_ = 	snop  }
0x4: {  	_ = 	snop  }
0x5: {  	_ = 	snop  }
0x6: {  	_ = 	snop  }
0x7: {  	_ = 	snop  }
__scs_overlays_trampoline_lowered:
0x8: {  	[smem:$0x3FAD] =	sst s0  }
0x9: {  	[smem:$0x3FAE] =	sst s1  }
0xa: {  	[smem:$0x3FAF] =	sst s2  }
0xb: {  	[smem:$0x3FB0] =	sst s3  }
0xc: {  	[smem:$0x3FB1] =	sst s4  }
0xd: {  	[smem:$0x3FB2] =	sst s5  }
0xe: {  	[smem:$0x3FB3] =	sst s6  }
0xf: {  	[smem:$0x3FB4] =	sst s7  }
0x10: {  	[smem:$0x3FB5] =	sst s8  }
0x11: {  	[smem:$0x3FB6] =	sst s9;
	s0 =	simm.s32 @!p0 $0x0  }
0x12: {  	s1 =	sld [smem:$0x3F9C];
	s0 =	simm.s32 @p0 $0x1  }
0x13: {  	[smem:$0x3FB7] =	sst s0;
	s0 =	simm.s32 @!p1 $0x0  }
0x14: {  	s2 =	sld [smem:$0x3F9B];
	s0 =	simm.s32 @p1 $0x1  }
0x15: {  	[smem:$0x3FB8] =	sst s0;
	s0 =	simm.s32 @!p2 $0x0  }
0x16: {  	s3 =	sld [smem:$0x3FDB];
	s0 =	simm.s32 @p2 $0x1  }
0x17: {  	s4 =	simm.s32 $0x1BF5;
	[smem:$0x3FBA] =	sst s0  }
0x18: {  	s0 =	sld [smem:$0x3F9D];
	_ =	swait.ge [sflag:s4], $0x0  }
0x19: {  	s7 =	sld [smem:$0x3F9E]  }
0x1a: {  	s8 =	sadd.s32 $0xFFFFE003, lr  }
0x1b: {  	s9 =	sadd.s32 $0xFFFFFEF7, lr;
	s5 =	simm.s32 $0xFFFFFFFF;
	p2 =	slt.u32 s8, $0xFFFFF086  }
0x1c: {  	p1 =	slt.u32 s9, $0xF7A;
	s5 =	simm.s32 @!p2 $0x0  }
0x1d: {  	s5 =	simm.s32 @p1 $0x1;
	p0 =	seq.s32 s7, s2  }
0x1e: {  	s7 =	smul.u32 @!p0 $0xF7A, s2;
	p2 =	seq.s32 @!p0 s5, $0x0  }
0x1f: {  	s9 =	smul.u32 $0xF7A, s1;
	s8 =	simm.s32 @!p0 $0x1BF5;
	p2 =	por !p2, p0  }
0x20: {  	[sflag:s8] =	ssyncset.s32 @!p0 $0xFFFFF086;
	s6 =	sadd.s32 @!p0 s3, s7;
	s7 =	simm.s32 @!p0 $0x108  }
0x21: {  	s3 =	sadd.s32 s3, s9;
	s6 =	sadd.s32 @!p0 $0x88, s6;
	s7 =	simm.s32 @p2 $0x1082  }
0x22: {  	[simem:s7], [sflag:s8] =	dma.local @!p0 [hbm:s6], $0xF7A  }
0x23: {  	s9 =	sor.u32 $0xD0000000, s2;
	s6 =	simm.s32 $0x108;
	_ =	swait.ge @!p0 [sflag:s8], $0x0  }
0x24: {  	s3 =	sadd.s32 $0x88, s3;
	s6 =	simm.s32 @!p1 $0x1082;
	[sflag:s4] =	ssyncset.s32 $0xFFFFF086  }
0x25: {  	[simem:s6], [sflag:s4] =	dma.local [hbm:s3], $0xF7A  }
0x26: {  	[smem:$0x3F9E] =	sst s1;
	(tag) =	ssettag s2;
	_ =	strace s9  }
0x27: {  	s1 =	sld [smem:$0x3FAE]  }
0x28: {  	s2 =	sld [smem:$0x3FAF]  }
0x29: {  	s4 =	sld [smem:$0x3FB1]  }
0x2a: {  	p0 =	seq.s32 s5, $0x0;
	s5 =	sld [smem:$0x3FB2]  }
0x2b: {  	s6 =	sld [smem:$0x3FB3]  }
0x2c: {  	s7 =	sld [smem:$0x3FB4]  }
0x2d: {  	s3 =	simm.s32 $0x108;
	s8 =	sld [smem:$0x3FB5]  }
0x2e: {  	s3 =	simm.s32 @!p0 $0x1082;
	s9 =	sld [smem:$0x3FB6]  }
0x2f: {  	lr =	sadd.s32 s0, s3;
	s0 =	sld [smem:$0x3FAD]  }
0x30: {  	s3 =	sld [smem:$0x3FB0]  }
0x31: {  	[smem:$0x3FB9] =	sst s10  }
0x32: {  	s10 =	sld [smem:$0x3FB7];
	_ =	sdelay $0x3  }
0x33: {  	p0 =	seq.s32 s10, $0x1;
	s10 =	sld [smem:$0x3FB9];
	_ =	sdelay $0x3  }
0x34: {  	[smem:$0x3FB9] =	sst s10  }
0x35: {  	s10 =	sld [smem:$0x3FB8];
	_ =	sdelay $0x3  }
0x36: {  	p1 =	seq.s32 s10, $0x1;
	s10 =	sld [smem:$0x3FB9];
	_ =	sdelay $0x3  }
0x37: {  	[smem:$0x3FB9] =	sst s10  }
0x38: {  	s10 =	sld [smem:$0x3FBA]  }
0x39: {  	_ = 	snop;
	(pc) =	sbr.ind lr, $3  }
0x3a: {  	_ = 	snop  }
0x3b: {  	_ = 	snop  }
0x3c: {  	p2 =	seq.s32 s10, $0x1;
	s10 =	sld [smem:$0x3FB9]  }
0x3d: {  	_ =	shalt  }
0x3e: {  	_ =	shalt  }
0x3f: {  	_ =	shalt  }
0x40: {  	_ =	shalt  }
0x41: {  	_ =	shalt  }
0x42: {  	_ =	shalt  }
0x43: {  	_ =	shalt  }
0x44: {  	_ =	shalt  }
0x45: {  	_ =	shalt  }
0x46: {  	_ =	shalt  }
0x47: {  	_ =	shalt  }
0x48: {  	_ =	shalt  }
0x49: {  	_ =	shalt  }
0x4a: {  	_ =	shalt  }
0x4b: {  	_ =	shalt  }
0x4c: {  	_ =	shalt  }
0x4d: {  	_ =	shalt  }
0x4e: {  	_ =	shalt  }
0x4f: {  	_ =	shalt  }
0x50: {  	_ =	shalt  }
0x51: {  	_ =	shalt  }
0x52: {  	_ =	shalt  }
0x53: {  	_ =	shalt  }
0x54: {  	_ =	shalt  }
0x55: {  	_ =	shalt  }
0x56: {  	_ =	shalt  }
0x57: {  	_ =	shalt  }
0x58: {  	_ =	shalt  }
0x59: {  	_ =	shalt  }
0x5a: {  	_ =	shalt  }
0x5b: {  	_ =	shalt  }
0x5c: {  	_ =	shalt  }
0x5d: {  	_ =	shalt  }
0x5e: {  	_ =	shalt  }
0x5f: {  	_ =	shalt  }
0x60: {  	_ =	shalt  }
0x61: {  	_ =	shalt  }
0x62: {  	_ =	shalt  }
0x63: {  	_ =	shalt  }
0x64: {  	_ =	shalt  }
0x65: {  	_ =	shalt  }
0x66: {  	_ =	shalt  }
0x67: {  	_ =	shalt  }
0x68: {  	_ =	shalt  }
0x69: {  	_ =	shalt  }
0x6a: {  	_ =	shalt  }
0x6b: {  	_ =	shalt  }
0x6c: {  	_ =	shalt  }
0x6d: {  	_ =	shalt  }
0x6e: {  	_ =	shalt  }
0x6f: {  	_ =	shalt  }
0x70: {  	_ =	shalt  }
0x71: {  	_ =	shalt  }
0x72: {  	_ =	shalt  }
0x73: {  	_ =	shalt  }
0x74: {  	_ =	shalt  }
0x75: {  	_ =	shalt  }
0x76: {  	_ =	shalt  }
0x77: {  	_ =	shalt  }
0x78: {  	_ =	shalt  }
0x79: {  	_ =	shalt  }
0x7a: {  	_ =	shalt  }
0x7b: {  	_ =	shalt  }
0x7c: {  	_ =	shalt  }
0x7d: {  	_ =	shalt  }
0x7e: {  	_ =	shalt  }
0x7f: {  	_ =	shalt  }
0x80: {  	_ =	shalt  }
0x81: {  	_ =	shalt  }
0x82: {  	_ =	shalt  }
0x83: {  	_ =	shalt  }
0x84: {  	_ =	shalt  }
0x85: {  	_ =	shalt  }
0x86: {  	_ =	shalt  }
0x87: {  	_ =	shalt  }
.Lfunc_end0:
.L_simem_size_0:
called_computation_lowered:
.L_overlay_start_0:
0x88: {  	s2 =	sld [smem:$0x3FD9]  }
0x89: {  	s3 =	sld [smem:$0x3FFE];
	_ =	sdelay $0x1  }
0x8a: {  	s1 =	srdreg.scid  }
0x8b: {  	s0 =	sand.u32 $0x1, s1  }
0x8c: {  	s17 =	sshll.u32 s0, $0xA;
	s2 =	sadd.s32 s3, s2  }
0x8d: {  	s2 =	sadd.s32 s2, s17  }
0x8e: {  	[smem:$0x3FC5] =	sst s2  }
0x8f: {  	_ = 	snop  }
0x90: {  	s2 =	sld [smem:$0x3FC9]  }
0x91: {  	s18 =	sld [smem:$0x3FD0];
	(tm) =	ssettm $0x1  }
0x92: {  	s4 =	sld [smem:$0x3FFB];
	_ =	sdelay $0x3  }
0x93: {  	_ =	strace s4  }
0x94: {  	s4 =	sld [smem:$0x3FFC];
	_ =	sdelay $0x3  }
0x95: {  	_ =	strace s4  }
0x96: {  	s4 =	sld [smem:$0x3FFD];
	_ =	sdelay $0x3  }
0x97: {  	_ =	strace s4  }
0x98: {  	_ =	strace $0x8FFFFFFF  }
0x99: {  	s19 =	sld [smem:$0x3FDB];
	_ =	sdelay $0x1  }
0x9a: {  	s5 =	simm.s32 $_scs_section_size  }
0x9b: {  	s6 =	simm.s32 $_size__tile_overlayer_lowered;
	s7 =	simm.s32 $_tile_overlayer_lowered  }
0x9c: {  	s22 =	simm.s32 $0x1BFF;
	s21 =	sshll.u32 s7, $0x1;
	s4 =	sadd.s32 s5, s19  }
0x9d: {  	s8 =	simm.s32 $0x0;
	s20 =	sshll.u32 s6, $0x1;
	s6 =	sadd.s32 s21, s4  }
0x9e: {  	[timem:s8], [sflag:s22] =	dma.local [hbm:s6], s20  }
0x9f: {  	_ =	swait.ge [sflag:s22], s20  }
0xa0: {  	s5 =	ssub.s32 $0x0, s20;
	[sflag:s22] =	ssyncset.done $0x0  }
0xa1: {  	[sflag:s22] =	ssyncadd.s32 s5;
	_ =	sdelay $0x1  }
0xa2: {  	s23 =	simm.s32 $0x1B8B  }
0xa3: {  	_ =	swait.ge [sflag:s23], $0x1  }
0xa4: {  	[sflag:s23] =	ssyncset.done $0x0  }
0xa5: {  	s25 =	simm.s32 $0x1B8E;
	s24 =	sld [smem:$0x3FFE];
	[sflag:s23] =	ssyncadd.s32 $0xFFFFFFFF  }
0xa6: {  	s26 =	simm.s32 $execute0_lowered;
	[smem:$0x3FD2] =	sst s25  }
0xa7: {  	s6 =	sshll.u32 s26, $0x1;
	_ =	strace $0x80000046;
	[dreg:$0x1] =	wrdreg $0xFFFFFFFF  }
0xa8: {  	s28 =	simm.s32 $_size_execute0_lowered;
	s4 =	sadd.s32 s4, s6;
	[dreg:$0x0] =	wrdreg $0x0  }
0xa9: {  	s6 =	sshll.u32 s28, $0x1;
	[dreg:$0x2] =	wrdreg s4  }
0xaa: {  	[dreg:$0x3] =	wrdreg s6  }
0xab: {  	[dreg:$0x4] =	wrdreg $0xC0  }
0xac: {  	_ =	task [dreg:s8], $0x5FFFF  }
0xad: {  	[dreg:$0x1] =	wrdreg $0xFFFFFFFF  }
0xae: {  	[dreg:$0x0] =	wrdreg $0x60  }
0xaf: {  	[dreg:$0x2] =	wrdreg s2  }
0xb0: {  	[dreg:$0x3] =	wrdreg s24  }
0xb1: {  	[dreg:$0x4] =	wrdreg s18  }
0xb2: {  	[dreg:$0x5] =	wrdreg $0xA0000  }
0xb3: {  	[dreg:$0x6] =	wrdreg $0x9  }
0xb4: {  	_ =	task.clear_ibuf [dreg:s8], $0x7FFFF;
	_ =	strace $0x90000046  }
0xb5: {  	s29 =	simm.s32 $0x9;
	_ =	strace $0x80000048  }
0xb6: {  	_ =	swait.ge [sflag:s29], $0x1  }
0xb7: {  	[sflag:s29] =	ssyncadd.s32 $0xFFFFFFFF  }
0xb8: {  	_ =	strace $0x90000048  }
0xb9: {  	_ =	sfence  }
0xba: {  	s30 =	sld [smem:$0x0];
	_ =	sdelay $0x2  }
0xbb: {  	s31 =	sshll.u32 s1, $0xD;
	s1 =	sshrl.u32 s1, $0x2  }
0xbc: {  	s3 =	sand.u32 $0x4000, s31;
	s1 =	sadd.s32 s1, s30  }
0xbd: {  	s0 =	sor.u32 s3, s0;
	s1 =	sshll.u32 s1, $0x11  }
0xbe: {  	s0 =	sor.u32 s1, s0  }
0xbf: {  	s0 =	sadd.s32 $0x8F2B, s0  }
0xc0: {  	[sflag:s0] =	ssyncadd.remote.s32 $0x1  }
0xc1: {  	_ =	sfence.sel $0xFFFF  }
0xc2: {  	[dreg:$0x0] =	wrdreg $0xFFFFFFFF;
	(pc) =	sbr.abs _section_cstart, $3  }
0xc3: {  	[dreg:$0x1] =	wrdreg $0xFFFFFFFF  }
0xc4: {  	_ =	task.clear_ibuf [dreg:s8], $0x2FFFF;
	_ =	strace $0x9FFFFFFF  }
0xc5: {  	(tm) =	ssettm $0x7FFFFFFF  }
tec
execute0_lowered:
.L_overlay_start_1:
0x0: {  	(tag) =	ssettag $0x1  }
0x1: {  	s7 =	rddreg [dreg:$0x0]  }
0x2: {  	s11 =	rddreg [dreg:$0x1];
	s1 =	srdreg.scid  }
0x3: {  	s0 =	stileid.u32;
	s2 =	rddreg [dreg:$0x2]  }
0x4: {  	s3 =	rddreg [dreg:$0x3];
	s4 =	simm.s32 $0x0;
	s18 =	simm.s32 $0x40  }
0x5: {  	s19 =	simm.s32 $0x5000;
	s20 =	simm.s32 $0x7000;
	s21 =	simm.s32 $0x1  }
0x6: {  	s22 =	simm.s32 $0x2;
	s23 =	simm.s32 $0x0;
	s5 =	sand.u32 $0x1, s1  }
0x7: {  	s30 =	sshll.u32 s0, $0x1;
	[smem:$0x7FF] =	sst s4;
	s8 =	smul.u32 $0x50000, s0  }
0x8: {  	s10 =	smul.u32 $0x2800, s0;
	s14 =	sadd.s32 $0x12C000, s3;
	p0 =	seq.s32 s0, $0xF  }
0x9: {  	s16 =	sor.u32 s5, s30;
	s5 =	ssub.s32 $0x2, s5;
	_ =	strace $0x80000047  }
0xa: {  	s17 =	sshll.u32 @!p0 s0, $0x6;
	s6 =	smul.u32 $0x500, s16;
	s9 =	sshrl.u32 s5, $0x1  }
0xb: {  	s31 =	sshrl.u32 s8, $0x2;
	p1 =	seq.s32 s16, $0x1F;
	s13 =	ssub.s32 s5, s9  }
0xc: {  	s5 =	smul.u32 $0x140, s16;
	s15 =	sadd.s32 s31, s3;
	s16 =	simm.s32 $0x3  }
0xd: {  	s12 =	sadd.s32 s6, s11;
	s6 =	sadd.s32 s7, s10;
	s7 =	sadd.s32 $0x25800, s7  }
0xe: {  	s10 =	sadd.s32 $0xA100, s11;
	s11 =	sadd.s32 $0x13F00, s11;
	s15 =	sshrl.u32 @!p0 s15, $0x3  }
0xf: {  	s8 =	sadd.s32 $0x600, s12;
	s9 =	sadd.s32 $0xA400, s12;
	s12 =	smax.u32 s13, $0x1  }
0x10: {  	v0 =	vimm.s32 $0x0;
	s13 =	sshrl.u32 @p0 s14, $0x3;
	s14 =	sor.u32 @!p0 $0x1C03, s17;
	s17 =	simm.s32 $0x2800  }
.LBB2_1:
0x11: {  	s24 =	simm.s32 @p0 $0x1FC3  }
0x12: {  	[spmem:s13], [sflag:s24] =	dma.local @p0 [hbm:s7], $0x1900  }
0x13: {  	s24 =	simm.s32 @p0 $0x3  }
0x14: {  	_ =	swait.ge @p0 [sflag:s24], $0x1900  }
0x15: {  	[sflag:s24] =	ssyncset.done @p0 $0x0  }
.Ltmp0:
0x16: {  	[sflag:s24] =	ssyncadd.s32 @p0 $0xFFFFE700;
	s24 =	simm.s32 @!p0 $0x3;
	(pc) =	sbr.rel @!p1 .LBB2_2-.Ltmp0, $4  }
0x17: {  	[spmem:s15], [sflag:s14] =	dma.local @!p0 [hbm:s6], $0x2800  }
0x18: {  	_ =	swait.ge @!p0 [sflag:s24], $0x2800  }
0x19: {  	[sflag:s24] =	ssyncset.done @!p0 $0x0  }
0x1a: {  	[sflag:s24] =	ssyncadd.s32 @!p0 $0xFFFFD800  }
0x1b: {  	s24 =	simm.s32 $0x0  }
0x1c: {  	[tilespmem:s24], [sflag:$0x3] =	stream.linear.gather [hbm4b:s10+s24], $0xA00, $0x38;
	[tilespmem:$0x1D880] =	vst v63  }
0x1d: {  	_ =	swait.ge [sflag:s16], $0xA00  }
0x1e: {  	[sflag:s16] =	ssyncset.done $0x0  }
0x1f: {  	[sflag:s16] =	ssyncadd.s32 $0xFFFFF600  }
0x20: {  	[tilespmem:s17], [sflag:$0x3] =	stream.linear.gather [hbm4b:s11+s24], $0xA00, $0x38;
	[tilespmem:$0x1D880] =	vst v63  }
0x21: {  	_ =	swait.ge [sflag:s16], $0xA00  }
0x22: {  	[sflag:s16] =	ssyncset.done $0x0  }
0x23: {  	s25 =	simm.s32 $0x200;
	s24 =	simm.s32 $0x0;
	[sflag:s16] =	ssyncadd.s32 $0xFFFFF600  }
.LBB2_4:
0x24: {  	p2 =	sne.s32 s25, $0x7600;
	[tilespmem:s24+$0xA70] =	vst v0  }
0x25: {  	[tilespmem:s24+$0xA00] =	vst v0  }
0x26: {  	[tilespmem:s24+$0xA10] =	vst v0  }
.Ltmp1:
0x27: {  	[tilespmem:s24+$0xA20] =	vst v0;
	(pc) =	sbr.rel @p2 .LBB2_4-.Ltmp1, $4  }
0x28: {  	[tilespmem:s24+$0xA30] =	vst v0  }
0x29: {  	[tilespmem:s24+$0xA40] =	vst v0  }
0x2a: {  	[tilespmem:s24+$0xA50] =	vst v0  }
0x2b: {  	[tilespmem:s24+$0xA60] =	vst v0;
	s24 =	sshra.s32 s25, $0x2;
	s25 =	sadd.s32 $0x200, s25  }
0x2c: {  	[tilespmem:s24+$0xA70] =	vst v0  }
0x2d: {  	[tilespmem:s24+$0xA00] =	vst v0  }
0x2e: {  	[tilespmem:s24+$0xA10] =	vst v0  }
.Ltmp2:
0x2f: {  	[tilespmem:s24+$0xA20] =	vst v0;
	(pc) =	sbr.rel .LBB2_6-.Ltmp2, $4  }
0x30: {  	[tilespmem:s24+$0xA30] =	vst v0  }
0x31: {  	[tilespmem:s24+$0xA40] =	vst v0  }
0x32: {  	[tilespmem:s24+$0xA50] =	vst v0  }
0x33: {  	[tilespmem:s24+$0xA60] =	vst v0  }
.LBB2_2:
0x34: {  	[tilespmem:s4], [sflag:$0x3] =	stream.linear.gather [hbm4b:s8+s4], $0x2800, $0x38;
	[tilespmem:$0x1D880] =	vst v63  }
0x35: {  	_ =	swait.ge [sflag:s16], $0x2800  }
0x36: {  	[sflag:s16] =	ssyncset.done $0x0  }
0x37: {  	[sflag:s16] =	ssyncadd.s32 $0xFFFFD800  }
0x38: {  	[tilespmem:s17], [sflag:$0x3] =	stream.linear.gather [hbm4b:s9+s4], $0x2800, $0x38;
	[tilespmem:$0x1D880] =	vst v63  }
0x39: {  	_ =	swait.ge [sflag:s16], $0x2800  }
0x3a: {  	[sflag:s16] =	ssyncset.done $0x0  }
0x3b: {  	[sflag:s16] =	ssyncadd.s32 $0xFFFFD800  }
.LBB2_6:
0x3c: {  	[bflag:$0x0] =	sbarrier.arrive $0xFFFF;
	s24 =	simm.s32 $0x0  }
0x3d: {  	[tilespmem:s19], [sflag:$0x1] =	stream.indirect.gather [spmem:s3], $0x80, s24, s18, $0xb8;
	[tilespmem:$0x1D880] =	vst v63  }
0x3e: {  	_ = 	snop  }
0x3f: {  	[tilespmem:s20], [sflag:$0x2] =	stream.indirect.gather [spmem:s3], $0x80, s18, s18, $0xb8;
	[tilespmem:$0x1D880] =	vst v63  }
.LBB2_7:
0x40: {  	s25 =	sshll.u32 s24, $0x4;
	s26 =	simm.s32 $0x0  }
.LBB2_8:
0x41: {  	s28 =	sshll.u32 s26, $0x1  }
0x42: {  	s30 =	sshll.u32 s26, $0x9;
	s28 =	sadd.s32 s25, s28  }
0x43: {  	s30 =	sand.u32 $0x3FFFFE00, s30;
	s29 =	sshll.u32 s28, $0x8  }
0x44: {  	s30 =	sadd.s32 $0x9000, s30;
	s31 =	sshrl.u32 s29, $0x2  }
0x45: {  	_ =	swait.ge [sflag:s21], $0x2000;
	v11 =	vmov s30;
	s1 =	sadd.s32 $0x2800, s31  }
0x46: {  	[sflag:s21] =	ssyncset.done $0x0;
	[tilespmem:$0x1FFF0] =	vst v11;
	v0 =	vmov s1  }
0x47: {  	p2 =	por $0x1, $0x1;
	[sflag:s21] =	ssyncadd.s32 $0xFFFFE000;
	s31 =	simm.s32 $0x0;
	[tilespmem:$0x1FFE0] =	vst v0  }
.LBB2_9:
0x48: {  	_ =	sdelay $0x4  }
0x49: {  	s30 =	sshll.u32 s31, $0x7  }
0x4a: {  	s1 =	sshra.s32 s30, $0x2  }
0x4b: {  	s31 =	sshll.u32 s31, $0xC;
	v4 =	vld.idx.msk [tilespmem:v0+s1+$0x0 ss:$0x1], $0xffff  }
0x4c: {  	s31 =	sand.u32 $0x3FFFF000, s31;
	v32 =	vld.idx.msk [tilespmem:v0+s1+$0x10 ss:$0x1], $0xffff  }
0x4d: {  	v0 =	vld [tilespmem:s31+$0x53B0];
	_ =	sdelay $0x4  }
0x4e: {  	[tilespmem:$0x1FDE0] =	vst v0;
	v0 =	vld [tilespmem:s31+$0x53C0];
	_ =	sdelay $0x4  }
0x4f: {  	[tilespmem:$0x1FDF0] =	vst v0;
	v0 =	vld [tilespmem:s31+$0x53D0];
	_ =	sdelay $0x4  }
0x50: {  	[tilespmem:$0x1FE00] =	vst v0;
	v0 =	vld [tilespmem:s31+$0x53E0];
	_ =	sdelay $0x4  }
0x51: {  	[tilespmem:$0x1FE10] =	vst v0;
	v0 =	vld [tilespmem:s31+$0x53F0];
	_ =	sdelay $0x4  }
0x52: {  	[tilespmem:$0x1FE20] =	vst v0;
	v0 =	vld [tilespmem:s31+$0x5400];
	_ =	sdelay $0x4  }
0x53: {  	[tilespmem:$0x1FE30] =	vst v0;
	v0 =	vld [tilespmem:s31+$0x5410];
	_ =	sdelay $0x4  }
0x54: {  	[tilespmem:$0x1FE40] =	vst v0;
	v0 =	vld [tilespmem:s31+$0x5420];
	_ =	sdelay $0x4  }
0x55: {  	[tilespmem:$0x1FE50] =	vst v0;
	v0 =	vld [tilespmem:s31+$0x5430];
	_ =	sdelay $0x4  }
0x56: {  	[tilespmem:$0x1FE60] =	vst v0;
	v0 =	vld [tilespmem:s31+$0x5440]  }
0x57: {  	v8 =	vld [tilespmem:s31+$0x5000]  }
0x58: {  	v10 =	vld [tilespmem:s31+$0x5010]  }
0x59: {  	v12 =	vld [tilespmem:s31+$0x5020]  }
0x5a: {  	v14 =	vld [tilespmem:s31+$0x5030]  }
0x5b: {  	[tilespmem:$0x1FE70] =	vst v0;
	v0 =	vld [tilespmem:s31+$0x5450]  }
0x5c: {  	v18 =	vld [tilespmem:s31+$0x5040]  }
0x5d: {  	v23 =	vld [tilespmem:s31+$0x5050]  }
0x5e: {  	v25 =	vld [tilespmem:s31+$0x5060]  }
0x5f: {  	v26 =	vld [tilespmem:s31+$0x5070]  }
0x60: {  	[tilespmem:$0x1FE80] =	vst v0;
	v0 =	vld [tilespmem:s31+$0x5460]  }
0x61: {  	v28 =	vld [tilespmem:s31+$0x5080]  }
0x62: {  	v29 =	vld [tilespmem:s31+$0x5090]  }
0x63: {  	v30 =	vld [tilespmem:s31+$0x50A0]  }
0x64: {  	v31 =	vld [tilespmem:s31+$0x50B0]  }
0x65: {  	[tilespmem:$0x1FE90] =	vst v0;
	v0 =	vld [tilespmem:s31+$0x5470]  }
0x66: {  	v33 =	vld [tilespmem:s31+$0x50C0]  }
0x67: {  	v38 =	vld [tilespmem:s31+$0x50D0]  }
0x68: {  	v44 =	vld [tilespmem:s31+$0x50E0]  }
0x69: {  	v1 =	vld [tilespmem:s31+$0x54B0]  }
0x6a: {  	[tilespmem:$0x1FEA0] =	vst v0;
	v0 =	vld [tilespmem:s31+$0x5480]  }
0x6b: {  	v45 =	vld [tilespmem:s31+$0x50F0]  }
0x6c: {  	v2 =	vld [tilespmem:s31+$0x54E0]  }
0x6d: {  	v46 =	vld [tilespmem:s31+$0x5100]  }
0x6e: {  	[tilespmem:$0x1FEE0] =	vst v1;
	v1 =	vld [tilespmem:s31+$0x54C0]  }
0x6f: {  	[tilespmem:$0x1FEB0] =	vst v0;
	v0 =	vld [tilespmem:s31+$0x5490]  }
0x70: {  	v5 =	vld [tilespmem:s31+$0x5110]  }
0x71: {  	[tilespmem:$0x1FF10] =	vst v2;
	v2 =	vld [tilespmem:s31+$0x54F0]  }
0x72: {  	v6 =	vld [tilespmem:s31+$0x5120]  }
0x73: {  	[tilespmem:$0x1FEF0] =	vst v1;
	v1 =	vld [tilespmem:s31+$0x54D0]  }
0x74: {  	[tilespmem:$0x1FEC0] =	vst v0;
	v0 =	vld [tilespmem:s31+$0x54A0]  }
0x75: {  	v9 =	vld [tilespmem:s31+$0x5130]  }
0x76: {  	[tilespmem:$0x1FF20] =	vst v2;
	v2 =	vld [tilespmem:s31+$0x5500]  }
0x77: {  	v7 =	vld [tilespmem:s31+$0x5140]  }
0x78: {  	v11 =	vld [tilespmem:s31+$0x5150];
	[tilespmem:$0x1FF00] =	vst v1;
	v1 =	vbroadcast v4, $0x1  }
0x79: {  	v13 =	vld [tilespmem:s31+$0x5160];
	[tilespmem:$0x1FED0] =	vst v0;
	v0 =	vbroadcast v4, $0x0  }
0x7a: {  	v16 =	vld [tilespmem:s31+$0x5170];
	v28 =	vmul.f32 v28, v1;
	v29 =	vmul.f32 v29, v1  }
0x7b: {  	[tilespmem:$0x1FF30] =	vst v2;
	v2 =	vld [tilespmem:s31+$0x5510];
	v30 =	vmul.f32 v30, v1;
	v8 =	vmul.f32 v8, v0  }
0x7c: {  	v15 =	vld [tilespmem:s31+$0x5180];
	v10 =	vmul.f32 v10, v0;
	v12 =	vmul.f32 v12, v0  }
0x7d: {  	v19 =	vld [tilespmem:s31+$0x5190];
	v14 =	vmul.f32 v14, v0;
	v18 =	vmul.f32 v18, v0  }
0x7e: {  	v17 =	vld [tilespmem:s31+$0x51A0];
	v23 =	vmul.f32 v23, v0;
	v25 =	vmul.f32 v25, v0  }
0x7f: {  	v20 =	vld [tilespmem:s31+$0x51B0];
	v0 =	vmul.f32 v26, v0;
	v8 =	vadd.f32 $0.0e+00, v8;
	v10 =	vadd.f32 $0.0e+00, v10  }
0x80: {  	v36 =	vld [tilespmem:s31+$0x51C0];
	[tilespmem:$0x1FF40] =	vst v2;
	v26 =	vmul.f32 v38, v1;
	v2 =	vadd.f32 $0.0e+00, v12;
	v14 =	vadd.f32 $0.0e+00, v14  }
0x81: {  	v38 =	vmul.f32 v44, v1;
	v44 =	vld [tilespmem:s31+$0x5580];
	v18 =	vadd.f32 $0.0e+00, v18;
	v23 =	vadd.f32 $0.0e+00, v23  }
0x82: {  	v39 =	vld [tilespmem:s31+$0x51D0];
	v33 =	vmul.f32 v33, v1;
	v25 =	vadd.f32 $0.0e+00, v25;
	v0 =	vadd.f32 $0.0e+00, v0  }
0x83: {  	v40 =	vld [tilespmem:s31+$0x51E0];
	v31 =	vmul.f32 v31, v1;
	v28 =	vadd.f32 v28, v8;
	v29 =	vadd.f32 v29, v10  }
0x84: {  	v35 =	vld [tilespmem:s31+$0x51F0];
	v2 =	vadd.f32 v30, v2;
	v33 =	vadd.f32 v33, v18;
	v18 =	vbroadcast v4, $0x2  }
0x85: {  	v1 =	vmul.f32 v45, v1;
	v31 =	vadd.f32 v31, v14;
	v30 =	vld [tilespmem:s31+$0x5570];
	v45 =	vadd.f32 v26, v23  }
0x86: {  	v24 =	vld [tilespmem:s31+$0x5210];
	v38 =	vadd.f32 v38, v25;
	[tilespmem:$0x1FF80] =	vst v44;
	v44 =	vmul.f32 v46, v18;
	v5 =	vmul.f32 v5, v18  }
0x87: {  	v42 =	vld [tilespmem:s31+$0x5220];
	v0 =	vadd.f32 v1, v0;
	v6 =	vmul.f32 v6, v18;
	v9 =	vmul.f32 v9, v18  }
0x88: {  	v47 =	vld [tilespmem:s31+$0x5230];
	v7 =	vmul.f32 v7, v18;
	v13 =	vmul.f32 v13, v18;
	v1 =	vadd.f32 v44, v28  }
0x89: {  	v46 =	vld [tilespmem:s31+$0x5590];
	v16 =	vmul.f32 v16, v18;
	v5 =	vadd.f32 v5, v29;
	v2 =	vadd.f32 v6, v2  }
0x8a: {  	v48 =	vld [tilespmem:s31+$0x5240];
	v9 =	vadd.f32 v9, v31;
	[tilespmem:$0x1FF70] =	vst v30;
	v30 =	vmul.f32 v11, v18;
	v11 =	vbroadcast v4, $0x3  }
0x8b: {  	v7 =	vadd.f32 v7, v33;
	v33 =	vld [tilespmem:s31+$0x55F0];
	v0 =	vadd.f32 v16, v0;
	v16 =	vbroadcast v4, $0x5  }
0x8c: {  	v13 =	vadd.f32 v13, v38;
	v44 =	vld [tilespmem:s31+$0x5600];
	v15 =	vmul.f32 v15, v11;
	v38 =	vmul.f32 v19, v11  }
0x8d: {  	v50 =	vld [tilespmem:s31+$0x5250];
	v6 =	vadd.f32 v30, v45;
	v17 =	vmul.f32 v17, v11;
	v45 =	vmul.f32 v20, v11  }
0x8e: {  	v21 =	vld [tilespmem:s31+$0x5260];
	[tilespmem:$0x1FF90] =	vst v46;
	v46 =	vmul.f32 v36, v11;
	v20 =	vmul.f32 v39, v11;
	v5 =	vadd.f32 v38, v5  }
0x8f: {  	v51 =	vld [tilespmem:s31+$0x5270];
	v2 =	vadd.f32 v17, v2;
	v9 =	vadd.f32 v45, v9;
	v17 =	vbroadcast v4, $0x4  }
0x90: {  	v55 =	vld [tilespmem:s31+$0x52B0];
	[tilespmem:$0x1FFC0] =	vst v33;
	v7 =	vadd.f32 v46, v7;
	v33 =	vmul.f32 v40, v11;
	v11 =	vmul.f32 v35, v11  }
0x91: {  	v61 =	vld [tilespmem:s31+$0x52F0];
	[tilespmem:$0x1FFD0] =	vst v44;
	v6 =	vadd.f32 v20, v6;
	v38 =	vmul.f32 v24, v17;
	v44 =	vmul.f32 v42, v17  }
0x92: {  	v57 =	vld [tilespmem:s31+$0x52D0];
	v13 =	vadd.f32 v33, v13;
	v45 =	vmul.f32 v47, v17;
	v46 =	vmul.f32 v48, v17  }
0x93: {  	v63 =	vld [tilespmem:s31+$0x5330];
	v0 =	vadd.f32 v11, v0;
	v47 =	vmul.f32 v50, v17;
	v21 =	vmul.f32 v21, v17  }
0x94: {  	v24 =	vmul.f32 v51, v17;
	v2 =	vadd.f32 v44, v2;
	v9 =	vadd.f32 v45, v9  }
0x95: {  	v43 =	vld [tilespmem:s31+$0x5350];
	v6 =	vadd.f32 v47, v6;
	v13 =	vadd.f32 v21, v13;
	v44 =	vmul.f32 v55, v16  }
0x96: {  	v0 =	vadd.f32 v24, v0;
	v47 =	vbroadcast v4, $0x6;
	v21 =	vmul.f32 v61, v16  }
0x97: {  	v7 =	vadd.f32 v46, v7;
	v46 =	vmul.f32 v57, v16  }
0x98: {  	v9 =	vadd.f32 v44, v9;
	v11 =	vadd.f32 v21, v0;
	v0 =	vmul.f32 v63, v47;
	_ =	sdelay $0x1  }
0x99: {  	v6 =	vadd.f32 v46, v6;
	v9 =	vadd.f32 v0, v9;
	v0 =	vmul.f32 v43, v47;
	_ =	sdelay $0x1  }
0x9a: {  	v6 =	vadd.f32 v0, v6;
	v0 =	vld [tilespmem:$0x1FDE0];
	_ =	sdelay $0x2  }
0x9b: {  	v27 =	vld [tilespmem:s31+$0x52C0];
	v19 =	vbroadcast v4, $0x7;
	_ =	sdelay $0x1  }
0x9c: {  	v44 =	vmul.f32 v0, v19;
	v0 =	vld [tilespmem:$0x1FDF0]  }
0x9d: {  	v41 =	vld [tilespmem:s31+$0x5200]  }
0x9e: {  	v22 =	vld [tilespmem:s31+$0x5280]  }
0x9f: {  	v52 =	vld [tilespmem:s31+$0x5290];
	v45 =	vmul.f32 v27, v16  }
0xa0: {  	v54 =	vld [tilespmem:s31+$0x52A0]  }
0xa1: {  	v7 =	vadd.f32 v45, v7;
	v45 =	vmul.f32 v0, v19;
	v0 =	vld [tilespmem:$0x1FE00]  }
0xa2: {  	v58 =	vld [tilespmem:s31+$0x52E0]  }
0xa3: {  	v3 =	vld [tilespmem:s31+$0x5300]  }
0xa4: {  	v37 =	vld [tilespmem:s31+$0x5340];
	v1 =	vadd.f32 v15, v1;
	v36 =	vmul.f32 v41, v17  }
0xa5: {  	v59 =	vld [tilespmem:s31+$0x5380]  }
0xa6: {  	v35 =	vmul.f32 v22, v16;
	v1 =	vadd.f32 v36, v1;
	v46 =	vmul.f32 v0, v19;
	v0 =	vld [tilespmem:$0x1FE10];
	_ =	sdelay $0x1  }
0xa7: {  	v1 =	vadd.f32 v35, v1;
	v22 =	vmul.f32 v3, v47  }
0xa8: {  	v60 =	vld [tilespmem:s31+$0x5390];
	v20 =	vmul.f32 v58, v16;
	v42 =	vmul.f32 v54, v16;
	v5 =	vadd.f32 v38, v5  }
0xa9: {  	v56 =	vld [tilespmem:s31+$0x53A0];
	v38 =	vmul.f32 v52, v16;
	v16 =	vadd.f32 v22, v1;
	v1 =	vmul.f32 v37, v47  }
0xaa: {  	v37 =	vmul.f32 v59, v19;
	v59 =	vmul.f32 v0, v19;
	v0 =	vld [tilespmem:$0x1FE20]  }
0xab: {  	v62 =	vld [tilespmem:s31+$0x5310];
	_ =	sdelay $0x2  }
0xac: {  	v5 =	vadd.f32 v38, v5;
	v38 =	vmul.f32 v60, v19  }
0xad: {  	v43 =	vmul.f32 v56, v19;
	v19 =	vmul.f32 v0, v19;
	v0 =	vld [tilespmem:$0x1FE30]  }
0xae: {  	v24 =	vmul.f32 v62, v47;
	_ =	sdelay $0x1  }
0xaf: {  	v34 =	vld [tilespmem:s31+$0x5320];
	v15 =	vadd.f32 v24, v5;
	v24 =	vbroadcast v4, $0x8;
	_ =	sdelay $0x1  }
0xb0: {  	v60 =	vmul.f32 v0, v24;
	v0 =	vld [tilespmem:$0x1FE40];
	_ =	sdelay $0x2  }
0xb1: {  	v53 =	vld [tilespmem:s31+$0x5370];
	v2 =	vadd.f32 v42, v2;
	v27 =	vmul.f32 v34, v47;
	_ =	sdelay $0x1  }
0xb2: {  	v17 =	vadd.f32 v27, v2;
	v27 =	vmul.f32 v0, v24;
	v0 =	vld [tilespmem:$0x1FE50];
	_ =	sdelay $0x2  }
0xb3: {  	v18 =	vmul.f32 v53, v47;
	_ =	sdelay $0x1  }
0xb4: {  	v11 =	vadd.f32 v18, v11;
	v18 =	vadd.f32 v44, v9;
	v44 =	vmul.f32 v0, v24;
	v0 =	vld [tilespmem:$0x1FE60];
	_ =	sdelay $0x2  }
0xb5: {  	v34 =	vadd.f32 v1, v7;
	_ =	sdelay $0x1  }
0xb6: {  	v13 =	vadd.f32 v20, v13;
	v20 =	vadd.f32 v45, v34;
	v45 =	vmul.f32 v0, v24;
	v0 =	vld [tilespmem:$0x1FE70]  }
0xb7: {  	v49 =	vld [tilespmem:s31+$0x5360];
	_ =	sdelay $0x3  }
0xb8: {  	v6 =	vadd.f32 v46, v6;
	v46 =	vmul.f32 v0, v24;
	v0 =	vld [tilespmem:$0x1FE80]  }
0xb9: {  	v35 =	vmul.f32 v49, v47;
	_ =	sdelay $0x1  }
0xba: {  	v13 =	vadd.f32 v35, v13;
	_ =	sdelay $0x1  }
0xbb: {  	v13 =	vadd.f32 v59, v13;
	v59 =	vmul.f32 v0, v24;
	v0 =	vld [tilespmem:$0x1FE90];
	_ =	sdelay $0x2  }
0xbc: {  	v16 =	vadd.f32 v37, v16;
	_ =	sdelay $0x1  }
0xbd: {  	v11 =	vadd.f32 v19, v11;
	v19 =	vadd.f32 v60, v16;
	v60 =	vmul.f32 v0, v24;
	v0 =	vld [tilespmem:$0x1FEA0];
	_ =	sdelay $0x3  }
0xbe: {  	v8 =	vld [tilespmem:s31+$0x5550]  }
0xbf: {  	v24 =	vmul.f32 v0, v24;
	v0 =	vld [tilespmem:$0x1FEB0]  }
0xc0: {  	v15 =	vadd.f32 v38, v15;
	_ =	sdelay $0x1  }
0xc1: {  	v21 =	vadd.f32 v27, v15;
	v27 =	vbroadcast v4, $0x9;
	_ =	sdelay $0x1  }
0xc2: {  	[tilespmem:$0x1FF60] =	vst v8;
	v8 =	vmul.f32 v0, v27;
	v0 =	vld [tilespmem:$0x1FEC0];
	_ =	sdelay $0x4  }
0xc3: {  	v6 =	vadd.f32 v59, v6;
	v59 =	vmul.f32 v0, v27;
	v0 =	vld [tilespmem:$0x1FED0];
	_ =	sdelay $0x2  }
0xc4: {  	v12 =	vld [tilespmem:s31+$0x5530]  }
0xc5: {  	v10 =	vld [tilespmem:s31+$0x5520]  }
0xc6: {  	v13 =	vadd.f32 v60, v13;
	v60 =	vmul.f32 v0, v27;
	v0 =	vld [tilespmem:$0x1FEE0]  }
0xc7: {  	v14 =	vld [tilespmem:s31+$0x5560]  }
0xc8: {  	v26 =	vld [tilespmem:s31+$0x55A0]  }
0xc9: {  	v23 =	vld [tilespmem:s31+$0x55C0]  }
0xca: {  	v25 =	vld [tilespmem:s31+$0x55D0]  }
0xcb: {  	v5 =	vmul.f32 v0, v27;
	v0 =	vld [tilespmem:$0x1FEF0]  }
0xcc: {  	[tilespmem:$0x1FF50] =	vst v12;
	v12 =	vld [tilespmem:s31+$0x5540]  }
0xcd: {  	v28 =	vld [tilespmem:s31+$0x55B0]  }
0xce: {  	v31 =	vld [tilespmem:s31+$0x5610]  }
0xcf: {  	v29 =	vld [tilespmem:s31+$0x5630]  }
0xd0: {  	v19 =	vadd.f32 v8, v19;
	v8 =	vmul.f32 v0, v27;
	v0 =	vld [tilespmem:$0x1FF00]  }
0xd1: {  	[tilespmem:$0x1FFA0] =	vst v26;
	v26 =	vld [tilespmem:s31+$0x55E0]  }
0xd2: {  	v30 =	vld [tilespmem:s31+$0x5640]  }
0xd3: {  	v39 =	vld [tilespmem:s31+$0x5670];
	v18 =	vadd.f32 v45, v18  }
0xd4: {  	[tilespmem:$0x1FFB0] =	vst v28;
	v28 =	vld [tilespmem:s31+$0x5620]  }
0xd5: {  	v18 =	vadd.f32 v5, v18;
	v5 =	vmul.f32 v0, v27;
	v0 =	vld [tilespmem:$0x1FF10]  }
0xd6: {  	v40 =	vld [tilespmem:s31+$0x5660]  }
0xd7: {  	v58 =	vld [tilespmem:s31+$0x56F0]  }
0xd8: {  	v41 =	vld [tilespmem:s31+$0x5650]  }
0xd9: {  	v33 =	vld [tilespmem:s31+$0x5690]  }
0xda: {  	v35 =	vadd.f32 v46, v20;
	v46 =	vmul.f32 v0, v27;
	v0 =	vld [tilespmem:$0x1FF20]  }
0xdb: {  	v51 =	vld [tilespmem:s31+$0x56A0]  }
0xdc: {  	v54 =	vld [tilespmem:s31+$0x56C0]  }
0xdd: {  	v50 =	vld [tilespmem:s31+$0x5730]  }
0xde: {  	v48 =	vld [tilespmem:s31+$0x5740];
	v17 =	vadd.f32 v43, v17  }
0xdf: {  	v27 =	vmul.f32 v0, v27;
	v0 =	vld [tilespmem:$0x1FF30]  }
0xe0: {  	v36 =	vld [tilespmem:s31+$0x5680];
	v17 =	vadd.f32 v44, v17  }
0xe1: {  	v52 =	vld [tilespmem:s31+$0x56B0]  }
0xe2: {  	v55 =	vld [tilespmem:s31+$0x56D0];
	v45 =	vadd.f32 v60, v17;
	v60 =	vbroadcast v4, $0xA  }
0xe3: {  	v57 =	vld [tilespmem:s31+$0x56E0]  }
0xe4: {  	v61 =	vld [tilespmem:s31+$0x5700];
	v0 =	vmul.f32 v0, v60  }
0xe5: {  	v62 =	vld [tilespmem:s31+$0x5710]  }
0xe6: {  	v2 =	vadd.f32 v0, v19;
	v0 =	vld [tilespmem:$0x1FF50]  }
0xe7: {  	v63 =	vld [tilespmem:s31+$0x5720]  }
0xe8: {  	v42 =	vld [tilespmem:s31+$0x5750]  }
0xe9: {  	v53 =	vld [tilespmem:s31+$0x5780]  }
0xea: {  	v49 =	vld [tilespmem:s31+$0x5790]  }
0xeb: {  	v44 =	vadd.f32 v59, v21;
	v59 =	vadd.f32 v5, v6;
	v5 =	vmul.f32 v0, v60;
	v0 =	vld [tilespmem:$0x1FF60]  }
0xec: {  	v3 =	vld [tilespmem:$0x1FF90];
	v24 =	vadd.f32 v24, v11  }
0xed: {  	v47 =	vld [tilespmem:s31+$0x5760]  }
0xee: {  	v56 =	vld [tilespmem:s31+$0x5770];
	v24 =	vadd.f32 v27, v24;
	v27 =	vmul.f32 v10, v60  }
0xef: {  	v1 =	vld [tilespmem:$0x1FF40]  }
0xf0: {  	v27 =	vadd.f32 v27, v45;
	v45 =	vadd.f32 v5, v18;
	v18 =	vmul.f32 v0, v60;
	v0 =	vld [tilespmem:$0x1FF70]  }
0xf1: {  	v22 =	vld [tilespmem:s31+$0x5800]  }
0xf2: {  	v38 =	vld [tilespmem:s31+$0x57A0]  }
0xf3: {  	v43 =	vld [tilespmem:s31+$0x57B0]  }
0xf4: {  	v37 =	vld [tilespmem:s31+$0x57C0];
	v1 =	vmul.f32 v1, v60;
	v46 =	vadd.f32 v46, v13;
	v13 =	vmul.f32 v12, v60  }
0xf5: {  	v5 =	vmul.f32 v14, v60;
	v60 =	vmul.f32 v0, v60;
	v0 =	vld [tilespmem:$0x1FF80]  }
0xf6: {  	v7 =	vld [tilespmem:s31+$0x57E0]  }
0xf7: {  	v9 =	vld [tilespmem:s31+$0x57F0]  }
0xf8: {  	v34 =	vld [tilespmem:s31+$0x57D0];
	v1 =	vadd.f32 v1, v44;
	v44 =	vbroadcast v4, $0xB  }
0xf9: {  	v16 =	vld [tilespmem:s31+$0x5820]  }
0xfa: {  	v15 =	vld [tilespmem:s31+$0x5830];
	v0 =	vmul.f32 v0, v44  }
0xfb: {  	v20 =	vld [tilespmem:s31+$0x5810]  }
0xfc: {  	v2 =	vadd.f32 v0, v2;
	v0 =	vld [tilespmem:$0x1FFA0]  }
0xfd: {  	v11 =	vld [tilespmem:s31+$0x5860]  }
0xfe: {  	v21 =	vld [tilespmem:s31+$0x5850]  }
0xff: {  	v17 =	vld [tilespmem:s31+$0x5840]  }
0x100: {  	v35 =	vadd.f32 v8, v35;
	v8 =	vld [tilespmem:s31+$0x5890]  }
0x101: {  	v24 =	vadd.f32 v60, v24;
	v60 =	vmul.f32 v0, v44;
	v0 =	vld [tilespmem:$0x1FFB0]  }
0x102: {  	v6 =	vld [tilespmem:s31+$0x5870]  }
0x103: {  	v12 =	vld [tilespmem:s31+$0x58A0];
	v59 =	vadd.f32 v18, v59;
	v18 =	vmul.f32 v3, v44  }
0x104: {  	v35 =	vadd.f32 v13, v35;
	v13 =	vld [tilespmem:s31+$0x58C0]  }
0x105: {  	v10 =	vld [tilespmem:s31+$0x5880];
	v3 =	vadd.f32 v18, v1  }
0x106: {  	v19 =	vld [tilespmem:s31+$0x58D0];
	v60 =	vadd.f32 v60, v27;
	v27 =	vmul.f32 v25, v44;
	v18 =	vmul.f32 v0, v44  }
0x107: {  	v14 =	vld [tilespmem:s31+$0x58B0]  }
0x108: {  	v18 =	vadd.f32 v18, v45;
	v45 =	vadd.f32 v27, v59;
	v59 =	vld [tilespmem:$0x1FFC0]  }
0x109: {  	v46 =	vadd.f32 v5, v46;
	v5 =	vld [tilespmem:s31+$0x58E0];
	v1 =	vmul.f32 v23, v44  }
0x10a: {  	v23 =	vld [tilespmem:s31+$0x58F0]  }
0x10b: {  	v1 =	vadd.f32 v1, v35;
	v35 =	vmul.f32 v26, v44;
	v26 =	vld [tilespmem:s31+$0x5910];
	v0 =	vbroadcast v4, $0xC  }
0x10c: {  	v25 =	vld [tilespmem:s31+$0x5900]  }
0x10d: {  	v35 =	vadd.f32 v35, v46;
	v46 =	vmul.f32 v28, v0;
	v44 =	vmul.f32 v59, v44;
	v59 =	vld [tilespmem:$0x1FFD0]  }
0x10e: {  	v27 =	vld [tilespmem:s31+$0x5920];
	v31 =	vmul.f32 v31, v0  }
0x10f: {  	v28 =	vld [tilespmem:s31+$0x5930];
	v41 =	vmul.f32 v41, v0;
	v46 =	vadd.f32 v46, v60;
	v60 =	vbroadcast v4, $0xD  }
0x110: {  	v3 =	vadd.f32 v31, v3;
	v31 =	vld [tilespmem:s31+$0x5960];
	v44 =	vadd.f32 v44, v24;
	v24 =	vmul.f32 v29, v0  }
0x111: {  	v45 =	vadd.f32 v41, v45;
	v41 =	vmul.f32 v52, v60;
	v52 =	vmul.f32 v55, v60;
	v55 =	vld [tilespmem:s31+$0x59F0]  }
0x112: {  	v29 =	vld [tilespmem:s31+$0x5940];
	v18 =	vadd.f32 v24, v18;
	v59 =	vmul.f32 v59, v0  }
0x113: {  	v40 =	vmul.f32 v40, v0;
	v36 =	vmul.f32 v36, v60;
	v24 =	vld [tilespmem:s31+$0x5970]  }
0x114: {  	v18 =	vadd.f32 v41, v18;
	v41 =	vld [tilespmem:s31+$0x59D0];
	v2 =	vadd.f32 v59, v2;
	v59 =	vmul.f32 v30, v0  }
0x115: {  	v51 =	vmul.f32 v51, v60;
	v45 =	vadd.f32 v52, v45;
	v30 =	vld [tilespmem:s31+$0x5950];
	v0 =	vmul.f32 v39, v0  }
0x116: {  	v39 =	vmul.f32 v33, v60;
	v33 =	vld [tilespmem:s31+$0x5980];
	v1 =	vadd.f32 v59, v1;
	v59 =	vadd.f32 v40, v35  }
0x117: {  	v57 =	vmul.f32 v57, v60;
	v0 =	vadd.f32 v0, v44;
	v35 =	vld [tilespmem:s31+$0x5990];
	v2 =	vadd.f32 v36, v2  }
0x118: {  	v36 =	vld [tilespmem:s31+$0x59A0];
	v44 =	vadd.f32 v51, v46;
	v46 =	vmul.f32 v54, v60;
	v51 =	vbroadcast v4, $0xE  }
0x119: {  	v3 =	vadd.f32 v39, v3;
	v39 =	vld [tilespmem:s31+$0x59B0];
	v60 =	vmul.f32 v58, v60;
	v4 =	vbroadcast v4, $0xF  }
0x11a: {  	v40 =	vld [tilespmem:s31+$0x59C0];
	v1 =	vadd.f32 v46, v1;
	v61 =	vmul.f32 v61, v51;
	v62 =	vmul.f32 v62, v51  }
0x11b: {  	v54 =	vld [tilespmem:s31+$0x5A00];
	v0 =	vadd.f32 v60, v0;
	v60 =	vmul.f32 v63, v51;
	v50 =	vmul.f32 v50, v51  }
0x11c: {  	v52 =	vadd.f32 v57, v59;
	v57 =	vld [tilespmem:s31+$0x59E0];
	v48 =	vmul.f32 v48, v51;
	v42 =	vmul.f32 v42, v51  }
0x11d: {  	v46 =	vld [tilespmem:s31+$0x5A10];
	v47 =	vmul.f32 v47, v51;
	v49 =	vmul.f32 v49, v4  }
0x11e: {  	v38 =	vmul.f32 v38, v4;
	v43 =	vmul.f32 v43, v4;
	v1 =	vadd.f32 v48, v1;
	v48 =	vld [tilespmem:s31+$0x5A20]  }
0x11f: {  	v37 =	vmul.f32 v37, v4;
	v2 =	vadd.f32 v61, v2;
	v61 =	vmul.f32 v56, v51;
	v51 =	vld [tilespmem:s31+$0x5A30]  }
0x120: {  	v34 =	vmul.f32 v34, v4;
	v63 =	vbroadcast v32, $0x0;
	v47 =	vadd.f32 v47, v52;
	v52 =	vld [tilespmem:s31+$0x5A40]  }
0x121: {  	v7 =	vmul.f32 v7, v4;
	v3 =	vadd.f32 v62, v3;
	v42 =	vadd.f32 v42, v45;
	v45 =	vld [tilespmem:s31+$0x5A50]  }
0x122: {  	v44 =	vadd.f32 v60, v44;
	v62 =	vmul.f32 v53, v4;
	v4 =	vmul.f32 v9, v4;
	v9 =	vld [tilespmem:s31+$0x5A80]  }
0x123: {  	v53 =	vmul.f32 v21, v63;
	v21 =	vld [tilespmem:s31+$0x5AD0]  }
0x124: {  	v18 =	vadd.f32 v50, v18;
	v38 =	vadd.f32 v38, v44;
	v44 =	vld [tilespmem:s31+$0x5A60]  }
0x125: {  	v22 =	vmul.f32 v22, v63;
	v20 =	vmul.f32 v20, v63;
	v3 =	vadd.f32 v49, v3;
	v49 =	vld [tilespmem:s31+$0x5A70]  }
0x126: {  	v15 =	vmul.f32 v15, v63;
	v50 =	vbroadcast v32, $0x1;
	v1 =	vadd.f32 v37, v1;
	v37 =	vld [tilespmem:s31+$0x5A90]  }
0x127: {  	v17 =	vmul.f32 v17, v63;
	v7 =	vadd.f32 v7, v47;
	v47 =	vmul.f32 v16, v63;
	v16 =	vld [tilespmem:s31+$0x5AA0]  }
0x128: {  	v11 =	vmul.f32 v11, v63;
	v59 =	vmul.f32 v13, v50;
	v13 =	vld [tilespmem:s31+$0x5B10]  }
0x129: {  	v6 =	vmul.f32 v6, v63;
	v0 =	vadd.f32 v61, v0;
	v60 =	vmul.f32 v19, v50;
	v19 =	vld [tilespmem:s31+$0x5B20]  }
0x12a: {  	v2 =	vadd.f32 v62, v2;
	v18 =	vadd.f32 v43, v18;
	v56 =	vmul.f32 v12, v50;
	v12 =	vld [tilespmem:s31+$0x5B30]  }
0x12b: {  	v34 =	vadd.f32 v34, v42;
	v10 =	vmul.f32 v10, v50;
	v62 =	vmul.f32 v23, v50;
	v23 =	vld [tilespmem:s31+$0x5B70]  }
0x12c: {  	v8 =	vmul.f32 v8, v50;
	v58 =	vmul.f32 v14, v50;
	v3 =	vadd.f32 v20, v3;
	v20 =	vld [tilespmem:s31+$0x5AB0]  }
0x12d: {  	v61 =	vbroadcast v32, $0x2;
	v0 =	vadd.f32 v4, v0;
	v4 =	vadd.f32 v47, v38;
	v38 =	vld [tilespmem:s31+$0x5AC0]  }
0x12e: {  	v5 =	vmul.f32 v5, v50;
	v2 =	vadd.f32 v22, v2;
	v1 =	vadd.f32 v17, v1;
	v17 =	vld [tilespmem:s31+$0x5AE0]  }
0x12f: {  	v15 =	vadd.f32 v15, v18;
	v7 =	vadd.f32 v11, v7;
	v11 =	vld [tilespmem:s31+$0x5AF0];
	v63 =	vmul.f32 v25, v61  }
0x130: {  	v18 =	vadd.f32 v53, v34;
	v22 =	vld [tilespmem:s31+$0x5B40];
	v34 =	vmul.f32 v26, v61;
	v42 =	vmul.f32 v27, v61  }
0x131: {  	v25 =	vld [tilespmem:s31+$0x5B50];
	v43 =	vmul.f32 v28, v61;
	v47 =	vmul.f32 v29, v61  }
0x132: {  	v50 =	vmul.f32 v30, v61;
	v27 =	vld [tilespmem:s31+$0x5B80];
	v0 =	vadd.f32 v6, v0;
	v2 =	vadd.f32 v10, v2  }
0x133: {  	v14 =	vmul.f32 v24, v61;
	v24 =	vld [tilespmem:s31+$0x5B90];
	v3 =	vadd.f32 v8, v3;
	v4 =	vadd.f32 v56, v4  }
0x134: {  	v53 =	vbroadcast v32, $0x3;
	v29 =	vld [tilespmem:s31+$0x5BA0];
	v8 =	vadd.f32 v58, v15;
	v1 =	vadd.f32 v59, v1  }
0x135: {  	v28 =	vld [tilespmem:s31+$0x5BC0];
	v6 =	vadd.f32 v60, v18;
	v5 =	vadd.f32 v5, v7;
	v56 =	vmul.f32 v31, v61  }
0x136: {  	v26 =	vld [tilespmem:s31+$0x5C10];
	v58 =	vmul.f32 v33, v53;
	v59 =	vmul.f32 v35, v53;
	v0 =	vadd.f32 v62, v0  }
0x137: {  	v30 =	vld [tilespmem:s31+$0x5C50];
	v60 =	vmul.f32 v36, v53;
	v2 =	vadd.f32 v63, v2;
	v3 =	vadd.f32 v34, v3  }
0x138: {  	v10 =	vld [tilespmem:s31+$0x5B00];
	v61 =	vmul.f32 v39, v53;
	v4 =	vadd.f32 v42, v4;
	v8 =	vadd.f32 v43, v8  }
0x139: {  	v18 =	vld [tilespmem:s31+$0x5B60];
	v1 =	vadd.f32 v47, v1;
	v6 =	vadd.f32 v50, v6;
	v62 =	vmul.f32 v40, v53  }
0x13a: {  	v31 =	vld [tilespmem:s31+$0x5BD0];
	v5 =	vadd.f32 v56, v5;
	v63 =	vbroadcast v32, $0x4;
	v47 =	vmul.f32 v41, v53  }
0x13b: {  	v35 =	vld [tilespmem:s31+$0x5BF0];
	v50 =	vmul.f32 v57, v53;
	v53 =	vmul.f32 v55, v53;
	v0 =	vadd.f32 v14, v0  }
0x13c: {  	v33 =	vld [tilespmem:s31+$0x5C00];
	v2 =	vadd.f32 v58, v2;
	v54 =	vmul.f32 v54, v63;
	v55 =	vmul.f32 v46, v63  }
0x13d: {  	v39 =	vld [tilespmem:s31+$0x5C20];
	v3 =	vadd.f32 v59, v3;
	v56 =	vmul.f32 v48, v63;
	v57 =	vmul.f32 v51, v63  }
0x13e: {  	v36 =	vld [tilespmem:s31+$0x5C40];
	v4 =	vadd.f32 v60, v4;
	v58 =	vmul.f32 v52, v63;
	v59 =	vmul.f32 v45, v63  }
0x13f: {  	v15 =	vld [tilespmem:s31+$0x5CC0];
	v8 =	vadd.f32 v61, v8;
	v60 =	vbroadcast v32, $0x5;
	v61 =	vmul.f32 v44, v63  }
0x140: {  	v34 =	vld [tilespmem:s31+$0x5BE0];
	v1 =	vadd.f32 v62, v1;
	v62 =	vmul.f32 v49, v63;
	v45 =	vbroadcast v32, $0x6  }
0x141: {  	v41 =	vld [tilespmem:s31+$0x5C30];
	v6 =	vadd.f32 v47, v6;
	v52 =	vbroadcast v32, $0x7;
	v9 =	vmul.f32 v9, v60  }
0x142: {  	v14 =	vld [tilespmem:s31+$0x5BB0];
	v5 =	vadd.f32 v50, v5;
	v63 =	vmul.f32 v37, v60;
	v16 =	vmul.f32 v16, v60  }
0x143: {  	v0 =	vadd.f32 v53, v0;
	v37 =	vld [tilespmem:s31+$0x5C60];
	v42 =	vmul.f32 v20, v60;
	v43 =	vmul.f32 v38, v60  }
0x144: {  	v2 =	vadd.f32 v54, v2;
	v44 =	vmul.f32 v21, v60;
	v21 =	vld [tilespmem:s31+$0x5C90];
	v46 =	vmul.f32 v17, v60  }
0x145: {  	v3 =	vadd.f32 v55, v3;
	v11 =	vmul.f32 v11, v60;
	v17 =	vld [tilespmem:s31+$0x5CA0];
	v47 =	vmul.f32 v10, v45  }
0x146: {  	v4 =	vadd.f32 v56, v4;
	v48 =	vmul.f32 v13, v45;
	v13 =	vld [tilespmem:s31+$0x5CB0];
	v49 =	vmul.f32 v19, v45  }
0x147: {  	v8 =	vadd.f32 v57, v8;
	v50 =	vmul.f32 v12, v45;
	v10 =	vld [tilespmem:s31+$0x5CD0];
	v51 =	vmul.f32 v22, v45  }
0x148: {  	v1 =	vadd.f32 v58, v1;
	v19 =	vld [tilespmem:s31+$0x5CE0];
	v53 =	vmul.f32 v25, v45;
	v18 =	vmul.f32 v18, v45  }
0x149: {  	v6 =	vadd.f32 v59, v6;
	v22 =	vld [tilespmem:s31+$0x5CF0];
	v54 =	vmul.f32 v23, v45;
	v55 =	vmul.f32 v27, v52  }
0x14a: {  	v5 =	vadd.f32 v61, v5;
	v23 =	vld [tilespmem:s31+$0x5D00];
	v56 =	vmul.f32 v24, v52;
	v57 =	vmul.f32 v29, v52  }
0x14b: {  	v20 =	vld [tilespmem:s31+$0x5D20];
	v59 =	vmul.f32 v28, v52;
	v60 =	vmul.f32 v31, v52;
	v0 =	vadd.f32 v62, v0  }
0x14c: {  	v24 =	vld [tilespmem:s31+$0x5D30];
	v61 =	vbroadcast v32, $0x8;
	v2 =	vadd.f32 v9, v2;
	v3 =	vadd.f32 v63, v3  }
0x14d: {  	v27 =	vld [tilespmem:s31+$0x5D40];
	v4 =	vadd.f32 v16, v4;
	v7 =	vadd.f32 v42, v8;
	v62 =	vmul.f32 v34, v52  }
0x14e: {  	v28 =	vld [tilespmem:s31+$0x5D60];
	v1 =	vadd.f32 v43, v1;
	v63 =	vmul.f32 v35, v52;
	v33 =	vmul.f32 v33, v61  }
0x14f: {  	v29 =	vld [tilespmem:s31+$0x5D70];
	v6 =	vadd.f32 v44, v6;
	v34 =	vmul.f32 v26, v61;
	v35 =	vmul.f32 v39, v61  }
0x150: {  	v12 =	vld [tilespmem:s31+$0x5D80];
	v5 =	vadd.f32 v46, v5;
	v38 =	vmul.f32 v41, v61;
	v39 =	vmul.f32 v36, v61  }
0x151: {  	v31 =	vld [tilespmem:s31+$0x5F30];
	v40 =	vmul.f32 v30, v61;
	v0 =	vadd.f32 v11, v0;
	v2 =	vadd.f32 v47, v2  }
0x152: {  	v9 =	vld [tilespmem:s31+$0x5C70];
	v41 =	vbroadcast v32, $0x9;
	v3 =	vadd.f32 v48, v3;
	v4 =	vadd.f32 v49, v4  }
0x153: {  	v16 =	vld [tilespmem:s31+$0x5C80];
	v58 =	vmul.f32 v14, v52;
	v7 =	vadd.f32 v50, v7;
	v1 =	vadd.f32 v51, v1  }
0x154: {  	v26 =	vld [tilespmem:s31+$0x5D90];
	v6 =	vadd.f32 v53, v6;
	v52 =	vmul.f32 v15, v41;
	v53 =	vbroadcast v32, $0xA  }
0x155: {  	v42 =	vld [tilespmem:s31+$0x5DA0];
	v5 =	vadd.f32 v18, v5;
	v43 =	vmul.f32 v37, v61;
	v46 =	vmul.f32 v21, v41  }
0x156: {  	v44 =	vld [tilespmem:s31+$0x5DB0];
	v48 =	vmul.f32 v17, v41;
	v0 =	vadd.f32 v54, v0;
	v2 =	vadd.f32 v55, v2  }
0x157: {  	v36 =	vld [tilespmem:s31+$0x5E50];
	v50 =	vmul.f32 v13, v41;
	v3 =	vadd.f32 v56, v3;
	v4 =	vadd.f32 v57, v4  }
0x158: {  	v14 =	vld [tilespmem:s31+$0x5D50];
	v10 =	vmul.f32 v10, v41;
	v7 =	vadd.f32 v58, v7;
	v1 =	vadd.f32 v59, v1  }
0x159: {  	v18 =	vld [tilespmem:s31+$0x5D10];
	v6 =	vadd.f32 v60, v6;
	v55 =	vmul.f32 v19, v41;
	v57 =	vmul.f32 v22, v41  }
0x15a: {  	v47 =	vld [tilespmem:s31+$0x5DC0];
	v5 =	vadd.f32 v62, v5;
	v58 =	vmul.f32 v23, v53;
	v62 =	vmul.f32 v20, v53  }
0x15b: {  	v49 =	vld [tilespmem:s31+$0x5DD0];
	v24 =	vmul.f32 v24, v53;
	v30 =	vmul.f32 v27, v53;
	v0 =	vadd.f32 v63, v0  }
0x15c: {  	v51 =	vld [tilespmem:s31+$0x5DE0];
	v37 =	vmul.f32 v28, v53;
	v2 =	vadd.f32 v33, v2;
	v3 =	vadd.f32 v34, v3  }
0x15d: {  	v54 =	vld [tilespmem:s31+$0x5DF0];
	v9 =	vmul.f32 v9, v61;
	v4 =	vadd.f32 v35, v4;
	v7 =	vadd.f32 v38, v7  }
0x15e: {  	v56 =	vld [tilespmem:s31+$0x5E00];
	v45 =	vmul.f32 v16, v41;
	v1 =	vadd.f32 v39, v1;
	v6 =	vadd.f32 v40, v6  }
0x15f: {  	v59 =	vld [tilespmem:s31+$0x5E10];
	v5 =	vadd.f32 v43, v5;
	v34 =	vmul.f32 v14, v53;
	v35 =	vbroadcast v32, $0xB  }
0x160: {  	v27 =	vld [tilespmem:s31+$0x5F10];
	v39 =	vmul.f32 v29, v53;
	v0 =	vadd.f32 v9, v0;
	v2 =	vadd.f32 v45, v2  }
0x161: {  	v61 =	vld [tilespmem:s31+$0x5E20];
	v60 =	vmul.f32 v18, v53;
	v3 =	vadd.f32 v46, v3;
	v4 =	vadd.f32 v48, v4  }
0x162: {  	v63 =	vld [tilespmem:s31+$0x5E30];
	v7 =	vadd.f32 v50, v7;
	v1 =	vadd.f32 v52, v1;
	v12 =	vmul.f32 v12, v35  }
0x163: {  	v33 =	vld [tilespmem:s31+$0x5E40];
	v6 =	vadd.f32 v10, v6;
	v41 =	vmul.f32 v26, v35;
	v42 =	vmul.f32 v42, v35  }
0x164: {  	v38 =	vld [tilespmem:s31+$0x5E60];
	v5 =	vadd.f32 v55, v5;
	v44 =	vmul.f32 v44, v35;
	v46 =	vmul.f32 v47, v35  }
0x165: {  	v40 =	vld [tilespmem:s31+$0x5E70];
	v48 =	vmul.f32 v49, v35;
	v49 =	vbroadcast v32, $0xC;
	v0 =	vadd.f32 v57, v0  }
0x166: {  	v43 =	vld [tilespmem:s31+$0x5E80];
	v51 =	vmul.f32 v51, v35;
	v2 =	vadd.f32 v58, v2;
	v3 =	vadd.f32 v60, v3  }
0x167: {  	v29 =	vld [tilespmem:s31+$0x5F20];
	v52 =	vmul.f32 v54, v35;
	v4 =	vadd.f32 v62, v4;
	v7 =	vadd.f32 v24, v7  }
0x168: {  	v53 =	vld [tilespmem:s31+$0x5EC0];
	v1 =	vadd.f32 v30, v1;
	v54 =	vmul.f32 v56, v49;
	v55 =	vmul.f32 v59, v49  }
0x169: {  	v45 =	vld [tilespmem:s31+$0x5E90];
	v6 =	vadd.f32 v34, v6;
	v57 =	vmul.f32 v61, v49;
	v62 =	vbroadcast v32, $0xD  }
0x16a: {  	v47 =	vld [tilespmem:s31+$0x5EA0];
	v5 =	vadd.f32 v37, v5;
	v25 =	vmul.f32 v36, v49;
	v59 =	vmul.f32 v63, v49  }
0x16b: {  	v50 =	vld [tilespmem:s31+$0x5EB0];
	v61 =	vmul.f32 v33, v49;
	v19 =	vmul.f32 v38, v49;
	v0 =	vadd.f32 v39, v0  }
0x16c: {  	v56 =	vld [tilespmem:s31+$0x5ED0];
	v9 =	vmul.f32 v40, v49;
	v2 =	vadd.f32 v12, v2;
	v3 =	vadd.f32 v41, v3  }
0x16d: {  	v58 =	vld [tilespmem:s31+$0x5EE0];
	v38 =	vbroadcast v32, $0xE;
	v4 =	vadd.f32 v42, v4;
	v7 =	vadd.f32 v44, v7  }
0x16e: {  	v60 =	vld [tilespmem:s31+$0x5EF0];
	v1 =	vadd.f32 v46, v1;
	v28 =	vmul.f32 v43, v62;
	v14 =	vmul.f32 v53, v62  }
0x16f: {  	v34 =	vld [tilespmem:s31+$0x5F40];
	v6 =	vadd.f32 v48, v6;
	v30 =	vmul.f32 v45, v62;
	v33 =	vmul.f32 v47, v62  }
0x170: {  	v36 =	vld [tilespmem:s31+$0x5F50];
	v5 =	vadd.f32 v51, v5;
	v35 =	vmul.f32 v50, v62;
	v45 =	vmul.f32 v27, v38  }
0x171: {  	v63 =	vld [tilespmem:s31+$0x5F00];
	v47 =	vmul.f32 v29, v38;
	v0 =	vadd.f32 v52, v0;
	v2 =	vadd.f32 v54, v2  }
0x172: {  	v39 =	vld [tilespmem:s31+$0x5F60];
	v12 =	vmul.f32 v31, v38;
	v3 =	vadd.f32 v55, v3;
	v4 =	vadd.f32 v57, v4  }
0x173: {  	v42 =	vld [tilespmem:s31+$0x5F70];
	v50 =	vbroadcast v32, $0xF;
	v7 =	vadd.f32 v59, v7;
	v1 =	vadd.f32 v61, v1  }
0x174: {  	v44 =	vld [tilespmem:s31+$0x5F80];
	v6 =	vadd.f32 v25, v6;
	v5 =	vadd.f32 v19, v5;
	v37 =	vmul.f32 v56, v62  }
0x175: {  	v46 =	vld [tilespmem:s31+$0x5F90];
	v40 =	vmul.f32 v58, v62;
	v41 =	vmul.f32 v60, v62;
	v0 =	vadd.f32 v9, v0  }
0x176: {  	v48 =	vld [tilespmem:s31+$0x5FA0];
	v49 =	vmul.f32 v34, v38;
	v2 =	vadd.f32 v28, v2;
	v3 =	vadd.f32 v30, v3  }
0x177: {  	v52 =	vmul.f32 v36, v38;
	v60 =	vld [tilespmem:$0x1FFF0];
	v4 =	vadd.f32 v33, v4;
	v7 =	vadd.f32 v35, v7  }
0x178: {  	v51 =	vld [tilespmem:s31+$0x5FB0];
	v1 =	vadd.f32 v14, v1;
	v43 =	vmul.f32 v63, v38;
	v6 =	vadd.f32 v37, v6  }
0x179: {  	v55 =	vld [tilespmem:s31+$0x5FD0];
	v5 =	vadd.f32 v40, v5;
	v54 =	vmul.f32 v39, v38;
	v14 =	vmul.f32 v44, v50  }
0x17a: {  	v53 =	vld [tilespmem:s31+$0x5FC0];
	v56 =	vmul.f32 v42, v38;
	v0 =	vadd.f32 v41, v0;
	v2 =	vadd.f32 v43, v2  }
0x17b: {  	v59 =	vld [tilespmem:s31+$0x5FF0];
	v11 =	vmul.f32 v46, v50;
	v3 =	vadd.f32 v45, v3;
	v4 =	vadd.f32 v47, v4  }
0x17c: {  	v57 =	vld [tilespmem:s31+$0x5FE0];
	v58 =	vmul.f32 v48, v50;
	v7 =	vadd.f32 v12, v7;
	v1 =	vadd.f32 v49, v1  }
0x17d: {  	v61 =	vmul.f32 v51, v50;
	v6 =	vadd.f32 v52, v6;
	v2 =	vadd.f32 v14, v2  }
0x17e: {  	s30 =	sand.u32 $0x3FFFFF80, s30;
	v5 =	vadd.f32 v54, v5;
	v62 =	vmul.f32 v55, v50;
	v3 =	vadd.f32 v11, v3  }
0x17f: {  	v4 =	vadd.f32 v58, v4;
	[tilespmem:v60+s30+$0x0 ss:$0x1] =	vst.idx.msk $0xffff, v2;
	v2 =	vmul.f32 v53, v50  }
0x180: {  	v63 =	vmul.f32 v59, v50;
	v7 =	vadd.f32 v61, v7;
	[tilespmem:v60+s30+$0x10 ss:$0x1] =	vst.idx.msk $0xffff, v3  }
0x181: {  	p3 =	por p2, p2;
	v1 =	vadd.f32 v2, v1;
	v2 =	vmul.f32 v57, v50;
	[tilespmem:v60+s30+$0x20 ss:$0x1] =	vst.idx.msk $0xffff, v4  }
.Ltmp3:
0x182: {  	v0 =	vadd.f32 v56, v0;
	v3 =	vadd.f32 v62, v6;
	[tilespmem:v60+s30+$0x30 ss:$0x1] =	vst.idx.msk $0xffff, v7;
	(pc) =	sbr.rel @p3 .LBB2_9-.Ltmp3, $4  }
0x183: {  	v2 =	vadd.f32 v2, v5;
	[tilespmem:v60+s30+$0x40 ss:$0x1] =	vst.idx.msk $0xffff, v1  }
0x184: {  	v0 =	vadd.f32 v63, v0;
	[tilespmem:v60+s30+$0x50 ss:$0x1] =	vst.idx.msk $0xffff, v3  }
0x185: {  	[tilespmem:v60+s30+$0x60 ss:$0x1] =	vst.idx.msk $0xffff, v2  }
0x186: {  	p2 =	por $0x0, $0x0;
	s31 =	simm.s32 $0x1;
	[tilespmem:v60+s30+$0x70 ss:$0x1] =	vst.idx.msk $0xffff, v0;
	v0 =	vld [tilespmem:$0x1FFE0]  }
0x187: {  	p2 =	sgt.u32 s28, $0x9D  }
0x188: {  	s1 =	sshrl.u32 @!p2 s29, $0x2  }
0x189: {  	s30 =	simm.s32 @!p2 $0x40;
	s31 =	simm.s32 @!p2 $0x5000;
	s1 =	sadd.s32 @!p2 $0x80, s1  }
0x18a: {  	[tilespmem:s31], [sflag:$0x1] =	stream.indirect.gather @!p2 [spmem:s3], $0x80, s1, s30, $0xb8;
	[tilespmem:$0x1D880] =	vst v63  }
0x18b: {  	_ =	swait.ge [sflag:s22], $0x2000  }
0x18c: {  	[sflag:s22] =	ssyncset.done $0x0  }
0x18d: {  	s31 =	simm.s32 $0x0;
	p2 =	por $0x1, $0x1;
	[sflag:s22] =	ssyncadd.s32 $0xFFFFE000  }
.LBB2_11:
0x18e: {  	_ =	sdelay $0x4  }
0x18f: {  	s30 =	sshll.u32 s31, $0x7  }
0x190: {  	s1 =	sshra.s32 s30, $0x2  }
0x191: {  	s31 =	sshll.u32 s31, $0xC;
	v4 =	vld.idx.msk [tilespmem:v0+s1+$0x40 ss:$0x1], $0xffff  }
0x192: {  	s31 =	sand.u32 $0x3FFFF000, s31;
	v24 =	vld.idx.msk [tilespmem:v0+s1+$0x50 ss:$0x1], $0xffff  }
0x193: {  	v0 =	vld [tilespmem:s31+$0x73B0];
	_ =	sdelay $0x4  }
0x194: {  	[tilespmem:$0x1FBF0] =	vst v0;
	v0 =	vld [tilespmem:s31+$0x73C0];
	_ =	sdelay $0x4  }
0x195: {  	[tilespmem:$0x1FC00] =	vst v0;
	v0 =	vld [tilespmem:s31+$0x73D0];
	_ =	sdelay $0x4  }
0x196: {  	[tilespmem:$0x1FC10] =	vst v0;
	v0 =	vld [tilespmem:s31+$0x73E0];
	_ =	sdelay $0x4  }
0x197: {  	[tilespmem:$0x1FC20] =	vst v0;
	v0 =	vld [tilespmem:s31+$0x73F0];
	_ =	sdelay $0x4  }
0x198: {  	[tilespmem:$0x1FC30] =	vst v0;
	v0 =	vld [tilespmem:s31+$0x7400];
	_ =	sdelay $0x4  }
0x199: {  	[tilespmem:$0x1FC40] =	vst v0;
	v0 =	vld [tilespmem:s31+$0x7410];
	_ =	sdelay $0x4  }
0x19a: {  	[tilespmem:$0x1FC50] =	vst v0;
	v0 =	vld [tilespmem:s31+$0x7420];
	_ =	sdelay $0x4  }
0x19b: {  	[tilespmem:$0x1FC60] =	vst v0;
	v0 =	vld [tilespmem:s31+$0x7430];
	_ =	sdelay $0x4  }
0x19c: {  	[tilespmem:$0x1FC70] =	vst v0;
	v0 =	vld [tilespmem:s31+$0x7440];
	_ =	sdelay $0x4  }
0x19d: {  	[tilespmem:$0x1FC80] =	vst v0;
	v0 =	vld [tilespmem:s31+$0x7450];
	_ =	sdelay $0x3  }
0x19e: {  	v9 =	vld [tilespmem:s31+$0x7000]  }
0x19f: {  	[tilespmem:$0x1FC90] =	vst v0;
	v0 =	vld [tilespmem:s31+$0x7460]  }
0x1a0: {  	v11 =	vld [tilespmem:s31+$0x7010]  }
0x1a1: {  	v13 =	vld [tilespmem:s31+$0x7020]  }
0x1a2: {  	v14 =	vld [tilespmem:s31+$0x7030]  }
0x1a3: {  	v19 =	vld [tilespmem:s31+$0x7040]  }
0x1a4: {  	[tilespmem:$0x1FCA0] =	vst v0;
	v0 =	vld [tilespmem:s31+$0x7470]  }
0x1a5: {  	v25 =	vld [tilespmem:s31+$0x7050]  }
0x1a6: {  	v26 =	vld [tilespmem:s31+$0x7060]  }
0x1a7: {  	v27 =	vld [tilespmem:s31+$0x7070]  }
0x1a8: {  	v28 =	vld [tilespmem:s31+$0x7080]  }
0x1a9: {  	[tilespmem:$0x1FCB0] =	vst v0;
	v0 =	vld [tilespmem:s31+$0x7480]  }
0x1aa: {  	v1 =	vld [tilespmem:s31+$0x74B0]  }
0x1ab: {  	v29 =	vld [tilespmem:s31+$0x7090]  }
0x1ac: {  	v30 =	vld [tilespmem:s31+$0x70A0]  }
0x1ad: {  	v31 =	vld [tilespmem:s31+$0x70B0]  }
0x1ae: {  	[tilespmem:$0x1FCC0] =	vst v0;
	v0 =	vld [tilespmem:s31+$0x7490]  }
0x1af: {  	[tilespmem:$0x1FCF0] =	vst v1;
	v1 =	vld [tilespmem:s31+$0x74C0]  }
0x1b0: {  	v35 =	vld [tilespmem:s31+$0x70C0]  }
0x1b1: {  	v46 =	vld [tilespmem:s31+$0x70D0]  }
0x1b2: {  	v5 =	vld [tilespmem:s31+$0x70E0]  }
0x1b3: {  	[tilespmem:$0x1FCD0] =	vst v0;
	v0 =	vld [tilespmem:s31+$0x74A0]  }
0x1b4: {  	[tilespmem:$0x1FD00] =	vst v1;
	v1 =	vld [tilespmem:s31+$0x74D0]  }
0x1b5: {  	v6 =	vld [tilespmem:s31+$0x70F0]  }
0x1b6: {  	v7 =	vld [tilespmem:s31+$0x7100]  }
0x1b7: {  	v2 =	vld [tilespmem:s31+$0x74E0]  }
0x1b8: {  	v8 =	vld [tilespmem:s31+$0x7110];
	[tilespmem:$0x1FCE0] =	vst v0;
	v0 =	vbroadcast v4, $0x0  }
0x1b9: {  	v10 =	vld [tilespmem:s31+$0x7120];
	[tilespmem:$0x1FD10] =	vst v1;
	v1 =	vbroadcast v4, $0x1  }
0x1ba: {  	v15 =	vld [tilespmem:s31+$0x7130];
	v9 =	vmul.f32 v9, v0;
	v11 =	vmul.f32 v11, v0  }
0x1bb: {  	v12 =	vld [tilespmem:s31+$0x7140];
	v28 =	vmul.f32 v28, v1  }
0x1bc: {  	v16 =	vld [tilespmem:s31+$0x7150];
	[tilespmem:$0x1FD20] =	vst v2;
	v29 =	vmul.f32 v29, v1;
	v2 =	vadd.f32 $0.0e+00, v9;
	v11 =	vadd.f32 $0.0e+00, v11  }
0x1bd: {  	v17 =	vld [tilespmem:s31+$0x7160]  }
0x1be: {  	v2 =	vadd.f32 v28, v2;
	v28 =	vadd.f32 v29, v11;
	v29 =	vld [tilespmem:s31+$0x7520]  }
0x1bf: {  	v20 =	vld [tilespmem:s31+$0x7170]  }
0x1c0: {  	v18 =	vld [tilespmem:s31+$0x7180]  }
0x1c1: {  	v22 =	vld [tilespmem:s31+$0x7190]  }
0x1c2: {  	v21 =	vld [tilespmem:s31+$0x71A0]  }
0x1c3: {  	[tilespmem:$0x1FD50] =	vst v29;
	v29 =	vmul.f32 v30, v1;
	v30 =	vmul.f32 v31, v1;
	v31 =	vld [tilespmem:s31+$0x7540]  }
0x1c4: {  	v23 =	vld [tilespmem:s31+$0x71B0]  }
0x1c5: {  	v3 =	vld [tilespmem:s31+$0x71C0]  }
0x1c6: {  	v39 =	vld [tilespmem:s31+$0x71D0]  }
0x1c7: {  	v40 =	vld [tilespmem:s31+$0x71E0];
	v13 =	vmul.f32 v13, v0  }
0x1c8: {  	v14 =	vmul.f32 v14, v0;
	[tilespmem:$0x1FD60] =	vst v31;
	v31 =	vmul.f32 v35, v1;
	v35 =	vld [tilespmem:s31+$0x7550]  }
0x1c9: {  	v36 =	vld [tilespmem:s31+$0x71F0];
	v46 =	vmul.f32 v46, v1;
	v5 =	vmul.f32 v5, v1  }
0x1ca: {  	v41 =	vld [tilespmem:s31+$0x7200];
	v19 =	vmul.f32 v19, v0;
	v13 =	vadd.f32 $0.0e+00, v13;
	v14 =	vadd.f32 $0.0e+00, v14  }
0x1cb: {  	v33 =	vld [tilespmem:s31+$0x7210];
	v25 =	vmul.f32 v25, v0;
	v26 =	vmul.f32 v26, v0  }
0x1cc: {  	v0 =	vmul.f32 v27, v0;
	v27 =	vadd.f32 v29, v13;
	v29 =	vadd.f32 v30, v14;
	v30 =	vld [tilespmem:s31+$0x7570]  }
0x1cd: {  	v42 =	vld [tilespmem:s31+$0x7220];
	v19 =	vadd.f32 $0.0e+00, v19;
	v26 =	vadd.f32 $0.0e+00, v26;
	[tilespmem:$0x1FD70] =	vst v35;
	v35 =	vbroadcast v4, $0x2  }
0x1ce: {  	v47 =	vld [tilespmem:s31+$0x7230];
	v25 =	vadd.f32 $0.0e+00, v25;
	v0 =	vadd.f32 $0.0e+00, v0;
	v1 =	vmul.f32 v6, v1  }
0x1cf: {  	v48 =	vld [tilespmem:s31+$0x7240];
	v5 =	vadd.f32 v5, v26;
	v31 =	vadd.f32 v31, v19;
	v6 =	vmul.f32 v7, v35  }
0x1d0: {  	v0 =	vadd.f32 v1, v0;
	v7 =	vadd.f32 v46, v25;
	v8 =	vmul.f32 v8, v35;
	v46 =	vld [tilespmem:s31+$0x75A0]  }
0x1d1: {  	v50 =	vld [tilespmem:s31+$0x7250];
	[tilespmem:$0x1FD80] =	vst v30;
	v30 =	vmul.f32 v15, v35;
	v15 =	vbroadcast v4, $0x3;
	v1 =	vadd.f32 v6, v2  }
0x1d2: {  	v34 =	vld [tilespmem:s31+$0x7280];
	v2 =	vmul.f32 v10, v35;
	v6 =	vadd.f32 v8, v28;
	v28 =	vmul.f32 v16, v35  }
0x1d3: {  	v32 =	vld [tilespmem:s31+$0x7260];
	v8 =	vadd.f32 v30, v29;
	v29 =	vmul.f32 v17, v35;
	v30 =	vmul.f32 v18, v15  }
0x1d4: {  	v51 =	vld [tilespmem:s31+$0x7270];
	v17 =	vbroadcast v4, $0x4;
	v16 =	vbroadcast v4, $0x5;
	v2 =	vadd.f32 v2, v27  }
0x1d5: {  	v38 =	vld [tilespmem:s31+$0x7300];
	v7 =	vadd.f32 v28, v7;
	[tilespmem:$0x1FD90] =	vst v46;
	v46 =	vmul.f32 v12, v35;
	v12 =	vmul.f32 v20, v35  }
0x1d6: {  	v43 =	vld [tilespmem:s31+$0x7320];
	v5 =	vadd.f32 v29, v5;
	v35 =	vmul.f32 v22, v15;
	v22 =	vmul.f32 v3, v15  }
0x1d7: {  	v49 =	vld [tilespmem:s31+$0x7370];
	v1 =	vadd.f32 v30, v1;
	v20 =	vmul.f32 v34, v16;
	v34 =	vbroadcast v4, $0x6  }
0x1d8: {  	v52 =	vld [tilespmem:s31+$0x7290];
	v10 =	vadd.f32 v46, v31;
	v46 =	vmul.f32 v21, v15;
	v21 =	vmul.f32 v23, v15  }
0x1d9: {  	v54 =	vld [tilespmem:s31+$0x72A0];
	v6 =	vadd.f32 v35, v6;
	v23 =	vmul.f32 v39, v15;
	v35 =	vmul.f32 v40, v15  }
0x1da: {  	v55 =	vld [tilespmem:s31+$0x72B0];
	v0 =	vadd.f32 v12, v0;
	v15 =	vmul.f32 v36, v15;
	v36 =	vmul.f32 v41, v17  }
0x1db: {  	v57 =	vld [tilespmem:s31+$0x72D0];
	v38 =	vmul.f32 v38, v34;
	v43 =	vmul.f32 v43, v34;
	v2 =	vadd.f32 v46, v2  }
0x1dc: {  	v37 =	vld [tilespmem:s31+$0x72C0];
	v18 =	vmul.f32 v49, v34;
	v8 =	vadd.f32 v21, v8;
	v10 =	vadd.f32 v22, v10  }
0x1dd: {  	v61 =	vld [tilespmem:s31+$0x72F0];
	v7 =	vadd.f32 v23, v7;
	v46 =	vmul.f32 v33, v17;
	v5 =	vadd.f32 v35, v5  }
0x1de: {  	v58 =	vld [tilespmem:s31+$0x72E0];
	v0 =	vadd.f32 v15, v0;
	v21 =	vmul.f32 v42, v17;
	v22 =	vmul.f32 v47, v17  }
0x1df: {  	v62 =	vld [tilespmem:s31+$0x7310];
	v1 =	vadd.f32 v36, v1;
	v23 =	vmul.f32 v48, v17;
	v42 =	vmul.f32 v50, v17  }
0x1e0: {  	v63 =	vld [tilespmem:s31+$0x7330];
	v47 =	vmul.f32 v51, v17;
	v33 =	vmul.f32 v57, v16;
	v6 =	vadd.f32 v46, v6  }
0x1e1: {  	v44 =	vld [tilespmem:s31+$0x7340];
	v2 =	vadd.f32 v21, v2;
	v8 =	vadd.f32 v22, v8;
	v46 =	vmul.f32 v32, v17  }
0x1e2: {  	v45 =	vld [tilespmem:s31+$0x7350];
	v0 =	vadd.f32 v47, v0;
	v32 =	vmul.f32 v37, v16;
	v37 =	vmul.f32 v61, v16  }
0x1e3: {  	v53 =	vld [tilespmem:s31+$0x7360];
	v36 =	vmul.f32 v58, v16;
	v10 =	vadd.f32 v23, v10;
	v7 =	vadd.f32 v42, v7  }
0x1e4: {  	v21 =	vmul.f32 v52, v16;
	v22 =	vmul.f32 v54, v16;
	v15 =	vadd.f32 v37, v0;
	v0 =	vld [tilespmem:$0x1FBF0]  }
0x1e5: {  	v1 =	vadd.f32 v20, v1;
	v23 =	vmul.f32 v55, v16;
	v42 =	vmul.f32 v62, v34  }
0x1e6: {  	v20 =	vbroadcast v4, $0x7;
	v5 =	vadd.f32 v46, v5;
	v2 =	vadd.f32 v22, v2  }
0x1e7: {  	v8 =	vadd.f32 v23, v8;
	v16 =	vadd.f32 v38, v1;
	v1 =	vmul.f32 v63, v34  }
0x1e8: {  	v46 =	vmul.f32 v53, v34;
	v17 =	vadd.f32 v43, v2;
	v2 =	vmul.f32 v44, v34  }
0x1e9: {  	v8 =	vadd.f32 v1, v8;
	v1 =	vmul.f32 v45, v34;
	v34 =	vmul.f32 v0, v20;
	v0 =	vld [tilespmem:$0x1FC00];
	_ =	sdelay $0x4  }
0x1ea: {  	v5 =	vadd.f32 v36, v5;
	v36 =	vmul.f32 v0, v20;
	v0 =	vld [tilespmem:$0x1FC10];
	_ =	sdelay $0x4  }
0x1eb: {  	v37 =	vmul.f32 v0, v20;
	v0 =	vld [tilespmem:$0x1FC20];
	_ =	sdelay $0x4  }
0x1ec: {  	v38 =	vmul.f32 v0, v20;
	v0 =	vld [tilespmem:$0x1FC30];
	_ =	sdelay $0x4  }
0x1ed: {  	v45 =	vmul.f32 v0, v20;
	v0 =	vld [tilespmem:$0x1FC40];
	_ =	sdelay $0x2  }
0x1ee: {  	v23 =	vbroadcast v4, $0x8  }
0x1ef: {  	v59 =	vld [tilespmem:s31+$0x7380]  }
0x1f0: {  	v5 =	vadd.f32 v46, v5;
	v46 =	vmul.f32 v0, v23;
	v0 =	vld [tilespmem:$0x1FC50];
	_ =	sdelay $0x3  }
0x1f1: {  	v60 =	vld [tilespmem:s31+$0x7390]  }
0x1f2: {  	v53 =	vmul.f32 v59, v20;
	v59 =	vmul.f32 v0, v23;
	v0 =	vld [tilespmem:$0x1FC60];
	_ =	sdelay $0x4  }
0x1f3: {  	v10 =	vadd.f32 v32, v10;
	v32 =	vmul.f32 v60, v20;
	v60 =	vmul.f32 v0, v23;
	v0 =	vld [tilespmem:$0x1FC70];
	_ =	sdelay $0x2  }
0x1f4: {  	v6 =	vadd.f32 v21, v6;
	_ =	sdelay $0x1  }
0x1f5: {  	v12 =	vadd.f32 v42, v6;
	v6 =	vmul.f32 v0, v23;
	v0 =	vld [tilespmem:$0x1FC80];
	_ =	sdelay $0x4  }
0x1f6: {  	v44 =	vmul.f32 v0, v23;
	v0 =	vld [tilespmem:$0x1FC90];
	_ =	sdelay $0x2  }
0x1f7: {  	v56 =	vld [tilespmem:s31+$0x73A0];
	v15 =	vadd.f32 v18, v15;
	_ =	sdelay $0x1  }
0x1f8: {  	v15 =	vadd.f32 v45, v15;
	v45 =	vmul.f32 v0, v23;
	v0 =	vld [tilespmem:$0x1FCA0];
	_ =	sdelay $0x2  }
0x1f9: {  	v7 =	vadd.f32 v33, v7;
	v33 =	vmul.f32 v56, v20;
	v16 =	vadd.f32 v53, v16;
	_ =	sdelay $0x1  }
0x1fa: {  	v17 =	vadd.f32 v33, v17;
	v33 =	vadd.f32 v46, v16;
	v46 =	vmul.f32 v0, v23;
	v0 =	vld [tilespmem:$0x1FCB0]  }
0x1fb: {  	v7 =	vadd.f32 v1, v7;
	_ =	sdelay $0x1  }
0x1fc: {  	v9 =	vld [tilespmem:s31+$0x74F0];
	v10 =	vadd.f32 v2, v10;
	v7 =	vadd.f32 v37, v7  }
0x1fd: {  	v26 =	vld [tilespmem:s31+$0x75B0]  }
0x1fe: {  	v18 =	vadd.f32 v36, v10;
	v36 =	vadd.f32 v45, v7;
	v7 =	vmul.f32 v0, v23;
	v0 =	vld [tilespmem:$0x1FCC0];
	_ =	sdelay $0x1  }
0x1ff: {  	v11 =	vld [tilespmem:s31+$0x7530]  }
0x200: {  	[tilespmem:$0x1FD30] =	vst v9;
	v9 =	vld [tilespmem:s31+$0x7500];
	v12 =	vadd.f32 v32, v12;
	v5 =	vadd.f32 v38, v5;
	v38 =	vbroadcast v4, $0x9  }
0x201: {  	[tilespmem:$0x1FDA0] =	vst v26;
	v26 =	vld [tilespmem:s31+$0x75C0]  }
0x202: {  	v12 =	vadd.f32 v59, v12;
	v59 =	vmul.f32 v0, v38;
	v0 =	vld [tilespmem:$0x1FCD0]  }
0x203: {  	v14 =	vld [tilespmem:s31+$0x7560]  }
0x204: {  	v13 =	vld [tilespmem:s31+$0x7590]  }
0x205: {  	[tilespmem:$0x1FD40] =	vst v9;
	v9 =	vld [tilespmem:s31+$0x7510]  }
0x206: {  	[tilespmem:$0x1FDB0] =	vst v26;
	v26 =	vld [tilespmem:s31+$0x75E0]  }
0x207: {  	v17 =	vadd.f32 v60, v17;
	v60 =	vmul.f32 v0, v38;
	v0 =	vld [tilespmem:$0x1FCE0]  }
0x208: {  	v19 =	vld [tilespmem:s31+$0x7580]  }
0x209: {  	v25 =	vld [tilespmem:s31+$0x75D0]  }
0x20a: {  	v27 =	vld [tilespmem:s31+$0x7600];
	v21 =	vadd.f32 v34, v8  }
0x20b: {  	v28 =	vld [tilespmem:s31+$0x7620]  }
0x20c: {  	v21 =	vadd.f32 v6, v21;
	v6 =	vmul.f32 v0, v38;
	v0 =	vld [tilespmem:$0x1FCF0]  }
0x20d: {  	v29 =	vld [tilespmem:s31+$0x7630]  }
0x20e: {  	v30 =	vld [tilespmem:s31+$0x7640]  }
0x20f: {  	v3 =	vld [tilespmem:s31+$0x7660]  }
0x210: {  	v31 =	vld [tilespmem:s31+$0x75F0]  }
0x211: {  	v23 =	vadd.f32 v59, v33;
	v59 =	vmul.f32 v0, v38;
	v0 =	vld [tilespmem:$0x1FD00]  }
0x212: {  	v41 =	vld [tilespmem:s31+$0x7650]  }
0x213: {  	v40 =	vld [tilespmem:s31+$0x7670]  }
0x214: {  	v39 =	vld [tilespmem:s31+$0x7680]  }
0x215: {  	v49 =	vld [tilespmem:s31+$0x7790]  }
0x216: {  	v18 =	vadd.f32 v44, v18;
	v44 =	vadd.f32 v60, v12;
	v60 =	vmul.f32 v0, v38;
	v0 =	vld [tilespmem:$0x1FD10]  }
0x217: {  	v35 =	vld [tilespmem:s31+$0x7690]  }
0x218: {  	v51 =	vld [tilespmem:s31+$0x76A0]  }
0x219: {  	v57 =	vld [tilespmem:s31+$0x76E0]  }
0x21a: {  	v58 =	vld [tilespmem:s31+$0x76F0]  }
0x21b: {  	v33 =	vadd.f32 v59, v21;
	v21 =	vmul.f32 v0, v38;
	v0 =	vld [tilespmem:$0x1FD20]  }
0x21c: {  	v50 =	vld [tilespmem:s31+$0x7730]  }
0x21d: {  	v48 =	vld [tilespmem:s31+$0x7760]  }
0x21e: {  	[tilespmem:$0x1FDD0] =	vst v3;
	v3 =	vld [tilespmem:$0x1FD80]  }
0x21f: {  	v52 =	vld [tilespmem:s31+$0x76B0]  }
0x220: {  	v45 =	vadd.f32 v6, v17;
	v6 =	vmul.f32 v0, v38;
	v0 =	vld [tilespmem:$0x1FD30]  }
0x221: {  	v54 =	vld [tilespmem:s31+$0x76C0]  }
0x222: {  	v55 =	vld [tilespmem:s31+$0x76D0]  }
0x223: {  	v61 =	vld [tilespmem:s31+$0x7700]  }
0x224: {  	v62 =	vld [tilespmem:s31+$0x7710]  }
0x225: {  	v38 =	vmul.f32 v0, v38;
	v0 =	vld [tilespmem:$0x1FD40]  }
0x226: {  	v47 =	vld [tilespmem:s31+$0x7740]  }
0x227: {  	v2 =	vld [tilespmem:$0x1FD50]  }
0x228: {  	[tilespmem:$0x1FDC0] =	vst v31;
	v31 =	vld [tilespmem:s31+$0x7610];
	v59 =	vbroadcast v4, $0xA  }
0x229: {  	v63 =	vld [tilespmem:s31+$0x7720]  }
0x22a: {  	v56 =	vld [tilespmem:s31+$0x7770];
	v5 =	vadd.f32 v46, v5;
	v46 =	vadd.f32 v7, v15;
	v0 =	vmul.f32 v0, v59  }
0x22b: {  	v22 =	vld [tilespmem:s31+$0x7800]  }
0x22c: {  	v38 =	vadd.f32 v38, v46;
	v46 =	vmul.f32 v2, v59;
	v2 =	vadd.f32 v0, v23;
	v0 =	vld [tilespmem:$0x1FD60]  }
0x22d: {  	v42 =	vld [tilespmem:s31+$0x7750]  }
0x22e: {  	v53 =	vld [tilespmem:s31+$0x7780]  }
0x22f: {  	v43 =	vld [tilespmem:s31+$0x77B0];
	v1 =	vmul.f32 v9, v59  }
0x230: {  	v32 =	vld [tilespmem:s31+$0x77E0]  }
0x231: {  	v1 =	vadd.f32 v1, v44;
	v44 =	vadd.f32 v46, v45;
	v45 =	vmul.f32 v0, v59;
	v0 =	vld [tilespmem:$0x1FD70]  }
0x232: {  	v8 =	vld [tilespmem:s31+$0x77A0]  }
0x233: {  	v34 =	vld [tilespmem:s31+$0x77D0]  }
0x234: {  	v10 =	vld [tilespmem:s31+$0x77F0];
	v23 =	vmul.f32 v11, v59  }
0x235: {  	v37 =	vld [tilespmem:s31+$0x77C0];
	v18 =	vadd.f32 v60, v18;
	v60 =	vadd.f32 v6, v5  }
0x236: {  	v20 =	vld [tilespmem:s31+$0x7810];
	v33 =	vadd.f32 v23, v33;
	v23 =	vmul.f32 v0, v59;
	v0 =	vmul.f32 v14, v59  }
0x237: {  	v16 =	vld [tilespmem:s31+$0x7820]  }
0x238: {  	v60 =	vadd.f32 v0, v60;
	v0 =	vld [tilespmem:$0x1FD90]  }
0x239: {  	v15 =	vld [tilespmem:s31+$0x7830];
	v46 =	vbroadcast v4, $0xB  }
0x23a: {  	v7 =	vld [tilespmem:s31+$0x7840]  }
0x23b: {  	v12 =	vld [tilespmem:s31+$0x7860];
	v19 =	vmul.f32 v19, v46  }
0x23c: {  	v17 =	vld [tilespmem:s31+$0x7850]  }
0x23d: {  	v2 =	vadd.f32 v19, v2;
	v19 =	vmul.f32 v0, v46;
	v0 =	vld [tilespmem:$0x1FDA0]  }
0x23e: {  	v9 =	vld [tilespmem:s31+$0x7870]  }
0x23f: {  	v36 =	vadd.f32 v21, v36;
	v21 =	vld [tilespmem:s31+$0x7880]  }
0x240: {  	v6 =	vld [tilespmem:s31+$0x78A0];
	v59 =	vmul.f32 v3, v59  }
0x241: {  	v5 =	vld [tilespmem:s31+$0x78D0]  }
0x242: {  	v38 =	vadd.f32 v59, v38;
	v59 =	vmul.f32 v0, v46;
	v0 =	vld [tilespmem:$0x1FDB0]  }
0x243: {  	v11 =	vld [tilespmem:s31+$0x7890]  }
0x244: {  	v45 =	vadd.f32 v45, v18;
	v18 =	vld [tilespmem:s31+$0x78C0]  }
0x245: {  	v36 =	vadd.f32 v23, v36;
	v23 =	vmul.f32 v13, v46;
	v33 =	vadd.f32 v59, v33;
	v59 =	vld [tilespmem:$0x1FDC0]  }
0x246: {  	v14 =	vld [tilespmem:s31+$0x78B0]  }
0x247: {  	v13 =	vld [tilespmem:s31+$0x78E0];
	v3 =	vadd.f32 v23, v1;
	v1 =	vmul.f32 v0, v46  }
0x248: {  	v23 =	vld [tilespmem:s31+$0x78F0];
	v19 =	vadd.f32 v19, v44;
	v44 =	vmul.f32 v25, v46;
	v0 =	vbroadcast v4, $0xC  }
0x249: {  	v25 =	vld [tilespmem:s31+$0x7900];
	v1 =	vadd.f32 v1, v45;
	v45 =	vmul.f32 v26, v46  }
0x24a: {  	v36 =	vadd.f32 v44, v36;
	v26 =	vld [tilespmem:s31+$0x7910];
	v44 =	vmul.f32 v59, v46;
	v59 =	vmul.f32 v28, v0  }
0x24b: {  	v46 =	vmul.f32 v27, v0;
	v27 =	vld [tilespmem:s31+$0x7920];
	v45 =	vadd.f32 v45, v60;
	v60 =	vmul.f32 v29, v0  }
0x24c: {  	v28 =	vld [tilespmem:s31+$0x7930];
	v19 =	vadd.f32 v59, v19;
	v59 =	vmul.f32 v30, v0  }
0x24d: {  	v31 =	vmul.f32 v31, v0;
	v38 =	vadd.f32 v44, v38;
	v29 =	vld [tilespmem:s31+$0x7940];
	v44 =	vadd.f32 v60, v33  }
0x24e: {  	v60 =	vmul.f32 v41, v0;
	v41 =	vbroadcast v4, $0xD;
	v1 =	vadd.f32 v59, v1;
	v59 =	vld [tilespmem:$0x1FDD0]  }
0x24f: {  	v30 =	vld [tilespmem:s31+$0x7950]  }
0x250: {  	v40 =	vmul.f32 v40, v0;
	v3 =	vadd.f32 v31, v3;
	v31 =	vld [tilespmem:s31+$0x7960];
	v51 =	vmul.f32 v51, v41  }
0x251: {  	v2 =	vadd.f32 v46, v2;
	v33 =	vld [tilespmem:s31+$0x7980]  }
0x252: {  	v38 =	vadd.f32 v40, v38;
	v40 =	vld [tilespmem:s31+$0x79C0];
	v19 =	vadd.f32 v51, v19;
	v51 =	vmul.f32 v58, v41  }
0x253: {  	v46 =	vmul.f32 v59, v0;
	v0 =	vld [tilespmem:s31+$0x7970];
	v59 =	vadd.f32 v60, v36;
	v36 =	vmul.f32 v39, v41  }
0x254: {  	v57 =	vmul.f32 v57, v41;
	v60 =	vmul.f32 v35, v41;
	v35 =	vld [tilespmem:s31+$0x7990];
	v38 =	vadd.f32 v51, v38  }
0x255: {  	v39 =	vld [tilespmem:s31+$0x79B0];
	v45 =	vadd.f32 v46, v45;
	v2 =	vadd.f32 v36, v2;
	v46 =	vmul.f32 v52, v41  }
0x256: {  	v51 =	vld [tilespmem:s31+$0x7A10];
	v3 =	vadd.f32 v60, v3;
	v60 =	vmul.f32 v54, v41;
	v52 =	vbroadcast v4, $0xE  }
0x257: {  	v36 =	vld [tilespmem:s31+$0x79A0];
	v4 =	vbroadcast v4, $0xF;
	v44 =	vadd.f32 v46, v44;
	v46 =	vmul.f32 v55, v41  }
0x258: {  	v54 =	vld [tilespmem:s31+$0x7A00];
	v1 =	vadd.f32 v60, v1;
	v60 =	vmul.f32 v61, v52;
	v61 =	vmul.f32 v62, v52  }
0x259: {  	v41 =	vld [tilespmem:s31+$0x79D0];
	v62 =	vmul.f32 v63, v52;
	v50 =	vmul.f32 v50, v52  }
0x25a: {  	v45 =	vadd.f32 v57, v45;
	v57 =	vld [tilespmem:s31+$0x79E0];
	v47 =	vmul.f32 v47, v52;
	v42 =	vmul.f32 v42, v52  }
0x25b: {  	v55 =	vld [tilespmem:s31+$0x79F0];
	v63 =	vmul.f32 v48, v52;
	v56 =	vmul.f32 v56, v52  }
0x25c: {  	v48 =	vld [tilespmem:s31+$0x7A20];
	v58 =	vmul.f32 v53, v4;
	v8 =	vmul.f32 v8, v4  }
0x25d: {  	v52 =	vld [tilespmem:s31+$0x7A30];
	v43 =	vmul.f32 v43, v4;
	v34 =	vmul.f32 v34, v4;
	v46 =	vadd.f32 v46, v59  }
0x25e: {  	v2 =	vadd.f32 v60, v2;
	v3 =	vadd.f32 v61, v3;
	v59 =	vmul.f32 v49, v4;
	v49 =	vld [tilespmem:s31+$0x7A40]  }
0x25f: {  	v19 =	vadd.f32 v62, v19;
	v44 =	vadd.f32 v50, v44;
	v60 =	vmul.f32 v37, v4;
	v37 =	vld [tilespmem:s31+$0x7A60]  }
0x260: {  	v1 =	vadd.f32 v47, v1;
	v61 =	vbroadcast v24, $0x0;
	v47 =	vld [tilespmem:s31+$0x7A70];
	v62 =	vmul.f32 v32, v4  }
0x261: {  	v38 =	vadd.f32 v56, v38;
	v4 =	vmul.f32 v10, v4;
	v10 =	vld [tilespmem:s31+$0x7A80];
	v50 =	vbroadcast v24, $0x1  }
0x262: {  	v42 =	vadd.f32 v42, v46;
	v46 =	vld [tilespmem:s31+$0x7A50];
	v22 =	vmul.f32 v22, v61;
	v20 =	vmul.f32 v20, v61  }
0x263: {  	v4 =	vadd.f32 v4, v38;
	v16 =	vmul.f32 v16, v61;
	v38 =	vld [tilespmem:s31+$0x7AA0];
	v15 =	vmul.f32 v15, v61  }
0x264: {  	v45 =	vadd.f32 v63, v45;
	v7 =	vmul.f32 v7, v61;
	v56 =	vmul.f32 v21, v50;
	v21 =	vld [tilespmem:s31+$0x7AE0]  }
0x265: {  	v2 =	vadd.f32 v58, v2;
	v17 =	vmul.f32 v17, v61;
	v58 =	vmul.f32 v14, v50;
	v14 =	vld [tilespmem:s31+$0x7B10]  }
0x266: {  	v3 =	vadd.f32 v59, v3;
	v12 =	vmul.f32 v12, v61;
	v59 =	vmul.f32 v18, v50;
	v18 =	vld [tilespmem:s31+$0x7B20]  }
0x267: {  	v53 =	vmul.f32 v9, v61;
	v61 =	vmul.f32 v13, v50;
	v13 =	vld [tilespmem:s31+$0x7B30]  }
0x268: {  	v8 =	vadd.f32 v8, v19;
	v19 =	vadd.f32 v62, v45;
	v62 =	vmul.f32 v23, v50;
	v23 =	vld [tilespmem:s31+$0x7B70]  }
0x269: {  	v43 =	vadd.f32 v43, v44;
	v63 =	vadd.f32 v34, v42;
	v34 =	vld [tilespmem:s31+$0x7A90]  }
0x26a: {  	v1 =	vadd.f32 v60, v1;
	v3 =	vadd.f32 v20, v3;
	v20 =	vld [tilespmem:s31+$0x7AB0]  }
0x26b: {  	v11 =	vmul.f32 v11, v50;
	v60 =	vbroadcast v24, $0x2;
	v2 =	vadd.f32 v22, v2;
	v22 =	vld [tilespmem:s31+$0x7AC0]  }
0x26c: {  	v6 =	vmul.f32 v6, v50;
	v5 =	vmul.f32 v5, v50;
	v8 =	vadd.f32 v16, v8;
	v42 =	vld [tilespmem:s31+$0x7AD0]  }
0x26d: {  	v15 =	vadd.f32 v15, v43;
	v12 =	vadd.f32 v12, v19;
	v19 =	vld [tilespmem:s31+$0x7AF0];
	v32 =	vmul.f32 v26, v60  }
0x26e: {  	v1 =	vadd.f32 v7, v1;
	v7 =	vld [tilespmem:s31+$0x7B00];
	v43 =	vmul.f32 v27, v60;
	v44 =	vmul.f32 v28, v60  }
0x26f: {  	v4 =	vadd.f32 v53, v4;
	v16 =	vld [tilespmem:s31+$0x7B60];
	v45 =	vmul.f32 v29, v60;
	v50 =	vmul.f32 v30, v60  }
0x270: {  	v53 =	vbroadcast v24, $0x3;
	v27 =	vld [tilespmem:s31+$0x7B80];
	v17 =	vadd.f32 v17, v63;
	v2 =	vadd.f32 v56, v2  }
0x271: {  	v0 =	vmul.f32 v0, v60;
	v29 =	vld [tilespmem:s31+$0x7BA0];
	v3 =	vadd.f32 v11, v3;
	v6 =	vadd.f32 v6, v8  }
0x272: {  	v28 =	vld [tilespmem:s31+$0x7BC0];
	v9 =	vadd.f32 v58, v15;
	v1 =	vadd.f32 v59, v1;
	v63 =	vmul.f32 v25, v60  }
0x273: {  	v26 =	vld [tilespmem:s31+$0x7C10];
	v11 =	vadd.f32 v61, v12;
	v56 =	vmul.f32 v31, v60;
	v58 =	vmul.f32 v33, v53  }
0x274: {  	v30 =	vld [tilespmem:s31+$0x7C50];
	v4 =	vadd.f32 v62, v4;
	v59 =	vmul.f32 v35, v53;
	v60 =	vmul.f32 v36, v53  }
0x275: {  	v25 =	vld [tilespmem:s31+$0x7B50];
	v61 =	vmul.f32 v39, v53;
	v5 =	vadd.f32 v5, v17;
	v2 =	vadd.f32 v63, v2  }
0x276: {  	v8 =	vld [tilespmem:s31+$0x7B90];
	v62 =	vmul.f32 v40, v53;
	v3 =	vadd.f32 v32, v3;
	v6 =	vadd.f32 v43, v6  }
0x277: {  	v12 =	vld [tilespmem:s31+$0x7BB0];
	v40 =	vbroadcast v24, $0x9;
	v9 =	vadd.f32 v44, v9;
	v1 =	vadd.f32 v45, v1  }
0x278: {  	v31 =	vld [tilespmem:s31+$0x7BD0];
	v11 =	vadd.f32 v56, v11;
	v63 =	vbroadcast v24, $0x4;
	v43 =	vmul.f32 v41, v53  }
0x279: {  	v33 =	vld [tilespmem:s31+$0x7BE0];
	v0 =	vadd.f32 v0, v4;
	v44 =	vmul.f32 v57, v53;
	v45 =	vmul.f32 v55, v53  }
0x27a: {  	v35 =	vld [tilespmem:s31+$0x7BF0];
	v5 =	vadd.f32 v50, v5;
	v50 =	vmul.f32 v54, v63;
	v53 =	vmul.f32 v51, v63  }
0x27b: {  	v39 =	vld [tilespmem:s31+$0x7C20];
	v2 =	vadd.f32 v58, v2;
	v54 =	vmul.f32 v48, v63;
	v55 =	vmul.f32 v52, v63  }
0x27c: {  	v36 =	vld [tilespmem:s31+$0x7C40];
	v3 =	vadd.f32 v59, v3;
	v56 =	vmul.f32 v49, v63;
	v57 =	vmul.f32 v46, v63  }
0x27d: {  	v15 =	vld [tilespmem:s31+$0x7D80];
	v4 =	vadd.f32 v60, v6;
	v58 =	vbroadcast v24, $0x5;
	v59 =	vmul.f32 v37, v63  }
0x27e: {  	v17 =	vld [tilespmem:s31+$0x7B40];
	v11 =	vadd.f32 v44, v11;
	v60 =	vmul.f32 v47, v63;
	v44 =	vbroadcast v24, $0x6  }
0x27f: {  	v32 =	vld [tilespmem:s31+$0x7C00];
	v9 =	vadd.f32 v61, v9;
	v51 =	vbroadcast v24, $0x7;
	v10 =	vmul.f32 v10, v58  }
0x280: {  	v41 =	vld [tilespmem:s31+$0x7C30];
	v1 =	vadd.f32 v62, v1;
	v61 =	vmul.f32 v34, v58;
	v62 =	vmul.f32 v38, v58  }
0x281: {  	v0 =	vadd.f32 v45, v0;
	v37 =	vld [tilespmem:s31+$0x7C60];
	v63 =	vmul.f32 v20, v58;
	v38 =	vmul.f32 v22, v58  }
0x282: {  	v45 =	vld [tilespmem:s31+$0x7C90];
	v5 =	vadd.f32 v43, v5;
	v43 =	vmul.f32 v42, v58;
	v46 =	vmul.f32 v21, v58  }
0x283: {  	v2 =	vadd.f32 v50, v2;
	v20 =	vld [tilespmem:s31+$0x7C80];
	v19 =	vmul.f32 v19, v58;
	v7 =	vmul.f32 v7, v44  }
0x284: {  	v3 =	vadd.f32 v53, v3;
	v21 =	vld [tilespmem:s31+$0x7CA0];
	v47 =	vmul.f32 v14, v44;
	v48 =	vmul.f32 v18, v44  }
0x285: {  	v4 =	vadd.f32 v54, v4;
	v14 =	vld [tilespmem:s31+$0x7CB0];
	v49 =	vmul.f32 v13, v44;
	v52 =	vmul.f32 v25, v44  }
0x286: {  	v9 =	vadd.f32 v55, v9;
	v18 =	vld [tilespmem:s31+$0x7CC0];
	v16 =	vmul.f32 v16, v44;
	v53 =	vmul.f32 v23, v44  }
0x287: {  	v1 =	vadd.f32 v56, v1;
	v54 =	vmul.f32 v27, v51;
	v23 =	vld [tilespmem:s31+$0x7D00];
	v8 =	vmul.f32 v8, v51  }
0x288: {  	v11 =	vadd.f32 v59, v11;
	v56 =	vmul.f32 v29, v51;
	v58 =	vmul.f32 v28, v51;
	v22 =	vld [tilespmem:s31+$0x7D30]  }
0x289: {  	v0 =	vadd.f32 v60, v0;
	v59 =	vmul.f32 v31, v51;
	v60 =	vbroadcast v24, $0x8;
	v27 =	vld [tilespmem:s31+$0x7D40]  }
0x28a: {  	v28 =	vld [tilespmem:s31+$0x7D60];
	v34 =	vbroadcast v24, $0xB;
	v5 =	vadd.f32 v57, v5;
	v2 =	vadd.f32 v10, v2  }
0x28b: {  	v29 =	vld [tilespmem:s31+$0x7D70];
	v50 =	vmul.f32 v17, v44;
	v3 =	vadd.f32 v61, v3;
	v4 =	vadd.f32 v62, v4  }
0x28c: {  	v31 =	vld [tilespmem:s31+$0x7F30];
	v6 =	vadd.f32 v63, v9;
	v57 =	vmul.f32 v12, v51;
	v61 =	vmul.f32 v33, v51  }
0x28d: {  	v17 =	vld [tilespmem:s31+$0x7CE0];
	v1 =	vadd.f32 v38, v1;
	v62 =	vmul.f32 v35, v51;
	v63 =	vmul.f32 v32, v60  }
0x28e: {  	v10 =	vld [tilespmem:s31+$0x7C70];
	v11 =	vadd.f32 v46, v11;
	v32 =	vmul.f32 v26, v60;
	v33 =	vmul.f32 v39, v60  }
0x28f: {  	v0 =	vadd.f32 v19, v0;
	v9 =	vld [tilespmem:s31+$0x7CD0];
	v35 =	vmul.f32 v41, v60;
	v38 =	vmul.f32 v36, v60  }
0x290: {  	v19 =	vld [tilespmem:s31+$0x7CF0];
	v39 =	vmul.f32 v30, v60;
	v5 =	vadd.f32 v43, v5;
	v2 =	vadd.f32 v7, v2  }
0x291: {  	v12 =	vld [tilespmem:s31+$0x7D50];
	v15 =	vmul.f32 v15, v34;
	v3 =	vadd.f32 v47, v3;
	v4 =	vadd.f32 v48, v4  }
0x292: {  	v26 =	vld [tilespmem:s31+$0x7D90];
	v42 =	vmul.f32 v37, v60;
	v6 =	vadd.f32 v49, v6;
	v1 =	vadd.f32 v50, v1  }
0x293: {  	v41 =	vld [tilespmem:s31+$0x7DA0];
	v45 =	vmul.f32 v45, v40;
	v55 =	vadd.f32 v16, v11;
	v0 =	vadd.f32 v53, v0  }
0x294: {  	v46 =	vld [tilespmem:s31+$0x7DC0];
	v44 =	vmul.f32 v20, v40;
	v47 =	vmul.f32 v21, v40;
	v5 =	vadd.f32 v52, v5  }
0x295: {  	v30 =	vld [tilespmem:s31+$0x7E40];
	v49 =	vmul.f32 v14, v40;
	v2 =	vadd.f32 v54, v2;
	v3 =	vadd.f32 v8, v3  }
0x296: {  	v37 =	vld [tilespmem:s31+$0x7E60];
	v51 =	vmul.f32 v18, v40;
	v4 =	vadd.f32 v56, v4;
	v6 =	vadd.f32 v57, v6  }
0x297: {  	v11 =	vld [tilespmem:s31+$0x7D10];
	v1 =	vadd.f32 v58, v1;
	v7 =	vadd.f32 v61, v55;
	v52 =	vbroadcast v24, $0xA  }
0x298: {  	v16 =	vld [tilespmem:s31+$0x7D20];
	v0 =	vadd.f32 v62, v0;
	v54 =	vmul.f32 v17, v40;
	v10 =	vmul.f32 v10, v60  }
0x299: {  	v43 =	vld [tilespmem:s31+$0x7DB0];
	v9 =	vmul.f32 v9, v40;
	v56 =	vmul.f32 v19, v40;
	v5 =	vadd.f32 v59, v5  }
0x29a: {  	v48 =	vld [tilespmem:s31+$0x7DD0];
	v40 =	vmul.f32 v26, v34;
	v2 =	vadd.f32 v63, v2;
	v3 =	vadd.f32 v32, v3  }
0x29b: {  	v50 =	vld [tilespmem:s31+$0x7DE0];
	v41 =	vmul.f32 v41, v34;
	v4 =	vadd.f32 v33, v4;
	v6 =	vadd.f32 v35, v6  }
0x29c: {  	v53 =	vld [tilespmem:s31+$0x7DF0];
	v1 =	vadd.f32 v38, v1;
	v57 =	vmul.f32 v23, v52;
	v63 =	vmul.f32 v22, v52  }
0x29d: {  	v55 =	vld [tilespmem:s31+$0x7E00];
	v7 =	vadd.f32 v42, v7;
	v27 =	vmul.f32 v27, v52;
	v33 =	vmul.f32 v12, v52  }
0x29e: {  	v58 =	vld [tilespmem:s31+$0x7E10];
	v36 =	vmul.f32 v28, v52;
	v38 =	vmul.f32 v29, v52;
	v0 =	vadd.f32 v10, v0  }
0x29f: {  	v62 =	vld [tilespmem:s31+$0x7E30];
	v59 =	vmul.f32 v11, v52;
	v61 =	vmul.f32 v16, v52;
	v5 =	vadd.f32 v39, v5  }
0x2a0: {  	v60 =	vld [tilespmem:s31+$0x7E20];
	v43 =	vmul.f32 v43, v34;
	v2 =	vadd.f32 v44, v2;
	v3 =	vadd.f32 v45, v3  }
0x2a1: {  	v35 =	vld [tilespmem:s31+$0x7E50];
	v50 =	vmul.f32 v50, v34;
	v4 =	vadd.f32 v47, v4;
	v6 =	vadd.f32 v49, v6  }
0x2a2: {  	v42 =	vld [tilespmem:s31+$0x7E80];
	v12 =	vmul.f32 v53, v34;
	v1 =	vadd.f32 v51, v1;
	v7 =	vadd.f32 v54, v7  }
0x2a3: {  	v29 =	vld [tilespmem:s31+$0x7F20];
	v47 =	vmul.f32 v48, v34;
	v0 =	vadd.f32 v56, v0;
	v5 =	vadd.f32 v9, v5  }
0x2a4: {  	v39 =	vld [tilespmem:s31+$0x7E70];
	v48 =	vbroadcast v24, $0xC;
	v2 =	vadd.f32 v57, v2;
	v3 =	vadd.f32 v59, v3  }
0x2a5: {  	v44 =	vld [tilespmem:s31+$0x7E90];
	v45 =	vmul.f32 v46, v34;
	v4 =	vadd.f32 v61, v4;
	v6 =	vadd.f32 v63, v6  }
0x2a6: {  	v46 =	vld [tilespmem:s31+$0x7EA0];
	v1 =	vadd.f32 v27, v1;
	v52 =	vmul.f32 v55, v48;
	v53 =	vmul.f32 v58, v48  }
0x2a7: {  	v49 =	vld [tilespmem:s31+$0x7EB0];
	v7 =	vadd.f32 v36, v7;
	v55 =	vmul.f32 v60, v48;
	v57 =	vmul.f32 v62, v48  }
0x2a8: {  	v51 =	vld [tilespmem:s31+$0x7EC0];
	v59 =	vmul.f32 v30, v48;
	v60 =	vbroadcast v24, $0xD;
	v0 =	vadd.f32 v38, v0  }
0x2a9: {  	v54 =	vld [tilespmem:s31+$0x7ED0];
	v16 =	vmul.f32 v37, v48;
	v5 =	vadd.f32 v33, v5;
	v2 =	vadd.f32 v15, v2  }
0x2aa: {  	v56 =	vld [tilespmem:s31+$0x7EE0];
	v37 =	vbroadcast v24, $0xE;
	v3 =	vadd.f32 v40, v3;
	v4 =	vadd.f32 v41, v4  }
0x2ab: {  	v58 =	vld [tilespmem:s31+$0x7EF0];
	v62 =	vmul.f32 v35, v48;
	v6 =	vadd.f32 v43, v6;
	v1 =	vadd.f32 v45, v1  }
0x2ac: {  	v61 =	vld [tilespmem:s31+$0x7F00];
	v7 =	vadd.f32 v50, v7;
	v28 =	vmul.f32 v42, v60;
	v50 =	vbroadcast v24, $0xF  }
0x2ad: {  	v63 =	vld [tilespmem:s31+$0x7F10];
	v0 =	vadd.f32 v12, v0;
	v27 =	vmul.f32 v39, v48;
	v30 =	vmul.f32 v44, v60  }
0x2ae: {  	v35 =	vld [tilespmem:s31+$0x7F50];
	v32 =	vmul.f32 v46, v60;
	v34 =	vmul.f32 v49, v60;
	v5 =	vadd.f32 v47, v5  }
0x2af: {  	v38 =	vld [tilespmem:s31+$0x7F60];
	v14 =	vmul.f32 v51, v60;
	v2 =	vadd.f32 v52, v2;
	v3 =	vadd.f32 v53, v3  }
0x2b0: {  	v33 =	vld [tilespmem:s31+$0x7F40];
	v36 =	vmul.f32 v54, v60;
	v4 =	vadd.f32 v55, v4;
	v6 =	vadd.f32 v57, v6  }
0x2b1: {  	v41 =	vld [tilespmem:s31+$0x7F70];
	v46 =	vmul.f32 v29, v37;
	v1 =	vadd.f32 v59, v1;
	v7 =	vadd.f32 v16, v7  }
0x2b2: {  	v43 =	vld [tilespmem:s31+$0x7F80];
	v39 =	vmul.f32 v56, v60;
	v47 =	vmul.f32 v31, v37;
	v0 =	vadd.f32 v27, v0  }
0x2b3: {  	v45 =	vld [tilespmem:s31+$0x7F90];
	v40 =	vmul.f32 v58, v60;
	v5 =	vadd.f32 v62, v5;
	v2 =	vadd.f32 v28, v2  }
0x2b4: {  	v48 =	vld [tilespmem:s31+$0x7FA0];
	v42 =	vmul.f32 v61, v37;
	v3 =	vadd.f32 v30, v3;
	v4 =	vadd.f32 v32, v4  }
0x2b5: {  	v44 =	vmul.f32 v63, v37;
	v60 =	vld [tilespmem:$0x1FFF0];
	v6 =	vadd.f32 v34, v6;
	v1 =	vadd.f32 v14, v1  }
0x2b6: {  	v51 =	vld [tilespmem:s31+$0x7FB0];
	v7 =	vadd.f32 v39, v7;
	v52 =	vmul.f32 v35, v37;
	v54 =	vmul.f32 v38, v37  }
0x2b7: {  	v55 =	vld [tilespmem:s31+$0x7FD0];
	v0 =	vadd.f32 v40, v0;
	v49 =	vmul.f32 v33, v37;
	v13 =	vmul.f32 v43, v50  }
0x2b8: {  	v53 =	vld [tilespmem:s31+$0x7FC0];
	v56 =	vmul.f32 v41, v37;
	v5 =	vadd.f32 v36, v5;
	v2 =	vadd.f32 v42, v2  }
0x2b9: {  	v11 =	vmul.f32 v45, v50;
	v3 =	vadd.f32 v44, v3;
	v4 =	vadd.f32 v46, v4  }
0x2ba: {  	v57 =	vld [tilespmem:s31+$0x7FE0];
	v6 =	vadd.f32 v47, v6;
	v7 =	vadd.f32 v54, v7;
	v58 =	vmul.f32 v48, v50  }
0x2bb: {  	v59 =	vld [tilespmem:s31+$0x7FF0];
	v61 =	vmul.f32 v51, v50;
	v1 =	vadd.f32 v49, v1;
	v2 =	vadd.f32 v13, v2  }
0x2bc: {  	s30 =	sand.u32 $0x3FFFFF80, s30;
	v0 =	vadd.f32 v56, v0;
	v62 =	vmul.f32 v55, v50;
	v3 =	vadd.f32 v11, v3  }
0x2bd: {  	v4 =	vadd.f32 v58, v4;
	[tilespmem:v60+s30+$0x100 ss:$0x1] =	vst.idx.msk $0xffff, v2;
	v2 =	vmul.f32 v53, v50  }
0x2be: {  	v5 =	vadd.f32 v52, v5;
	v6 =	vadd.f32 v61, v6;
	[tilespmem:v60+s30+$0x110 ss:$0x1] =	vst.idx.msk $0xffff, v3  }
0x2bf: {  	p3 =	por p2, p2;
	v1 =	vadd.f32 v2, v1;
	v2 =	vmul.f32 v57, v50;
	[tilespmem:v60+s30+$0x120 ss:$0x1] =	vst.idx.msk $0xffff, v4  }
.Ltmp4:
0x2c0: {  	v63 =	vmul.f32 v59, v50;
	v3 =	vadd.f32 v62, v5;
	[tilespmem:v60+s30+$0x130 ss:$0x1] =	vst.idx.msk $0xffff, v6;
	(pc) =	sbr.rel @p3 .LBB2_11-.Ltmp4, $4  }
0x2c1: {  	v2 =	vadd.f32 v2, v7;
	[tilespmem:v60+s30+$0x140 ss:$0x1] =	vst.idx.msk $0xffff, v1  }
0x2c2: {  	v0 =	vadd.f32 v63, v0;
	[tilespmem:v60+s30+$0x150 ss:$0x1] =	vst.idx.msk $0xffff, v3  }
0x2c3: {  	[tilespmem:v60+s30+$0x160 ss:$0x1] =	vst.idx.msk $0xffff, v2  }
0x2c4: {  	p2 =	por $0x0, $0x0;
	s31 =	simm.s32 $0x1;
	[tilespmem:v60+s30+$0x170 ss:$0x1] =	vst.idx.msk $0xffff, v0;
	v0 =	vld [tilespmem:$0x1FFE0]  }
0x2c5: {  	p2 =	sgt.u32 s28, $0x9C  }
0x2c6: {  	s26 =	sadd.s32 $0x1, s26;
	s1 =	sshrl.u32 @!p2 s29, $0x2  }
0x2c7: {  	s28 =	simm.s32 @!p2 $0x40;
	s29 =	simm.s32 @!p2 $0x7000;
	s1 =	sadd.s32 @!p2 $0xC0, s1  }
0x2c8: {  	[tilespmem:s29], [sflag:$0x2] =	stream.indirect.gather @!p2 [spmem:s3], $0x80, s1, s28, $0xb8;
	[tilespmem:$0x1D880] =	vst v63  }
0x2c9: {  	p2 =	sne.s32 s26, $0x8  }
.Ltmp5:
0x2ca: {  	_ = 	snop;
	(pc) =	sbr.rel @p2 .LBB2_8-.Ltmp5, $1  }
0x2cb: {  	_ =	sdelay $0x3  }
0x2cc: {  	s1 =	sshll.u32 s24, $0x5  }
0x2cd: {  	s1 =	sadd.s32 s5, s1  }
0x2ce: {  	p2 =	sgt.u32 s1, $0x26F0  }
0x2cf: {  	p3 =	sgt.u32 @p2 s1, $0x270F  }
0x2d0: {  	p3 =	por p3, !p2  }
0x2d1: {  	s25 =	sshll.u32 @!p3 s1, $0x4  }
0x2d2: {  	s26 =	simm.s32 @!p3 $0x0;
	s28 =	simm.s32 @!p3 $0x9000;
	s25 =	sadd.s32 @!p3 s2, s25  }
0x2d3: {  	[hbm4b:s25+s26] =	stream.linear.scatter @!p3 [tilespmem:s28], [sflag:$0x3], $0x800, $0x38;
	[tilespmem:$0x1D880] =	vst v63  }
0x2d4: {  	s25 =	simm.s32 @!p3 $0x3  }
0x2d5: {  	s24 =	sadd.s32 $0x1, s24;
	s1 =	sshll.u32 @!p2 s1, $0x4;
	_ =	swait.ge @!p3 [sflag:s25], $0x800  }
0x2d6: {  	s1 =	sadd.s32 @!p2 s2, s1;
	s26 =	simm.s32 @!p2 $0x9000;
	[sflag:s25] =	ssyncset.done @!p3 $0x0  }
0x2d7: {  	[sflag:s25] =	ssyncadd.s32 @!p3 $0xFFFFF800;
	s25 =	simm.s32 @!p2 $0x0;
	p3 =	sne.s32 s24, $0xA  }
0x2d8: {  	[hbm4b:s1+s25] =	stream.linear.scatter @!p2 [tilespmem:s26], [sflag:$0x4], $0x1000, $0x38;
	[tilespmem:$0x1D880] =	vst v63  }
.Ltmp6:
0x2d9: {  	_ = 	snop;
	(pc) =	sbr.rel @p3 .LBB2_7-.Ltmp6, $4  }
0x2da: {  	s1 =	simm.s32 @!p2 $0x4  }
0x2db: {  	_ =	swait.ge @!p2 [sflag:s1], $0x1000  }
0x2dc: {  	[sflag:s1] =	ssyncset.done @!p2 $0x0  }
0x2dd: {  	[sflag:s1] =	ssyncadd.s32 @!p2 $0xFFFFF000  }
0x2de: {  	s23 =	sadd.s32 $0x1, s23  }
0x2df: {  	p2 =	sne.s32 s23, s12  }
.Ltmp7:
0x2e0: {  	_ = 	snop;
	(pc) =	sbr.rel @p2 .LBB2_1-.Ltmp7, $2  }
0x2e1: {  	_ =	sdelay $0x2  }
0x2e2: {  	v0 =	vimm.s32 $0x0  }
0x2e3: {  	_ =	sfence.sel $0x180000  }
0x2e4: {  	[bflag:$0x0] =	sbarrier.arrive $0xFFFF  }
0x2e5: {  	_ =	strace $0x90000047  }
0x2e6: {  	[bflag:$0x2] =	sbarrier.arrive $0xFFFF  }
0x2e7: {  	p0 =	sne.s32 s0, $0x0;
	s0 =	rddreg [dreg:$0x4]  }
0x2e8: {  	s0 =	sadd.s32 @!p0 $0x100000, s0  }
0x2e9: {  	[sflag:s0] =	ssyncadd.tile.s32 @!p0 $0x1;
	_ =	shalt  }
.Lfunc_end2:
_tile_overlayer_lowered:
.L_overlay_start_2:
0x2ea: {  	(tag) =	ssettag $0x2  }
0x2eb: {  	s0 =	rddreg [dreg:$0x0];
	s2 =	stileid.u32  }
0x2ec: {  	s1 =	rddreg [dreg:$0x1];
	p0 =	sne.s32 s2, $0x0  }
0x2ed: {  	s3 =	rddreg [dreg:$0x2];
	[bflag:$0x3] =	sbarrier.arrive $0xFFFF;
	s2 =	simm.s32 @!p0 $0x1C03  }
0x2ee: {  	[timem:s3], [sflag:s2] =	dma.local @!p0 [hbm:s0], s1  }
0x2ef: {  	s0 =	simm.s32 @!p0 $0x3  }
0x2f0: {  	_ =	swait.ge @!p0 [sflag:s0], s1  }
0x2f1: {  	s1 =	ssub.s32 @!p0 $0x0, s1;
	[sflag:s0] =	ssyncset.done @!p0 $0x0  }
0x2f2: {  	[sflag:s0] =	ssyncadd.s32 @!p0 s1  }
0x2f3: {  	[bflag:$0x3] =	sbarrier.arrive $0xFFFF  }
0x2f4: {  	_ =	shalt  }

</sc_bundles>
